<compile_context>
chip_gen: v7x
topology: tpu7x:2x2x1
jax: 0.10.2.dev20260603
libtpu: 0.0.44.dev20260713+nightly
codegen_flags: <defaults>
</compile_context>

<pallas_src>
import functools

import jax
import jax.numpy as jnp
from jax import lax
from jax.experimental import pallas as pl
from jax.experimental.pallas import tpu as pltpu
from jax.experimental.pallas import tpu_sc as plsc

NC = 2
NS = 16
NW = NC * NS
CH = 128
ZCH = 80
NB = 2
NI = 3


def _mesh():
    return plsc.VectorSubcoreMesh(
        core_axis_name="c", subcore_axis_name="s", num_cores=NC,
        num_subcores=NS)


def _zero_spmem(s, zb_hbm, acc_sh, n, sem):
    n_z = n // ZCH
    n_iter = (n_z + NS - 1) // NS
    def fire(j, carry):
        k = s + j * NS
        @pl.when(k < n_z)
        def _():
            pltpu.async_copy(zb_hbm, acc_sh.at[pl.ds(k * ZCH, ZCH)], sem)
        return carry
    lax.fori_loop(0, n_iter, fire, 0)
    def drain(j, carry):
        k = s + j * NS
        @pl.when(k < n_z)
        def _():
            pltpu.make_async_copy(zb_hbm, acc_sh.at[pl.ds(k * ZCH, ZCH)],
                                  sem).wait()
        return carry
    lax.fori_loop(0, n_iter, drain, 0)


def _writeback(s, c, acc_sh, out_hbm, n, sem):
    n_z = n // ZCH
    n_iter = (n_z + NS - 1) // NS
    def fire(j, carry):
        k = s + j * NS
        @pl.when(k < n_z)
        def _():
            pltpu.async_copy(acc_sh.at[pl.ds(k * ZCH, ZCH)],
                             out_hbm.at[pl.ds(c * n + k * ZCH, ZCH)], sem)
        return carry
    lax.fori_loop(0, n_iter, fire, 0)
    def drain(j, carry):
        k = s + j * NS
        @pl.when(k < n_z)
        def _():
            pltpu.make_async_copy(acc_sh.at[pl.ds(k * ZCH, ZCH)],
                                  out_hbm.at[pl.ds(c * n + k * ZCH, ZCH)],
                                  sem).wait()
        return carry
    lax.fori_loop(0, n_iter, drain, 0)


def _plan(e):
    n_gchunks = e // CH
    base = n_gchunks // NW
    xtra = n_gchunks - base * NW
    assert e == n_gchunks * CH and base % 6 == 0 and base >= 6
    return n_gchunks, base, xtra


def _sc_gather_pass(x, idx_cat, n, e, d_node):
    n_gchunks, base, xtra = _plan(e)

    @functools.partial(
        pl.kernel,
        out_type=jax.ShapeDtypeStruct((NC * n, d_node), jnp.float32),
        mesh=_mesh(),
        scratch_types=[
            pltpu.VMEM((NI, 2, CH), jnp.int32),
            pltpu.VMEM((NB, CH, d_node), jnp.float32),
            pltpu.VMEM_SHARED((n, d_node), jnp.float32),
            pltpu.SemaphoreType.DMA,
            pltpu.SemaphoreType.DMA,
            pltpu.SemaphoreType.DMA,
            pltpu.SemaphoreType.DMA,
            pltpu.SemaphoreType.DMA,
            pltpu.SemaphoreType.DMA,
            pltpu.SemaphoreType.DMA,
        ],
    )
    def g_kernel(x_hbm, idx_hbm, zb_hbm, g_out,
                 idxr_v, rows_v, g_sh,
                 sem_g, sem_aux, si0, si1, si2, ss0, ss1):
        c = lax.axis_index("c")
        s = lax.axis_index("s")
        sem_i = [si0, si1, si2]
        sems = [ss0, ss1]
        wid = c * NS + s
        gmax = n_gchunks - 1

        pltpu.async_copy(idx_hbm.at[wid], idxr_v.at[0], sem_i[0])
        _zero_spmem(s, zb_hbm, g_sh, n, sem_aux)
        plsc.subcore_barrier()

        def chunk(i, b2, b3, first):
            rb = rows_v.at[b2]
            riv = idxr_v.at[b3, 0]
            civ = idxr_v.at[b3, 1]
            if not first:
                pltpu.make_async_copy(rb, g_sh.at[civ], sems[b2]).wait()
            pltpu.make_async_copy(idx_hbm.at[wid], idxr_v.at[b3],
                                  sem_i[b3]).wait()
            pltpu.async_copy(x_hbm.at[riv], rb, sem_g)
            nxt = jnp.minimum(wid + (i + 1) * NW, gmax)
            pltpu.async_copy(idx_hbm.at[nxt], idxr_v.at[(0 if b3 == NI - 1
                                                         else b3 + 1)],
                             sem_i[(0 if b3 == NI - 1 else b3 + 1)])
            pltpu.make_async_copy(x_hbm.at[riv], rb, sem_g).wait()
            pltpu.async_copy(rb, g_sh.at[civ], sems[b2], add=True)

        def six(k, carry):
            for j in range(6):
                i = 6 * k + j
                if j < 2:
                    @pl.when(k > 0)
                    def _(i=i, j=j):
                        chunk(i, j % NB, j % NI, False)
                    @pl.when(k == 0)
                    def _(i=i, j=j):
                        chunk(i, j % NB, j % NI, True)
                else:
                    chunk(i, j % NB, j % NI, False)
            return carry
        lax.fori_loop(0, base // 6, six, 0)
        for b in range(NB):
            pltpu.make_async_copy(rows_v.at[b], g_sh.at[idxr_v.at[0, 1]],
                                  sems[b]).wait()
        @pl.when(wid < xtra)
        def _():
            rb = rows_v.at[0]
            riv = idxr_v.at[0, 0]
            civ = idxr_v.at[0, 1]
            pltpu.make_async_copy(idx_hbm.at[wid], idxr_v.at[0],
                                  sem_i[0]).wait()
            pltpu.async_copy(x_hbm.at[riv], rb, sem_g).wait()
            pltpu.async_copy(rb, g_sh.at[civ], sems[0], add=True)
            pltpu.make_async_copy(rb, g_sh.at[civ], sems[0]).wait()
        @pl.when(wid >= xtra)
        def _():
            pltpu.make_async_copy(idx_hbm.at[wid], idxr_v.at[0],
                                  sem_i[0]).wait()

        plsc.subcore_barrier()
        _writeback(s, c, g_sh, g_out, n, sem_aux)

    zb = jnp.zeros((ZCH, d_node), jnp.float32)
    return g_kernel(x, idx_cat, zb)


def _sc_edge_pass(idx_cat, ea_pad, n, e, d_node):
    n_gchunks, base, xtra = _plan(e)

    @functools.partial(
        pl.kernel,
        out_type=jax.ShapeDtypeStruct((NC * n, d_node), jnp.float32),
        mesh=_mesh(),
        scratch_types=[
            pltpu.VMEM((NI, 2, CH), jnp.int32),
            pltpu.VMEM((NB, CH, d_node), jnp.float32),
            pltpu.VMEM_SHARED((n, d_node), jnp.float32),
            pltpu.SemaphoreType.DMA,
            pltpu.SemaphoreType.DMA,
            pltpu.SemaphoreType.DMA,
            pltpu.SemaphoreType.DMA,
            pltpu.SemaphoreType.DMA,
            pltpu.SemaphoreType.DMA,
            pltpu.SemaphoreType.DMA,
        ],
    )
    def e_kernel(idx_hbm, eap_hbm, zb_hbm, s_out,
                 idxr_v, pad_v, s_sh,
                 sem_l, sem_aux, si0, si1, si2, ss0, ss1):
        c = lax.axis_index("c")
        s = lax.axis_index("s")
        sem_i = [si0, si1, si2]
        sems = [ss0, ss1]
        wid = c * NS + s
        gmax = n_gchunks - 1

        pltpu.async_copy(idx_hbm.at[wid], idxr_v.at[0], sem_i[0])
        _zero_spmem(s, zb_hbm, s_sh, n, sem_aux)
        plsc.subcore_barrier()

        def chunk(i, b2, b3, first):
            gc = wid + i * NW
            rb = pad_v.at[b2]
            civ = idxr_v.at[b3, 1]
            if not first:
                pltpu.make_async_copy(rb, s_sh.at[civ], sems[b2]).wait()
            pltpu.make_async_copy(idx_hbm.at[wid], idxr_v.at[b3],
                                  sem_i[b3]).wait()
            pltpu.async_copy(eap_hbm.at[pl.ds(gc * CH, CH)], rb, sem_l)
            nxt = jnp.minimum(wid + (i + 1) * NW, gmax)
            pltpu.async_copy(idx_hbm.at[nxt], idxr_v.at[(0 if b3 == NI - 1
                                                         else b3 + 1)],
                             sem_i[(0 if b3 == NI - 1 else b3 + 1)])
            pltpu.make_async_copy(eap_hbm.at[pl.ds(gc * CH, CH)], rb,
                                  sem_l).wait()
            pltpu.async_copy(rb, s_sh.at[civ], sems[b2], add=True)

        def six(k, carry):
            for j in range(6):
                i = 6 * k + j
                if j < 2:
                    @pl.when(k > 0)
                    def _(i=i, j=j):
                        chunk(i, j % NB, j % NI, False)
                    @pl.when(k == 0)
                    def _(i=i, j=j):
                        chunk(i, j % NB, j % NI, True)
                else:
                    chunk(i, j % NB, j % NI, False)
            return carry
        lax.fori_loop(0, base // 6, six, 0)
        for b in range(NB):
            pltpu.make_async_copy(pad_v.at[b], s_sh.at[idxr_v.at[0, 1]],
                                  sems[b]).wait()
        @pl.when(wid < xtra)
        def _():
            gc = wid + base * NW
            rb = pad_v.at[0]
            civ = idxr_v.at[0, 1]
            pltpu.make_async_copy(idx_hbm.at[wid], idxr_v.at[0],
                                  sem_i[0]).wait()
            pltpu.async_copy(eap_hbm.at[pl.ds(gc * CH, CH)], rb,
                             sem_l).wait()
            pltpu.async_copy(rb, s_sh.at[civ], sems[0], add=True)
            pltpu.make_async_copy(rb, s_sh.at[civ], sems[0]).wait()
        @pl.when(wid >= xtra)
        def _():
            pltpu.make_async_copy(idx_hbm.at[wid], idxr_v.at[0],
                                  sem_i[0]).wait()

        plsc.subcore_barrier()
        _writeback(s, c, s_sh, s_out, n, sem_aux)

    zb = jnp.zeros((ZCH, d_node), jnp.float32)
    return e_kernel(idx_cat, ea_pad, zb)


def _tc_dense(x, gp, sp, W1, b1, W2, b2, n, d_node, d_edge):
    def body(x_ref, gp_ref, sp_ref, w1_ref, b1_ref, w2_ref, b2_ref,
             o_ref):
        g = gp_ref[:n, :] + gp_ref[n:, :]
        sd = sp_ref[:n, :] + sp_ref[n:, :]
        s_ = sd[:, :d_edge]
        deg = sd[:, d_edge:d_edge + 1]
        W1x = w1_ref[:, :d_node]
        W1e = w1_ref[:, d_node:]
        W2x = w2_ref[:, :d_node]
        W2a = w2_ref[:, d_node:]
        dn = (((1,), (1,)), ((), ()))
        agg = (lax.dot_general(g, W1x, dn, preferred_element_type=jnp.float32)
               + lax.dot_general(s_, W1e, dn, preferred_element_type=jnp.float32)
               + deg * b1_ref[0, :][None, :])
        out = (lax.dot_general(x_ref[...], W2x, dn,
                               preferred_element_type=jnp.float32)
               + lax.dot_general(agg, W2a, dn,
                                 preferred_element_type=jnp.float32)
               + b2_ref[0, :][None, :])
        o_ref[...] = out

    return pl.pallas_call(
        body,
        out_shape=jax.ShapeDtypeStruct((n, d_node), jnp.float32),
    )(x, gp, sp, W1, b1.reshape(1, -1), W2, b2.reshape(1, -1))


def kernel(x, edge_index, edge_attr, u, batch, W1, b1, W2, b2):
    n, d_node = x.shape
    e, d_edge = edge_attr.shape
    idx_cat = jnp.stack(
        [edge_index[0].reshape(e // CH, CH),
         edge_index[1].reshape(e // CH, CH)], axis=1)
    ea_pad = jnp.concatenate(
        [edge_attr, jnp.ones((e, 1), jnp.float32),
         jnp.zeros((e, d_node - d_edge - 1), jnp.float32)], axis=1)
    gp = _sc_gather_pass(x, idx_cat, n, e, d_node)
    sp = _sc_edge_pass(idx_cat, ea_pad, n, e, d_node)
    return _tc_dense(x, gp, sp, W1, b1, W2, b2, n, d_node, d_edge)

# --- scband reference (transcript-rebuilt; emitter-appended) ---
"""Pipeline reference for scband-node-model-two-10393820857012 (READ-ONLY COPY).

The authoritative reference and input builder live on the scoring server;
editing this copy changes nothing except your own understanding.
"""

import jax, jax.numpy as jnp
import numpy as np

N = 10000
E = 320000
D_NODE = 128
D_EDGE = 32
HIDDEN = 128


def setup_inputs(seed: int = 0) -> dict:
    key = jax.random.key(seed)
    ks = jax.random.split(key, 8)
    x = jax.random.normal(ks[0], (N, D_NODE), dtype=jnp.float32)
    edge_index = jax.random.randint(ks[1], (2, E), 0, N, dtype=jnp.int32)
    edge_attr = jax.random.normal(ks[2], (E, D_EDGE), dtype=jnp.float32)
    u = jax.random.normal(ks[3], (1, D_NODE), dtype=jnp.float32)
    batch = jnp.zeros((N,), dtype=jnp.int32)
    # node_mlp_1: Linear(D_EDGE + D_NODE -> HIDDEN), xavier_uniform weights, bias=0.01
    in1 = D_EDGE + D_NODE
    lim1 = float(np.sqrt(6.0 / (in1 + HIDDEN)))
    W1 = jax.random.uniform(ks[4], (HIDDEN, in1), minval=-lim1, maxval=lim1, dtype=jnp.float32)
    b1 = jnp.full((HIDDEN,), 0.01, dtype=jnp.float32)
    # node_mlp_2: Linear(HIDDEN + D_NODE -> D_NODE)
    in2 = HIDDEN + D_NODE
    lim2 = float(np.sqrt(6.0 / (in2 + D_NODE)))
    W2 = jax.random.uniform(ks[5], (D_NODE, in2), minval=-lim2, maxval=lim2, dtype=jnp.float32)
    b2 = jnp.full((D_NODE,), 0.01, dtype=jnp.float32)
    return {"x": x, "edge_index": edge_index, "edge_attr": edge_attr, "u": u,
            "batch": batch, "W1": W1, "b1": b1, "W2": W2, "b2": b2}


def reference(x, edge_index, edge_attr, u, batch, W1, b1, W2, b2):
    row = edge_index[0]
    col = edge_index[1]
    out = jnp.concatenate([x[row], edge_attr], axis=1)   # gather [E, D_NODE+D_EDGE]
    out = out @ W1.T + b1                                 # node_mlp_1
    agg = jnp.zeros((x.shape[0], out.shape[1]), dtype=out.dtype).at[col].add(out)  # scatter_add dim_size=N
    out2 = jnp.concatenate([x, agg], axis=1)
    return out2 @ W2.T + b2                               # node_mlp_2

if __name__ == "__main__":
    import jax
    _d = setup_inputs()
    print(jax.jit(kernel)(*tuple(_d.values())))

</pallas_src>

<mosaic_0001>
#map = affine_map<(d0, d1) -> (0, 0)>
#map1 = affine_map<(d0, d1) -> (0, 0, 0)>
module attributes {stable_mosaic.version = 14 : i64} {
  func.func @g_kernel(%arg0: i32, %arg1: i32, %arg2: memref<10000x128xf32, #tpu.memory_space<hbm>>, %arg3: memref<2500x2x128xi32, #tpu.memory_space<hbm>>, %arg4: memref<80x128xf32, #tpu.memory_space<hbm>>, %arg5: memref<20000x128xf32, #tpu.memory_space<hbm>>, %arg6: memref<3x2x128xi32, #tpu.memory_space<vmem>>, %arg7: memref<2x128x128xf32, #tpu.memory_space<vmem>>, %arg8: memref<10000x128xf32, #tpu.memory_space<vmem_shared>>, %arg9: memref<!tpu.dma_semaphore, #tpu.memory_space<semaphore_mem>>, %arg10: memref<!tpu.dma_semaphore, #tpu.memory_space<semaphore_mem>>, %arg11: memref<!tpu.dma_semaphore, #tpu.memory_space<semaphore_mem>>, %arg12: memref<!tpu.dma_semaphore, #tpu.memory_space<semaphore_mem>>, %arg13: memref<!tpu.dma_semaphore, #tpu.memory_space<semaphore_mem>>, %arg14: memref<!tpu.dma_semaphore, #tpu.memory_space<semaphore_mem>>, %arg15: memref<!tpu.dma_semaphore, #tpu.memory_space<semaphore_mem>>) attributes {dimension_semantics = [#tpu.dimension_semantics<core_parallel>, #tpu.dimension_semantics<subcore_parallel>], iteration_bounds = array<i64: 2, 16>, scalar_prefetch = 0 : i64, scratch_operands = 10 : i64, tpu.core_type = #tpu.core_type<sc_vector_subcore>, window_params = [{transform_indices = #map}, {transform_indices = #map1}, {transform_indices = #map}, {transform_indices = #map}]} {
    %mul3A = arith.constant 16 : i32
    %mul3A_0 = arith.muli %arg0, %mul3A : i32
    %add3A = arith.addi %mul3A_0, %arg1 : i32
    %dma_start3A = arith.constant 0 : i32
    %dma_start3A_1 = arith.constant 0 : i32
    %dma_start3A_2 = arith.constant 0 : i32
    %dma_start3A_3 = tpu.memref_slice %arg6[%dma_start3A, %dma_start3A_1, %dma_start3A_2] : memref<3x2x128xi32, #tpu.memory_space<vmem>> -> memref<1x2x128xi32, #tpu.memory_space<vmem>>
    %dma_start3A_4 = tpu.memref_squeeze %dma_start3A_3 : memref<1x2x128xi32, #tpu.memory_space<vmem>> -> memref<2x128xi32, #tpu.memory_space<vmem>>
    %dma_start3A_5 = arith.constant 0 : i32
    %dma_start3A_6 = arith.constant 0 : i32
    %dma_start3A_7 = tpu.memref_slice %arg3[%add3A, %dma_start3A_5, %dma_start3A_6] : memref<2500x2x128xi32, #tpu.memory_space<hbm>> -> memref<1x2x128xi32, #tpu.memory_space<hbm>>
    %dma_start3A_8 = tpu.memref_squeeze %dma_start3A_7 : memref<1x2x128xi32, #tpu.memory_space<hbm>> -> memref<2x128xi32, #tpu.memory_space<hbm>>
    %dma_start3A_9 = arith.constant 0 : i32
    %dma_start3A_10 = arith.constant 0 : i32
    %dma_start3A_11 = tpu.memref_slice %arg6[%dma_start3A, %dma_start3A_9, %dma_start3A_10] : memref<3x2x128xi32, #tpu.memory_space<vmem>> -> memref<1x2x128xi32, #tpu.memory_space<vmem>>
    %dma_start3A_12 = tpu.memref_squeeze %dma_start3A_11 : memref<1x2x128xi32, #tpu.memory_space<vmem>> -> memref<2x128xi32, #tpu.memory_space<vmem>>
    %dma_start3A_13 = arith.constant 0 : i32
    %dma_start3A_14 = arith.constant 0 : i32
    %dma_start3A_15 = tpu.memref_slice %arg3[%add3A, %dma_start3A_13, %dma_start3A_14] : memref<2500x2x128xi32, #tpu.memory_space<hbm>> -> memref<1x2x128xi32, #tpu.memory_space<hbm>>
    %dma_start3A_16 = tpu.memref_squeeze %dma_start3A_15 : memref<1x2x128xi32, #tpu.memory_space<hbm>> -> memref<2x128xi32, #tpu.memory_space<hbm>>
    tpu.enqueue_dma source(%dma_start3A_16 : memref<2x128xi32, #tpu.memory_space<hbm>>) target(%dma_start3A_12 : memref<2x128xi32, #tpu.memory_space<vmem>>) target_semaphore(%arg11 : memref<!tpu.dma_semaphore, #tpu.memory_space<semaphore_mem>>)
    %scan3A = arith.constant 0 : i32
    %scan3A_17 = arith.constant 0 : i32
    %scan3A_18 = arith.constant 8 : i32
    %scan3A_19 = arith.addi %scan3A_17, %scan3A_18 : i32
    %scan3A_20 = arith.constant 1 : i32
    scf.for %scan3A_78 = %scan3A_17 to %scan3A_19 step %scan3A_20  : i32 {
      %mul3A_79 = arith.constant 16 : i32
      %mul3A_80 = arith.muli %scan3A_78, %mul3A_79 : i32
      %add3A_81 = arith.addi %arg1, %mul3A_80 : i32
      %lt3A_82 = arith.constant 125 : i32
      %lt3A_83 = arith.cmpi slt, %add3A_81, %lt3A_82 : i32
      %convert_element_type3A_84 = arith.extui %lt3A_83 : i1 to i32
      %cond3A_85 = arith.constant 0 : i32
      %cond3A_86 = arith.cmpi ne, %convert_element_type3A_84, %cond3A_85 : i32
      scf.if %cond3A_86 {
        %mul3A_87 = arith.constant 80 : i32
        %mul3A_88 = arith.muli %add3A_81, %mul3A_87 : i32
        %dma_start3A_89 = arith.constant 0 : i32
        %dma_start3A_90 = tpu.memref_slice %arg8[%mul3A_88, %dma_start3A_89] : memref<10000x128xf32, #tpu.memory_space<vmem_shared>> -> memref<80x128xf32, #tpu.memory_space<vmem_shared>>
        tpu.enqueue_dma source(%arg4 : memref<80x128xf32, #tpu.memory_space<hbm>>) target(%dma_start3A_90 : memref<80x128xf32, #tpu.memory_space<vmem_shared>>) target_semaphore(%arg10 : memref<!tpu.dma_semaphore, #tpu.memory_space<semaphore_mem>>)
      } else {
      }
    }
    %scan3A_21 = arith.constant 8 : i32
    %scan3A_22 = arith.constant 0 : i32
    %scan3A_23 = arith.constant 0 : i32
    %scan3A_24 = arith.constant 8 : i32
    %scan3A_25 = arith.addi %scan3A_23, %scan3A_24 : i32
    %scan3A_26 = arith.constant 1 : i32
    scf.for %scan3A_78 = %scan3A_23 to %scan3A_25 step %scan3A_26  : i32 {
      %mul3A_79 = arith.constant 16 : i32
      %mul3A_80 = arith.muli %scan3A_78, %mul3A_79 : i32
      %add3A_81 = arith.addi %arg1, %mul3A_80 : i32
      %lt3A_82 = arith.constant 125 : i32
      %lt3A_83 = arith.cmpi slt, %add3A_81, %lt3A_82 : i32
      %convert_element_type3A_84 = arith.extui %lt3A_83 : i1 to i32
      %cond3A_85 = arith.constant 0 : i32
      %cond3A_86 = arith.cmpi ne, %convert_element_type3A_84, %cond3A_85 : i32
      scf.if %cond3A_86 {
        %mul3A_87 = arith.constant 80 : i32
        %mul3A_88 = arith.muli %add3A_81, %mul3A_87 : i32
        %dma_wait3A_89 = arith.constant 0 : i32
        %dma_wait3A_90 = tpu.memref_slice %arg8[%mul3A_88, %dma_wait3A_89] : memref<10000x128xf32, #tpu.memory_space<vmem_shared>> -> memref<80x128xf32, #tpu.memory_space<vmem_shared>>
        tpu.wait_dma2 semaphore(%arg10 : memref<!tpu.dma_semaphore, #tpu.memory_space<semaphore_mem>>) src(%arg4 : memref<80x128xf32, #tpu.memory_space<hbm>>) dst(%dma_wait3A_90 : memref<80x128xf32, #tpu.memory_space<vmem_shared>>)
      } else {
      }
    }
    %scan3A_27 = arith.constant 8 : i32
    %barrier3A = arith.constant 0 : index
    tpu.barrier barrier_id(%barrier3A)
    %scan3A_28 = arith.constant 0 : i32
    %scan3A_29 = arith.constant 0 : i32
    %scan3A_30 = arith.constant 13 : i32
    %scan3A_31 = arith.addi %scan3A_29, %scan3A_30 : i32
    %scan3A_32 = arith.constant 1 : i32
    scf.for %scan3A_78 = %scan3A_29 to %scan3A_31 step %scan3A_32  : i32 {
      %mul3A_79 = arith.constant 6 : i32
      %mul3A_80 = arith.muli %mul3A_79, %scan3A_78 : i32
      %add3A_81 = arith.constant 0 : i32
      %add3A_82 = arith.addi %mul3A_80, %add3A_81 : i32
      %gt3A = arith.constant 0 : i32
      %gt3A_83 = arith.cmpi sgt, %scan3A_78, %gt3A : i32
      %convert_element_type3A_84 = arith.extui %gt3A_83 : i1 to i32
      %cond3A_85 = arith.constant 0 : i32
      %cond3A_86 = arith.cmpi ne, %convert_element_type3A_84, %cond3A_85 : i32
      scf.if %cond3A_86 {
        %dma_wait3A_492 = arith.constant 0 : i32
        %dma_wait3A_493 = arith.constant 0 : i32
        %dma_wait3A_494 = arith.constant 1 : i32
        %dma_wait3A_495 = arith.constant 0 : i32
        %dma_wait3A_496 = arith.constant 0 : i32
        %dma_wait3A_497 = tpu.memref_slice %arg7[%dma_wait3A_492, %dma_wait3A_495, %dma_wait3A_496] : memref<2x128x128xf32, #tpu.memory_space<vmem>> -> memref<1x128x128xf32, #tpu.memory_space<vmem>>
        %dma_wait3A_498 = tpu.memref_squeeze %dma_wait3A_497 : memref<1x128x128xf32, #tpu.memory_space<vmem>> -> memref<128x128xf32, #tpu.memory_space<vmem>>
        %dma_wait3A_499 = arith.constant 0 : i32
        %dma_wait3A_500 = tpu.memref_slice %arg6[%dma_wait3A_493, %dma_wait3A_494, %dma_wait3A_499] : memref<3x2x128xi32, #tpu.memory_space<vmem>> -> memref<1x1x128xi32, #tpu.memory_space<vmem>>
        %dma_wait3A_501 = tpu.memref_squeeze %dma_wait3A_500 : memref<1x1x128xi32, #tpu.memory_space<vmem>> -> memref<128xi32, #tpu.memory_space<vmem>>
        %dma_wait3A_502 = arith.constant 0 : i32
        %dma_wait3A_503 = arith.constant 0 : i32
        %dma_wait3A_504 = tpu.memref_slice %arg8[%dma_wait3A_502, %dma_wait3A_503] : memref<10000x128xf32, #tpu.memory_space<vmem_shared>> -> memref<10000x128xf32, #tpu.memory_space<vmem_shared>>
        tpu.wait_indirect_dma semaphore(%arg14 : memref<!tpu.dma_semaphore, #tpu.memory_space<semaphore_mem>>) src(%dma_wait3A_498 : memref<128x128xf32, #tpu.memory_space<vmem>>) dst(%dma_wait3A_504 : memref<10000x128xf32, #tpu.memory_space<vmem_shared>>)
        %dma_wait3A_505 = arith.constant 0 : i32
        %dma_wait3A_506 = arith.constant 0 : i32
        %dma_wait3A_507 = arith.constant 0 : i32
        %dma_wait3A_508 = tpu.memref_slice %arg6[%dma_wait3A_505, %dma_wait3A_506, %dma_wait3A_507] : memref<3x2x128xi32, #tpu.memory_space<vmem>> -> memref<1x2x128xi32, #tpu.memory_space<vmem>>
        %dma_wait3A_509 = tpu.memref_squeeze %dma_wait3A_508 : memref<1x2x128xi32, #tpu.memory_space<vmem>> -> memref<2x128xi32, #tpu.memory_space<vmem>>
        %dma_wait3A_510 = arith.constant 0 : i32
        %dma_wait3A_511 = arith.constant 0 : i32
        %dma_wait3A_512 = tpu.memref_slice %arg3[%add3A, %dma_wait3A_510, %dma_wait3A_511] : memref<2500x2x128xi32, #tpu.memory_space<hbm>> -> memref<1x2x128xi32, #tpu.memory_space<hbm>>
        %dma_wait3A_513 = tpu.memref_squeeze %dma_wait3A_512 : memref<1x2x128xi32, #tpu.memory_space<hbm>> -> memref<2x128xi32, #tpu.memory_space<hbm>>
        %dma_wait3A_514 = arith.constant 0 : i32
        %dma_wait3A_515 = arith.constant 0 : i32
        %dma_wait3A_516 = tpu.memref_slice %arg6[%dma_wait3A_505, %dma_wait3A_514, %dma_wait3A_515] : memref<3x2x128xi32, #tpu.memory_space<vmem>> -> memref<1x2x128xi32, #tpu.memory_space<vmem>>
        %dma_wait3A_517 = tpu.memref_squeeze %dma_wait3A_516 : memref<1x2x128xi32, #tpu.memory_space<vmem>> -> memref<2x128xi32, #tpu.memory_space<vmem>>
        %dma_wait3A_518 = arith.constant 0 : i32
        %dma_wait3A_519 = arith.constant 0 : i32
        %dma_wait3A_520 = tpu.memref_slice %arg3[%add3A, %dma_wait3A_518, %dma_wait3A_519] : memref<2500x2x128xi32, #tpu.memory_space<hbm>> -> memref<1x2x128xi32, #tpu.memory_space<hbm>>
        %dma_wait3A_521 = tpu.memref_squeeze %dma_wait3A_520 : memref<1x2x128xi32, #tpu.memory_space<hbm>> -> memref<2x128xi32, #tpu.memory_space<hbm>>
        tpu.wait_dma2 semaphore(%arg11 : memref<!tpu.dma_semaphore, #tpu.memory_space<semaphore_mem>>) src(%dma_wait3A_521 : memref<2x128xi32, #tpu.memory_space<hbm>>) dst(%dma_wait3A_517 : memref<2x128xi32, #tpu.memory_space<vmem>>)
        %dma_start3A_522 = arith.constant 0 : i32
        %dma_start3A_523 = arith.constant 0 : i32
        %dma_start3A_524 = arith.constant 0 : i32
        %dma_start3A_525 = arith.constant 0 : i32
        %dma_start3A_526 = arith.constant 0 : i32
        %dma_start3A_527 = tpu.memref_slice %arg7[%dma_start3A_524, %dma_start3A_525, %dma_start3A_526] : memref<2x128x128xf32, #tpu.memory_space<vmem>> -> memref<1x128x128xf32, #tpu.memory_space<vmem>>
        %dma_start3A_528 = tpu.memref_squeeze %dma_start3A_527 : memref<1x128x128xf32, #tpu.memory_space<vmem>> -> memref<128x128xf32, #tpu.memory_space<vmem>>
        %dma_start3A_529 = arith.constant 0 : i32
        %dma_start3A_530 = tpu.memref_slice %arg6[%dma_start3A_522, %dma_start3A_523, %dma_start3A_529] : memref<3x2x128xi32, #tpu.memory_space<vmem>> -> memref<1x1x128xi32, #tpu.memory_space<vmem>>
        %dma_start3A_531 = tpu.memref_squeeze %dma_start3A_530 : memref<1x1x128xi32, #tpu.memory_space<vmem>> -> memref<128xi32, #tpu.memory_space<vmem>>
        %dma_start3A_532 = arith.constant 0 : i32
        %dma_start3A_533 = arith.constant 0 : i32
        %dma_start3A_534 = tpu.memref_slice %arg2[%dma_start3A_532, %dma_start3A_533] : memref<10000x128xf32, #tpu.memory_space<hbm>> -> memref<10000x128xf32, #tpu.memory_space<hbm>>
        tpu.enqueue_indirect_dma source(%dma_start3A_534 : memref<10000x128xf32, #tpu.memory_space<hbm>>) target(%dma_start3A_528 : memref<128x128xf32, #tpu.memory_space<vmem>>) offsets(%dma_start3A_531 : memref<128xi32, #tpu.memory_space<vmem>>) semaphore(%arg9 : memref<!tpu.dma_semaphore, #tpu.memory_space<semaphore_mem>>)
        %add3A_535 = arith.constant 1 : i32
        %add3A_536 = arith.addi %add3A_82, %add3A_535 : i32
        %mul3A_537 = arith.constant 32 : i32
        %mul3A_538 = arith.muli %add3A_536, %mul3A_537 : i32
        %add3A_539 = arith.addi %add3A, %mul3A_538 : i32
        %min3A_540 = arith.constant 2499 : i32
        %min3A_541 = arith.minsi %add3A_539, %min3A_540 : i32
        %dma_start3A_542 = arith.constant 1 : i32
        %dma_start3A_543 = arith.constant 0 : i32
        %dma_start3A_544 = arith.constant 0 : i32
        %dma_start3A_545 = tpu.memref_slice %arg6[%dma_start3A_542, %dma_start3A_543, %dma_start3A_544] : memref<3x2x128xi32, #tpu.memory_space<vmem>> -> memref<1x2x128xi32, #tpu.memory_space<vmem>>
        %dma_start3A_546 = tpu.memref_squeeze %dma_start3A_545 : memref<1x2x128xi32, #tpu.memory_space<vmem>> -> memref<2x128xi32, #tpu.memory_space<vmem>>
        %dma_start3A_547 = arith.constant 0 : i32
        %dma_start3A_548 = arith.constant 0 : i32
        %dma_start3A_549 = tpu.memref_slice %arg3[%min3A_541, %dma_start3A_547, %dma_start3A_548] : memref<2500x2x128xi32, #tpu.memory_space<hbm>> -> memref<1x2x128xi32, #tpu.memory_space<hbm>>
        %dma_start3A_550 = tpu.memref_squeeze %dma_start3A_549 : memref<1x2x128xi32, #tpu.memory_space<hbm>> -> memref<2x128xi32, #tpu.memory_space<hbm>>
        %dma_start3A_551 = arith.constant 0 : i32
        %dma_start3A_552 = arith.constant 0 : i32
        %dma_start3A_553 = tpu.memref_slice %arg6[%dma_start3A_542, %dma_start3A_551, %dma_start3A_552] : memref<3x2x128xi32, #tpu.memory_space<vmem>> -> memref<1x2x128xi32, #tpu.memory_space<vmem>>
        %dma_start3A_554 = tpu.memref_squeeze %dma_start3A_553 : memref<1x2x128xi32, #tpu.memory_space<vmem>> -> memref<2x128xi32, #tpu.memory_space<vmem>>
        %dma_start3A_555 = arith.constant 0 : i32
        %dma_start3A_556 = arith.constant 0 : i32
        %dma_start3A_557 = tpu.memref_slice %arg3[%min3A_541, %dma_start3A_555, %dma_start3A_556] : memref<2500x2x128xi32, #tpu.memory_space<hbm>> -> memref<1x2x128xi32, #tpu.memory_space<hbm>>
        %dma_start3A_558 = tpu.memref_squeeze %dma_start3A_557 : memref<1x2x128xi32, #tpu.memory_space<hbm>> -> memref<2x128xi32, #tpu.memory_space<hbm>>
        tpu.enqueue_dma source(%dma_start3A_558 : memref<2x128xi32, #tpu.memory_space<hbm>>) target(%dma_start3A_554 : memref<2x128xi32, #tpu.memory_space<vmem>>) target_semaphore(%arg12 : memref<!tpu.dma_semaphore, #tpu.memory_space<semaphore_mem>>)
        %dma_wait3A_559 = arith.constant 0 : i32
        %dma_wait3A_560 = arith.constant 0 : i32
        %dma_wait3A_561 = arith.constant 0 : i32
        %dma_wait3A_562 = arith.constant 0 : i32
        %dma_wait3A_563 = arith.constant 0 : i32
        %dma_wait3A_564 = tpu.memref_slice %arg7[%dma_wait3A_561, %dma_wait3A_562, %dma_wait3A_563] : memref<2x128x128xf32, #tpu.memory_space<vmem>> -> memref<1x128x128xf32, #tpu.memory_space<vmem>>
        %dma_wait3A_565 = tpu.memref_squeeze %dma_wait3A_564 : memref<1x128x128xf32, #tpu.memory_space<vmem>> -> memref<128x128xf32, #tpu.memory_space<vmem>>
        %dma_wait3A_566 = arith.constant 0 : i32
        %dma_wait3A_567 = tpu.memref_slice %arg6[%dma_wait3A_559, %dma_wait3A_560, %dma_wait3A_566] : memref<3x2x128xi32, #tpu.memory_space<vmem>> -> memref<1x1x128xi32, #tpu.memory_space<vmem>>
        %dma_wait3A_568 = tpu.memref_squeeze %dma_wait3A_567 : memref<1x1x128xi32, #tpu.memory_space<vmem>> -> memref<128xi32, #tpu.memory_space<vmem>>
        %dma_wait3A_569 = arith.constant 0 : i32
        %dma_wait3A_570 = arith.constant 0 : i32
        %dma_wait3A_571 = tpu.memref_slice %arg2[%dma_wait3A_569, %dma_wait3A_570] : memref<10000x128xf32, #tpu.memory_space<hbm>> -> memref<10000x128xf32, #tpu.memory_space<hbm>>
        tpu.wait_indirect_dma semaphore(%arg9 : memref<!tpu.dma_semaphore, #tpu.memory_space<semaphore_mem>>) src(%dma_wait3A_571 : memref<10000x128xf32, #tpu.memory_space<hbm>>) dst(%dma_wait3A_565 : memref<128x128xf32, #tpu.memory_space<vmem>>)
        %dma_start3A_572 = arith.constant 0 : i32
        %dma_start3A_573 = arith.constant 0 : i32
        %dma_start3A_574 = arith.constant 1 : i32
        %dma_start3A_575 = arith.constant 0 : i32
        %dma_start3A_576 = arith.constant 0 : i32
        %dma_start3A_577 = tpu.memref_slice %arg7[%dma_start3A_572, %dma_start3A_575, %dma_start3A_576] : memref<2x128x128xf32, #tpu.memory_space<vmem>> -> memref<1x128x128xf32, #tpu.memory_space<vmem>>
        %dma_start3A_578 = tpu.memref_squeeze %dma_start3A_577 : memref<1x128x128xf32, #tpu.memory_space<vmem>> -> memref<128x128xf32, #tpu.memory_space<vmem>>
        %dma_start3A_579 = arith.constant 0 : i32
        %dma_start3A_580 = tpu.memref_slice %arg6[%dma_start3A_573, %dma_start3A_574, %dma_start3A_579] : memref<3x2x128xi32, #tpu.memory_space<vmem>> -> memref<1x1x128xi32, #tpu.memory_space<vmem>>
        %dma_start3A_581 = tpu.memref_squeeze %dma_start3A_580 : memref<1x1x128xi32, #tpu.memory_space<vmem>> -> memref<128xi32, #tpu.memory_space<vmem>>
        %dma_start3A_582 = arith.constant 0 : i32
        %dma_start3A_583 = arith.constant 0 : i32
        %dma_start3A_584 = tpu.memref_slice %arg8[%dma_start3A_582, %dma_start3A_583] : memref<10000x128xf32, #tpu.memory_space<vmem_shared>> -> memref<10000x128xf32, #tpu.memory_space<vmem_shared>>
        tpu.enqueue_indirect_dma source(%dma_start3A_578 : memref<128x128xf32, #tpu.memory_space<vmem>>) target(%dma_start3A_584 : memref<10000x128xf32, #tpu.memory_space<vmem_shared>>) offsets(%dma_start3A_581 : memref<128xi32, #tpu.memory_space<vmem>>) semaphore(%arg14 : memref<!tpu.dma_semaphore, #tpu.memory_space<semaphore_mem>>) {add = true}
      } else {
      }
      %eq3A = arith.constant 0 : i32
      %eq3A_87 = arith.cmpi eq, %scan3A_78, %eq3A : i32
      %convert_element_type3A_88 = arith.extui %eq3A_87 : i1 to i32
      %cond3A_89 = arith.constant 0 : i32
      %cond3A_90 = arith.cmpi ne, %convert_element_type3A_88, %cond3A_89 : i32
      scf.if %cond3A_90 {
        %dma_wait3A_492 = arith.constant 0 : i32
        %dma_wait3A_493 = arith.constant 0 : i32
        %dma_wait3A_494 = arith.constant 0 : i32
        %dma_wait3A_495 = tpu.memref_slice %arg6[%dma_wait3A_492, %dma_wait3A_493, %dma_wait3A_494] : memref<3x2x128xi32, #tpu.memory_space<vmem>> -> memref<1x2x128xi32, #tpu.memory_space<vmem>>
        %dma_wait3A_496 = tpu.memref_squeeze %dma_wait3A_495 : memref<1x2x128xi32, #tpu.memory_space<vmem>> -> memref<2x128xi32, #tpu.memory_space<vmem>>
        %dma_wait3A_497 = arith.constant 0 : i32
        %dma_wait3A_498 = arith.constant 0 : i32
        %dma_wait3A_499 = tpu.memref_slice %arg3[%add3A, %dma_wait3A_497, %dma_wait3A_498] : memref<2500x2x128xi32, #tpu.memory_space<hbm>> -> memref<1x2x128xi32, #tpu.memory_space<hbm>>
        %dma_wait3A_500 = tpu.memref_squeeze %dma_wait3A_499 : memref<1x2x128xi32, #tpu.memory_space<hbm>> -> memref<2x128xi32, #tpu.memory_space<hbm>>
        %dma_wait3A_501 = arith.constant 0 : i32
        %dma_wait3A_502 = arith.constant 0 : i32
        %dma_wait3A_503 = tpu.memref_slice %arg6[%dma_wait3A_492, %dma_wait3A_501, %dma_wait3A_502] : memref<3x2x128xi32, #tpu.memory_space<vmem>> -> memref<1x2x128xi32, #tpu.memory_space<vmem>>
        %dma_wait3A_504 = tpu.memref_squeeze %dma_wait3A_503 : memref<1x2x128xi32, #tpu.memory_space<vmem>> -> memref<2x128xi32, #tpu.memory_space<vmem>>
        %dma_wait3A_505 = arith.constant 0 : i32
        %dma_wait3A_506 = arith.constant 0 : i32
        %dma_wait3A_507 = tpu.memref_slice %arg3[%add3A, %dma_wait3A_505, %dma_wait3A_506] : memref<2500x2x128xi32, #tpu.memory_space<hbm>> -> memref<1x2x128xi32, #tpu.memory_space<hbm>>
        %dma_wait3A_508 = tpu.memref_squeeze %dma_wait3A_507 : memref<1x2x128xi32, #tpu.memory_space<hbm>> -> memref<2x128xi32, #tpu.memory_space<hbm>>
        tpu.wait_dma2 semaphore(%arg11 : memref<!tpu.dma_semaphore, #tpu.memory_space<semaphore_mem>>) src(%dma_wait3A_508 : memref<2x128xi32, #tpu.memory_space<hbm>>) dst(%dma_wait3A_504 : memref<2x128xi32, #tpu.memory_space<vmem>>)
        %dma_start3A_509 = arith.constant 0 : i32
        %dma_start3A_510 = arith.constant 0 : i32
        %dma_start3A_511 = arith.constant 0 : i32
        %dma_start3A_512 = arith.constant 0 : i32
        %dma_start3A_513 = arith.constant 0 : i32
        %dma_start3A_514 = tpu.memref_slice %arg7[%dma_start3A_511, %dma_start3A_512, %dma_start3A_513] : memref<2x128x128xf32, #tpu.memory_space<vmem>> -> memref<1x128x128xf32, #tpu.memory_space<vmem>>
        %dma_start3A_515 = tpu.memref_squeeze %dma_start3A_514 : memref<1x128x128xf32, #tpu.memory_space<vmem>> -> memref<128x128xf32, #tpu.memory_space<vmem>>
        %dma_start3A_516 = arith.constant 0 : i32
        %dma_start3A_517 = tpu.memref_slice %arg6[%dma_start3A_509, %dma_start3A_510, %dma_start3A_516] : memref<3x2x128xi32, #tpu.memory_space<vmem>> -> memref<1x1x128xi32, #tpu.memory_space<vmem>>
        %dma_start3A_518 = tpu.memref_squeeze %dma_start3A_517 : memref<1x1x128xi32, #tpu.memory_space<vmem>> -> memref<128xi32, #tpu.memory_space<vmem>>
        %dma_start3A_519 = arith.constant 0 : i32
        %dma_start3A_520 = arith.constant 0 : i32
        %dma_start3A_521 = tpu.memref_slice %arg2[%dma_start3A_519, %dma_start3A_520] : memref<10000x128xf32, #tpu.memory_space<hbm>> -> memref<10000x128xf32, #tpu.memory_space<hbm>>
        tpu.enqueue_indirect_dma source(%dma_start3A_521 : memref<10000x128xf32, #tpu.memory_space<hbm>>) target(%dma_start3A_515 : memref<128x128xf32, #tpu.memory_space<vmem>>) offsets(%dma_start3A_518 : memref<128xi32, #tpu.memory_space<vmem>>) semaphore(%arg9 : memref<!tpu.dma_semaphore, #tpu.memory_space<semaphore_mem>>)
        %add3A_522 = arith.constant 1 : i32
        %add3A_523 = arith.addi %add3A_82, %add3A_522 : i32
        %mul3A_524 = arith.constant 32 : i32
        %mul3A_525 = arith.muli %add3A_523, %mul3A_524 : i32
        %add3A_526 = arith.addi %add3A, %mul3A_525 : i32
        %min3A_527 = arith.constant 2499 : i32
        %min3A_528 = arith.minsi %add3A_526, %min3A_527 : i32
        %dma_start3A_529 = arith.constant 1 : i32
        %dma_start3A_530 = arith.constant 0 : i32
        %dma_start3A_531 = arith.constant 0 : i32
        %dma_start3A_532 = tpu.memref_slice %arg6[%dma_start3A_529, %dma_start3A_530, %dma_start3A_531] : memref<3x2x128xi32, #tpu.memory_space<vmem>> -> memref<1x2x128xi32, #tpu.memory_space<vmem>>
        %dma_start3A_533 = tpu.memref_squeeze %dma_start3A_532 : memref<1x2x128xi32, #tpu.memory_space<vmem>> -> memref<2x128xi32, #tpu.memory_space<vmem>>
        %dma_start3A_534 = arith.constant 0 : i32
        %dma_start3A_535 = arith.constant 0 : i32
        %dma_start3A_536 = tpu.memref_slice %arg3[%min3A_528, %dma_start3A_534, %dma_start3A_535] : memref<2500x2x128xi32, #tpu.memory_space<hbm>> -> memref<1x2x128xi32, #tpu.memory_space<hbm>>
        %dma_start3A_537 = tpu.memref_squeeze %dma_start3A_536 : memref<1x2x128xi32, #tpu.memory_space<hbm>> -> memref<2x128xi32, #tpu.memory_space<hbm>>
        %dma_start3A_538 = arith.constant 0 : i32
        %dma_start3A_539 = arith.constant 0 : i32
        %dma_start3A_540 = tpu.memref_slice %arg6[%dma_start3A_529, %dma_start3A_538, %dma_start3A_539] : memref<3x2x128xi32, #tpu.memory_space<vmem>> -> memref<1x2x128xi32, #tpu.memory_space<vmem>>
        %dma_start3A_541 = tpu.memref_squeeze %dma_start3A_540 : memref<1x2x128xi32, #tpu.memory_space<vmem>> -> memref<2x128xi32, #tpu.memory_space<vmem>>
        %dma_start3A_542 = arith.constant 0 : i32
        %dma_start3A_543 = arith.constant 0 : i32
        %dma_start3A_544 = tpu.memref_slice %arg3[%min3A_528, %dma_start3A_542, %dma_start3A_543] : memref<2500x2x128xi32, #tpu.memory_space<hbm>> -> memref<1x2x128xi32, #tpu.memory_space<hbm>>
        %dma_start3A_545 = tpu.memref_squeeze %dma_start3A_544 : memref<1x2x128xi32, #tpu.memory_space<hbm>> -> memref<2x128xi32, #tpu.memory_space<hbm>>
        tpu.enqueue_dma source(%dma_start3A_545 : memref<2x128xi32, #tpu.memory_space<hbm>>) target(%dma_start3A_541 : memref<2x128xi32, #tpu.memory_space<vmem>>) target_semaphore(%arg12 : memref<!tpu.dma_semaphore, #tpu.memory_space<semaphore_mem>>)
        %dma_wait3A_546 = arith.constant 0 : i32
        %dma_wait3A_547 = arith.constant 0 : i32
        %dma_wait3A_548 = arith.constant 0 : i32
        %dma_wait3A_549 = arith.constant 0 : i32
        %dma_wait3A_550 = arith.constant 0 : i32
        %dma_wait3A_551 = tpu.memref_slice %arg7[%dma_wait3A_548, %dma_wait3A_549, %dma_wait3A_550] : memref<2x128x128xf32, #tpu.memory_space<vmem>> -> memref<1x128x128xf32, #tpu.memory_space<vmem>>
        %dma_wait3A_552 = tpu.memref_squeeze %dma_wait3A_551 : memref<1x128x128xf32, #tpu.memory_space<vmem>> -> memref<128x128xf32, #tpu.memory_space<vmem>>
        %dma_wait3A_553 = arith.constant 0 : i32
        %dma_wait3A_554 = tpu.memref_slice %arg6[%dma_wait3A_546, %dma_wait3A_547, %dma_wait3A_553] : memref<3x2x128xi32, #tpu.memory_space<vmem>> -> memref<1x1x128xi32, #tpu.memory_space<vmem>>
        %dma_wait3A_555 = tpu.memref_squeeze %dma_wait3A_554 : memref<1x1x128xi32, #tpu.memory_space<vmem>> -> memref<128xi32, #tpu.memory_space<vmem>>
        %dma_wait3A_556 = arith.constant 0 : i32
        %dma_wait3A_557 = arith.constant 0 : i32
        %dma_wait3A_558 = tpu.memref_slice %arg2[%dma_wait3A_556, %dma_wait3A_557] : memref<10000x128xf32, #tpu.memory_space<hbm>> -> memref<10000x128xf32, #tpu.memory_space<hbm>>
        tpu.wait_indirect_dma semaphore(%arg9 : memref<!tpu.dma_semaphore, #tpu.memory_space<semaphore_mem>>) src(%dma_wait3A_558 : memref<10000x128xf32, #tpu.memory_space<hbm>>) dst(%dma_wait3A_552 : memref<128x128xf32, #tpu.memory_space<vmem>>)
        %dma_start3A_559 = arith.constant 0 : i32
        %dma_start3A_560 = arith.constant 0 : i32
        %dma_start3A_561 = arith.constant 1 : i32
        %dma_start3A_562 = arith.constant 0 : i32
        %dma_start3A_563 = arith.constant 0 : i32
        %dma_start3A_564 = tpu.memref_slice %arg7[%dma_start3A_559, %dma_start3A_562, %dma_start3A_563] : memref<2x128x128xf32, #tpu.memory_space<vmem>> -> memref<1x128x128xf32, #tpu.memory_space<vmem>>
        %dma_start3A_565 = tpu.memref_squeeze %dma_start3A_564 : memref<1x128x128xf32, #tpu.memory_space<vmem>> -> memref<128x128xf32, #tpu.memory_space<vmem>>
        %dma_start3A_566 = arith.constant 0 : i32
        %dma_start3A_567 = tpu.memref_slice %arg6[%dma_start3A_560, %dma_start3A_561, %dma_start3A_566] : memref<3x2x128xi32, #tpu.memory_space<vmem>> -> memref<1x1x128xi32, #tpu.memory_space<vmem>>
        %dma_start3A_568 = tpu.memref_squeeze %dma_start3A_567 : memref<1x1x128xi32, #tpu.memory_space<vmem>> -> memref<128xi32, #tpu.memory_space<vmem>>
        %dma_start3A_569 = arith.constant 0 : i32
        %dma_start3A_570 = arith.constant 0 : i32
        %dma_start3A_571 = tpu.memref_slice %arg8[%dma_start3A_569, %dma_start3A_570] : memref<10000x128xf32, #tpu.memory_space<vmem_shared>> -> memref<10000x128xf32, #tpu.memory_space<vmem_shared>>
        tpu.enqueue_indirect_dma source(%dma_start3A_565 : memref<128x128xf32, #tpu.memory_space<vmem>>) target(%dma_start3A_571 : memref<10000x128xf32, #tpu.memory_space<vmem_shared>>) offsets(%dma_start3A_568 : memref<128xi32, #tpu.memory_space<vmem>>) semaphore(%arg14 : memref<!tpu.dma_semaphore, #tpu.memory_space<semaphore_mem>>) {add = true}
      } else {
      }
      %mul3A_91 = arith.constant 6 : i32
      %mul3A_92 = arith.muli %mul3A_91, %scan3A_78 : i32
      %add3A_93 = arith.constant 1 : i32
      %add3A_94 = arith.addi %mul3A_92, %add3A_93 : i32
      %gt3A_95 = arith.constant 0 : i32
      %gt3A_96 = arith.cmpi sgt, %scan3A_78, %gt3A_95 : i32
      %convert_element_type3A_97 = arith.extui %gt3A_96 : i1 to i32
      %cond3A_98 = arith.constant 0 : i32
      %cond3A_99 = arith.cmpi ne, %convert_element_type3A_97, %cond3A_98 : i32
      scf.if %cond3A_99 {
        %dma_wait3A_492 = arith.constant 1 : i32
        %dma_wait3A_493 = arith.constant 1 : i32
        %dma_wait3A_494 = arith.constant 1 : i32
        %dma_wait3A_495 = arith.constant 0 : i32
        %dma_wait3A_496 = arith.constant 0 : i32
        %dma_wait3A_497 = tpu.memref_slice %arg7[%dma_wait3A_492, %dma_wait3A_495, %dma_wait3A_496] : memref<2x128x128xf32, #tpu.memory_space<vmem>> -> memref<1x128x128xf32, #tpu.memory_space<vmem>>
        %dma_wait3A_498 = tpu.memref_squeeze %dma_wait3A_497 : memref<1x128x128xf32, #tpu.memory_space<vmem>> -> memref<128x128xf32, #tpu.memory_space<vmem>>
        %dma_wait3A_499 = arith.constant 0 : i32
        %dma_wait3A_500 = tpu.memref_slice %arg6[%dma_wait3A_493, %dma_wait3A_494, %dma_wait3A_499] : memref<3x2x128xi32, #tpu.memory_space<vmem>> -> memref<1x1x128xi32, #tpu.memory_space<vmem>>
        %dma_wait3A_501 = tpu.memref_squeeze %dma_wait3A_500 : memref<1x1x128xi32, #tpu.memory_space<vmem>> -> memref<128xi32, #tpu.memory_space<vmem>>
        %dma_wait3A_502 = arith.constant 0 : i32
        %dma_wait3A_503 = arith.constant 0 : i32
        %dma_wait3A_504 = tpu.memref_slice %arg8[%dma_wait3A_502, %dma_wait3A_503] : memref<10000x128xf32, #tpu.memory_space<vmem_shared>> -> memref<10000x128xf32, #tpu.memory_space<vmem_shared>>
        tpu.wait_indirect_dma semaphore(%arg15 : memref<!tpu.dma_semaphore, #tpu.memory_space<semaphore_mem>>) src(%dma_wait3A_498 : memref<128x128xf32, #tpu.memory_space<vmem>>) dst(%dma_wait3A_504 : memref<10000x128xf32, #tpu.memory_space<vmem_shared>>)
        %dma_wait3A_505 = arith.constant 1 : i32
        %dma_wait3A_506 = arith.constant 0 : i32
        %dma_wait3A_507 = arith.constant 0 : i32
        %dma_wait3A_508 = tpu.memref_slice %arg6[%dma_wait3A_505, %dma_wait3A_506, %dma_wait3A_507] : memref<3x2x128xi32, #tpu.memory_space<vmem>> -> memref<1x2x128xi32, #tpu.memory_space<vmem>>
        %dma_wait3A_509 = tpu.memref_squeeze %dma_wait3A_508 : memref<1x2x128xi32, #tpu.memory_space<vmem>> -> memref<2x128xi32, #tpu.memory_space<vmem>>
        %dma_wait3A_510 = arith.constant 0 : i32
        %dma_wait3A_511 = arith.constant 0 : i32
        %dma_wait3A_512 = tpu.memref_slice %arg3[%add3A, %dma_wait3A_510, %dma_wait3A_511] : memref<2500x2x128xi32, #tpu.memory_space<hbm>> -> memref<1x2x128xi32, #tpu.memory_space<hbm>>
        %dma_wait3A_513 = tpu.memref_squeeze %dma_wait3A_512 : memref<1x2x128xi32, #tpu.memory_space<hbm>> -> memref<2x128xi32, #tpu.memory_space<hbm>>
        %dma_wait3A_514 = arith.constant 0 : i32
        %dma_wait3A_515 = arith.constant 0 : i32
        %dma_wait3A_516 = tpu.memref_slice %arg6[%dma_wait3A_505, %dma_wait3A_514, %dma_wait3A_515] : memref<3x2x128xi32, #tpu.memory_space<vmem>> -> memref<1x2x128xi32, #tpu.memory_space<vmem>>
        %dma_wait3A_517 = tpu.memref_squeeze %dma_wait3A_516 : memref<1x2x128xi32, #tpu.memory_space<vmem>> -> memref<2x128xi32, #tpu.memory_space<vmem>>
        %dma_wait3A_518 = arith.constant 0 : i32
        %dma_wait3A_519 = arith.constant 0 : i32
        %dma_wait3A_520 = tpu.memref_slice %arg3[%add3A, %dma_wait3A_518, %dma_wait3A_519] : memref<2500x2x128xi32, #tpu.memory_space<hbm>> -> memref<1x2x128xi32, #tpu.memory_space<hbm>>
        %dma_wait3A_521 = tpu.memref_squeeze %dma_wait3A_520 : memref<1x2x128xi32, #tpu.memory_space<hbm>> -> memref<2x128xi32, #tpu.memory_space<hbm>>
        tpu.wait_dma2 semaphore(%arg12 : memref<!tpu.dma_semaphore, #tpu.memory_space<semaphore_mem>>) src(%dma_wait3A_521 : memref<2x128xi32, #tpu.memory_space<hbm>>) dst(%dma_wait3A_517 : memref<2x128xi32, #tpu.memory_space<vmem>>)
        %dma_start3A_522 = arith.constant 1 : i32
        %dma_start3A_523 = arith.constant 0 : i32
        %dma_start3A_524 = arith.constant 1 : i32
        %dma_start3A_525 = arith.constant 0 : i32
        %dma_start3A_526 = arith.constant 0 : i32
        %dma_start3A_527 = tpu.memref_slice %arg7[%dma_start3A_524, %dma_start3A_525, %dma_start3A_526] : memref<2x128x128xf32, #tpu.memory_space<vmem>> -> memref<1x128x128xf32, #tpu.memory_space<vmem>>
        %dma_start3A_528 = tpu.memref_squeeze %dma_start3A_527 : memref<1x128x128xf32, #tpu.memory_space<vmem>> -> memref<128x128xf32, #tpu.memory_space<vmem>>
        %dma_start3A_529 = arith.constant 0 : i32
        %dma_start3A_530 = tpu.memref_slice %arg6[%dma_start3A_522, %dma_start3A_523, %dma_start3A_529] : memref<3x2x128xi32, #tpu.memory_space<vmem>> -> memref<1x1x128xi32, #tpu.memory_space<vmem>>
        %dma_start3A_531 = tpu.memref_squeeze %dma_start3A_530 : memref<1x1x128xi32, #tpu.memory_space<vmem>> -> memref<128xi32, #tpu.memory_space<vmem>>
        %dma_start3A_532 = arith.constant 0 : i32
        %dma_start3A_533 = arith.constant 0 : i32
        %dma_start3A_534 = tpu.memref_slice %arg2[%dma_start3A_532, %dma_start3A_533] : memref<10000x128xf32, #tpu.memory_space<hbm>> -> memref<10000x128xf32, #tpu.memory_space<hbm>>
        tpu.enqueue_indirect_dma source(%dma_start3A_534 : memref<10000x128xf32, #tpu.memory_space<hbm>>) target(%dma_start3A_528 : memref<128x128xf32, #tpu.memory_space<vmem>>) offsets(%dma_start3A_531 : memref<128xi32, #tpu.memory_space<vmem>>) semaphore(%arg9 : memref<!tpu.dma_semaphore, #tpu.memory_space<semaphore_mem>>)
        %add3A_535 = arith.constant 1 : i32
        %add3A_536 = arith.addi %add3A_94, %add3A_535 : i32
        %mul3A_537 = arith.constant 32 : i32
        %mul3A_538 = arith.muli %add3A_536, %mul3A_537 : i32
        %add3A_539 = arith.addi %add3A, %mul3A_538 : i32
        %min3A_540 = arith.constant 2499 : i32
        %min3A_541 = arith.minsi %add3A_539, %min3A_540 : i32
        %dma_start3A_542 = arith.constant 2 : i32
        %dma_start3A_543 = arith.constant 0 : i32
        %dma_start3A_544 = arith.constant 0 : i32
        %dma_start3A_545 = tpu.memref_slice %arg6[%dma_start3A_542, %dma_start3A_543, %dma_start3A_544] : memref<3x2x128xi32, #tpu.memory_space<vmem>> -> memref<1x2x128xi32, #tpu.memory_space<vmem>>
        %dma_start3A_546 = tpu.memref_squeeze %dma_start3A_545 : memref<1x2x128xi32, #tpu.memory_space<vmem>> -> memref<2x128xi32, #tpu.memory_space<vmem>>
        %dma_start3A_547 = arith.constant 0 : i32
        %dma_start3A_548 = arith.constant 0 : i32
        %dma_start3A_549 = tpu.memref_slice %arg3[%min3A_541, %dma_start3A_547, %dma_start3A_548] : memref<2500x2x128xi32, #tpu.memory_space<hbm>> -> memref<1x2x128xi32, #tpu.memory_space<hbm>>
        %dma_start3A_550 = tpu.memref_squeeze %dma_start3A_549 : memref<1x2x128xi32, #tpu.memory_space<hbm>> -> memref<2x128xi32, #tpu.memory_space<hbm>>
        %dma_start3A_551 = arith.constant 0 : i32
        %dma_start3A_552 = arith.constant 0 : i32
        %dma_start3A_553 = tpu.memref_slice %arg6[%dma_start3A_542, %dma_start3A_551, %dma_start3A_552] : memref<3x2x128xi32, #tpu.memory_space<vmem>> -> memref<1x2x128xi32, #tpu.memory_space<vmem>>
        %dma_start3A_554 = tpu.memref_squeeze %dma_start3A_553 : memref<1x2x128xi32, #tpu.memory_space<vmem>> -> memref<2x128xi32, #tpu.memory_space<vmem>>
        %dma_start3A_555 = arith.constant 0 : i32
        %dma_start3A_556 = arith.constant 0 : i32
        %dma_start3A_557 = tpu.memref_slice %arg3[%min3A_541, %dma_start3A_555, %dma_start3A_556] : memref<2500x2x128xi32, #tpu.memory_space<hbm>> -> memref<1x2x128xi32, #tpu.memory_space<hbm>>
        %dma_start3A_558 = tpu.memref_squeeze %dma_start3A_557 : memref<1x2x128xi32, #tpu.memory_space<hbm>> -> memref<2x128xi32, #tpu.memory_space<hbm>>
        tpu.enqueue_dma source(%dma_start3A_558 : memref<2x128xi32, #tpu.memory_space<hbm>>) target(%dma_start3A_554 : memref<2x128xi32, #tpu.memory_space<vmem>>) target_semaphore(%arg13 : memref<!tpu.dma_semaphore, #tpu.memory_space<semaphore_mem>>)
        %dma_wait3A_559 = arith.constant 1 : i32
        %dma_wait3A_560 = arith.constant 0 : i32
        %dma_wait3A_561 = arith.constant 1 : i32
        %dma_wait3A_562 = arith.constant 0 : i32
        %dma_wait3A_563 = arith.constant 0 : i32
        %dma_wait3A_564 = tpu.memref_slice %arg7[%dma_wait3A_561, %dma_wait3A_562, %dma_wait3A_563] : memref<2x128x128xf32, #tpu.memory_space<vmem>> -> memref<1x128x128xf32, #tpu.memory_space<vmem>>
        %dma_wait3A_565 = tpu.memref_squeeze %dma_wait3A_564 : memref<1x128x128xf32, #tpu.memory_space<vmem>> -> memref<128x128xf32, #tpu.memory_space<vmem>>
        %dma_wait3A_566 = arith.constant 0 : i32
        %dma_wait3A_567 = tpu.memref_slice %arg6[%dma_wait3A_559, %dma_wait3A_560, %dma_wait3A_566] : memref<3x2x128xi32, #tpu.memory_space<vmem>> -> memref<1x1x128xi32, #tpu.memory_space<vmem>>
        %dma_wait3A_568 = tpu.memref_squeeze %dma_wait3A_567 : memref<1x1x128xi32, #tpu.memory_space<vmem>> -> memref<128xi32, #tpu.memory_space<vmem>>
        %dma_wait3A_569 = arith.constant 0 : i32
        %dma_wait3A_570 = arith.constant 0 : i32
        %dma_wait3A_571 = tpu.memref_slice %arg2[%dma_wait3A_569, %dma_wait3A_570] : memref<10000x128xf32, #tpu.memory_space<hbm>> -> memref<10000x128xf32, #tpu.memory_space<hbm>>
        tpu.wait_indirect_dma semaphore(%arg9 : memref<!tpu.dma_semaphore, #tpu.memory_space<semaphore_mem>>) src(%dma_wait3A_571 : memref<10000x128xf32, #tpu.memory_space<hbm>>) dst(%dma_wait3A_565 : memref<128x128xf32, #tpu.memory_space<vmem>>)
        %dma_start3A_572 = arith.constant 1 : i32
        %dma_start3A_573 = arith.constant 1 : i32
        %dma_start3A_574 = arith.constant 1 : i32
        %dma_start3A_575 = arith.constant 0 : i32
        %dma_start3A_576 = arith.constant 0 : i32
        %dma_start3A_577 = tpu.memref_slice %arg7[%dma_start3A_572, %dma_start3A_575, %dma_start3A_576] : memref<2x128x128xf32, #tpu.memory_space<vmem>> -> memref<1x128x128xf32, #tpu.memory_space<vmem>>
        %dma_start3A_578 = tpu.memref_squeeze %dma_start3A_577 : memref<1x128x128xf32, #tpu.memory_space<vmem>> -> memref<128x128xf32, #tpu.memory_space<vmem>>
        %dma_start3A_579 = arith.constant 0 : i32
        %dma_start3A_580 = tpu.memref_slice %arg6[%dma_start3A_573, %dma_start3A_574, %dma_start3A_579] : memref<3x2x128xi32, #tpu.memory_space<vmem>> -> memref<1x1x128xi32, #tpu.memory_space<vmem>>
        %dma_start3A_581 = tpu.memref_squeeze %dma_start3A_580 : memref<1x1x128xi32, #tpu.memory_space<vmem>> -> memref<128xi32, #tpu.memory_space<vmem>>
        %dma_start3A_582 = arith.constant 0 : i32
        %dma_start3A_583 = arith.constant 0 : i32
        %dma_start3A_584 = tpu.memref_slice %arg8[%dma_start3A_582, %dma_start3A_583] : memref<10000x128xf32, #tpu.memory_space<vmem_shared>> -> memref<10000x128xf32, #tpu.memory_space<vmem_shared>>
        tpu.enqueue_indirect_dma source(%dma_start3A_578 : memref<128x128xf32, #tpu.memory_space<vmem>>) target(%dma_start3A_584 : memref<10000x128xf32, #tpu.memory_space<vmem_shared>>) offsets(%dma_start3A_581 : memref<128xi32, #tpu.memory_space<vmem>>) semaphore(%arg15 : memref<!tpu.dma_semaphore, #tpu.memory_space<semaphore_mem>>) {add = true}
      } else {
      }
      %eq3A_100 = arith.constant 0 : i32
      %eq3A_101 = arith.cmpi eq, %scan3A_78, %eq3A_100 : i32
      %convert_element_type3A_102 = arith.extui %eq3A_101 : i1 to i32
      %cond3A_103 = arith.constant 0 : i32
      %cond3A_104 = arith.cmpi ne, %convert_element_type3A_102, %cond3A_103 : i32
      scf.if %cond3A_104 {
        %dma_wait3A_492 = arith.constant 1 : i32
        %dma_wait3A_493 = arith.constant 0 : i32
        %dma_wait3A_494 = arith.constant 0 : i32
        %dma_wait3A_495 = tpu.memref_slice %arg6[%dma_wait3A_492, %dma_wait3A_493, %dma_wait3A_494] : memref<3x2x128xi32, #tpu.memory_space<vmem>> -> memref<1x2x128xi32, #tpu.memory_space<vmem>>
        %dma_wait3A_496 = tpu.memref_squeeze %dma_wait3A_495 : memref<1x2x128xi32, #tpu.memory_space<vmem>> -> memref<2x128xi32, #tpu.memory_space<vmem>>
        %dma_wait3A_497 = arith.constant 0 : i32
        %dma_wait3A_498 = arith.constant 0 : i32
        %dma_wait3A_499 = tpu.memref_slice %arg3[%add3A, %dma_wait3A_497, %dma_wait3A_498] : memref<2500x2x128xi32, #tpu.memory_space<hbm>> -> memref<1x2x128xi32, #tpu.memory_space<hbm>>
        %dma_wait3A_500 = tpu.memref_squeeze %dma_wait3A_499 : memref<1x2x128xi32, #tpu.memory_space<hbm>> -> memref<2x128xi32, #tpu.memory_space<hbm>>
        %dma_wait3A_501 = arith.constant 0 : i32
        %dma_wait3A_502 = arith.constant 0 : i32
        %dma_wait3A_503 = tpu.memref_slice %arg6[%dma_wait3A_492, %dma_wait3A_501, %dma_wait3A_502] : memref<3x2x128xi32, #tpu.memory_space<vmem>> -> memref<1x2x128xi32, #tpu.memory_space<vmem>>
        %dma_wait3A_504 = tpu.memref_squeeze %dma_wait3A_503 : memref<1x2x128xi32, #tpu.memory_space<vmem>> -> memref<2x128xi32, #tpu.memory_space<vmem>>
        %dma_wait3A_505 = arith.constant 0 : i32
        %dma_wait3A_506 = arith.constant 0 : i32
        %dma_wait3A_507 = tpu.memref_slice %arg3[%add3A, %dma_wait3A_505, %dma_wait3A_506] : memref<2500x2x128xi32, #tpu.memory_space<hbm>> -> memref<1x2x128xi32, #tpu.memory_space<hbm>>
        %dma_wait3A_508 = tpu.memref_squeeze %dma_wait3A_507 : memref<1x2x128xi32, #tpu.memory_space<hbm>> -> memref<2x128xi32, #tpu.memory_space<hbm>>
        tpu.wait_dma2 semaphore(%arg12 : memref<!tpu.dma_semaphore, #tpu.memory_space<semaphore_mem>>) src(%dma_wait3A_508 : memref<2x128xi32, #tpu.memory_space<hbm>>) dst(%dma_wait3A_504 : memref<2x128xi32, #tpu.memory_space<vmem>>)
        %dma_start3A_509 = arith.constant 1 : i32
        %dma_start3A_510 = arith.constant 0 : i32
        %dma_start3A_511 = arith.constant 1 : i32
        %dma_start3A_512 = arith.constant 0 : i32
        %dma_start3A_513 = arith.constant 0 : i32
        %dma_start3A_514 = tpu.memref_slice %arg7[%dma_start3A_511, %dma_start3A_512, %dma_start3A_513] : memref<2x128x128xf32, #tpu.memory_space<vmem>> -> memref<1x128x128xf32, #tpu.memory_space<vmem>>
        %dma_start3A_515 = tpu.memref_squeeze %dma_start3A_514 : memref<1x128x128xf32, #tpu.memory_space<vmem>> -> memref<128x128xf32, #tpu.memory_space<vmem>>
        %dma_start3A_516 = arith.constant 0 : i32
        %dma_start3A_517 = tpu.memref_slice %arg6[%dma_start3A_509, %dma_start3A_510, %dma_start3A_516] : memref<3x2x128xi32, #tpu.memory_space<vmem>> -> memref<1x1x128xi32, #tpu.memory_space<vmem>>
        %dma_start3A_518 = tpu.memref_squeeze %dma_start3A_517 : memref<1x1x128xi32, #tpu.memory_space<vmem>> -> memref<128xi32, #tpu.memory_space<vmem>>
        %dma_start3A_519 = arith.constant 0 : i32
        %dma_start3A_520 = arith.constant 0 : i32
        %dma_start3A_521 = tpu.memref_slice %arg2[%dma_start3A_519, %dma_start3A_520] : memref<10000x128xf32, #tpu.memory_space<hbm>> -> memref<10000x128xf32, #tpu.memory_space<hbm>>
        tpu.enqueue_indirect_dma source(%dma_start3A_521 : memref<10000x128xf32, #tpu.memory_space<hbm>>) target(%dma_start3A_515 : memref<128x128xf32, #tpu.memory_space<vmem>>) offsets(%dma_start3A_518 : memref<128xi32, #tpu.memory_space<vmem>>) semaphore(%arg9 : memref<!tpu.dma_semaphore, #tpu.memory_space<semaphore_mem>>)
        %add3A_522 = arith.constant 1 : i32
        %add3A_523 = arith.addi %add3A_94, %add3A_522 : i32
        %mul3A_524 = arith.constant 32 : i32
        %mul3A_525 = arith.muli %add3A_523, %mul3A_524 : i32
        %add3A_526 = arith.addi %add3A, %mul3A_525 : i32
        %min3A_527 = arith.constant 2499 : i32
        %min3A_528 = arith.minsi %add3A_526, %min3A_527 : i32
        %dma_start3A_529 = arith.constant 2 : i32
        %dma_start3A_530 = arith.constant 0 : i32
        %dma_start3A_531 = arith.constant 0 : i32
        %dma_start3A_532 = tpu.memref_slice %arg6[%dma_start3A_529, %dma_start3A_530, %dma_start3A_531] : memref<3x2x128xi32, #tpu.memory_space<vmem>> -> memref<1x2x128xi32, #tpu.memory_space<vmem>>
        %dma_start3A_533 = tpu.memref_squeeze %dma_start3A_532 : memref<1x2x128xi32, #tpu.memory_space<vmem>> -> memref<2x128xi32, #tpu.memory_space<vmem>>
        %dma_start3A_534 = arith.constant 0 : i32
        %dma_start3A_535 = arith.constant 0 : i32
        %dma_start3A_536 = tpu.memref_slice %arg3[%min3A_528, %dma_start3A_534, %dma_start3A_535] : memref<2500x2x128xi32, #tpu.memory_space<hbm>> -> memref<1x2x128xi32, #tpu.memory_space<hbm>>
        %dma_start3A_537 = tpu.memref_squeeze %dma_start3A_536 : memref<1x2x128xi32, #tpu.memory_space<hbm>> -> memref<2x128xi32, #tpu.memory_space<hbm>>
        %dma_start3A_538 = arith.constant 0 : i32
        %dma_start3A_539 = arith.constant 0 : i32
        %dma_start3A_540 = tpu.memref_slice %arg6[%dma_start3A_529, %dma_start3A_538, %dma_start3A_539] : memref<3x2x128xi32, #tpu.memory_space<vmem>> -> memref<1x2x128xi32, #tpu.memory_space<vmem>>
        %dma_start3A_541 = tpu.memref_squeeze %dma_start3A_540 : memref<1x2x128xi32, #tpu.memory_space<vmem>> -> memref<2x128xi32, #tpu.memory_space<vmem>>
        %dma_start3A_542 = arith.constant 0 : i32
        %dma_start3A_543 = arith.constant 0 : i32
        %dma_start3A_544 = tpu.memref_slice %arg3[%min3A_528, %dma_start3A_542, %dma_start3A_543] : memref<2500x2x128xi32, #tpu.memory_space<hbm>> -> memref<1x2x128xi32, #tpu.memory_space<hbm>>
        %dma_start3A_545 = tpu.memref_squeeze %dma_start3A_544 : memref<1x2x128xi32, #tpu.memory_space<hbm>> -> memref<2x128xi32, #tpu.memory_space<hbm>>
        tpu.enqueue_dma source(%dma_start3A_545 : memref<2x128xi32, #tpu.memory_space<hbm>>) target(%dma_start3A_541 : memref<2x128xi32, #tpu.memory_space<vmem>>) target_semaphore(%arg13 : memref<!tpu.dma_semaphore, #tpu.memory_space<semaphore_mem>>)
        %dma_wait3A_546 = arith.constant 1 : i32
        %dma_wait3A_547 = arith.constant 0 : i32
        %dma_wait3A_548 = arith.constant 1 : i32
        %dma_wait3A_549 = arith.constant 0 : i32
        %dma_wait3A_550 = arith.constant 0 : i32
        %dma_wait3A_551 = tpu.memref_slice %arg7[%dma_wait3A_548, %dma_wait3A_549, %dma_wait3A_550] : memref<2x128x128xf32, #tpu.memory_space<vmem>> -> memref<1x128x128xf32, #tpu.memory_space<vmem>>
        %dma_wait3A_552 = tpu.memref_squeeze %dma_wait3A_551 : memref<1x128x128xf32, #tpu.memory_space<vmem>> -> memref<128x128xf32, #tpu.memory_space<vmem>>
        %dma_wait3A_553 = arith.constant 0 : i32
        %dma_wait3A_554 = tpu.memref_slice %arg6[%dma_wait3A_546, %dma_wait3A_547, %dma_wait3A_553] : memref<3x2x128xi32, #tpu.memory_space<vmem>> -> memref<1x1x128xi32, #tpu.memory_space<vmem>>
        %dma_wait3A_555 = tpu.memref_squeeze %dma_wait3A_554 : memref<1x1x128xi32, #tpu.memory_space<vmem>> -> memref<128xi32, #tpu.memory_space<vmem>>
        %dma_wait3A_556 = arith.constant 0 : i32
        %dma_wait3A_557 = arith.constant 0 : i32
        %dma_wait3A_558 = tpu.memref_slice %arg2[%dma_wait3A_556, %dma_wait3A_557] : memref<10000x128xf32, #tpu.memory_space<hbm>> -> memref<10000x128xf32, #tpu.memory_space<hbm>>
        tpu.wait_indirect_dma semaphore(%arg9 : memref<!tpu.dma_semaphore, #tpu.memory_space<semaphore_mem>>) src(%dma_wait3A_558 : memref<10000x128xf32, #tpu.memory_space<hbm>>) dst(%dma_wait3A_552 : memref<128x128xf32, #tpu.memory_space<vmem>>)
        %dma_start3A_559 = arith.constant 1 : i32
        %dma_start3A_560 = arith.constant 1 : i32
        %dma_start3A_561 = arith.constant 1 : i32
        %dma_start3A_562 = arith.constant 0 : i32
        %dma_start3A_563 = arith.constant 0 : i32
        %dma_start3A_564 = tpu.memref_slice %arg7[%dma_start3A_559, %dma_start3A_562, %dma_start3A_563] : memref<2x128x128xf32, #tpu.memory_space<vmem>> -> memref<1x128x128xf32, #tpu.memory_space<vmem>>
        %dma_start3A_565 = tpu.memref_squeeze %dma_start3A_564 : memref<1x128x128xf32, #tpu.memory_space<vmem>> -> memref<128x128xf32, #tpu.memory_space<vmem>>
        %dma_start3A_566 = arith.constant 0 : i32
        %dma_start3A_567 = tpu.memref_slice %arg6[%dma_start3A_560, %dma_start3A_561, %dma_start3A_566] : memref<3x2x128xi32, #tpu.memory_space<vmem>> -> memref<1x1x128xi32, #tpu.memory_space<vmem>>
        %dma_start3A_568 = tpu.memref_squeeze %dma_start3A_567 : memref<1x1x128xi32, #tpu.memory_space<vmem>> -> memref<128xi32, #tpu.memory_space<vmem>>
        %dma_start3A_569 = arith.constant 0 : i32
        %dma_start3A_570 = arith.constant 0 : i32
        %dma_start3A_571 = tpu.memref_slice %arg8[%dma_start3A_569, %dma_start3A_570] : memref<10000x128xf32, #tpu.memory_space<vmem_shared>> -> memref<10000x128xf32, #tpu.memory_space<vmem_shared>>
        tpu.enqueue_indirect_dma source(%dma_start3A_565 : memref<128x128xf32, #tpu.memory_space<vmem>>) target(%dma_start3A_571 : memref<10000x128xf32, #tpu.memory_space<vmem_shared>>) offsets(%dma_start3A_568 : memref<128xi32, #tpu.memory_space<vmem>>) semaphore(%arg15 : memref<!tpu.dma_semaphore, #tpu.memory_space<semaphore_mem>>) {add = true}
      } else {
      }
      %mul3A_105 = arith.constant 6 : i32
      %mul3A_106 = arith.muli %mul3A_105, %scan3A_78 : i32
      %add3A_107 = arith.constant 2 : i32
      %add3A_108 = arith.addi %mul3A_106, %add3A_107 : i32
      %dma_wait3A_109 = arith.constant 0 : i32
      %dma_wait3A_110 = arith.constant 2 : i32
      %dma_wait3A_111 = arith.constant 1 : i32
      %dma_wait3A_112 = arith.constant 0 : i32
      %dma_wait3A_113 = arith.constant 0 : i32
      %dma_wait3A_114 = tpu.memref_slice %arg7[%dma_wait3A_109, %dma_wait3A_112, %dma_wait3A_113] : memref<2x128x128xf32, #tpu.memory_space<vmem>> -> memref<1x128x128xf32, #tpu.memory_space<vmem>>
      %dma_wait3A_115 = tpu.memref_squeeze %dma_wait3A_114 : memref<1x128x128xf32, #tpu.memory_space<vmem>> -> memref<128x128xf32, #tpu.memory_space<vmem>>
      %dma_wait3A_116 = arith.constant 0 : i32
      %dma_wait3A_117 = tpu.memref_slice %arg6[%dma_wait3A_110, %dma_wait3A_111, %dma_wait3A_116] : memref<3x2x128xi32, #tpu.memory_space<vmem>> -> memref<1x1x128xi32, #tpu.memory_space<vmem>>
      %dma_wait3A_118 = tpu.memref_squeeze %dma_wait3A_117 : memref<1x1x128xi32, #tpu.memory_space<vmem>> -> memref<128xi32, #tpu.memory_space<vmem>>
      %dma_wait3A_119 = arith.constant 0 : i32
      %dma_wait3A_120 = arith.constant 0 : i32
      %dma_wait3A_121 = tpu.memref_slice %arg8[%dma_wait3A_119, %dma_wait3A_120] : memref<10000x128xf32, #tpu.memory_space<vmem_shared>> -> memref<10000x128xf32, #tpu.memory_space<vmem_shared>>
      tpu.wait_indirect_dma semaphore(%arg14 : memref<!tpu.dma_semaphore, #tpu.memory_space<semaphore_mem>>) src(%dma_wait3A_115 : memref<128x128xf32, #tpu.memory_space<vmem>>) dst(%dma_wait3A_121 : memref<10000x128xf32, #tpu.memory_space<vmem_shared>>)
      %dma_wait3A_122 = arith.constant 2 : i32
      %dma_wait3A_123 = arith.constant 0 : i32
      %dma_wait3A_124 = arith.constant 0 : i32
      %dma_wait3A_125 = tpu.memref_slice %arg6[%dma_wait3A_122, %dma_wait3A_123, %dma_wait3A_124] : memref<3x2x128xi32, #tpu.memory_space<vmem>> -> memref<1x2x128xi32, #tpu.memory_space<vmem>>
      %dma_wait3A_126 = tpu.memref_squeeze %dma_wait3A_125 : memref<1x2x128xi32, #tpu.memory_space<vmem>> -> memref<2x128xi32, #tpu.memory_space<vmem>>
      %dma_wait3A_127 = arith.constant 0 : i32
      %dma_wait3A_128 = arith.constant 0 : i32
      %dma_wait3A_129 = tpu.memref_slice %arg3[%add3A, %dma_wait3A_127, %dma_wait3A_128] : memref<2500x2x128xi32, #tpu.memory_space<hbm>> -> memref<1x2x128xi32, #tpu.memory_space<hbm>>
      %dma_wait3A_130 = tpu.memref_squeeze %dma_wait3A_129 : memref<1x2x128xi32, #tpu.memory_space<hbm>> -> memref<2x128xi32, #tpu.memory_space<hbm>>
      %dma_wait3A_131 = arith.constant 0 : i32
      %dma_wait3A_132 = arith.constant 0 : i32
      %dma_wait3A_133 = tpu.memref_slice %arg6[%dma_wait3A_122, %dma_wait3A_131, %dma_wait3A_132] : memref<3x2x128xi32, #tpu.memory_space<vmem>> -> memref<1x2x128xi32, #tpu.memory_space<vmem>>
      %dma_wait3A_134 = tpu.memref_squeeze %dma_wait3A_133 : memref<1x2x128xi32, #tpu.memory_space<vmem>> -> memref<2x128xi32, #tpu.memory_space<vmem>>
      %dma_wait3A_135 = arith.constant 0 : i32
      %dma_wait3A_136 = arith.constant 0 : i32
      %dma_wait3A_137 = tpu.memref_slice %arg3[%add3A, %dma_wait3A_135, %dma_wait3A_136] : memref<2500x2x128xi32, #tpu.memory_space<hbm>> -> memref<1x2x128xi32, #tpu.memory_space<hbm>>
      %dma_wait3A_138 = tpu.memref_squeeze %dma_wait3A_137 : memref<1x2x128xi32, #tpu.memory_space<hbm>> -> memref<2x128xi32, #tpu.memory_space<hbm>>
      tpu.wait_dma2 semaphore(%arg13 : memref<!tpu.dma_semaphore, #tpu.memory_space<semaphore_mem>>) src(%dma_wait3A_138 : memref<2x128xi32, #tpu.memory_space<hbm>>) dst(%dma_wait3A_134 : memref<2x128xi32, #tpu.memory_space<vmem>>)
      %dma_start3A_139 = arith.constant 2 : i32
      %dma_start3A_140 = arith.constant 0 : i32
      %dma_start3A_141 = arith.constant 0 : i32
      %dma_start3A_142 = arith.constant 0 : i32
      %dma_start3A_143 = arith.constant 0 : i32
      %dma_start3A_144 = tpu.memref_slice %arg7[%dma_start3A_141, %dma_start3A_142, %dma_start3A_143] : memref<2x128x128xf32, #tpu.memory_space<vmem>> -> memref<1x128x128xf32, #tpu.memory_space<vmem>>
      %dma_start3A_145 = tpu.memref_squeeze %dma_start3A_144 : memref<1x128x128xf32, #tpu.memory_space<vmem>> -> memref<128x128xf32, #tpu.memory_space<vmem>>
      %dma_start3A_146 = arith.constant 0 : i32
      %dma_start3A_147 = tpu.memref_slice %arg6[%dma_start3A_139, %dma_start3A_140, %dma_start3A_146] : memref<3x2x128xi32, #tpu.memory_space<vmem>> -> memref<1x1x128xi32, #tpu.memory_space<vmem>>
      %dma_start3A_148 = tpu.memref_squeeze %dma_start3A_147 : memref<1x1x128xi32, #tpu.memory_space<vmem>> -> memref<128xi32, #tpu.memory_space<vmem>>
      %dma_start3A_149 = arith.constant 0 : i32
      %dma_start3A_150 = arith.constant 0 : i32
      %dma_start3A_151 = tpu.memref_slice %arg2[%dma_start3A_149, %dma_start3A_150] : memref<10000x128xf32, #tpu.memory_space<hbm>> -> memref<10000x128xf32, #tpu.memory_space<hbm>>
      tpu.enqueue_indirect_dma source(%dma_start3A_151 : memref<10000x128xf32, #tpu.memory_space<hbm>>) target(%dma_start3A_145 : memref<128x128xf32, #tpu.memory_space<vmem>>) offsets(%dma_start3A_148 : memref<128xi32, #tpu.memory_space<vmem>>) semaphore(%arg9 : memref<!tpu.dma_semaphore, #tpu.memory_space<semaphore_mem>>)
      %add3A_152 = arith.constant 1 : i32
      %add3A_153 = arith.addi %add3A_108, %add3A_152 : i32
      %mul3A_154 = arith.constant 32 : i32
      %mul3A_155 = arith.muli %add3A_153, %mul3A_154 : i32
      %add3A_156 = arith.addi %add3A, %mul3A_155 : i32
      %min3A = arith.constant 2499 : i32
      %min3A_157 = arith.minsi %add3A_156, %min3A : i32
      %dma_start3A_158 = arith.constant 0 : i32
      %dma_start3A_159 = arith.constant 0 : i32
      %dma_start3A_160 = arith.constant 0 : i32
      %dma_start3A_161 = tpu.memref_slice %arg6[%dma_start3A_158, %dma_start3A_159, %dma_start3A_160] : memref<3x2x128xi32, #tpu.memory_space<vmem>> -> memref<1x2x128xi32, #tpu.memory_space<vmem>>
      %dma_start3A_162 = tpu.memref_squeeze %dma_start3A_161 : memref<1x2x128xi32, #tpu.memory_space<vmem>> -> memref<2x128xi32, #tpu.memory_space<vmem>>
      %dma_start3A_163 = arith.constant 0 : i32
      %dma_start3A_164 = arith.constant 0 : i32
      %dma_start3A_165 = tpu.memref_slice %arg3[%min3A_157, %dma_start3A_163, %dma_start3A_164] : memref<2500x2x128xi32, #tpu.memory_space<hbm>> -> memref<1x2x128xi32, #tpu.memory_space<hbm>>
      %dma_start3A_166 = tpu.memref_squeeze %dma_start3A_165 : memref<1x2x128xi32, #tpu.memory_space<hbm>> -> memref<2x128xi32, #tpu.memory_space<hbm>>
      %dma_start3A_167 = arith.constant 0 : i32
      %dma_start3A_168 = arith.constant 0 : i32
      %dma_start3A_169 = tpu.memref_slice %arg6[%dma_start3A_158, %dma_start3A_167, %dma_start3A_168] : memref<3x2x128xi32, #tpu.memory_space<vmem>> -> memref<1x2x128xi32, #tpu.memory_space<vmem>>
      %dma_start3A_170 = tpu.memref_squeeze %dma_start3A_169 : memref<1x2x128xi32, #tpu.memory_space<vmem>> -> memref<2x128xi32, #tpu.memory_space<vmem>>
      %dma_start3A_171 = arith.constant 0 : i32
      %dma_start3A_172 = arith.constant 0 : i32
      %dma_start3A_173 = tpu.memref_slice %arg3[%min3A_157, %dma_start3A_171, %dma_start3A_172] : memref<2500x2x128xi32, #tpu.memory_space<hbm>> -> memref<1x2x128xi32, #tpu.memory_space<hbm>>
      %dma_start3A_174 = tpu.memref_squeeze %dma_start3A_173 : memref<1x2x128xi32, #tpu.memory_space<hbm>> -> memref<2x128xi32, #tpu.memory_space<hbm>>
      tpu.enqueue_dma source(%dma_start3A_174 : memref<2x128xi32, #tpu.memory_space<hbm>>) target(%dma_start3A_170 : memref<2x128xi32, #tpu.memory_space<vmem>>) target_semaphore(%arg11 : memref<!tpu.dma_semaphore, #tpu.memory_space<semaphore_mem>>)
      %dma_wait3A_175 = arith.constant 2 : i32
      %dma_wait3A_176 = arith.constant 0 : i32
      %dma_wait3A_177 = arith.constant 0 : i32
      %dma_wait3A_178 = arith.constant 0 : i32
      %dma_wait3A_179 = arith.constant 0 : i32
      %dma_wait3A_180 = tpu.memref_slice %arg7[%dma_wait3A_177, %dma_wait3A_178, %dma_wait3A_179] : memref<2x128x128xf32, #tpu.memory_space<vmem>> -> memref<1x128x128xf32, #tpu.memory_space<vmem>>
      %dma_wait3A_181 = tpu.memref_squeeze %dma_wait3A_180 : memref<1x128x128xf32, #tpu.memory_space<vmem>> -> memref<128x128xf32, #tpu.memory_space<vmem>>
      %dma_wait3A_182 = arith.constant 0 : i32
      %dma_wait3A_183 = tpu.memref_slice %arg6[%dma_wait3A_175, %dma_wait3A_176, %dma_wait3A_182] : memref<3x2x128xi32, #tpu.memory_space<vmem>> -> memref<1x1x128xi32, #tpu.memory_space<vmem>>
      %dma_wait3A_184 = tpu.memref_squeeze %dma_wait3A_183 : memref<1x1x128xi32, #tpu.memory_space<vmem>> -> memref<128xi32, #tpu.memory_space<vmem>>
      %dma_wait3A_185 = arith.constant 0 : i32
      %dma_wait3A_186 = arith.constant 0 : i32
      %dma_wait3A_187 = tpu.memref_slice %arg2[%dma_wait3A_185, %dma_wait3A_186] : memref<10000x128xf32, #tpu.memory_space<hbm>> -> memref<10000x128xf32, #tpu.memory_space<hbm>>
      tpu.wait_indirect_dma semaphore(%arg9 : memref<!tpu.dma_semaphore, #tpu.memory_space<semaphore_mem>>) src(%dma_wait3A_187 : memref<10000x128xf32, #tpu.memory_space<hbm>>) dst(%dma_wait3A_181 : memref<128x128xf32, #tpu.memory_space<vmem>>)
      %dma_start3A_188 = arith.constant 0 : i32
      %dma_start3A_189 = arith.constant 2 : i32
      %dma_start3A_190 = arith.constant 1 : i32
      %dma_start3A_191 = arith.constant 0 : i32
      %dma_start3A_192 = arith.constant 0 : i32
      %dma_start3A_193 = tpu.memref_slice %arg7[%dma_start3A_188, %dma_start3A_191, %dma_start3A_192] : memref<2x128x128xf32, #tpu.memory_space<vmem>> -> memref<1x128x128xf32, #tpu.memory_space<vmem>>
      %dma_start3A_194 = tpu.memref_squeeze %dma_start3A_193 : memref<1x128x128xf32, #tpu.memory_space<vmem>> -> memref<128x128xf32, #tpu.memory_space<vmem>>
      %dma_start3A_195 = arith.constant 0 : i32
      %dma_start3A_196 = tpu.memref_slice %arg6[%dma_start3A_189, %dma_start3A_190, %dma_start3A_195] : memref<3x2x128xi32, #tpu.memory_space<vmem>> -> memref<1x1x128xi32, #tpu.memory_space<vmem>>
      %dma_start3A_197 = tpu.memref_squeeze %dma_start3A_196 : memref<1x1x128xi32, #tpu.memory_space<vmem>> -> memref<128xi32, #tpu.memory_space<vmem>>
      %dma_start3A_198 = arith.constant 0 : i32
      %dma_start3A_199 = arith.constant 0 : i32
      %dma_start3A_200 = tpu.memref_slice %arg8[%dma_start3A_198, %dma_start3A_199] : memref<10000x128xf32, #tpu.memory_space<vmem_shared>> -> memref<10000x128xf32, #tpu.memory_space<vmem_shared>>
      tpu.enqueue_indirect_dma source(%dma_start3A_194 : memref<128x128xf32, #tpu.memory_space<vmem>>) target(%dma_start3A_200 : memref<10000x128xf32, #tpu.memory_space<vmem_shared>>) offsets(%dma_start3A_197 : memref<128xi32, #tpu.memory_space<vmem>>) semaphore(%arg14 : memref<!tpu.dma_semaphore, #tpu.memory_space<semaphore_mem>>) {add = true}
      %mul3A_201 = arith.constant 6 : i32
      %mul3A_202 = arith.muli %mul3A_201, %scan3A_78 : i32
      %add3A_203 = arith.constant 3 : i32
      %add3A_204 = arith.addi %mul3A_202, %add3A_203 : i32
      %dma_wait3A_205 = arith.constant 1 : i32
      %dma_wait3A_206 = arith.constant 0 : i32
      %dma_wait3A_207 = arith.constant 1 : i32
      %dma_wait3A_208 = arith.constant 0 : i32
      %dma_wait3A_209 = arith.constant 0 : i32
      %dma_wait3A_210 = tpu.memref_slice %arg7[%dma_wait3A_205, %dma_wait3A_208, %dma_wait3A_209] : memref<2x128x128xf32, #tpu.memory_space<vmem>> -> memref<1x128x128xf32, #tpu.memory_space<vmem>>
      %dma_wait3A_211 = tpu.memref_squeeze %dma_wait3A_210 : memref<1x128x128xf32, #tpu.memory_space<vmem>> -> memref<128x128xf32, #tpu.memory_space<vmem>>
      %dma_wait3A_212 = arith.constant 0 : i32
      %dma_wait3A_213 = tpu.memref_slice %arg6[%dma_wait3A_206, %dma_wait3A_207, %dma_wait3A_212] : memref<3x2x128xi32, #tpu.memory_space<vmem>> -> memref<1x1x128xi32, #tpu.memory_space<vmem>>
      %dma_wait3A_214 = tpu.memref_squeeze %dma_wait3A_213 : memref<1x1x128xi32, #tpu.memory_space<vmem>> -> memref<128xi32, #tpu.memory_space<vmem>>
      %dma_wait3A_215 = arith.constant 0 : i32
      %dma_wait3A_216 = arith.constant 0 : i32
      %dma_wait3A_217 = tpu.memref_slice %arg8[%dma_wait3A_215, %dma_wait3A_216] : memref<10000x128xf32, #tpu.memory_space<vmem_shared>> -> memref<10000x128xf32, #tpu.memory_space<vmem_shared>>
      tpu.wait_indirect_dma semaphore(%arg15 : memref<!tpu.dma_semaphore, #tpu.memory_space<semaphore_mem>>) src(%dma_wait3A_211 : memref<128x128xf32, #tpu.memory_space<vmem>>) dst(%dma_wait3A_217 : memref<10000x128xf32, #tpu.memory_space<vmem_shared>>)
      %dma_wait3A_218 = arith.constant 0 : i32
      %dma_wait3A_219 = arith.constant 0 : i32
      %dma_wait3A_220 = arith.constant 0 : i32
      %dma_wait3A_221 = tpu.memref_slice %arg6[%dma_wait3A_218, %dma_wait3A_219, %dma_wait3A_220] : memref<3x2x128xi32, #tpu.memory_space<vmem>> -> memref<1x2x128xi32, #tpu.memory_space<vmem>>
      %dma_wait3A_222 = tpu.memref_squeeze %dma_wait3A_221 : memref<1x2x128xi32, #tpu.memory_space<vmem>> -> memref<2x128xi32, #tpu.memory_space<vmem>>
      %dma_wait3A_223 = arith.constant 0 : i32
      %dma_wait3A_224 = arith.constant 0 : i32
      %dma_wait3A_225 = tpu.memref_slice %arg3[%add3A, %dma_wait3A_223, %dma_wait3A_224] : memref<2500x2x128xi32, #tpu.memory_space<hbm>> -> memref<1x2x128xi32, #tpu.memory_space<hbm>>
      %dma_wait3A_226 = tpu.memref_squeeze %dma_wait3A_225 : memref<1x2x128xi32, #tpu.memory_space<hbm>> -> memref<2x128xi32, #tpu.memory_space<hbm>>
      %dma_wait3A_227 = arith.constant 0 : i32
      %dma_wait3A_228 = arith.constant 0 : i32
      %dma_wait3A_229 = tpu.memref_slice %arg6[%dma_wait3A_218, %dma_wait3A_227, %dma_wait3A_228] : memref<3x2x128xi32, #tpu.memory_space<vmem>> -> memref<1x2x128xi32, #tpu.memory_space<vmem>>
      %dma_wait3A_230 = tpu.memref_squeeze %dma_wait3A_229 : memref<1x2x128xi32, #tpu.memory_space<vmem>> -> memref<2x128xi32, #tpu.memory_space<vmem>>
      %dma_wait3A_231 = arith.constant 0 : i32
      %dma_wait3A_232 = arith.constant 0 : i32
      %dma_wait3A_233 = tpu.memref_slice %arg3[%add3A, %dma_wait3A_231, %dma_wait3A_232] : memref<2500x2x128xi32, #tpu.memory_space<hbm>> -> memref<1x2x128xi32, #tpu.memory_space<hbm>>
      %dma_wait3A_234 = tpu.memref_squeeze %dma_wait3A_233 : memref<1x2x128xi32, #tpu.memory_space<hbm>> -> memref<2x128xi32, #tpu.memory_space<hbm>>
      tpu.wait_dma2 semaphore(%arg11 : memref<!tpu.dma_semaphore, #tpu.memory_space<semaphore_mem>>) src(%dma_wait3A_234 : memref<2x128xi32, #tpu.memory_space<hbm>>) dst(%dma_wait3A_230 : memref<2x128xi32, #tpu.memory_space<vmem>>)
      %dma_start3A_235 = arith.constant 0 : i32
      %dma_start3A_236 = arith.constant 0 : i32
      %dma_start3A_237 = arith.constant 1 : i32
      %dma_start3A_238 = arith.constant 0 : i32
      %dma_start3A_239 = arith.constant 0 : i32
      %dma_start3A_240 = tpu.memref_slice %arg7[%dma_start3A_237, %dma_start3A_238, %dma_start3A_239] : memref<2x128x128xf32, #tpu.memory_space<vmem>> -> memref<1x128x128xf32, #tpu.memory_space<vmem>>
      %dma_start3A_241 = tpu.memref_squeeze %dma_start3A_240 : memref<1x128x128xf32, #tpu.memory_space<vmem>> -> memref<128x128xf32, #tpu.memory_space<vmem>>
      %dma_start3A_242 = arith.constant 0 : i32
      %dma_start3A_243 = tpu.memref_slice %arg6[%dma_start3A_235, %dma_start3A_236, %dma_start3A_242] : memref<3x2x128xi32, #tpu.memory_space<vmem>> -> memref<1x1x128xi32, #tpu.memory_space<vmem>>
      %dma_start3A_244 = tpu.memref_squeeze %dma_start3A_243 : memref<1x1x128xi32, #tpu.memory_space<vmem>> -> memref<128xi32, #tpu.memory_space<vmem>>
      %dma_start3A_245 = arith.constant 0 : i32
      %dma_start3A_246 = arith.constant 0 : i32
      %dma_start3A_247 = tpu.memref_slice %arg2[%dma_start3A_245, %dma_start3A_246] : memref<10000x128xf32, #tpu.memory_space<hbm>> -> memref<10000x128xf32, #tpu.memory_space<hbm>>
      tpu.enqueue_indirect_dma source(%dma_start3A_247 : memref<10000x128xf32, #tpu.memory_space<hbm>>) target(%dma_start3A_241 : memref<128x128xf32, #tpu.memory_space<vmem>>) offsets(%dma_start3A_244 : memref<128xi32, #tpu.memory_space<vmem>>) semaphore(%arg9 : memref<!tpu.dma_semaphore, #tpu.memory_space<semaphore_mem>>)
      %add3A_248 = arith.constant 1 : i32
      %add3A_249 = arith.addi %add3A_204, %add3A_248 : i32
      %mul3A_250 = arith.constant 32 : i32
      %mul3A_251 = arith.muli %add3A_249, %mul3A_250 : i32
      %add3A_252 = arith.addi %add3A, %mul3A_251 : i32
      %min3A_253 = arith.constant 2499 : i32
      %min3A_254 = arith.minsi %add3A_252, %min3A_253 : i32
      %dma_start3A_255 = arith.constant 1 : i32
      %dma_start3A_256 = arith.constant 0 : i32
      %dma_start3A_257 = arith.constant 0 : i32
      %dma_start3A_258 = tpu.memref_slice %arg6[%dma_start3A_255, %dma_start3A_256, %dma_start3A_257] : memref<3x2x128xi32, #tpu.memory_space<vmem>> -> memref<1x2x128xi32, #tpu.memory_space<vmem>>
      %dma_start3A_259 = tpu.memref_squeeze %dma_start3A_258 : memref<1x2x128xi32, #tpu.memory_space<vmem>> -> memref<2x128xi32, #tpu.memory_space<vmem>>
      %dma_start3A_260 = arith.constant 0 : i32
      %dma_start3A_261 = arith.constant 0 : i32
      %dma_start3A_262 = tpu.memref_slice %arg3[%min3A_254, %dma_start3A_260, %dma_start3A_261] : memref<2500x2x128xi32, #tpu.memory_space<hbm>> -> memref<1x2x128xi32, #tpu.memory_space<hbm>>
      %dma_start3A_263 = tpu.memref_squeeze %dma_start3A_262 : memref<1x2x128xi32, #tpu.memory_space<hbm>> -> memref<2x128xi32, #tpu.memory_space<hbm>>
      %dma_start3A_264 = arith.constant 0 : i32
      %dma_start3A_265 = arith.constant 0 : i32
      %dma_start3A_266 = tpu.memref_slice %arg6[%dma_start3A_255, %dma_start3A_264, %dma_start3A_265] : memref<3x2x128xi32, #tpu.memory_space<vmem>> -> memref<1x2x128xi32, #tpu.memory_space<vmem>>
      %dma_start3A_267 = tpu.memref_squeeze %dma_start3A_266 : memref<1x2x128xi32, #tpu.memory_space<vmem>> -> memref<2x128xi32, #tpu.memory_space<vmem>>
      %dma_start3A_268 = arith.constant 0 : i32
      %dma_start3A_269 = arith.constant 0 : i32
      %dma_start3A_270 = tpu.memref_slice %arg3[%min3A_254, %dma_start3A_268, %dma_start3A_269] : memref<2500x2x128xi32, #tpu.memory_space<hbm>> -> memref<1x2x128xi32, #tpu.memory_space<hbm>>
      %dma_start3A_271 = tpu.memref_squeeze %dma_start3A_270 : memref<1x2x128xi32, #tpu.memory_space<hbm>> -> memref<2x128xi32, #tpu.memory_space<hbm>>
      tpu.enqueue_dma source(%dma_start3A_271 : memref<2x128xi32, #tpu.memory_space<hbm>>) target(%dma_start3A_267 : memref<2x128xi32, #tpu.memory_space<vmem>>) target_semaphore(%arg12 : memref<!tpu.dma_semaphore, #tpu.memory_space<semaphore_mem>>)
      %dma_wait3A_272 = arith.constant 0 : i32
      %dma_wait3A_273 = arith.constant 0 : i32
      %dma_wait3A_274 = arith.constant 1 : i32
      %dma_wait3A_275 = arith.constant 0 : i32
      %dma_wait3A_276 = arith.constant 0 : i32
      %dma_wait3A_277 = tpu.memref_slice %arg7[%dma_wait3A_274, %dma_wait3A_275, %dma_wait3A_276] : memref<2x128x128xf32, #tpu.memory_space<vmem>> -> memref<1x128x128xf32, #tpu.memory_space<vmem>>
      %dma_wait3A_278 = tpu.memref_squeeze %dma_wait3A_277 : memref<1x128x128xf32, #tpu.memory_space<vmem>> -> memref<128x128xf32, #tpu.memory_space<vmem>>
      %dma_wait3A_279 = arith.constant 0 : i32
      %dma_wait3A_280 = tpu.memref_slice %arg6[%dma_wait3A_272, %dma_wait3A_273, %dma_wait3A_279] : memref<3x2x128xi32, #tpu.memory_space<vmem>> -> memref<1x1x128xi32, #tpu.memory_space<vmem>>
      %dma_wait3A_281 = tpu.memref_squeeze %dma_wait3A_280 : memref<1x1x128xi32, #tpu.memory_space<vmem>> -> memref<128xi32, #tpu.memory_space<vmem>>
      %dma_wait3A_282 = arith.constant 0 : i32
      %dma_wait3A_283 = arith.constant 0 : i32
      %dma_wait3A_284 = tpu.memref_slice %arg2[%dma_wait3A_282, %dma_wait3A_283] : memref<10000x128xf32, #tpu.memory_space<hbm>> -> memref<10000x128xf32, #tpu.memory_space<hbm>>
      tpu.wait_indirect_dma semaphore(%arg9 : memref<!tpu.dma_semaphore, #tpu.memory_space<semaphore_mem>>) src(%dma_wait3A_284 : memref<10000x128xf32, #tpu.memory_space<hbm>>) dst(%dma_wait3A_278 : memref<128x128xf32, #tpu.memory_space<vmem>>)
      %dma_start3A_285 = arith.constant 1 : i32
      %dma_start3A_286 = arith.constant 0 : i32
      %dma_start3A_287 = arith.constant 1 : i32
      %dma_start3A_288 = arith.constant 0 : i32
      %dma_start3A_289 = arith.constant 0 : i32
      %dma_start3A_290 = tpu.memref_slice %arg7[%dma_start3A_285, %dma_start3A_288, %dma_start3A_289] : memref<2x128x128xf32, #tpu.memory_space<vmem>> -> memref<1x128x128xf32, #tpu.memory_space<vmem>>
      %dma_start3A_291 = tpu.memref_squeeze %dma_start3A_290 : memref<1x128x128xf32, #tpu.memory_space<vmem>> -> memref<128x128xf32, #tpu.memory_space<vmem>>
      %dma_start3A_292 = arith.constant 0 : i32
      %dma_start3A_293 = tpu.memref_slice %arg6[%dma_start3A_286, %dma_start3A_287, %dma_start3A_292] : memref<3x2x128xi32, #tpu.memory_space<vmem>> -> memref<1x1x128xi32, #tpu.memory_space<vmem>>
      %dma_start3A_294 = tpu.memref_squeeze %dma_start3A_293 : memref<1x1x128xi32, #tpu.memory_space<vmem>> -> memref<128xi32, #tpu.memory_space<vmem>>
      %dma_start3A_295 = arith.constant 0 : i32
      %dma_start3A_296 = arith.constant 0 : i32
      %dma_start3A_297 = tpu.memref_slice %arg8[%dma_start3A_295, %dma_start3A_296] : memref<10000x128xf32, #tpu.memory_space<vmem_shared>> -> memref<10000x128xf32, #tpu.memory_space<vmem_shared>>
      tpu.enqueue_indirect_dma source(%dma_start3A_291 : memref<128x128xf32, #tpu.memory_space<vmem>>) target(%dma_start3A_297 : memref<10000x128xf32, #tpu.memory_space<vmem_shared>>) offsets(%dma_start3A_294 : memref<128xi32, #tpu.memory_space<vmem>>) semaphore(%arg15 : memref<!tpu.dma_semaphore, #tpu.memory_space<semaphore_mem>>) {add = true}
      %mul3A_298 = arith.constant 6 : i32
      %mul3A_299 = arith.muli %mul3A_298, %scan3A_78 : i32
      %add3A_300 = arith.constant 4 : i32
      %add3A_301 = arith.addi %mul3A_299, %add3A_300 : i32
      %dma_wait3A_302 = arith.constant 0 : i32
      %dma_wait3A_303 = arith.constant 1 : i32
      %dma_wait3A_304 = arith.constant 1 : i32
      %dma_wait3A_305 = arith.constant 0 : i32
      %dma_wait3A_306 = arith.constant 0 : i32
      %dma_wait3A_307 = tpu.memref_slice %arg7[%dma_wait3A_302, %dma_wait3A_305, %dma_wait3A_306] : memref<2x128x128xf32, #tpu.memory_space<vmem>> -> memref<1x128x128xf32, #tpu.memory_space<vmem>>
      %dma_wait3A_308 = tpu.memref_squeeze %dma_wait3A_307 : memref<1x128x128xf32, #tpu.memory_space<vmem>> -> memref<128x128xf32, #tpu.memory_space<vmem>>
      %dma_wait3A_309 = arith.constant 0 : i32
      %dma_wait3A_310 = tpu.memref_slice %arg6[%dma_wait3A_303, %dma_wait3A_304, %dma_wait3A_309] : memref<3x2x128xi32, #tpu.memory_space<vmem>> -> memref<1x1x128xi32, #tpu.memory_space<vmem>>
      %dma_wait3A_311 = tpu.memref_squeeze %dma_wait3A_310 : memref<1x1x128xi32, #tpu.memory_space<vmem>> -> memref<128xi32, #tpu.memory_space<vmem>>
      %dma_wait3A_312 = arith.constant 0 : i32
      %dma_wait3A_313 = arith.constant 0 : i32
      %dma_wait3A_314 = tpu.memref_slice %arg8[%dma_wait3A_312, %dma_wait3A_313] : memref<10000x128xf32, #tpu.memory_space<vmem_shared>> -> memref<10000x128xf32, #tpu.memory_space<vmem_shared>>
      tpu.wait_indirect_dma semaphore(%arg14 : memref<!tpu.dma_semaphore, #tpu.memory_space<semaphore_mem>>) src(%dma_wait3A_308 : memref<128x128xf32, #tpu.memory_space<vmem>>) dst(%dma_wait3A_314 : memref<10000x128xf32, #tpu.memory_space<vmem_shared>>)
      %dma_wait3A_315 = arith.constant 1 : i32
      %dma_wait3A_316 = arith.constant 0 : i32
      %dma_wait3A_317 = arith.constant 0 : i32
      %dma_wait3A_318 = tpu.memref_slice %arg6[%dma_wait3A_315, %dma_wait3A_316, %dma_wait3A_317] : memref<3x2x128xi32, #tpu.memory_space<vmem>> -> memref<1x2x128xi32, #tpu.memory_space<vmem>>
      %dma_wait3A_319 = tpu.memref_squeeze %dma_wait3A_318 : memref<1x2x128xi32, #tpu.memory_space<vmem>> -> memref<2x128xi32, #tpu.memory_space<vmem>>
      %dma_wait3A_320 = arith.constant 0 : i32
      %dma_wait3A_321 = arith.constant 0 : i32
      %dma_wait3A_322 = tpu.memref_slice %arg3[%add3A, %dma_wait3A_320, %dma_wait3A_321] : memref<2500x2x128xi32, #tpu.memory_space<hbm>> -> memref<1x2x128xi32, #tpu.memory_space<hbm>>
      %dma_wait3A_323 = tpu.memref_squeeze %dma_wait3A_322 : memref<1x2x128xi32, #tpu.memory_space<hbm>> -> memref<2x128xi32, #tpu.memory_space<hbm>>
      %dma_wait3A_324 = arith.constant 0 : i32
      %dma_wait3A_325 = arith.constant 0 : i32
      %dma_wait3A_326 = tpu.memref_slice %arg6[%dma_wait3A_315, %dma_wait3A_324, %dma_wait3A_325] : memref<3x2x128xi32, #tpu.memory_space<vmem>> -> memref<1x2x128xi32, #tpu.memory_space<vmem>>
      %dma_wait3A_327 = tpu.memref_squeeze %dma_wait3A_326 : memref<1x2x128xi32, #tpu.memory_space<vmem>> -> memref<2x128xi32, #tpu.memory_space<vmem>>
      %dma_wait3A_328 = arith.constant 0 : i32
      %dma_wait3A_329 = arith.constant 0 : i32
      %dma_wait3A_330 = tpu.memref_slice %arg3[%add3A, %dma_wait3A_328, %dma_wait3A_329] : memref<2500x2x128xi32, #tpu.memory_space<hbm>> -> memref<1x2x128xi32, #tpu.memory_space<hbm>>
      %dma_wait3A_331 = tpu.memref_squeeze %dma_wait3A_330 : memref<1x2x128xi32, #tpu.memory_space<hbm>> -> memref<2x128xi32, #tpu.memory_space<hbm>>
      tpu.wait_dma2 semaphore(%arg12 : memref<!tpu.dma_semaphore, #tpu.memory_space<semaphore_mem>>) src(%dma_wait3A_331 : memref<2x128xi32, #tpu.memory_space<hbm>>) dst(%dma_wait3A_327 : memref<2x128xi32, #tpu.memory_space<vmem>>)
      %dma_start3A_332 = arith.constant 1 : i32
      %dma_start3A_333 = arith.constant 0 : i32
      %dma_start3A_334 = arith.constant 0 : i32
      %dma_start3A_335 = arith.constant 0 : i32
      %dma_start3A_336 = arith.constant 0 : i32
      %dma_start3A_337 = tpu.memref_slice %arg7[%dma_start3A_334, %dma_start3A_335, %dma_start3A_336] : memref<2x128x128xf32, #tpu.memory_space<vmem>> -> memref<1x128x128xf32, #tpu.memory_space<vmem>>
      %dma_start3A_338 = tpu.memref_squeeze %dma_start3A_337 : memref<1x128x128xf32, #tpu.memory_space<vmem>> -> memref<128x128xf32, #tpu.memory_space<vmem>>
      %dma_start3A_339 = arith.constant 0 : i32
      %dma_start3A_340 = tpu.memref_slice %arg6[%dma_start3A_332, %dma_start3A_333, %dma_start3A_339] : memref<3x2x128xi32, #tpu.memory_space<vmem>> -> memref<1x1x128xi32, #tpu.memory_space<vmem>>
      %dma_start3A_341 = tpu.memref_squeeze %dma_start3A_340 : memref<1x1x128xi32, #tpu.memory_space<vmem>> -> memref<128xi32, #tpu.memory_space<vmem>>
      %dma_start3A_342 = arith.constant 0 : i32
      %dma_start3A_343 = arith.constant 0 : i32
      %dma_start3A_344 = tpu.memref_slice %arg2[%dma_start3A_342, %dma_start3A_343] : memref<10000x128xf32, #tpu.memory_space<hbm>> -> memref<10000x128xf32, #tpu.memory_space<hbm>>
      tpu.enqueue_indirect_dma source(%dma_start3A_344 : memref<10000x128xf32, #tpu.memory_space<hbm>>) target(%dma_start3A_338 : memref<128x128xf32, #tpu.memory_space<vmem>>) offsets(%dma_start3A_341 : memref<128xi32, #tpu.memory_space<vmem>>) semaphore(%arg9 : memref<!tpu.dma_semaphore, #tpu.memory_space<semaphore_mem>>)
      %add3A_345 = arith.constant 1 : i32
      %add3A_346 = arith.addi %add3A_301, %add3A_345 : i32
      %mul3A_347 = arith.constant 32 : i32
      %mul3A_348 = arith.muli %add3A_346, %mul3A_347 : i32
      %add3A_349 = arith.addi %add3A, %mul3A_348 : i32
      %min3A_350 = arith.constant 2499 : i32
      %min3A_351 = arith.minsi %add3A_349, %min3A_350 : i32
      %dma_start3A_352 = arith.constant 2 : i32
      %dma_start3A_353 = arith.constant 0 : i32
      %dma_start3A_354 = arith.constant 0 : i32
      %dma_start3A_355 = tpu.memref_slice %arg6[%dma_start3A_352, %dma_start3A_353, %dma_start3A_354] : memref<3x2x128xi32, #tpu.memory_space<vmem>> -> memref<1x2x128xi32, #tpu.memory_space<vmem>>
      %dma_start3A_356 = tpu.memref_squeeze %dma_start3A_355 : memref<1x2x128xi32, #tpu.memory_space<vmem>> -> memref<2x128xi32, #tpu.memory_space<vmem>>
      %dma_start3A_357 = arith.constant 0 : i32
      %dma_start3A_358 = arith.constant 0 : i32
      %dma_start3A_359 = tpu.memref_slice %arg3[%min3A_351, %dma_start3A_357, %dma_start3A_358] : memref<2500x2x128xi32, #tpu.memory_space<hbm>> -> memref<1x2x128xi32, #tpu.memory_space<hbm>>
      %dma_start3A_360 = tpu.memref_squeeze %dma_start3A_359 : memref<1x2x128xi32, #tpu.memory_space<hbm>> -> memref<2x128xi32, #tpu.memory_space<hbm>>
      %dma_start3A_361 = arith.constant 0 : i32
      %dma_start3A_362 = arith.constant 0 : i32
      %dma_start3A_363 = tpu.memref_slice %arg6[%dma_start3A_352, %dma_start3A_361, %dma_start3A_362] : memref<3x2x128xi32, #tpu.memory_space<vmem>> -> memref<1x2x128xi32, #tpu.memory_space<vmem>>
      %dma_start3A_364 = tpu.memref_squeeze %dma_start3A_363 : memref<1x2x128xi32, #tpu.memory_space<vmem>> -> memref<2x128xi32, #tpu.memory_space<vmem>>
      %dma_start3A_365 = arith.constant 0 : i32
      %dma_start3A_366 = arith.constant 0 : i32
      %dma_start3A_367 = tpu.memref_slice %arg3[%min3A_351, %dma_start3A_365, %dma_start3A_366] : memref<2500x2x128xi32, #tpu.memory_space<hbm>> -> memref<1x2x128xi32, #tpu.memory_space<hbm>>
      %dma_start3A_368 = tpu.memref_squeeze %dma_start3A_367 : memref<1x2x128xi32, #tpu.memory_space<hbm>> -> memref<2x128xi32, #tpu.memory_space<hbm>>
      tpu.enqueue_dma source(%dma_start3A_368 : memref<2x128xi32, #tpu.memory_space<hbm>>) target(%dma_start3A_364 : memref<2x128xi32, #tpu.memory_space<vmem>>) target_semaphore(%arg13 : memref<!tpu.dma_semaphore, #tpu.memory_space<semaphore_mem>>)
      %dma_wait3A_369 = arith.constant 1 : i32
      %dma_wait3A_370 = arith.constant 0 : i32
      %dma_wait3A_371 = arith.constant 0 : i32
      %dma_wait3A_372 = arith.constant 0 : i32
      %dma_wait3A_373 = arith.constant 0 : i32
      %dma_wait3A_374 = tpu.memref_slice %arg7[%dma_wait3A_371, %dma_wait3A_372, %dma_wait3A_373] : memref<2x128x128xf32, #tpu.memory_space<vmem>> -> memref<1x128x128xf32, #tpu.memory_space<vmem>>
      %dma_wait3A_375 = tpu.memref_squeeze %dma_wait3A_374 : memref<1x128x128xf32, #tpu.memory_space<vmem>> -> memref<128x128xf32, #tpu.memory_space<vmem>>
      %dma_wait3A_376 = arith.constant 0 : i32
      %dma_wait3A_377 = tpu.memref_slice %arg6[%dma_wait3A_369, %dma_wait3A_370, %dma_wait3A_376] : memref<3x2x128xi32, #tpu.memory_space<vmem>> -> memref<1x1x128xi32, #tpu.memory_space<vmem>>
      %dma_wait3A_378 = tpu.memref_squeeze %dma_wait3A_377 : memref<1x1x128xi32, #tpu.memory_space<vmem>> -> memref<128xi32, #tpu.memory_space<vmem>>
      %dma_wait3A_379 = arith.constant 0 : i32
      %dma_wait3A_380 = arith.constant 0 : i32
      %dma_wait3A_381 = tpu.memref_slice %arg2[%dma_wait3A_379, %dma_wait3A_380] : memref<10000x128xf32, #tpu.memory_space<hbm>> -> memref<10000x128xf32, #tpu.memory_space<hbm>>
      tpu.wait_indirect_dma semaphore(%arg9 : memref<!tpu.dma_semaphore, #tpu.memory_space<semaphore_mem>>) src(%dma_wait3A_381 : memref<10000x128xf32, #tpu.memory_space<hbm>>) dst(%dma_wait3A_375 : memref<128x128xf32, #tpu.memory_space<vmem>>)
      %dma_start3A_382 = arith.constant 0 : i32
      %dma_start3A_383 = arith.constant 1 : i32
      %dma_start3A_384 = arith.constant 1 : i32
      %dma_start3A_385 = arith.constant 0 : i32
      %dma_start3A_386 = arith.constant 0 : i32
      %dma_start3A_387 = tpu.memref_slice %arg7[%dma_start3A_382, %dma_start3A_385, %dma_start3A_386] : memref<2x128x128xf32, #tpu.memory_space<vmem>> -> memref<1x128x128xf32, #tpu.memory_space<vmem>>
      %dma_start3A_388 = tpu.memref_squeeze %dma_start3A_387 : memref<1x128x128xf32, #tpu.memory_space<vmem>> -> memref<128x128xf32, #tpu.memory_space<vmem>>
      %dma_start3A_389 = arith.constant 0 : i32
      %dma_start3A_390 = tpu.memref_slice %arg6[%dma_start3A_383, %dma_start3A_384, %dma_start3A_389] : memref<3x2x128xi32, #tpu.memory_space<vmem>> -> memref<1x1x128xi32, #tpu.memory_space<vmem>>
      %dma_start3A_391 = tpu.memref_squeeze %dma_start3A_390 : memref<1x1x128xi32, #tpu.memory_space<vmem>> -> memref<128xi32, #tpu.memory_space<vmem>>
      %dma_start3A_392 = arith.constant 0 : i32
      %dma_start3A_393 = arith.constant 0 : i32
      %dma_start3A_394 = tpu.memref_slice %arg8[%dma_start3A_392, %dma_start3A_393] : memref<10000x128xf32, #tpu.memory_space<vmem_shared>> -> memref<10000x128xf32, #tpu.memory_space<vmem_shared>>
      tpu.enqueue_indirect_dma source(%dma_start3A_388 : memref<128x128xf32, #tpu.memory_space<vmem>>) target(%dma_start3A_394 : memref<10000x128xf32, #tpu.memory_space<vmem_shared>>) offsets(%dma_start3A_391 : memref<128xi32, #tpu.memory_space<vmem>>) semaphore(%arg14 : memref<!tpu.dma_semaphore, #tpu.memory_space<semaphore_mem>>) {add = true}
      %mul3A_395 = arith.constant 6 : i32
      %mul3A_396 = arith.muli %mul3A_395, %scan3A_78 : i32
      %add3A_397 = arith.constant 5 : i32
      %add3A_398 = arith.addi %mul3A_396, %add3A_397 : i32
      %dma_wait3A_399 = arith.constant 1 : i32
      %dma_wait3A_400 = arith.constant 2 : i32
      %dma_wait3A_401 = arith.constant 1 : i32
      %dma_wait3A_402 = arith.constant 0 : i32
      %dma_wait3A_403 = arith.constant 0 : i32
      %dma_wait3A_404 = tpu.memref_slice %arg7[%dma_wait3A_399, %dma_wait3A_402, %dma_wait3A_403] : memref<2x128x128xf32, #tpu.memory_space<vmem>> -> memref<1x128x128xf32, #tpu.memory_space<vmem>>
      %dma_wait3A_405 = tpu.memref_squeeze %dma_wait3A_404 : memref<1x128x128xf32, #tpu.memory_space<vmem>> -> memref<128x128xf32, #tpu.memory_space<vmem>>
      %dma_wait3A_406 = arith.constant 0 : i32
      %dma_wait3A_407 = tpu.memref_slice %arg6[%dma_wait3A_400, %dma_wait3A_401, %dma_wait3A_406] : memref<3x2x128xi32, #tpu.memory_space<vmem>> -> memref<1x1x128xi32, #tpu.memory_space<vmem>>
      %dma_wait3A_408 = tpu.memref_squeeze %dma_wait3A_407 : memref<1x1x128xi32, #tpu.memory_space<vmem>> -> memref<128xi32, #tpu.memory_space<vmem>>
      %dma_wait3A_409 = arith.constant 0 : i32
      %dma_wait3A_410 = arith.constant 0 : i32
      %dma_wait3A_411 = tpu.memref_slice %arg8[%dma_wait3A_409, %dma_wait3A_410] : memref<10000x128xf32, #tpu.memory_space<vmem_shared>> -> memref<10000x128xf32, #tpu.memory_space<vmem_shared>>
      tpu.wait_indirect_dma semaphore(%arg15 : memref<!tpu.dma_semaphore, #tpu.memory_space<semaphore_mem>>) src(%dma_wait3A_405 : memref<128x128xf32, #tpu.memory_space<vmem>>) dst(%dma_wait3A_411 : memref<10000x128xf32, #tpu.memory_space<vmem_shared>>)
      %dma_wait3A_412 = arith.constant 2 : i32
      %dma_wait3A_413 = arith.constant 0 : i32
      %dma_wait3A_414 = arith.constant 0 : i32
      %dma_wait3A_415 = tpu.memref_slice %arg6[%dma_wait3A_412, %dma_wait3A_413, %dma_wait3A_414] : memref<3x2x128xi32, #tpu.memory_space<vmem>> -> memref<1x2x128xi32, #tpu.memory_space<vmem>>
      %dma_wait3A_416 = tpu.memref_squeeze %dma_wait3A_415 : memref<1x2x128xi32, #tpu.memory_space<vmem>> -> memref<2x128xi32, #tpu.memory_space<vmem>>
      %dma_wait3A_417 = arith.constant 0 : i32
      %dma_wait3A_418 = arith.constant 0 : i32
      %dma_wait3A_419 = tpu.memref_slice %arg3[%add3A, %dma_wait3A_417, %dma_wait3A_418] : memref<2500x2x128xi32, #tpu.memory_space<hbm>> -> memref<1x2x128xi32, #tpu.memory_space<hbm>>
      %dma_wait3A_420 = tpu.memref_squeeze %dma_wait3A_419 : memref<1x2x128xi32, #tpu.memory_space<hbm>> -> memref<2x128xi32, #tpu.memory_space<hbm>>
      %dma_wait3A_421 = arith.constant 0 : i32
      %dma_wait3A_422 = arith.constant 0 : i32
      %dma_wait3A_423 = tpu.memref_slice %arg6[%dma_wait3A_412, %dma_wait3A_421, %dma_wait3A_422] : memref<3x2x128xi32, #tpu.memory_space<vmem>> -> memref<1x2x128xi32, #tpu.memory_space<vmem>>
      %dma_wait3A_424 = tpu.memref_squeeze %dma_wait3A_423 : memref<1x2x128xi32, #tpu.memory_space<vmem>> -> memref<2x128xi32, #tpu.memory_space<vmem>>
      %dma_wait3A_425 = arith.constant 0 : i32
      %dma_wait3A_426 = arith.constant 0 : i32
      %dma_wait3A_427 = tpu.memref_slice %arg3[%add3A, %dma_wait3A_425, %dma_wait3A_426] : memref<2500x2x128xi32, #tpu.memory_space<hbm>> -> memref<1x2x128xi32, #tpu.memory_space<hbm>>
      %dma_wait3A_428 = tpu.memref_squeeze %dma_wait3A_427 : memref<1x2x128xi32, #tpu.memory_space<hbm>> -> memref<2x128xi32, #tpu.memory_space<hbm>>
      tpu.wait_dma2 semaphore(%arg13 : memref<!tpu.dma_semaphore, #tpu.memory_space<semaphore_mem>>) src(%dma_wait3A_428 : memref<2x128xi32, #tpu.memory_space<hbm>>) dst(%dma_wait3A_424 : memref<2x128xi32, #tpu.memory_space<vmem>>)
      %dma_start3A_429 = arith.constant 2 : i32
      %dma_start3A_430 = arith.constant 0 : i32
      %dma_start3A_431 = arith.constant 1 : i32
      %dma_start3A_432 = arith.constant 0 : i32
      %dma_start3A_433 = arith.constant 0 : i32
      %dma_start3A_434 = tpu.memref_slice %arg7[%dma_start3A_431, %dma_start3A_432, %dma_start3A_433] : memref<2x128x128xf32, #tpu.memory_space<vmem>> -> memref<1x128x128xf32, #tpu.memory_space<vmem>>
      %dma_start3A_435 = tpu.memref_squeeze %dma_start3A_434 : memref<1x128x128xf32, #tpu.memory_space<vmem>> -> memref<128x128xf32, #tpu.memory_space<vmem>>
      %dma_start3A_436 = arith.constant 0 : i32
      %dma_start3A_437 = tpu.memref_slice %arg6[%dma_start3A_429, %dma_start3A_430, %dma_start3A_436] : memref<3x2x128xi32, #tpu.memory_space<vmem>> -> memref<1x1x128xi32, #tpu.memory_space<vmem>>
      %dma_start3A_438 = tpu.memref_squeeze %dma_start3A_437 : memref<1x1x128xi32, #tpu.memory_space<vmem>> -> memref<128xi32, #tpu.memory_space<vmem>>
      %dma_start3A_439 = arith.constant 0 : i32
      %dma_start3A_440 = arith.constant 0 : i32
      %dma_start3A_441 = tpu.memref_slice %arg2[%dma_start3A_439, %dma_start3A_440] : memref<10000x128xf32, #tpu.memory_space<hbm>> -> memref<10000x128xf32, #tpu.memory_space<hbm>>
      tpu.enqueue_indirect_dma source(%dma_start3A_441 : memref<10000x128xf32, #tpu.memory_space<hbm>>) target(%dma_start3A_435 : memref<128x128xf32, #tpu.memory_space<vmem>>) offsets(%dma_start3A_438 : memref<128xi32, #tpu.memory_space<vmem>>) semaphore(%arg9 : memref<!tpu.dma_semaphore, #tpu.memory_space<semaphore_mem>>)
      %add3A_442 = arith.constant 1 : i32
      %add3A_443 = arith.addi %add3A_398, %add3A_442 : i32
      %mul3A_444 = arith.constant 32 : i32
      %mul3A_445 = arith.muli %add3A_443, %mul3A_444 : i32
      %add3A_446 = arith.addi %add3A, %mul3A_445 : i32
      %min3A_447 = arith.constant 2499 : i32
      %min3A_448 = arith.minsi %add3A_446, %min3A_447 : i32
      %dma_start3A_449 = arith.constant 0 : i32
      %dma_start3A_450 = arith.constant 0 : i32
      %dma_start3A_451 = arith.constant 0 : i32
      %dma_start3A_452 = tpu.memref_slice %arg6[%dma_start3A_449, %dma_start3A_450, %dma_start3A_451] : memref<3x2x128xi32, #tpu.memory_space<vmem>> -> memref<1x2x128xi32, #tpu.memory_space<vmem>>
      %dma_start3A_453 = tpu.memref_squeeze %dma_start3A_452 : memref<1x2x128xi32, #tpu.memory_space<vmem>> -> memref<2x128xi32, #tpu.memory_space<vmem>>
      %dma_start3A_454 = arith.constant 0 : i32
      %dma_start3A_455 = arith.constant 0 : i32
      %dma_start3A_456 = tpu.memref_slice %arg3[%min3A_448, %dma_start3A_454, %dma_start3A_455] : memref<2500x2x128xi32, #tpu.memory_space<hbm>> -> memref<1x2x128xi32, #tpu.memory_space<hbm>>
      %dma_start3A_457 = tpu.memref_squeeze %dma_start3A_456 : memref<1x2x128xi32, #tpu.memory_space<hbm>> -> memref<2x128xi32, #tpu.memory_space<hbm>>
      %dma_start3A_458 = arith.constant 0 : i32
      %dma_start3A_459 = arith.constant 0 : i32
      %dma_start3A_460 = tpu.memref_slice %arg6[%dma_start3A_449, %dma_start3A_458, %dma_start3A_459] : memref<3x2x128xi32, #tpu.memory_space<vmem>> -> memref<1x2x128xi32, #tpu.memory_space<vmem>>
      %dma_start3A_461 = tpu.memref_squeeze %dma_start3A_460 : memref<1x2x128xi32, #tpu.memory_space<vmem>> -> memref<2x128xi32, #tpu.memory_space<vmem>>
      %dma_start3A_462 = arith.constant 0 : i32
      %dma_start3A_463 = arith.constant 0 : i32
      %dma_start3A_464 = tpu.memref_slice %arg3[%min3A_448, %dma_start3A_462, %dma_start3A_463] : memref<2500x2x128xi32, #tpu.memory_space<hbm>> -> memref<1x2x128xi32, #tpu.memory_space<hbm>>
      %dma_start3A_465 = tpu.memref_squeeze %dma_start3A_464 : memref<1x2x128xi32, #tpu.memory_space<hbm>> -> memref<2x128xi32, #tpu.memory_space<hbm>>
      tpu.enqueue_dma source(%dma_start3A_465 : memref<2x128xi32, #tpu.memory_space<hbm>>) target(%dma_start3A_461 : memref<2x128xi32, #tpu.memory_space<vmem>>) target_semaphore(%arg11 : memref<!tpu.dma_semaphore, #tpu.memory_space<semaphore_mem>>)
      %dma_wait3A_466 = arith.constant 2 : i32
      %dma_wait3A_467 = arith.constant 0 : i32
      %dma_wait3A_468 = arith.constant 1 : i32
      %dma_wait3A_469 = arith.constant 0 : i32
      %dma_wait3A_470 = arith.constant 0 : i32
      %dma_wait3A_471 = tpu.memref_slice %arg7[%dma_wait3A_468, %dma_wait3A_469, %dma_wait3A_470] : memref<2x128x128xf32, #tpu.memory_space<vmem>> -> memref<1x128x128xf32, #tpu.memory_space<vmem>>
      %dma_wait3A_472 = tpu.memref_squeeze %dma_wait3A_471 : memref<1x128x128xf32, #tpu.memory_space<vmem>> -> memref<128x128xf32, #tpu.memory_space<vmem>>
      %dma_wait3A_473 = arith.constant 0 : i32
      %dma_wait3A_474 = tpu.memref_slice %arg6[%dma_wait3A_466, %dma_wait3A_467, %dma_wait3A_473] : memref<3x2x128xi32, #tpu.memory_space<vmem>> -> memref<1x1x128xi32, #tpu.memory_space<vmem>>
      %dma_wait3A_475 = tpu.memref_squeeze %dma_wait3A_474 : memref<1x1x128xi32, #tpu.memory_space<vmem>> -> memref<128xi32, #tpu.memory_space<vmem>>
      %dma_wait3A_476 = arith.constant 0 : i32
      %dma_wait3A_477 = arith.constant 0 : i32
      %dma_wait3A_478 = tpu.memref_slice %arg2[%dma_wait3A_476, %dma_wait3A_477] : memref<10000x128xf32, #tpu.memory_space<hbm>> -> memref<10000x128xf32, #tpu.memory_space<hbm>>
      tpu.wait_indirect_dma semaphore(%arg9 : memref<!tpu.dma_semaphore, #tpu.memory_space<semaphore_mem>>) src(%dma_wait3A_478 : memref<10000x128xf32, #tpu.memory_space<hbm>>) dst(%dma_wait3A_472 : memref<128x128xf32, #tpu.memory_space<vmem>>)
      %dma_start3A_479 = arith.constant 1 : i32
      %dma_start3A_480 = arith.constant 2 : i32
      %dma_start3A_481 = arith.constant 1 : i32
      %dma_start3A_482 = arith.constant 0 : i32
      %dma_start3A_483 = arith.constant 0 : i32
      %dma_start3A_484 = tpu.memref_slice %arg7[%dma_start3A_479, %dma_start3A_482, %dma_start3A_483] : memref<2x128x128xf32, #tpu.memory_space<vmem>> -> memref<1x128x128xf32, #tpu.memory_space<vmem>>
      %dma_start3A_485 = tpu.memref_squeeze %dma_start3A_484 : memref<1x128x128xf32, #tpu.memory_space<vmem>> -> memref<128x128xf32, #tpu.memory_space<vmem>>
      %dma_start3A_486 = arith.constant 0 : i32
      %dma_start3A_487 = tpu.memref_slice %arg6[%dma_start3A_480, %dma_start3A_481, %dma_start3A_486] : memref<3x2x128xi32, #tpu.memory_space<vmem>> -> memref<1x1x128xi32, #tpu.memory_space<vmem>>
      %dma_start3A_488 = tpu.memref_squeeze %dma_start3A_487 : memref<1x1x128xi32, #tpu.memory_space<vmem>> -> memref<128xi32, #tpu.memory_space<vmem>>
      %dma_start3A_489 = arith.constant 0 : i32
      %dma_start3A_490 = arith.constant 0 : i32
      %dma_start3A_491 = tpu.memref_slice %arg8[%dma_start3A_489, %dma_start3A_490] : memref<10000x128xf32, #tpu.memory_space<vmem_shared>> -> memref<10000x128xf32, #tpu.memory_space<vmem_shared>>
      tpu.enqueue_indirect_dma source(%dma_start3A_485 : memref<128x128xf32, #tpu.memory_space<vmem>>) target(%dma_start3A_491 : memref<10000x128xf32, #tpu.memory_space<vmem_shared>>) offsets(%dma_start3A_488 : memref<128xi32, #tpu.memory_space<vmem>>) semaphore(%arg15 : memref<!tpu.dma_semaphore, #tpu.memory_space<semaphore_mem>>) {add = true}
    }
    %scan3A_33 = arith.constant 13 : i32
    %dma_wait3A = arith.constant 0 : i32
    %dma_wait3A_34 = arith.constant 0 : i32
    %dma_wait3A_35 = arith.constant 1 : i32
    %dma_wait3A_36 = arith.constant 0 : i32
    %dma_wait3A_37 = arith.constant 0 : i32
    %dma_wait3A_38 = tpu.memref_slice %arg7[%dma_wait3A, %dma_wait3A_36, %dma_wait3A_37] : memref<2x128x128xf32, #tpu.memory_space<vmem>> -> memref<1x128x128xf32, #tpu.memory_space<vmem>>
    %dma_wait3A_39 = tpu.memref_squeeze %dma_wait3A_38 : memref<1x128x128xf32, #tpu.memory_space<vmem>> -> memref<128x128xf32, #tpu.memory_space<vmem>>
    %dma_wait3A_40 = arith.constant 0 : i32
    %dma_wait3A_41 = tpu.memref_slice %arg6[%dma_wait3A_34, %dma_wait3A_35, %dma_wait3A_40] : memref<3x2x128xi32, #tpu.memory_space<vmem>> -> memref<1x1x128xi32, #tpu.memory_space<vmem>>
    %dma_wait3A_42 = tpu.memref_squeeze %dma_wait3A_41 : memref<1x1x128xi32, #tpu.memory_space<vmem>> -> memref<128xi32, #tpu.memory_space<vmem>>
    %dma_wait3A_43 = arith.constant 0 : i32
    %dma_wait3A_44 = arith.constant 0 : i32
    %dma_wait3A_45 = tpu.memref_slice %arg8[%dma_wait3A_43, %dma_wait3A_44] : memref<10000x128xf32, #tpu.memory_space<vmem_shared>> -> memref<10000x128xf32, #tpu.memory_space<vmem_shared>>
    tpu.wait_indirect_dma semaphore(%arg14 : memref<!tpu.dma_semaphore, #tpu.memory_space<semaphore_mem>>) src(%dma_wait3A_39 : memref<128x128xf32, #tpu.memory_space<vmem>>) dst(%dma_wait3A_45 : memref<10000x128xf32, #tpu.memory_space<vmem_shared>>)
    %dma_wait3A_46 = arith.constant 1 : i32
    %dma_wait3A_47 = arith.constant 0 : i32
    %dma_wait3A_48 = arith.constant 1 : i32
    %dma_wait3A_49 = arith.constant 0 : i32
    %dma_wait3A_50 = arith.constant 0 : i32
    %dma_wait3A_51 = tpu.memref_slice %arg7[%dma_wait3A_46, %dma_wait3A_49, %dma_wait3A_50] : memref<2x128x128xf32, #tpu.memory_space<vmem>> -> memref<1x128x128xf32, #tpu.memory_space<vmem>>
    %dma_wait3A_52 = tpu.memref_squeeze %dma_wait3A_51 : memref<1x128x128xf32, #tpu.memory_space<vmem>> -> memref<128x128xf32, #tpu.memory_space<vmem>>
    %dma_wait3A_53 = arith.constant 0 : i32
    %dma_wait3A_54 = tpu.memref_slice %arg6[%dma_wait3A_47, %dma_wait3A_48, %dma_wait3A_53] : memref<3x2x128xi32, #tpu.memory_space<vmem>> -> memref<1x1x128xi32, #tpu.memory_space<vmem>>
    %dma_wait3A_55 = tpu.memref_squeeze %dma_wait3A_54 : memref<1x1x128xi32, #tpu.memory_space<vmem>> -> memref<128xi32, #tpu.memory_space<vmem>>
    %dma_wait3A_56 = arith.constant 0 : i32
    %dma_wait3A_57 = arith.constant 0 : i32
    %dma_wait3A_58 = tpu.memref_slice %arg8[%dma_wait3A_56, %dma_wait3A_57] : memref<10000x128xf32, #tpu.memory_space<vmem_shared>> -> memref<10000x128xf32, #tpu.memory_space<vmem_shared>>
    tpu.wait_indirect_dma semaphore(%arg15 : memref<!tpu.dma_semaphore, #tpu.memory_space<semaphore_mem>>) src(%dma_wait3A_52 : memref<128x128xf32, #tpu.memory_space<vmem>>) dst(%dma_wait3A_58 : memref<10000x128xf32, #tpu.memory_space<vmem_shared>>)
    %lt3A = arith.constant 4 : i32
    %lt3A_59 = arith.cmpi slt, %add3A, %lt3A : i32
    %convert_element_type3A = arith.extui %lt3A_59 : i1 to i32
    %cond3A = arith.constant 0 : i32
    %cond3A_60 = arith.cmpi ne, %convert_element_type3A, %cond3A : i32
    scf.if %cond3A_60 {
      %dma_wait3A_78 = arith.constant 0 : i32
      %dma_wait3A_79 = arith.constant 0 : i32
      %dma_wait3A_80 = arith.constant 0 : i32
      %dma_wait3A_81 = tpu.memref_slice %arg6[%dma_wait3A_78, %dma_wait3A_79, %dma_wait3A_80] : memref<3x2x128xi32, #tpu.memory_space<vmem>> -> memref<1x2x128xi32, #tpu.memory_space<vmem>>
      %dma_wait3A_82 = tpu.memref_squeeze %dma_wait3A_81 : memref<1x2x128xi32, #tpu.memory_space<vmem>> -> memref<2x128xi32, #tpu.memory_space<vmem>>
      %dma_wait3A_83 = arith.constant 0 : i32
      %dma_wait3A_84 = arith.constant 0 : i32
      %dma_wait3A_85 = tpu.memref_slice %arg3[%add3A, %dma_wait3A_83, %dma_wait3A_84] : memref<2500x2x128xi32, #tpu.memory_space<hbm>> -> memref<1x2x128xi32, #tpu.memory_space<hbm>>
      %dma_wait3A_86 = tpu.memref_squeeze %dma_wait3A_85 : memref<1x2x128xi32, #tpu.memory_space<hbm>> -> memref<2x128xi32, #tpu.memory_space<hbm>>
      %dma_wait3A_87 = arith.constant 0 : i32
      %dma_wait3A_88 = arith.constant 0 : i32
      %dma_wait3A_89 = tpu.memref_slice %arg6[%dma_wait3A_78, %dma_wait3A_87, %dma_wait3A_88] : memref<3x2x128xi32, #tpu.memory_space<vmem>> -> memref<1x2x128xi32, #tpu.memory_space<vmem>>
      %dma_wait3A_90 = tpu.memref_squeeze %dma_wait3A_89 : memref<1x2x128xi32, #tpu.memory_space<vmem>> -> memref<2x128xi32, #tpu.memory_space<vmem>>
      %dma_wait3A_91 = arith.constant 0 : i32
      %dma_wait3A_92 = arith.constant 0 : i32
      %dma_wait3A_93 = tpu.memref_slice %arg3[%add3A, %dma_wait3A_91, %dma_wait3A_92] : memref<2500x2x128xi32, #tpu.memory_space<hbm>> -> memref<1x2x128xi32, #tpu.memory_space<hbm>>
      %dma_wait3A_94 = tpu.memref_squeeze %dma_wait3A_93 : memref<1x2x128xi32, #tpu.memory_space<hbm>> -> memref<2x128xi32, #tpu.memory_space<hbm>>
      tpu.wait_dma2 semaphore(%arg11 : memref<!tpu.dma_semaphore, #tpu.memory_space<semaphore_mem>>) src(%dma_wait3A_94 : memref<2x128xi32, #tpu.memory_space<hbm>>) dst(%dma_wait3A_90 : memref<2x128xi32, #tpu.memory_space<vmem>>)
      %dma_start3A_95 = arith.constant 0 : i32
      %dma_start3A_96 = arith.constant 0 : i32
      %dma_start3A_97 = arith.constant 0 : i32
      %dma_start3A_98 = arith.constant 0 : i32
      %dma_start3A_99 = arith.constant 0 : i32
      %dma_start3A_100 = tpu.memref_slice %arg7[%dma_start3A_97, %dma_start3A_98, %dma_start3A_99] : memref<2x128x128xf32, #tpu.memory_space<vmem>> -> memref<1x128x128xf32, #tpu.memory_space<vmem>>
      %dma_start3A_101 = tpu.memref_squeeze %dma_start3A_100 : memref<1x128x128xf32, #tpu.memory_space<vmem>> -> memref<128x128xf32, #tpu.memory_space<vmem>>
      %dma_start3A_102 = arith.constant 0 : i32
      %dma_start3A_103 = tpu.memref_slice %arg6[%dma_start3A_95, %dma_start3A_96, %dma_start3A_102] : memref<3x2x128xi32, #tpu.memory_space<vmem>> -> memref<1x1x128xi32, #tpu.memory_space<vmem>>
      %dma_start3A_104 = tpu.memref_squeeze %dma_start3A_103 : memref<1x1x128xi32, #tpu.memory_space<vmem>> -> memref<128xi32, #tpu.memory_space<vmem>>
      %dma_start3A_105 = arith.constant 0 : i32
      %dma_start3A_106 = arith.constant 0 : i32
      %dma_start3A_107 = tpu.memref_slice %arg2[%dma_start3A_105, %dma_start3A_106] : memref<10000x128xf32, #tpu.memory_space<hbm>> -> memref<10000x128xf32, #tpu.memory_space<hbm>>
      tpu.enqueue_indirect_dma source(%dma_start3A_107 : memref<10000x128xf32, #tpu.memory_space<hbm>>) target(%dma_start3A_101 : memref<128x128xf32, #tpu.memory_space<vmem>>) offsets(%dma_start3A_104 : memref<128xi32, #tpu.memory_space<vmem>>) semaphore(%arg9 : memref<!tpu.dma_semaphore, #tpu.memory_space<semaphore_mem>>)
      %dma_wait3A_108 = arith.constant 0 : i32
      %dma_wait3A_109 = arith.constant 0 : i32
      %dma_wait3A_110 = arith.constant 0 : i32
      %dma_wait3A_111 = arith.constant 0 : i32
      %dma_wait3A_112 = arith.constant 0 : i32
      %dma_wait3A_113 = tpu.memref_slice %arg7[%dma_wait3A_110, %dma_wait3A_111, %dma_wait3A_112] : memref<2x128x128xf32, #tpu.memory_space<vmem>> -> memref<1x128x128xf32, #tpu.memory_space<vmem>>
      %dma_wait3A_114 = tpu.memref_squeeze %dma_wait3A_113 : memref<1x128x128xf32, #tpu.memory_space<vmem>> -> memref<128x128xf32, #tpu.memory_space<vmem>>
      %dma_wait3A_115 = arith.constant 0 : i32
      %dma_wait3A_116 = tpu.memref_slice %arg6[%dma_wait3A_108, %dma_wait3A_109, %dma_wait3A_115] : memref<3x2x128xi32, #tpu.memory_space<vmem>> -> memref<1x1x128xi32, #tpu.memory_space<vmem>>
      %dma_wait3A_117 = tpu.memref_squeeze %dma_wait3A_116 : memref<1x1x128xi32, #tpu.memory_space<vmem>> -> memref<128xi32, #tpu.memory_space<vmem>>
      %dma_wait3A_118 = arith.constant 0 : i32
      %dma_wait3A_119 = arith.constant 0 : i32
      %dma_wait3A_120 = tpu.memref_slice %arg2[%dma_wait3A_118, %dma_wait3A_119] : memref<10000x128xf32, #tpu.memory_space<hbm>> -> memref<10000x128xf32, #tpu.memory_space<hbm>>
      tpu.wait_indirect_dma semaphore(%arg9 : memref<!tpu.dma_semaphore, #tpu.memory_space<semaphore_mem>>) src(%dma_wait3A_120 : memref<10000x128xf32, #tpu.memory_space<hbm>>) dst(%dma_wait3A_114 : memref<128x128xf32, #tpu.memory_space<vmem>>)
      %dma_start3A_121 = arith.constant 0 : i32
      %dma_start3A_122 = arith.constant 0 : i32
      %dma_start3A_123 = arith.constant 1 : i32
      %dma_start3A_124 = arith.constant 0 : i32
      %dma_start3A_125 = arith.constant 0 : i32
      %dma_start3A_126 = tpu.memref_slice %arg7[%dma_start3A_121, %dma_start3A_124, %dma_start3A_125] : memref<2x128x128xf32, #tpu.memory_space<vmem>> -> memref<1x128x128xf32, #tpu.memory_space<vmem>>
      %dma_start3A_127 = tpu.memref_squeeze %dma_start3A_126 : memref<1x128x128xf32, #tpu.memory_space<vmem>> -> memref<128x128xf32, #tpu.memory_space<vmem>>
      %dma_start3A_128 = arith.constant 0 : i32
      %dma_start3A_129 = tpu.memref_slice %arg6[%dma_start3A_122, %dma_start3A_123, %dma_start3A_128] : memref<3x2x128xi32, #tpu.memory_space<vmem>> -> memref<1x1x128xi32, #tpu.memory_space<vmem>>
      %dma_start3A_130 = tpu.memref_squeeze %dma_start3A_129 : memref<1x1x128xi32, #tpu.memory_space<vmem>> -> memref<128xi32, #tpu.memory_space<vmem>>
      %dma_start3A_131 = arith.constant 0 : i32
      %dma_start3A_132 = arith.constant 0 : i32
      %dma_start3A_133 = tpu.memref_slice %arg8[%dma_start3A_131, %dma_start3A_132] : memref<10000x128xf32, #tpu.memory_space<vmem_shared>> -> memref<10000x128xf32, #tpu.memory_space<vmem_shared>>
      tpu.enqueue_indirect_dma source(%dma_start3A_127 : memref<128x128xf32, #tpu.memory_space<vmem>>) target(%dma_start3A_133 : memref<10000x128xf32, #tpu.memory_space<vmem_shared>>) offsets(%dma_start3A_130 : memref<128xi32, #tpu.memory_space<vmem>>) semaphore(%arg14 : memref<!tpu.dma_semaphore, #tpu.memory_space<semaphore_mem>>) {add = true}
      %dma_wait3A_134 = arith.constant 0 : i32
      %dma_wait3A_135 = arith.constant 0 : i32
      %dma_wait3A_136 = arith.constant 1 : i32
      %dma_wait3A_137 = arith.constant 0 : i32
      %dma_wait3A_138 = arith.constant 0 : i32
      %dma_wait3A_139 = tpu.memref_slice %arg7[%dma_wait3A_134, %dma_wait3A_137, %dma_wait3A_138] : memref<2x128x128xf32, #tpu.memory_space<vmem>> -> memref<1x128x128xf32, #tpu.memory_space<vmem>>
      %dma_wait3A_140 = tpu.memref_squeeze %dma_wait3A_139 : memref<1x128x128xf32, #tpu.memory_space<vmem>> -> memref<128x128xf32, #tpu.memory_space<vmem>>
      %dma_wait3A_141 = arith.constant 0 : i32
      %dma_wait3A_142 = tpu.memref_slice %arg6[%dma_wait3A_135, %dma_wait3A_136, %dma_wait3A_141] : memref<3x2x128xi32, #tpu.memory_space<vmem>> -> memref<1x1x128xi32, #tpu.memory_space<vmem>>
      %dma_wait3A_143 = tpu.memref_squeeze %dma_wait3A_142 : memref<1x1x128xi32, #tpu.memory_space<vmem>> -> memref<128xi32, #tpu.memory_space<vmem>>
      %dma_wait3A_144 = arith.constant 0 : i32
      %dma_wait3A_145 = arith.constant 0 : i32
      %dma_wait3A_146 = tpu.memref_slice %arg8[%dma_wait3A_144, %dma_wait3A_145] : memref<10000x128xf32, #tpu.memory_space<vmem_shared>> -> memref<10000x128xf32, #tpu.memory_space<vmem_shared>>
      tpu.wait_indirect_dma semaphore(%arg14 : memref<!tpu.dma_semaphore, #tpu.memory_space<semaphore_mem>>) src(%dma_wait3A_140 : memref<128x128xf32, #tpu.memory_space<vmem>>) dst(%dma_wait3A_146 : memref<10000x128xf32, #tpu.memory_space<vmem_shared>>)
    } else {
    }
    %ge3A = arith.constant 4 : i32
    %ge3A_61 = arith.cmpi sge, %add3A, %ge3A : i32
    %convert_element_type3A_62 = arith.extui %ge3A_61 : i1 to i32
    %cond3A_63 = arith.constant 0 : i32
    %cond3A_64 = arith.cmpi ne, %convert_element_type3A_62, %cond3A_63 : i32
    scf.if %cond3A_64 {
      %dma_wait3A_78 = arith.constant 0 : i32
      %dma_wait3A_79 = arith.constant 0 : i32
      %dma_wait3A_80 = arith.constant 0 : i32
      %dma_wait3A_81 = tpu.memref_slice %arg6[%dma_wait3A_78, %dma_wait3A_79, %dma_wait3A_80] : memref<3x2x128xi32, #tpu.memory_space<vmem>> -> memref<1x2x128xi32, #tpu.memory_space<vmem>>
      %dma_wait3A_82 = tpu.memref_squeeze %dma_wait3A_81 : memref<1x2x128xi32, #tpu.memory_space<vmem>> -> memref<2x128xi32, #tpu.memory_space<vmem>>
      %dma_wait3A_83 = arith.constant 0 : i32
      %dma_wait3A_84 = arith.constant 0 : i32
      %dma_wait3A_85 = tpu.memref_slice %arg3[%add3A, %dma_wait3A_83, %dma_wait3A_84] : memref<2500x2x128xi32, #tpu.memory_space<hbm>> -> memref<1x2x128xi32, #tpu.memory_space<hbm>>
      %dma_wait3A_86 = tpu.memref_squeeze %dma_wait3A_85 : memref<1x2x128xi32, #tpu.memory_space<hbm>> -> memref<2x128xi32, #tpu.memory_space<hbm>>
      %dma_wait3A_87 = arith.constant 0 : i32
      %dma_wait3A_88 = arith.constant 0 : i32
      %dma_wait3A_89 = tpu.memref_slice %arg6[%dma_wait3A_78, %dma_wait3A_87, %dma_wait3A_88] : memref<3x2x128xi32, #tpu.memory_space<vmem>> -> memref<1x2x128xi32, #tpu.memory_space<vmem>>
      %dma_wait3A_90 = tpu.memref_squeeze %dma_wait3A_89 : memref<1x2x128xi32, #tpu.memory_space<vmem>> -> memref<2x128xi32, #tpu.memory_space<vmem>>
      %dma_wait3A_91 = arith.constant 0 : i32
      %dma_wait3A_92 = arith.constant 0 : i32
      %dma_wait3A_93 = tpu.memref_slice %arg3[%add3A, %dma_wait3A_91, %dma_wait3A_92] : memref<2500x2x128xi32, #tpu.memory_space<hbm>> -> memref<1x2x128xi32, #tpu.memory_space<hbm>>
      %dma_wait3A_94 = tpu.memref_squeeze %dma_wait3A_93 : memref<1x2x128xi32, #tpu.memory_space<hbm>> -> memref<2x128xi32, #tpu.memory_space<hbm>>
      tpu.wait_dma2 semaphore(%arg11 : memref<!tpu.dma_semaphore, #tpu.memory_space<semaphore_mem>>) src(%dma_wait3A_94 : memref<2x128xi32, #tpu.memory_space<hbm>>) dst(%dma_wait3A_90 : memref<2x128xi32, #tpu.memory_space<vmem>>)
    } else {
    }
    %barrier3A_65 = arith.constant 0 : index
    tpu.barrier barrier_id(%barrier3A_65)
    %scan3A_66 = arith.constant 0 : i32
    %scan3A_67 = arith.constant 0 : i32
    %scan3A_68 = arith.constant 8 : i32
    %scan3A_69 = arith.addi %scan3A_67, %scan3A_68 : i32
    %scan3A_70 = arith.constant 1 : i32
    scf.for %scan3A_78 = %scan3A_67 to %scan3A_69 step %scan3A_70  : i32 {
      %mul3A_79 = arith.constant 16 : i32
      %mul3A_80 = arith.muli %scan3A_78, %mul3A_79 : i32
      %add3A_81 = arith.addi %arg1, %mul3A_80 : i32
      %lt3A_82 = arith.constant 125 : i32
      %lt3A_83 = arith.cmpi slt, %add3A_81, %lt3A_82 : i32
      %convert_element_type3A_84 = arith.extui %lt3A_83 : i1 to i32
      %cond3A_85 = arith.constant 0 : i32
      %cond3A_86 = arith.cmpi ne, %convert_element_type3A_84, %cond3A_85 : i32
      scf.if %cond3A_86 {
        %mul3A_87 = arith.constant 80 : i32
        %mul3A_88 = arith.muli %add3A_81, %mul3A_87 : i32
        %mul3A_89 = arith.constant 10000 : i32
        %mul3A_90 = arith.muli %arg0, %mul3A_89 : i32
        %mul3A_91 = arith.constant 80 : i32
        %mul3A_92 = arith.muli %add3A_81, %mul3A_91 : i32
        %add3A_93 = arith.addi %mul3A_90, %mul3A_92 : i32
        %dma_start3A_94 = arith.constant 0 : i32
        %dma_start3A_95 = tpu.memref_slice %arg5[%add3A_93, %dma_start3A_94] : memref<20000x128xf32, #tpu.memory_space<hbm>> -> memref<80x128xf32, #tpu.memory_space<hbm>>
        %dma_start3A_96 = arith.constant 0 : i32
        %dma_start3A_97 = tpu.memref_slice %arg8[%mul3A_88, %dma_start3A_96] : memref<10000x128xf32, #tpu.memory_space<vmem_shared>> -> memref<80x128xf32, #tpu.memory_space<vmem_shared>>
        tpu.enqueue_dma source(%dma_start3A_97 : memref<80x128xf32, #tpu.memory_space<vmem_shared>>) target(%dma_start3A_95 : memref<80x128xf32, #tpu.memory_space<hbm>>) target_semaphore(%arg10 : memref<!tpu.dma_semaphore, #tpu.memory_space<semaphore_mem>>)
      } else {
      }
    }
    %scan3A_71 = arith.constant 8 : i32
    %scan3A_72 = arith.constant 0 : i32
    %scan3A_73 = arith.constant 0 : i32
    %scan3A_74 = arith.constant 8 : i32
    %scan3A_75 = arith.addi %scan3A_73, %scan3A_74 : i32
    %scan3A_76 = arith.constant 1 : i32
    scf.for %scan3A_78 = %scan3A_73 to %scan3A_75 step %scan3A_76  : i32 {
      %mul3A_79 = arith.constant 16 : i32
      %mul3A_80 = arith.muli %scan3A_78, %mul3A_79 : i32
      %add3A_81 = arith.addi %arg1, %mul3A_80 : i32
      %lt3A_82 = arith.constant 125 : i32
      %lt3A_83 = arith.cmpi slt, %add3A_81, %lt3A_82 : i32
      %convert_element_type3A_84 = arith.extui %lt3A_83 : i1 to i32
      %cond3A_85 = arith.constant 0 : i32
      %cond3A_86 = arith.cmpi ne, %convert_element_type3A_84, %cond3A_85 : i32
      scf.if %cond3A_86 {
        %mul3A_87 = arith.constant 80 : i32
        %mul3A_88 = arith.muli %add3A_81, %mul3A_87 : i32
        %mul3A_89 = arith.constant 10000 : i32
        %mul3A_90 = arith.muli %arg0, %mul3A_89 : i32
        %mul3A_91 = arith.constant 80 : i32
        %mul3A_92 = arith.muli %add3A_81, %mul3A_91 : i32
        %add3A_93 = arith.addi %mul3A_90, %mul3A_92 : i32
        %dma_wait3A_94 = arith.constant 0 : i32
        %dma_wait3A_95 = tpu.memref_slice %arg5[%add3A_93, %dma_wait3A_94] : memref<20000x128xf32, #tpu.memory_space<hbm>> -> memref<80x128xf32, #tpu.memory_space<hbm>>
        %dma_wait3A_96 = arith.constant 0 : i32
        %dma_wait3A_97 = tpu.memref_slice %arg8[%mul3A_88, %dma_wait3A_96] : memref<10000x128xf32, #tpu.memory_space<vmem_shared>> -> memref<80x128xf32, #tpu.memory_space<vmem_shared>>
        tpu.wait_dma2 semaphore(%arg10 : memref<!tpu.dma_semaphore, #tpu.memory_space<semaphore_mem>>) src(%dma_wait3A_97 : memref<80x128xf32, #tpu.memory_space<vmem_shared>>) dst(%dma_wait3A_95 : memref<80x128xf32, #tpu.memory_space<hbm>>)
      } else {
      }
    }
    %scan3A_77 = arith.constant 8 : i32
    return
  }
}

#map = affine_map<(d0, d1) -> (0, 0, 0)>
#map1 = affine_map<(d0, d1) -> (0, 0)>
module attributes {stable_mosaic.version = 14 : i64} {
  func.func @e_kernel(%arg0: i32, %arg1: i32, %arg2: memref<2500x2x128xi32, #tpu.memory_space<hbm>>, %arg3: memref<320000x128xf32, #tpu.memory_space<hbm>>, %arg4: memref<80x128xf32, #tpu.memory_space<hbm>>, %arg5: memref<20000x128xf32, #tpu.memory_space<hbm>>, %arg6: memref<3x2x128xi32, #tpu.memory_space<vmem>>, %arg7: memref<2x128x128xf32, #tpu.memory_space<vmem>>, %arg8: memref<10000x128xf32, #tpu.memory_space<vmem_shared>>, %arg9: memref<!tpu.dma_semaphore, #tpu.memory_space<semaphore_mem>>, %arg10: memref<!tpu.dma_semaphore, #tpu.memory_space<semaphore_mem>>, %arg11: memref<!tpu.dma_semaphore, #tpu.memory_space<semaphore_mem>>, %arg12: memref<!tpu.dma_semaphore, #tpu.memory_space<semaphore_mem>>, %arg13: memref<!tpu.dma_semaphore, #tpu.memory_space<semaphore_mem>>, %arg14: memref<!tpu.dma_semaphore, #tpu.memory_space<semaphore_mem>>, %arg15: memref<!tpu.dma_semaphore, #tpu.memory_space<semaphore_mem>>) attributes {dimension_semantics = [#tpu.dimension_semantics<core_parallel>, #tpu.dimension_semantics<subcore_parallel>], iteration_bounds = array<i64: 2, 16>, scalar_prefetch = 0 : i64, scratch_operands = 10 : i64, tpu.core_type = #tpu.core_type<sc_vector_subcore>, window_params = [{transform_indices = #map}, {transform_indices = #map1}, {transform_indices = #map1}, {transform_indices = #map1}]} {
    %mul3A = arith.constant 16 : i32
    %mul3A_0 = arith.muli %arg0, %mul3A : i32
    %add3A = arith.addi %mul3A_0, %arg1 : i32
    %dma_start3A = arith.constant 0 : i32
    %dma_start3A_1 = arith.constant 0 : i32
    %dma_start3A_2 = arith.constant 0 : i32
    %dma_start3A_3 = tpu.memref_slice %arg6[%dma_start3A, %dma_start3A_1, %dma_start3A_2] : memref<3x2x128xi32, #tpu.memory_space<vmem>> -> memref<1x2x128xi32, #tpu.memory_space<vmem>>
    %dma_start3A_4 = tpu.memref_squeeze %dma_start3A_3 : memref<1x2x128xi32, #tpu.memory_space<vmem>> -> memref<2x128xi32, #tpu.memory_space<vmem>>
    %dma_start3A_5 = arith.constant 0 : i32
    %dma_start3A_6 = arith.constant 0 : i32
    %dma_start3A_7 = tpu.memref_slice %arg2[%add3A, %dma_start3A_5, %dma_start3A_6] : memref<2500x2x128xi32, #tpu.memory_space<hbm>> -> memref<1x2x128xi32, #tpu.memory_space<hbm>>
    %dma_start3A_8 = tpu.memref_squeeze %dma_start3A_7 : memref<1x2x128xi32, #tpu.memory_space<hbm>> -> memref<2x128xi32, #tpu.memory_space<hbm>>
    %dma_start3A_9 = arith.constant 0 : i32
    %dma_start3A_10 = arith.constant 0 : i32
    %dma_start3A_11 = tpu.memref_slice %arg6[%dma_start3A, %dma_start3A_9, %dma_start3A_10] : memref<3x2x128xi32, #tpu.memory_space<vmem>> -> memref<1x2x128xi32, #tpu.memory_space<vmem>>
    %dma_start3A_12 = tpu.memref_squeeze %dma_start3A_11 : memref<1x2x128xi32, #tpu.memory_space<vmem>> -> memref<2x128xi32, #tpu.memory_space<vmem>>
    %dma_start3A_13 = arith.constant 0 : i32
    %dma_start3A_14 = arith.constant 0 : i32
    %dma_start3A_15 = tpu.memref_slice %arg2[%add3A, %dma_start3A_13, %dma_start3A_14] : memref<2500x2x128xi32, #tpu.memory_space<hbm>> -> memref<1x2x128xi32, #tpu.memory_space<hbm>>
    %dma_start3A_16 = tpu.memref_squeeze %dma_start3A_15 : memref<1x2x128xi32, #tpu.memory_space<hbm>> -> memref<2x128xi32, #tpu.memory_space<hbm>>
    tpu.enqueue_dma source(%dma_start3A_16 : memref<2x128xi32, #tpu.memory_space<hbm>>) target(%dma_start3A_12 : memref<2x128xi32, #tpu.memory_space<vmem>>) target_semaphore(%arg11 : memref<!tpu.dma_semaphore, #tpu.memory_space<semaphore_mem>>)
    %scan3A = arith.constant 0 : i32
    %scan3A_17 = arith.constant 0 : i32
    %scan3A_18 = arith.constant 8 : i32
    %scan3A_19 = arith.addi %scan3A_17, %scan3A_18 : i32
    %scan3A_20 = arith.constant 1 : i32
    scf.for %scan3A_78 = %scan3A_17 to %scan3A_19 step %scan3A_20  : i32 {
      %mul3A_79 = arith.constant 16 : i32
      %mul3A_80 = arith.muli %scan3A_78, %mul3A_79 : i32
      %add3A_81 = arith.addi %arg1, %mul3A_80 : i32
      %lt3A_82 = arith.constant 125 : i32
      %lt3A_83 = arith.cmpi slt, %add3A_81, %lt3A_82 : i32
      %convert_element_type3A_84 = arith.extui %lt3A_83 : i1 to i32
      %cond3A_85 = arith.constant 0 : i32
      %cond3A_86 = arith.cmpi ne, %convert_element_type3A_84, %cond3A_85 : i32
      scf.if %cond3A_86 {
        %mul3A_87 = arith.constant 80 : i32
        %mul3A_88 = arith.muli %add3A_81, %mul3A_87 : i32
        %dma_start3A_89 = arith.constant 0 : i32
        %dma_start3A_90 = tpu.memref_slice %arg8[%mul3A_88, %dma_start3A_89] : memref<10000x128xf32, #tpu.memory_space<vmem_shared>> -> memref<80x128xf32, #tpu.memory_space<vmem_shared>>
        tpu.enqueue_dma source(%arg4 : memref<80x128xf32, #tpu.memory_space<hbm>>) target(%dma_start3A_90 : memref<80x128xf32, #tpu.memory_space<vmem_shared>>) target_semaphore(%arg10 : memref<!tpu.dma_semaphore, #tpu.memory_space<semaphore_mem>>)
      } else {
      }
    }
    %scan3A_21 = arith.constant 8 : i32
    %scan3A_22 = arith.constant 0 : i32
    %scan3A_23 = arith.constant 0 : i32
    %scan3A_24 = arith.constant 8 : i32
    %scan3A_25 = arith.addi %scan3A_23, %scan3A_24 : i32
    %scan3A_26 = arith.constant 1 : i32
    scf.for %scan3A_78 = %scan3A_23 to %scan3A_25 step %scan3A_26  : i32 {
      %mul3A_79 = arith.constant 16 : i32
      %mul3A_80 = arith.muli %scan3A_78, %mul3A_79 : i32
      %add3A_81 = arith.addi %arg1, %mul3A_80 : i32
      %lt3A_82 = arith.constant 125 : i32
      %lt3A_83 = arith.cmpi slt, %add3A_81, %lt3A_82 : i32
      %convert_element_type3A_84 = arith.extui %lt3A_83 : i1 to i32
      %cond3A_85 = arith.constant 0 : i32
      %cond3A_86 = arith.cmpi ne, %convert_element_type3A_84, %cond3A_85 : i32
      scf.if %cond3A_86 {
        %mul3A_87 = arith.constant 80 : i32
        %mul3A_88 = arith.muli %add3A_81, %mul3A_87 : i32
        %dma_wait3A_89 = arith.constant 0 : i32
        %dma_wait3A_90 = tpu.memref_slice %arg8[%mul3A_88, %dma_wait3A_89] : memref<10000x128xf32, #tpu.memory_space<vmem_shared>> -> memref<80x128xf32, #tpu.memory_space<vmem_shared>>
        tpu.wait_dma2 semaphore(%arg10 : memref<!tpu.dma_semaphore, #tpu.memory_space<semaphore_mem>>) src(%arg4 : memref<80x128xf32, #tpu.memory_space<hbm>>) dst(%dma_wait3A_90 : memref<80x128xf32, #tpu.memory_space<vmem_shared>>)
      } else {
      }
    }
    %scan3A_27 = arith.constant 8 : i32
    %barrier3A = arith.constant 0 : index
    tpu.barrier barrier_id(%barrier3A)
    %scan3A_28 = arith.constant 0 : i32
    %scan3A_29 = arith.constant 0 : i32
    %scan3A_30 = arith.constant 13 : i32
    %scan3A_31 = arith.addi %scan3A_29, %scan3A_30 : i32
    %scan3A_32 = arith.constant 1 : i32
    scf.for %scan3A_78 = %scan3A_29 to %scan3A_31 step %scan3A_32  : i32 {
      %mul3A_79 = arith.constant 6 : i32
      %mul3A_80 = arith.muli %mul3A_79, %scan3A_78 : i32
      %add3A_81 = arith.constant 0 : i32
      %add3A_82 = arith.addi %mul3A_80, %add3A_81 : i32
      %gt3A = arith.constant 0 : i32
      %gt3A_83 = arith.cmpi sgt, %scan3A_78, %gt3A : i32
      %convert_element_type3A_84 = arith.extui %gt3A_83 : i1 to i32
      %cond3A_85 = arith.constant 0 : i32
      %cond3A_86 = arith.cmpi ne, %convert_element_type3A_84, %cond3A_85 : i32
      scf.if %cond3A_86 {
        %mul3A_520 = arith.constant 32 : i32
        %mul3A_521 = arith.muli %add3A_82, %mul3A_520 : i32
        %add3A_522 = arith.addi %add3A, %mul3A_521 : i32
        %dma_wait3A_523 = arith.constant 0 : i32
        %dma_wait3A_524 = arith.constant 0 : i32
        %dma_wait3A_525 = arith.constant 1 : i32
        %dma_wait3A_526 = arith.constant 0 : i32
        %dma_wait3A_527 = arith.constant 0 : i32
        %dma_wait3A_528 = tpu.memref_slice %arg7[%dma_wait3A_523, %dma_wait3A_526, %dma_wait3A_527] : memref<2x128x128xf32, #tpu.memory_space<vmem>> -> memref<1x128x128xf32, #tpu.memory_space<vmem>>
        %dma_wait3A_529 = tpu.memref_squeeze %dma_wait3A_528 : memref<1x128x128xf32, #tpu.memory_space<vmem>> -> memref<128x128xf32, #tpu.memory_space<vmem>>
        %dma_wait3A_530 = arith.constant 0 : i32
        %dma_wait3A_531 = tpu.memref_slice %arg6[%dma_wait3A_524, %dma_wait3A_525, %dma_wait3A_530] : memref<3x2x128xi32, #tpu.memory_space<vmem>> -> memref<1x1x128xi32, #tpu.memory_space<vmem>>
        %dma_wait3A_532 = tpu.memref_squeeze %dma_wait3A_531 : memref<1x1x128xi32, #tpu.memory_space<vmem>> -> memref<128xi32, #tpu.memory_space<vmem>>
        %dma_wait3A_533 = arith.constant 0 : i32
        %dma_wait3A_534 = arith.constant 0 : i32
        %dma_wait3A_535 = tpu.memref_slice %arg8[%dma_wait3A_533, %dma_wait3A_534] : memref<10000x128xf32, #tpu.memory_space<vmem_shared>> -> memref<10000x128xf32, #tpu.memory_space<vmem_shared>>
        tpu.wait_indirect_dma semaphore(%arg14 : memref<!tpu.dma_semaphore, #tpu.memory_space<semaphore_mem>>) src(%dma_wait3A_529 : memref<128x128xf32, #tpu.memory_space<vmem>>) dst(%dma_wait3A_535 : memref<10000x128xf32, #tpu.memory_space<vmem_shared>>)
        %dma_wait3A_536 = arith.constant 0 : i32
        %dma_wait3A_537 = arith.constant 0 : i32
        %dma_wait3A_538 = arith.constant 0 : i32
        %dma_wait3A_539 = tpu.memref_slice %arg6[%dma_wait3A_536, %dma_wait3A_537, %dma_wait3A_538] : memref<3x2x128xi32, #tpu.memory_space<vmem>> -> memref<1x2x128xi32, #tpu.memory_space<vmem>>
        %dma_wait3A_540 = tpu.memref_squeeze %dma_wait3A_539 : memref<1x2x128xi32, #tpu.memory_space<vmem>> -> memref<2x128xi32, #tpu.memory_space<vmem>>
        %dma_wait3A_541 = arith.constant 0 : i32
        %dma_wait3A_542 = arith.constant 0 : i32
        %dma_wait3A_543 = tpu.memref_slice %arg2[%add3A, %dma_wait3A_541, %dma_wait3A_542] : memref<2500x2x128xi32, #tpu.memory_space<hbm>> -> memref<1x2x128xi32, #tpu.memory_space<hbm>>
        %dma_wait3A_544 = tpu.memref_squeeze %dma_wait3A_543 : memref<1x2x128xi32, #tpu.memory_space<hbm>> -> memref<2x128xi32, #tpu.memory_space<hbm>>
        %dma_wait3A_545 = arith.constant 0 : i32
        %dma_wait3A_546 = arith.constant 0 : i32
        %dma_wait3A_547 = tpu.memref_slice %arg6[%dma_wait3A_536, %dma_wait3A_545, %dma_wait3A_546] : memref<3x2x128xi32, #tpu.memory_space<vmem>> -> memref<1x2x128xi32, #tpu.memory_space<vmem>>
        %dma_wait3A_548 = tpu.memref_squeeze %dma_wait3A_547 : memref<1x2x128xi32, #tpu.memory_space<vmem>> -> memref<2x128xi32, #tpu.memory_space<vmem>>
        %dma_wait3A_549 = arith.constant 0 : i32
        %dma_wait3A_550 = arith.constant 0 : i32
        %dma_wait3A_551 = tpu.memref_slice %arg2[%add3A, %dma_wait3A_549, %dma_wait3A_550] : memref<2500x2x128xi32, #tpu.memory_space<hbm>> -> memref<1x2x128xi32, #tpu.memory_space<hbm>>
        %dma_wait3A_552 = tpu.memref_squeeze %dma_wait3A_551 : memref<1x2x128xi32, #tpu.memory_space<hbm>> -> memref<2x128xi32, #tpu.memory_space<hbm>>
        tpu.wait_dma2 semaphore(%arg11 : memref<!tpu.dma_semaphore, #tpu.memory_space<semaphore_mem>>) src(%dma_wait3A_552 : memref<2x128xi32, #tpu.memory_space<hbm>>) dst(%dma_wait3A_548 : memref<2x128xi32, #tpu.memory_space<vmem>>)
        %mul3A_553 = arith.constant 128 : i32
        %mul3A_554 = arith.muli %add3A_522, %mul3A_553 : i32
        %dma_start3A_555 = arith.constant 0 : i32
        %dma_start3A_556 = arith.constant 0 : i32
        %dma_start3A_557 = arith.constant 0 : i32
        %dma_start3A_558 = tpu.memref_slice %arg7[%dma_start3A_555, %dma_start3A_556, %dma_start3A_557] : memref<2x128x128xf32, #tpu.memory_space<vmem>> -> memref<1x128x128xf32, #tpu.memory_space<vmem>>
        %dma_start3A_559 = tpu.memref_squeeze %dma_start3A_558 : memref<1x128x128xf32, #tpu.memory_space<vmem>> -> memref<128x128xf32, #tpu.memory_space<vmem>>
        %dma_start3A_560 = arith.constant 0 : i32
        %dma_start3A_561 = tpu.memref_slice %arg3[%mul3A_554, %dma_start3A_560] : memref<320000x128xf32, #tpu.memory_space<hbm>> -> memref<128x128xf32, #tpu.memory_space<hbm>>
        %dma_start3A_562 = arith.constant 0 : i32
        %dma_start3A_563 = arith.constant 0 : i32
        %dma_start3A_564 = tpu.memref_slice %arg7[%dma_start3A_555, %dma_start3A_562, %dma_start3A_563] : memref<2x128x128xf32, #tpu.memory_space<vmem>> -> memref<1x128x128xf32, #tpu.memory_space<vmem>>
        %dma_start3A_565 = tpu.memref_squeeze %dma_start3A_564 : memref<1x128x128xf32, #tpu.memory_space<vmem>> -> memref<128x128xf32, #tpu.memory_space<vmem>>
        %dma_start3A_566 = arith.constant 0 : i32
        %dma_start3A_567 = tpu.memref_slice %arg3[%mul3A_554, %dma_start3A_566] : memref<320000x128xf32, #tpu.memory_space<hbm>> -> memref<128x128xf32, #tpu.memory_space<hbm>>
        tpu.enqueue_dma source(%dma_start3A_567 : memref<128x128xf32, #tpu.memory_space<hbm>>) target(%dma_start3A_565 : memref<128x128xf32, #tpu.memory_space<vmem>>) target_semaphore(%arg9 : memref<!tpu.dma_semaphore, #tpu.memory_space<semaphore_mem>>)
        %add3A_568 = arith.constant 1 : i32
        %add3A_569 = arith.addi %add3A_82, %add3A_568 : i32
        %mul3A_570 = arith.constant 32 : i32
        %mul3A_571 = arith.muli %add3A_569, %mul3A_570 : i32
        %add3A_572 = arith.addi %add3A, %mul3A_571 : i32
        %min3A_573 = arith.constant 2499 : i32
        %min3A_574 = arith.minsi %add3A_572, %min3A_573 : i32
        %dma_start3A_575 = arith.constant 1 : i32
        %dma_start3A_576 = arith.constant 0 : i32
        %dma_start3A_577 = arith.constant 0 : i32
        %dma_start3A_578 = tpu.memref_slice %arg6[%dma_start3A_575, %dma_start3A_576, %dma_start3A_577] : memref<3x2x128xi32, #tpu.memory_space<vmem>> -> memref<1x2x128xi32, #tpu.memory_space<vmem>>
        %dma_start3A_579 = tpu.memref_squeeze %dma_start3A_578 : memref<1x2x128xi32, #tpu.memory_space<vmem>> -> memref<2x128xi32, #tpu.memory_space<vmem>>
        %dma_start3A_580 = arith.constant 0 : i32
        %dma_start3A_581 = arith.constant 0 : i32
        %dma_start3A_582 = tpu.memref_slice %arg2[%min3A_574, %dma_start3A_580, %dma_start3A_581] : memref<2500x2x128xi32, #tpu.memory_space<hbm>> -> memref<1x2x128xi32, #tpu.memory_space<hbm>>
        %dma_start3A_583 = tpu.memref_squeeze %dma_start3A_582 : memref<1x2x128xi32, #tpu.memory_space<hbm>> -> memref<2x128xi32, #tpu.memory_space<hbm>>
        %dma_start3A_584 = arith.constant 0 : i32
        %dma_start3A_585 = arith.constant 0 : i32
        %dma_start3A_586 = tpu.memref_slice %arg6[%dma_start3A_575, %dma_start3A_584, %dma_start3A_585] : memref<3x2x128xi32, #tpu.memory_space<vmem>> -> memref<1x2x128xi32, #tpu.memory_space<vmem>>
        %dma_start3A_587 = tpu.memref_squeeze %dma_start3A_586 : memref<1x2x128xi32, #tpu.memory_space<vmem>> -> memref<2x128xi32, #tpu.memory_space<vmem>>
        %dma_start3A_588 = arith.constant 0 : i32
        %dma_start3A_589 = arith.constant 0 : i32
        %dma_start3A_590 = tpu.memref_slice %arg2[%min3A_574, %dma_start3A_588, %dma_start3A_589] : memref<2500x2x128xi32, #tpu.memory_space<hbm>> -> memref<1x2x128xi32, #tpu.memory_space<hbm>>
        %dma_start3A_591 = tpu.memref_squeeze %dma_start3A_590 : memref<1x2x128xi32, #tpu.memory_space<hbm>> -> memref<2x128xi32, #tpu.memory_space<hbm>>
        tpu.enqueue_dma source(%dma_start3A_591 : memref<2x128xi32, #tpu.memory_space<hbm>>) target(%dma_start3A_587 : memref<2x128xi32, #tpu.memory_space<vmem>>) target_semaphore(%arg12 : memref<!tpu.dma_semaphore, #tpu.memory_space<semaphore_mem>>)
        %mul3A_592 = arith.constant 128 : i32
        %mul3A_593 = arith.muli %add3A_522, %mul3A_592 : i32
        %dma_wait3A_594 = arith.constant 0 : i32
        %dma_wait3A_595 = arith.constant 0 : i32
        %dma_wait3A_596 = arith.constant 0 : i32
        %dma_wait3A_597 = tpu.memref_slice %arg7[%dma_wait3A_594, %dma_wait3A_595, %dma_wait3A_596] : memref<2x128x128xf32, #tpu.memory_space<vmem>> -> memref<1x128x128xf32, #tpu.memory_space<vmem>>
        %dma_wait3A_598 = tpu.memref_squeeze %dma_wait3A_597 : memref<1x128x128xf32, #tpu.memory_space<vmem>> -> memref<128x128xf32, #tpu.memory_space<vmem>>
        %dma_wait3A_599 = arith.constant 0 : i32
        %dma_wait3A_600 = tpu.memref_slice %arg3[%mul3A_593, %dma_wait3A_599] : memref<320000x128xf32, #tpu.memory_space<hbm>> -> memref<128x128xf32, #tpu.memory_space<hbm>>
        %dma_wait3A_601 = arith.constant 0 : i32
        %dma_wait3A_602 = arith.constant 0 : i32
        %dma_wait3A_603 = tpu.memref_slice %arg7[%dma_wait3A_594, %dma_wait3A_601, %dma_wait3A_602] : memref<2x128x128xf32, #tpu.memory_space<vmem>> -> memref<1x128x128xf32, #tpu.memory_space<vmem>>
        %dma_wait3A_604 = tpu.memref_squeeze %dma_wait3A_603 : memref<1x128x128xf32, #tpu.memory_space<vmem>> -> memref<128x128xf32, #tpu.memory_space<vmem>>
        %dma_wait3A_605 = arith.constant 0 : i32
        %dma_wait3A_606 = tpu.memref_slice %arg3[%mul3A_593, %dma_wait3A_605] : memref<320000x128xf32, #tpu.memory_space<hbm>> -> memref<128x128xf32, #tpu.memory_space<hbm>>
        tpu.wait_dma2 semaphore(%arg9 : memref<!tpu.dma_semaphore, #tpu.memory_space<semaphore_mem>>) src(%dma_wait3A_606 : memref<128x128xf32, #tpu.memory_space<hbm>>) dst(%dma_wait3A_604 : memref<128x128xf32, #tpu.memory_space<vmem>>)
        %dma_start3A_607 = arith.constant 0 : i32
        %dma_start3A_608 = arith.constant 0 : i32
        %dma_start3A_609 = arith.constant 1 : i32
        %dma_start3A_610 = arith.constant 0 : i32
        %dma_start3A_611 = arith.constant 0 : i32
        %dma_start3A_612 = tpu.memref_slice %arg7[%dma_start3A_607, %dma_start3A_610, %dma_start3A_611] : memref<2x128x128xf32, #tpu.memory_space<vmem>> -> memref<1x128x128xf32, #tpu.memory_space<vmem>>
        %dma_start3A_613 = tpu.memref_squeeze %dma_start3A_612 : memref<1x128x128xf32, #tpu.memory_space<vmem>> -> memref<128x128xf32, #tpu.memory_space<vmem>>
        %dma_start3A_614 = arith.constant 0 : i32
        %dma_start3A_615 = tpu.memref_slice %arg6[%dma_start3A_608, %dma_start3A_609, %dma_start3A_614] : memref<3x2x128xi32, #tpu.memory_space<vmem>> -> memref<1x1x128xi32, #tpu.memory_space<vmem>>
        %dma_start3A_616 = tpu.memref_squeeze %dma_start3A_615 : memref<1x1x128xi32, #tpu.memory_space<vmem>> -> memref<128xi32, #tpu.memory_space<vmem>>
        %dma_start3A_617 = arith.constant 0 : i32
        %dma_start3A_618 = arith.constant 0 : i32
        %dma_start3A_619 = tpu.memref_slice %arg8[%dma_start3A_617, %dma_start3A_618] : memref<10000x128xf32, #tpu.memory_space<vmem_shared>> -> memref<10000x128xf32, #tpu.memory_space<vmem_shared>>
        tpu.enqueue_indirect_dma source(%dma_start3A_613 : memref<128x128xf32, #tpu.memory_space<vmem>>) target(%dma_start3A_619 : memref<10000x128xf32, #tpu.memory_space<vmem_shared>>) offsets(%dma_start3A_616 : memref<128xi32, #tpu.memory_space<vmem>>) semaphore(%arg14 : memref<!tpu.dma_semaphore, #tpu.memory_space<semaphore_mem>>) {add = true}
      } else {
      }
      %eq3A = arith.constant 0 : i32
      %eq3A_87 = arith.cmpi eq, %scan3A_78, %eq3A : i32
      %convert_element_type3A_88 = arith.extui %eq3A_87 : i1 to i32
      %cond3A_89 = arith.constant 0 : i32
      %cond3A_90 = arith.cmpi ne, %convert_element_type3A_88, %cond3A_89 : i32
      scf.if %cond3A_90 {
        %mul3A_520 = arith.constant 32 : i32
        %mul3A_521 = arith.muli %add3A_82, %mul3A_520 : i32
        %add3A_522 = arith.addi %add3A, %mul3A_521 : i32
        %dma_wait3A_523 = arith.constant 0 : i32
        %dma_wait3A_524 = arith.constant 0 : i32
        %dma_wait3A_525 = arith.constant 0 : i32
        %dma_wait3A_526 = tpu.memref_slice %arg6[%dma_wait3A_523, %dma_wait3A_524, %dma_wait3A_525] : memref<3x2x128xi32, #tpu.memory_space<vmem>> -> memref<1x2x128xi32, #tpu.memory_space<vmem>>
        %dma_wait3A_527 = tpu.memref_squeeze %dma_wait3A_526 : memref<1x2x128xi32, #tpu.memory_space<vmem>> -> memref<2x128xi32, #tpu.memory_space<vmem>>
        %dma_wait3A_528 = arith.constant 0 : i32
        %dma_wait3A_529 = arith.constant 0 : i32
        %dma_wait3A_530 = tpu.memref_slice %arg2[%add3A, %dma_wait3A_528, %dma_wait3A_529] : memref<2500x2x128xi32, #tpu.memory_space<hbm>> -> memref<1x2x128xi32, #tpu.memory_space<hbm>>
        %dma_wait3A_531 = tpu.memref_squeeze %dma_wait3A_530 : memref<1x2x128xi32, #tpu.memory_space<hbm>> -> memref<2x128xi32, #tpu.memory_space<hbm>>
        %dma_wait3A_532 = arith.constant 0 : i32
        %dma_wait3A_533 = arith.constant 0 : i32
        %dma_wait3A_534 = tpu.memref_slice %arg6[%dma_wait3A_523, %dma_wait3A_532, %dma_wait3A_533] : memref<3x2x128xi32, #tpu.memory_space<vmem>> -> memref<1x2x128xi32, #tpu.memory_space<vmem>>
        %dma_wait3A_535 = tpu.memref_squeeze %dma_wait3A_534 : memref<1x2x128xi32, #tpu.memory_space<vmem>> -> memref<2x128xi32, #tpu.memory_space<vmem>>
        %dma_wait3A_536 = arith.constant 0 : i32
        %dma_wait3A_537 = arith.constant 0 : i32
        %dma_wait3A_538 = tpu.memref_slice %arg2[%add3A, %dma_wait3A_536, %dma_wait3A_537] : memref<2500x2x128xi32, #tpu.memory_space<hbm>> -> memref<1x2x128xi32, #tpu.memory_space<hbm>>
        %dma_wait3A_539 = tpu.memref_squeeze %dma_wait3A_538 : memref<1x2x128xi32, #tpu.memory_space<hbm>> -> memref<2x128xi32, #tpu.memory_space<hbm>>
        tpu.wait_dma2 semaphore(%arg11 : memref<!tpu.dma_semaphore, #tpu.memory_space<semaphore_mem>>) src(%dma_wait3A_539 : memref<2x128xi32, #tpu.memory_space<hbm>>) dst(%dma_wait3A_535 : memref<2x128xi32, #tpu.memory_space<vmem>>)
        %mul3A_540 = arith.constant 128 : i32
        %mul3A_541 = arith.muli %add3A_522, %mul3A_540 : i32
        %dma_start3A_542 = arith.constant 0 : i32
        %dma_start3A_543 = arith.constant 0 : i32
        %dma_start3A_544 = arith.constant 0 : i32
        %dma_start3A_545 = tpu.memref_slice %arg7[%dma_start3A_542, %dma_start3A_543, %dma_start3A_544] : memref<2x128x128xf32, #tpu.memory_space<vmem>> -> memref<1x128x128xf32, #tpu.memory_space<vmem>>
        %dma_start3A_546 = tpu.memref_squeeze %dma_start3A_545 : memref<1x128x128xf32, #tpu.memory_space<vmem>> -> memref<128x128xf32, #tpu.memory_space<vmem>>
        %dma_start3A_547 = arith.constant 0 : i32
        %dma_start3A_548 = tpu.memref_slice %arg3[%mul3A_541, %dma_start3A_547] : memref<320000x128xf32, #tpu.memory_space<hbm>> -> memref<128x128xf32, #tpu.memory_space<hbm>>
        %dma_start3A_549 = arith.constant 0 : i32
        %dma_start3A_550 = arith.constant 0 : i32
        %dma_start3A_551 = tpu.memref_slice %arg7[%dma_start3A_542, %dma_start3A_549, %dma_start3A_550] : memref<2x128x128xf32, #tpu.memory_space<vmem>> -> memref<1x128x128xf32, #tpu.memory_space<vmem>>
        %dma_start3A_552 = tpu.memref_squeeze %dma_start3A_551 : memref<1x128x128xf32, #tpu.memory_space<vmem>> -> memref<128x128xf32, #tpu.memory_space<vmem>>
        %dma_start3A_553 = arith.constant 0 : i32
        %dma_start3A_554 = tpu.memref_slice %arg3[%mul3A_541, %dma_start3A_553] : memref<320000x128xf32, #tpu.memory_space<hbm>> -> memref<128x128xf32, #tpu.memory_space<hbm>>
        tpu.enqueue_dma source(%dma_start3A_554 : memref<128x128xf32, #tpu.memory_space<hbm>>) target(%dma_start3A_552 : memref<128x128xf32, #tpu.memory_space<vmem>>) target_semaphore(%arg9 : memref<!tpu.dma_semaphore, #tpu.memory_space<semaphore_mem>>)
        %add3A_555 = arith.constant 1 : i32
        %add3A_556 = arith.addi %add3A_82, %add3A_555 : i32
        %mul3A_557 = arith.constant 32 : i32
        %mul3A_558 = arith.muli %add3A_556, %mul3A_557 : i32
        %add3A_559 = arith.addi %add3A, %mul3A_558 : i32
        %min3A_560 = arith.constant 2499 : i32
        %min3A_561 = arith.minsi %add3A_559, %min3A_560 : i32
        %dma_start3A_562 = arith.constant 1 : i32
        %dma_start3A_563 = arith.constant 0 : i32
        %dma_start3A_564 = arith.constant 0 : i32
        %dma_start3A_565 = tpu.memref_slice %arg6[%dma_start3A_562, %dma_start3A_563, %dma_start3A_564] : memref<3x2x128xi32, #tpu.memory_space<vmem>> -> memref<1x2x128xi32, #tpu.memory_space<vmem>>
        %dma_start3A_566 = tpu.memref_squeeze %dma_start3A_565 : memref<1x2x128xi32, #tpu.memory_space<vmem>> -> memref<2x128xi32, #tpu.memory_space<vmem>>
        %dma_start3A_567 = arith.constant 0 : i32
        %dma_start3A_568 = arith.constant 0 : i32
        %dma_start3A_569 = tpu.memref_slice %arg2[%min3A_561, %dma_start3A_567, %dma_start3A_568] : memref<2500x2x128xi32, #tpu.memory_space<hbm>> -> memref<1x2x128xi32, #tpu.memory_space<hbm>>
        %dma_start3A_570 = tpu.memref_squeeze %dma_start3A_569 : memref<1x2x128xi32, #tpu.memory_space<hbm>> -> memref<2x128xi32, #tpu.memory_space<hbm>>
        %dma_start3A_571 = arith.constant 0 : i32
        %dma_start3A_572 = arith.constant 0 : i32
        %dma_start3A_573 = tpu.memref_slice %arg6[%dma_start3A_562, %dma_start3A_571, %dma_start3A_572] : memref<3x2x128xi32, #tpu.memory_space<vmem>> -> memref<1x2x128xi32, #tpu.memory_space<vmem>>
        %dma_start3A_574 = tpu.memref_squeeze %dma_start3A_573 : memref<1x2x128xi32, #tpu.memory_space<vmem>> -> memref<2x128xi32, #tpu.memory_space<vmem>>
        %dma_start3A_575 = arith.constant 0 : i32
        %dma_start3A_576 = arith.constant 0 : i32
        %dma_start3A_577 = tpu.memref_slice %arg2[%min3A_561, %dma_start3A_575, %dma_start3A_576] : memref<2500x2x128xi32, #tpu.memory_space<hbm>> -> memref<1x2x128xi32, #tpu.memory_space<hbm>>
        %dma_start3A_578 = tpu.memref_squeeze %dma_start3A_577 : memref<1x2x128xi32, #tpu.memory_space<hbm>> -> memref<2x128xi32, #tpu.memory_space<hbm>>
        tpu.enqueue_dma source(%dma_start3A_578 : memref<2x128xi32, #tpu.memory_space<hbm>>) target(%dma_start3A_574 : memref<2x128xi32, #tpu.memory_space<vmem>>) target_semaphore(%arg12 : memref<!tpu.dma_semaphore, #tpu.memory_space<semaphore_mem>>)
        %mul3A_579 = arith.constant 128 : i32
        %mul3A_580 = arith.muli %add3A_522, %mul3A_579 : i32
        %dma_wait3A_581 = arith.constant 0 : i32
        %dma_wait3A_582 = arith.constant 0 : i32
        %dma_wait3A_583 = arith.constant 0 : i32
        %dma_wait3A_584 = tpu.memref_slice %arg7[%dma_wait3A_581, %dma_wait3A_582, %dma_wait3A_583] : memref<2x128x128xf32, #tpu.memory_space<vmem>> -> memref<1x128x128xf32, #tpu.memory_space<vmem>>
        %dma_wait3A_585 = tpu.memref_squeeze %dma_wait3A_584 : memref<1x128x128xf32, #tpu.memory_space<vmem>> -> memref<128x128xf32, #tpu.memory_space<vmem>>
        %dma_wait3A_586 = arith.constant 0 : i32
        %dma_wait3A_587 = tpu.memref_slice %arg3[%mul3A_580, %dma_wait3A_586] : memref<320000x128xf32, #tpu.memory_space<hbm>> -> memref<128x128xf32, #tpu.memory_space<hbm>>
        %dma_wait3A_588 = arith.constant 0 : i32
        %dma_wait3A_589 = arith.constant 0 : i32
        %dma_wait3A_590 = tpu.memref_slice %arg7[%dma_wait3A_581, %dma_wait3A_588, %dma_wait3A_589] : memref<2x128x128xf32, #tpu.memory_space<vmem>> -> memref<1x128x128xf32, #tpu.memory_space<vmem>>
        %dma_wait3A_591 = tpu.memref_squeeze %dma_wait3A_590 : memref<1x128x128xf32, #tpu.memory_space<vmem>> -> memref<128x128xf32, #tpu.memory_space<vmem>>
        %dma_wait3A_592 = arith.constant 0 : i32
        %dma_wait3A_593 = tpu.memref_slice %arg3[%mul3A_580, %dma_wait3A_592] : memref<320000x128xf32, #tpu.memory_space<hbm>> -> memref<128x128xf32, #tpu.memory_space<hbm>>
        tpu.wait_dma2 semaphore(%arg9 : memref<!tpu.dma_semaphore, #tpu.memory_space<semaphore_mem>>) src(%dma_wait3A_593 : memref<128x128xf32, #tpu.memory_space<hbm>>) dst(%dma_wait3A_591 : memref<128x128xf32, #tpu.memory_space<vmem>>)
        %dma_start3A_594 = arith.constant 0 : i32
        %dma_start3A_595 = arith.constant 0 : i32
        %dma_start3A_596 = arith.constant 1 : i32
        %dma_start3A_597 = arith.constant 0 : i32
        %dma_start3A_598 = arith.constant 0 : i32
        %dma_start3A_599 = tpu.memref_slice %arg7[%dma_start3A_594, %dma_start3A_597, %dma_start3A_598] : memref<2x128x128xf32, #tpu.memory_space<vmem>> -> memref<1x128x128xf32, #tpu.memory_space<vmem>>
        %dma_start3A_600 = tpu.memref_squeeze %dma_start3A_599 : memref<1x128x128xf32, #tpu.memory_space<vmem>> -> memref<128x128xf32, #tpu.memory_space<vmem>>
        %dma_start3A_601 = arith.constant 0 : i32
        %dma_start3A_602 = tpu.memref_slice %arg6[%dma_start3A_595, %dma_start3A_596, %dma_start3A_601] : memref<3x2x128xi32, #tpu.memory_space<vmem>> -> memref<1x1x128xi32, #tpu.memory_space<vmem>>
        %dma_start3A_603 = tpu.memref_squeeze %dma_start3A_602 : memref<1x1x128xi32, #tpu.memory_space<vmem>> -> memref<128xi32, #tpu.memory_space<vmem>>
        %dma_start3A_604 = arith.constant 0 : i32
        %dma_start3A_605 = arith.constant 0 : i32
        %dma_start3A_606 = tpu.memref_slice %arg8[%dma_start3A_604, %dma_start3A_605] : memref<10000x128xf32, #tpu.memory_space<vmem_shared>> -> memref<10000x128xf32, #tpu.memory_space<vmem_shared>>
        tpu.enqueue_indirect_dma source(%dma_start3A_600 : memref<128x128xf32, #tpu.memory_space<vmem>>) target(%dma_start3A_606 : memref<10000x128xf32, #tpu.memory_space<vmem_shared>>) offsets(%dma_start3A_603 : memref<128xi32, #tpu.memory_space<vmem>>) semaphore(%arg14 : memref<!tpu.dma_semaphore, #tpu.memory_space<semaphore_mem>>) {add = true}
      } else {
      }
      %mul3A_91 = arith.constant 6 : i32
      %mul3A_92 = arith.muli %mul3A_91, %scan3A_78 : i32
      %add3A_93 = arith.constant 1 : i32
      %add3A_94 = arith.addi %mul3A_92, %add3A_93 : i32
      %gt3A_95 = arith.constant 0 : i32
      %gt3A_96 = arith.cmpi sgt, %scan3A_78, %gt3A_95 : i32
      %convert_element_type3A_97 = arith.extui %gt3A_96 : i1 to i32
      %cond3A_98 = arith.constant 0 : i32
      %cond3A_99 = arith.cmpi ne, %convert_element_type3A_97, %cond3A_98 : i32
      scf.if %cond3A_99 {
        %mul3A_520 = arith.constant 32 : i32
        %mul3A_521 = arith.muli %add3A_94, %mul3A_520 : i32
        %add3A_522 = arith.addi %add3A, %mul3A_521 : i32
        %dma_wait3A_523 = arith.constant 1 : i32
        %dma_wait3A_524 = arith.constant 1 : i32
        %dma_wait3A_525 = arith.constant 1 : i32
        %dma_wait3A_526 = arith.constant 0 : i32
        %dma_wait3A_527 = arith.constant 0 : i32
        %dma_wait3A_528 = tpu.memref_slice %arg7[%dma_wait3A_523, %dma_wait3A_526, %dma_wait3A_527] : memref<2x128x128xf32, #tpu.memory_space<vmem>> -> memref<1x128x128xf32, #tpu.memory_space<vmem>>
        %dma_wait3A_529 = tpu.memref_squeeze %dma_wait3A_528 : memref<1x128x128xf32, #tpu.memory_space<vmem>> -> memref<128x128xf32, #tpu.memory_space<vmem>>
        %dma_wait3A_530 = arith.constant 0 : i32
        %dma_wait3A_531 = tpu.memref_slice %arg6[%dma_wait3A_524, %dma_wait3A_525, %dma_wait3A_530] : memref<3x2x128xi32, #tpu.memory_space<vmem>> -> memref<1x1x128xi32, #tpu.memory_space<vmem>>
        %dma_wait3A_532 = tpu.memref_squeeze %dma_wait3A_531 : memref<1x1x128xi32, #tpu.memory_space<vmem>> -> memref<128xi32, #tpu.memory_space<vmem>>
        %dma_wait3A_533 = arith.constant 0 : i32
        %dma_wait3A_534 = arith.constant 0 : i32
        %dma_wait3A_535 = tpu.memref_slice %arg8[%dma_wait3A_533, %dma_wait3A_534] : memref<10000x128xf32, #tpu.memory_space<vmem_shared>> -> memref<10000x128xf32, #tpu.memory_space<vmem_shared>>
        tpu.wait_indirect_dma semaphore(%arg15 : memref<!tpu.dma_semaphore, #tpu.memory_space<semaphore_mem>>) src(%dma_wait3A_529 : memref<128x128xf32, #tpu.memory_space<vmem>>) dst(%dma_wait3A_535 : memref<10000x128xf32, #tpu.memory_space<vmem_shared>>)
        %dma_wait3A_536 = arith.constant 1 : i32
        %dma_wait3A_537 = arith.constant 0 : i32
        %dma_wait3A_538 = arith.constant 0 : i32
        %dma_wait3A_539 = tpu.memref_slice %arg6[%dma_wait3A_536, %dma_wait3A_537, %dma_wait3A_538] : memref<3x2x128xi32, #tpu.memory_space<vmem>> -> memref<1x2x128xi32, #tpu.memory_space<vmem>>
        %dma_wait3A_540 = tpu.memref_squeeze %dma_wait3A_539 : memref<1x2x128xi32, #tpu.memory_space<vmem>> -> memref<2x128xi32, #tpu.memory_space<vmem>>
        %dma_wait3A_541 = arith.constant 0 : i32
        %dma_wait3A_542 = arith.constant 0 : i32
        %dma_wait3A_543 = tpu.memref_slice %arg2[%add3A, %dma_wait3A_541, %dma_wait3A_542] : memref<2500x2x128xi32, #tpu.memory_space<hbm>> -> memref<1x2x128xi32, #tpu.memory_space<hbm>>
        %dma_wait3A_544 = tpu.memref_squeeze %dma_wait3A_543 : memref<1x2x128xi32, #tpu.memory_space<hbm>> -> memref<2x128xi32, #tpu.memory_space<hbm>>
        %dma_wait3A_545 = arith.constant 0 : i32
        %dma_wait3A_546 = arith.constant 0 : i32
        %dma_wait3A_547 = tpu.memref_slice %arg6[%dma_wait3A_536, %dma_wait3A_545, %dma_wait3A_546] : memref<3x2x128xi32, #tpu.memory_space<vmem>> -> memref<1x2x128xi32, #tpu.memory_space<vmem>>
        %dma_wait3A_548 = tpu.memref_squeeze %dma_wait3A_547 : memref<1x2x128xi32, #tpu.memory_space<vmem>> -> memref<2x128xi32, #tpu.memory_space<vmem>>
        %dma_wait3A_549 = arith.constant 0 : i32
        %dma_wait3A_550 = arith.constant 0 : i32
        %dma_wait3A_551 = tpu.memref_slice %arg2[%add3A, %dma_wait3A_549, %dma_wait3A_550] : memref<2500x2x128xi32, #tpu.memory_space<hbm>> -> memref<1x2x128xi32, #tpu.memory_space<hbm>>
        %dma_wait3A_552 = tpu.memref_squeeze %dma_wait3A_551 : memref<1x2x128xi32, #tpu.memory_space<hbm>> -> memref<2x128xi32, #tpu.memory_space<hbm>>
        tpu.wait_dma2 semaphore(%arg12 : memref<!tpu.dma_semaphore, #tpu.memory_space<semaphore_mem>>) src(%dma_wait3A_552 : memref<2x128xi32, #tpu.memory_space<hbm>>) dst(%dma_wait3A_548 : memref<2x128xi32, #tpu.memory_space<vmem>>)
        %mul3A_553 = arith.constant 128 : i32
        %mul3A_554 = arith.muli %add3A_522, %mul3A_553 : i32
        %dma_start3A_555 = arith.constant 1 : i32
        %dma_start3A_556 = arith.constant 0 : i32
        %dma_start3A_557 = arith.constant 0 : i32
        %dma_start3A_558 = tpu.memref_slice %arg7[%dma_start3A_555, %dma_start3A_556, %dma_start3A_557] : memref<2x128x128xf32, #tpu.memory_space<vmem>> -> memref<1x128x128xf32, #tpu.memory_space<vmem>>
        %dma_start3A_559 = tpu.memref_squeeze %dma_start3A_558 : memref<1x128x128xf32, #tpu.memory_space<vmem>> -> memref<128x128xf32, #tpu.memory_space<vmem>>
        %dma_start3A_560 = arith.constant 0 : i32
        %dma_start3A_561 = tpu.memref_slice %arg3[%mul3A_554, %dma_start3A_560] : memref<320000x128xf32, #tpu.memory_space<hbm>> -> memref<128x128xf32, #tpu.memory_space<hbm>>
        %dma_start3A_562 = arith.constant 0 : i32
        %dma_start3A_563 = arith.constant 0 : i32
        %dma_start3A_564 = tpu.memref_slice %arg7[%dma_start3A_555, %dma_start3A_562, %dma_start3A_563] : memref<2x128x128xf32, #tpu.memory_space<vmem>> -> memref<1x128x128xf32, #tpu.memory_space<vmem>>
        %dma_start3A_565 = tpu.memref_squeeze %dma_start3A_564 : memref<1x128x128xf32, #tpu.memory_space<vmem>> -> memref<128x128xf32, #tpu.memory_space<vmem>>
        %dma_start3A_566 = arith.constant 0 : i32
        %dma_start3A_567 = tpu.memref_slice %arg3[%mul3A_554, %dma_start3A_566] : memref<320000x128xf32, #tpu.memory_space<hbm>> -> memref<128x128xf32, #tpu.memory_space<hbm>>
        tpu.enqueue_dma source(%dma_start3A_567 : memref<128x128xf32, #tpu.memory_space<hbm>>) target(%dma_start3A_565 : memref<128x128xf32, #tpu.memory_space<vmem>>) target_semaphore(%arg9 : memref<!tpu.dma_semaphore, #tpu.memory_space<semaphore_mem>>)
        %add3A_568 = arith.constant 1 : i32
        %add3A_569 = arith.addi %add3A_94, %add3A_568 : i32
        %mul3A_570 = arith.constant 32 : i32
        %mul3A_571 = arith.muli %add3A_569, %mul3A_570 : i32
        %add3A_572 = arith.addi %add3A, %mul3A_571 : i32
        %min3A_573 = arith.constant 2499 : i32
        %min3A_574 = arith.minsi %add3A_572, %min3A_573 : i32
        %dma_start3A_575 = arith.constant 2 : i32
        %dma_start3A_576 = arith.constant 0 : i32
        %dma_start3A_577 = arith.constant 0 : i32
        %dma_start3A_578 = tpu.memref_slice %arg6[%dma_start3A_575, %dma_start3A_576, %dma_start3A_577] : memref<3x2x128xi32, #tpu.memory_space<vmem>> -> memref<1x2x128xi32, #tpu.memory_space<vmem>>
        %dma_start3A_579 = tpu.memref_squeeze %dma_start3A_578 : memref<1x2x128xi32, #tpu.memory_space<vmem>> -> memref<2x128xi32, #tpu.memory_space<vmem>>
        %dma_start3A_580 = arith.constant 0 : i32
        %dma_start3A_581 = arith.constant 0 : i32
        %dma_start3A_582 = tpu.memref_slice %arg2[%min3A_574, %dma_start3A_580, %dma_start3A_581] : memref<2500x2x128xi32, #tpu.memory_space<hbm>> -> memref<1x2x128xi32, #tpu.memory_space<hbm>>
        %dma_start3A_583 = tpu.memref_squeeze %dma_start3A_582 : memref<1x2x128xi32, #tpu.memory_space<hbm>> -> memref<2x128xi32, #tpu.memory_space<hbm>>
        %dma_start3A_584 = arith.constant 0 : i32
        %dma_start3A_585 = arith.constant 0 : i32
        %dma_start3A_586 = tpu.memref_slice %arg6[%dma_start3A_575, %dma_start3A_584, %dma_start3A_585] : memref<3x2x128xi32, #tpu.memory_space<vmem>> -> memref<1x2x128xi32, #tpu.memory_space<vmem>>
        %dma_start3A_587 = tpu.memref_squeeze %dma_start3A_586 : memref<1x2x128xi32, #tpu.memory_space<vmem>> -> memref<2x128xi32, #tpu.memory_space<vmem>>
        %dma_start3A_588 = arith.constant 0 : i32
        %dma_start3A_589 = arith.constant 0 : i32
        %dma_start3A_590 = tpu.memref_slice %arg2[%min3A_574, %dma_start3A_588, %dma_start3A_589] : memref<2500x2x128xi32, #tpu.memory_space<hbm>> -> memref<1x2x128xi32, #tpu.memory_space<hbm>>
        %dma_start3A_591 = tpu.memref_squeeze %dma_start3A_590 : memref<1x2x128xi32, #tpu.memory_space<hbm>> -> memref<2x128xi32, #tpu.memory_space<hbm>>
        tpu.enqueue_dma source(%dma_start3A_591 : memref<2x128xi32, #tpu.memory_space<hbm>>) target(%dma_start3A_587 : memref<2x128xi32, #tpu.memory_space<vmem>>) target_semaphore(%arg13 : memref<!tpu.dma_semaphore, #tpu.memory_space<semaphore_mem>>)
        %mul3A_592 = arith.constant 128 : i32
        %mul3A_593 = arith.muli %add3A_522, %mul3A_592 : i32
        %dma_wait3A_594 = arith.constant 1 : i32
        %dma_wait3A_595 = arith.constant 0 : i32
        %dma_wait3A_596 = arith.constant 0 : i32
        %dma_wait3A_597 = tpu.memref_slice %arg7[%dma_wait3A_594, %dma_wait3A_595, %dma_wait3A_596] : memref<2x128x128xf32, #tpu.memory_space<vmem>> -> memref<1x128x128xf32, #tpu.memory_space<vmem>>
        %dma_wait3A_598 = tpu.memref_squeeze %dma_wait3A_597 : memref<1x128x128xf32, #tpu.memory_space<vmem>> -> memref<128x128xf32, #tpu.memory_space<vmem>>
        %dma_wait3A_599 = arith.constant 0 : i32
        %dma_wait3A_600 = tpu.memref_slice %arg3[%mul3A_593, %dma_wait3A_599] : memref<320000x128xf32, #tpu.memory_space<hbm>> -> memref<128x128xf32, #tpu.memory_space<hbm>>
        %dma_wait3A_601 = arith.constant 0 : i32
        %dma_wait3A_602 = arith.constant 0 : i32
        %dma_wait3A_603 = tpu.memref_slice %arg7[%dma_wait3A_594, %dma_wait3A_601, %dma_wait3A_602] : memref<2x128x128xf32, #tpu.memory_space<vmem>> -> memref<1x128x128xf32, #tpu.memory_space<vmem>>
        %dma_wait3A_604 = tpu.memref_squeeze %dma_wait3A_603 : memref<1x128x128xf32, #tpu.memory_space<vmem>> -> memref<128x128xf32, #tpu.memory_space<vmem>>
        %dma_wait3A_605 = arith.constant 0 : i32
        %dma_wait3A_606 = tpu.memref_slice %arg3[%mul3A_593, %dma_wait3A_605] : memref<320000x128xf32, #tpu.memory_space<hbm>> -> memref<128x128xf32, #tpu.memory_space<hbm>>
        tpu.wait_dma2 semaphore(%arg9 : memref<!tpu.dma_semaphore, #tpu.memory_space<semaphore_mem>>) src(%dma_wait3A_606 : memref<128x128xf32, #tpu.memory_space<hbm>>) dst(%dma_wait3A_604 : memref<128x128xf32, #tpu.memory_space<vmem>>)
        %dma_start3A_607 = arith.constant 1 : i32
        %dma_start3A_608 = arith.constant 1 : i32
        %dma_start3A_609 = arith.constant 1 : i32
        %dma_start3A_610 = arith.constant 0 : i32
        %dma_start3A_611 = arith.constant 0 : i32
        %dma_start3A_612 = tpu.memref_slice %arg7[%dma_start3A_607, %dma_start3A_610, %dma_start3A_611] : memref<2x128x128xf32, #tpu.memory_space<vmem>> -> memref<1x128x128xf32, #tpu.memory_space<vmem>>
        %dma_start3A_613 = tpu.memref_squeeze %dma_start3A_612 : memref<1x128x128xf32, #tpu.memory_space<vmem>> -> memref<128x128xf32, #tpu.memory_space<vmem>>
        %dma_start3A_614 = arith.constant 0 : i32
        %dma_start3A_615 = tpu.memref_slice %arg6[%dma_start3A_608, %dma_start3A_609, %dma_start3A_614] : memref<3x2x128xi32, #tpu.memory_space<vmem>> -> memref<1x1x128xi32, #tpu.memory_space<vmem>>
        %dma_start3A_616 = tpu.memref_squeeze %dma_start3A_615 : memref<1x1x128xi32, #tpu.memory_space<vmem>> -> memref<128xi32, #tpu.memory_space<vmem>>
        %dma_start3A_617 = arith.constant 0 : i32
        %dma_start3A_618 = arith.constant 0 : i32
        %dma_start3A_619 = tpu.memref_slice %arg8[%dma_start3A_617, %dma_start3A_618] : memref<10000x128xf32, #tpu.memory_space<vmem_shared>> -> memref<10000x128xf32, #tpu.memory_space<vmem_shared>>
        tpu.enqueue_indirect_dma source(%dma_start3A_613 : memref<128x128xf32, #tpu.memory_space<vmem>>) target(%dma_start3A_619 : memref<10000x128xf32, #tpu.memory_space<vmem_shared>>) offsets(%dma_start3A_616 : memref<128xi32, #tpu.memory_space<vmem>>) semaphore(%arg15 : memref<!tpu.dma_semaphore, #tpu.memory_space<semaphore_mem>>) {add = true}
      } else {
      }
      %eq3A_100 = arith.constant 0 : i32
      %eq3A_101 = arith.cmpi eq, %scan3A_78, %eq3A_100 : i32
      %convert_element_type3A_102 = arith.extui %eq3A_101 : i1 to i32
      %cond3A_103 = arith.constant 0 : i32
      %cond3A_104 = arith.cmpi ne, %convert_element_type3A_102, %cond3A_103 : i32
      scf.if %cond3A_104 {
        %mul3A_520 = arith.constant 32 : i32
        %mul3A_521 = arith.muli %add3A_94, %mul3A_520 : i32
        %add3A_522 = arith.addi %add3A, %mul3A_521 : i32
        %dma_wait3A_523 = arith.constant 1 : i32
        %dma_wait3A_524 = arith.constant 0 : i32
        %dma_wait3A_525 = arith.constant 0 : i32
        %dma_wait3A_526 = tpu.memref_slice %arg6[%dma_wait3A_523, %dma_wait3A_524, %dma_wait3A_525] : memref<3x2x128xi32, #tpu.memory_space<vmem>> -> memref<1x2x128xi32, #tpu.memory_space<vmem>>
        %dma_wait3A_527 = tpu.memref_squeeze %dma_wait3A_526 : memref<1x2x128xi32, #tpu.memory_space<vmem>> -> memref<2x128xi32, #tpu.memory_space<vmem>>
        %dma_wait3A_528 = arith.constant 0 : i32
        %dma_wait3A_529 = arith.constant 0 : i32
        %dma_wait3A_530 = tpu.memref_slice %arg2[%add3A, %dma_wait3A_528, %dma_wait3A_529] : memref<2500x2x128xi32, #tpu.memory_space<hbm>> -> memref<1x2x128xi32, #tpu.memory_space<hbm>>
        %dma_wait3A_531 = tpu.memref_squeeze %dma_wait3A_530 : memref<1x2x128xi32, #tpu.memory_space<hbm>> -> memref<2x128xi32, #tpu.memory_space<hbm>>
        %dma_wait3A_532 = arith.constant 0 : i32
        %dma_wait3A_533 = arith.constant 0 : i32
        %dma_wait3A_534 = tpu.memref_slice %arg6[%dma_wait3A_523, %dma_wait3A_532, %dma_wait3A_533] : memref<3x2x128xi32, #tpu.memory_space<vmem>> -> memref<1x2x128xi32, #tpu.memory_space<vmem>>
        %dma_wait3A_535 = tpu.memref_squeeze %dma_wait3A_534 : memref<1x2x128xi32, #tpu.memory_space<vmem>> -> memref<2x128xi32, #tpu.memory_space<vmem>>
        %dma_wait3A_536 = arith.constant 0 : i32
        %dma_wait3A_537 = arith.constant 0 : i32
        %dma_wait3A_538 = tpu.memref_slice %arg2[%add3A, %dma_wait3A_536, %dma_wait3A_537] : memref<2500x2x128xi32, #tpu.memory_space<hbm>> -> memref<1x2x128xi32, #tpu.memory_space<hbm>>
        %dma_wait3A_539 = tpu.memref_squeeze %dma_wait3A_538 : memref<1x2x128xi32, #tpu.memory_space<hbm>> -> memref<2x128xi32, #tpu.memory_space<hbm>>
        tpu.wait_dma2 semaphore(%arg12 : memref<!tpu.dma_semaphore, #tpu.memory_space<semaphore_mem>>) src(%dma_wait3A_539 : memref<2x128xi32, #tpu.memory_space<hbm>>) dst(%dma_wait3A_535 : memref<2x128xi32, #tpu.memory_space<vmem>>)
        %mul3A_540 = arith.constant 128 : i32
        %mul3A_541 = arith.muli %add3A_522, %mul3A_540 : i32
        %dma_start3A_542 = arith.constant 1 : i32
        %dma_start3A_543 = arith.constant 0 : i32
        %dma_start3A_544 = arith.constant 0 : i32
        %dma_start3A_545 = tpu.memref_slice %arg7[%dma_start3A_542, %dma_start3A_543, %dma_start3A_544] : memref<2x128x128xf32, #tpu.memory_space<vmem>> -> memref<1x128x128xf32, #tpu.memory_space<vmem>>
        %dma_start3A_546 = tpu.memref_squeeze %dma_start3A_545 : memref<1x128x128xf32, #tpu.memory_space<vmem>> -> memref<128x128xf32, #tpu.memory_space<vmem>>
        %dma_start3A_547 = arith.constant 0 : i32
        %dma_start3A_548 = tpu.memref_slice %arg3[%mul3A_541, %dma_start3A_547] : memref<320000x128xf32, #tpu.memory_space<hbm>> -> memref<128x128xf32, #tpu.memory_space<hbm>>
        %dma_start3A_549 = arith.constant 0 : i32
        %dma_start3A_550 = arith.constant 0 : i32
        %dma_start3A_551 = tpu.memref_slice %arg7[%dma_start3A_542, %dma_start3A_549, %dma_start3A_550] : memref<2x128x128xf32, #tpu.memory_space<vmem>> -> memref<1x128x128xf32, #tpu.memory_space<vmem>>
        %dma_start3A_552 = tpu.memref_squeeze %dma_start3A_551 : memref<1x128x128xf32, #tpu.memory_space<vmem>> -> memref<128x128xf32, #tpu.memory_space<vmem>>
        %dma_start3A_553 = arith.constant 0 : i32
        %dma_start3A_554 = tpu.memref_slice %arg3[%mul3A_541, %dma_start3A_553] : memref<320000x128xf32, #tpu.memory_space<hbm>> -> memref<128x128xf32, #tpu.memory_space<hbm>>
        tpu.enqueue_dma source(%dma_start3A_554 : memref<128x128xf32, #tpu.memory_space<hbm>>) target(%dma_start3A_552 : memref<128x128xf32, #tpu.memory_space<vmem>>) target_semaphore(%arg9 : memref<!tpu.dma_semaphore, #tpu.memory_space<semaphore_mem>>)
        %add3A_555 = arith.constant 1 : i32
        %add3A_556 = arith.addi %add3A_94, %add3A_555 : i32
        %mul3A_557 = arith.constant 32 : i32
        %mul3A_558 = arith.muli %add3A_556, %mul3A_557 : i32
        %add3A_559 = arith.addi %add3A, %mul3A_558 : i32
        %min3A_560 = arith.constant 2499 : i32
        %min3A_561 = arith.minsi %add3A_559, %min3A_560 : i32
        %dma_start3A_562 = arith.constant 2 : i32
        %dma_start3A_563 = arith.constant 0 : i32
        %dma_start3A_564 = arith.constant 0 : i32
        %dma_start3A_565 = tpu.memref_slice %arg6[%dma_start3A_562, %dma_start3A_563, %dma_start3A_564] : memref<3x2x128xi32, #tpu.memory_space<vmem>> -> memref<1x2x128xi32, #tpu.memory_space<vmem>>
        %dma_start3A_566 = tpu.memref_squeeze %dma_start3A_565 : memref<1x2x128xi32, #tpu.memory_space<vmem>> -> memref<2x128xi32, #tpu.memory_space<vmem>>
        %dma_start3A_567 = arith.constant 0 : i32
        %dma_start3A_568 = arith.constant 0 : i32
        %dma_start3A_569 = tpu.memref_slice %arg2[%min3A_561, %dma_start3A_567, %dma_start3A_568] : memref<2500x2x128xi32, #tpu.memory_space<hbm>> -> memref<1x2x128xi32, #tpu.memory_space<hbm>>
        %dma_start3A_570 = tpu.memref_squeeze %dma_start3A_569 : memref<1x2x128xi32, #tpu.memory_space<hbm>> -> memref<2x128xi32, #tpu.memory_space<hbm>>
        %dma_start3A_571 = arith.constant 0 : i32
        %dma_start3A_572 = arith.constant 0 : i32
        %dma_start3A_573 = tpu.memref_slice %arg6[%dma_start3A_562, %dma_start3A_571, %dma_start3A_572] : memref<3x2x128xi32, #tpu.memory_space<vmem>> -> memref<1x2x128xi32, #tpu.memory_space<vmem>>
        %dma_start3A_574 = tpu.memref_squeeze %dma_start3A_573 : memref<1x2x128xi32, #tpu.memory_space<vmem>> -> memref<2x128xi32, #tpu.memory_space<vmem>>
        %dma_start3A_575 = arith.constant 0 : i32
        %dma_start3A_576 = arith.constant 0 : i32
        %dma_start3A_577 = tpu.memref_slice %arg2[%min3A_561, %dma_start3A_575, %dma_start3A_576] : memref<2500x2x128xi32, #tpu.memory_space<hbm>> -> memref<1x2x128xi32, #tpu.memory_space<hbm>>
        %dma_start3A_578 = tpu.memref_squeeze %dma_start3A_577 : memref<1x2x128xi32, #tpu.memory_space<hbm>> -> memref<2x128xi32, #tpu.memory_space<hbm>>
        tpu.enqueue_dma source(%dma_start3A_578 : memref<2x128xi32, #tpu.memory_space<hbm>>) target(%dma_start3A_574 : memref<2x128xi32, #tpu.memory_space<vmem>>) target_semaphore(%arg13 : memref<!tpu.dma_semaphore, #tpu.memory_space<semaphore_mem>>)
        %mul3A_579 = arith.constant 128 : i32
        %mul3A_580 = arith.muli %add3A_522, %mul3A_579 : i32
        %dma_wait3A_581 = arith.constant 1 : i32
        %dma_wait3A_582 = arith.constant 0 : i32
        %dma_wait3A_583 = arith.constant 0 : i32
        %dma_wait3A_584 = tpu.memref_slice %arg7[%dma_wait3A_581, %dma_wait3A_582, %dma_wait3A_583] : memref<2x128x128xf32, #tpu.memory_space<vmem>> -> memref<1x128x128xf32, #tpu.memory_space<vmem>>
        %dma_wait3A_585 = tpu.memref_squeeze %dma_wait3A_584 : memref<1x128x128xf32, #tpu.memory_space<vmem>> -> memref<128x128xf32, #tpu.memory_space<vmem>>
        %dma_wait3A_586 = arith.constant 0 : i32
        %dma_wait3A_587 = tpu.memref_slice %arg3[%mul3A_580, %dma_wait3A_586] : memref<320000x128xf32, #tpu.memory_space<hbm>> -> memref<128x128xf32, #tpu.memory_space<hbm>>
        %dma_wait3A_588 = arith.constant 0 : i32
        %dma_wait3A_589 = arith.constant 0 : i32
        %dma_wait3A_590 = tpu.memref_slice %arg7[%dma_wait3A_581, %dma_wait3A_588, %dma_wait3A_589] : memref<2x128x128xf32, #tpu.memory_space<vmem>> -> memref<1x128x128xf32, #tpu.memory_space<vmem>>
        %dma_wait3A_591 = tpu.memref_squeeze %dma_wait3A_590 : memref<1x128x128xf32, #tpu.memory_space<vmem>> -> memref<128x128xf32, #tpu.memory_space<vmem>>
        %dma_wait3A_592 = arith.constant 0 : i32
        %dma_wait3A_593 = tpu.memref_slice %arg3[%mul3A_580, %dma_wait3A_592] : memref<320000x128xf32, #tpu.memory_space<hbm>> -> memref<128x128xf32, #tpu.memory_space<hbm>>
        tpu.wait_dma2 semaphore(%arg9 : memref<!tpu.dma_semaphore, #tpu.memory_space<semaphore_mem>>) src(%dma_wait3A_593 : memref<128x128xf32, #tpu.memory_space<hbm>>) dst(%dma_wait3A_591 : memref<128x128xf32, #tpu.memory_space<vmem>>)
        %dma_start3A_594 = arith.constant 1 : i32
        %dma_start3A_595 = arith.constant 1 : i32
        %dma_start3A_596 = arith.constant 1 : i32
        %dma_start3A_597 = arith.constant 0 : i32
        %dma_start3A_598 = arith.constant 0 : i32
        %dma_start3A_599 = tpu.memref_slice %arg7[%dma_start3A_594, %dma_start3A_597, %dma_start3A_598] : memref<2x128x128xf32, #tpu.memory_space<vmem>> -> memref<1x128x128xf32, #tpu.memory_space<vmem>>
        %dma_start3A_600 = tpu.memref_squeeze %dma_start3A_599 : memref<1x128x128xf32, #tpu.memory_space<vmem>> -> memref<128x128xf32, #tpu.memory_space<vmem>>
        %dma_start3A_601 = arith.constant 0 : i32
        %dma_start3A_602 = tpu.memref_slice %arg6[%dma_start3A_595, %dma_start3A_596, %dma_start3A_601] : memref<3x2x128xi32, #tpu.memory_space<vmem>> -> memref<1x1x128xi32, #tpu.memory_space<vmem>>
        %dma_start3A_603 = tpu.memref_squeeze %dma_start3A_602 : memref<1x1x128xi32, #tpu.memory_space<vmem>> -> memref<128xi32, #tpu.memory_space<vmem>>
        %dma_start3A_604 = arith.constant 0 : i32
        %dma_start3A_605 = arith.constant 0 : i32
        %dma_start3A_606 = tpu.memref_slice %arg8[%dma_start3A_604, %dma_start3A_605] : memref<10000x128xf32, #tpu.memory_space<vmem_shared>> -> memref<10000x128xf32, #tpu.memory_space<vmem_shared>>
        tpu.enqueue_indirect_dma source(%dma_start3A_600 : memref<128x128xf32, #tpu.memory_space<vmem>>) target(%dma_start3A_606 : memref<10000x128xf32, #tpu.memory_space<vmem_shared>>) offsets(%dma_start3A_603 : memref<128xi32, #tpu.memory_space<vmem>>) semaphore(%arg15 : memref<!tpu.dma_semaphore, #tpu.memory_space<semaphore_mem>>) {add = true}
      } else {
      }
      %mul3A_105 = arith.constant 6 : i32
      %mul3A_106 = arith.muli %mul3A_105, %scan3A_78 : i32
      %add3A_107 = arith.constant 2 : i32
      %add3A_108 = arith.addi %mul3A_106, %add3A_107 : i32
      %mul3A_109 = arith.constant 32 : i32
      %mul3A_110 = arith.muli %add3A_108, %mul3A_109 : i32
      %add3A_111 = arith.addi %add3A, %mul3A_110 : i32
      %dma_wait3A_112 = arith.constant 0 : i32
      %dma_wait3A_113 = arith.constant 2 : i32
      %dma_wait3A_114 = arith.constant 1 : i32
      %dma_wait3A_115 = arith.constant 0 : i32
      %dma_wait3A_116 = arith.constant 0 : i32
      %dma_wait3A_117 = tpu.memref_slice %arg7[%dma_wait3A_112, %dma_wait3A_115, %dma_wait3A_116] : memref<2x128x128xf32, #tpu.memory_space<vmem>> -> memref<1x128x128xf32, #tpu.memory_space<vmem>>
      %dma_wait3A_118 = tpu.memref_squeeze %dma_wait3A_117 : memref<1x128x128xf32, #tpu.memory_space<vmem>> -> memref<128x128xf32, #tpu.memory_space<vmem>>
      %dma_wait3A_119 = arith.constant 0 : i32
      %dma_wait3A_120 = tpu.memref_slice %arg6[%dma_wait3A_113, %dma_wait3A_114, %dma_wait3A_119] : memref<3x2x128xi32, #tpu.memory_space<vmem>> -> memref<1x1x128xi32, #tpu.memory_space<vmem>>
      %dma_wait3A_121 = tpu.memref_squeeze %dma_wait3A_120 : memref<1x1x128xi32, #tpu.memory_space<vmem>> -> memref<128xi32, #tpu.memory_space<vmem>>
      %dma_wait3A_122 = arith.constant 0 : i32
      %dma_wait3A_123 = arith.constant 0 : i32
      %dma_wait3A_124 = tpu.memref_slice %arg8[%dma_wait3A_122, %dma_wait3A_123] : memref<10000x128xf32, #tpu.memory_space<vmem_shared>> -> memref<10000x128xf32, #tpu.memory_space<vmem_shared>>
      tpu.wait_indirect_dma semaphore(%arg14 : memref<!tpu.dma_semaphore, #tpu.memory_space<semaphore_mem>>) src(%dma_wait3A_118 : memref<128x128xf32, #tpu.memory_space<vmem>>) dst(%dma_wait3A_124 : memref<10000x128xf32, #tpu.memory_space<vmem_shared>>)
      %dma_wait3A_125 = arith.constant 2 : i32
      %dma_wait3A_126 = arith.constant 0 : i32
      %dma_wait3A_127 = arith.constant 0 : i32
      %dma_wait3A_128 = tpu.memref_slice %arg6[%dma_wait3A_125, %dma_wait3A_126, %dma_wait3A_127] : memref<3x2x128xi32, #tpu.memory_space<vmem>> -> memref<1x2x128xi32, #tpu.memory_space<vmem>>
      %dma_wait3A_129 = tpu.memref_squeeze %dma_wait3A_128 : memref<1x2x128xi32, #tpu.memory_space<vmem>> -> memref<2x128xi32, #tpu.memory_space<vmem>>
      %dma_wait3A_130 = arith.constant 0 : i32
      %dma_wait3A_131 = arith.constant 0 : i32
      %dma_wait3A_132 = tpu.memref_slice %arg2[%add3A, %dma_wait3A_130, %dma_wait3A_131] : memref<2500x2x128xi32, #tpu.memory_space<hbm>> -> memref<1x2x128xi32, #tpu.memory_space<hbm>>
      %dma_wait3A_133 = tpu.memref_squeeze %dma_wait3A_132 : memref<1x2x128xi32, #tpu.memory_space<hbm>> -> memref<2x128xi32, #tpu.memory_space<hbm>>
      %dma_wait3A_134 = arith.constant 0 : i32
      %dma_wait3A_135 = arith.constant 0 : i32
      %dma_wait3A_136 = tpu.memref_slice %arg6[%dma_wait3A_125, %dma_wait3A_134, %dma_wait3A_135] : memref<3x2x128xi32, #tpu.memory_space<vmem>> -> memref<1x2x128xi32, #tpu.memory_space<vmem>>
      %dma_wait3A_137 = tpu.memref_squeeze %dma_wait3A_136 : memref<1x2x128xi32, #tpu.memory_space<vmem>> -> memref<2x128xi32, #tpu.memory_space<vmem>>
      %dma_wait3A_138 = arith.constant 0 : i32
      %dma_wait3A_139 = arith.constant 0 : i32
      %dma_wait3A_140 = tpu.memref_slice %arg2[%add3A, %dma_wait3A_138, %dma_wait3A_139] : memref<2500x2x128xi32, #tpu.memory_space<hbm>> -> memref<1x2x128xi32, #tpu.memory_space<hbm>>
      %dma_wait3A_141 = tpu.memref_squeeze %dma_wait3A_140 : memref<1x2x128xi32, #tpu.memory_space<hbm>> -> memref<2x128xi32, #tpu.memory_space<hbm>>
      tpu.wait_dma2 semaphore(%arg13 : memref<!tpu.dma_semaphore, #tpu.memory_space<semaphore_mem>>) src(%dma_wait3A_141 : memref<2x128xi32, #tpu.memory_space<hbm>>) dst(%dma_wait3A_137 : memref<2x128xi32, #tpu.memory_space<vmem>>)
      %mul3A_142 = arith.constant 128 : i32
      %mul3A_143 = arith.muli %add3A_111, %mul3A_142 : i32
      %dma_start3A_144 = arith.constant 0 : i32
      %dma_start3A_145 = arith.constant 0 : i32
      %dma_start3A_146 = arith.constant 0 : i32
      %dma_start3A_147 = tpu.memref_slice %arg7[%dma_start3A_144, %dma_start3A_145, %dma_start3A_146] : memref<2x128x128xf32, #tpu.memory_space<vmem>> -> memref<1x128x128xf32, #tpu.memory_space<vmem>>
      %dma_start3A_148 = tpu.memref_squeeze %dma_start3A_147 : memref<1x128x128xf32, #tpu.memory_space<vmem>> -> memref<128x128xf32, #tpu.memory_space<vmem>>
      %dma_start3A_149 = arith.constant 0 : i32
      %dma_start3A_150 = tpu.memref_slice %arg3[%mul3A_143, %dma_start3A_149] : memref<320000x128xf32, #tpu.memory_space<hbm>> -> memref<128x128xf32, #tpu.memory_space<hbm>>
      %dma_start3A_151 = arith.constant 0 : i32
      %dma_start3A_152 = arith.constant 0 : i32
      %dma_start3A_153 = tpu.memref_slice %arg7[%dma_start3A_144, %dma_start3A_151, %dma_start3A_152] : memref<2x128x128xf32, #tpu.memory_space<vmem>> -> memref<1x128x128xf32, #tpu.memory_space<vmem>>
      %dma_start3A_154 = tpu.memref_squeeze %dma_start3A_153 : memref<1x128x128xf32, #tpu.memory_space<vmem>> -> memref<128x128xf32, #tpu.memory_space<vmem>>
      %dma_start3A_155 = arith.constant 0 : i32
      %dma_start3A_156 = tpu.memref_slice %arg3[%mul3A_143, %dma_start3A_155] : memref<320000x128xf32, #tpu.memory_space<hbm>> -> memref<128x128xf32, #tpu.memory_space<hbm>>
      tpu.enqueue_dma source(%dma_start3A_156 : memref<128x128xf32, #tpu.memory_space<hbm>>) target(%dma_start3A_154 : memref<128x128xf32, #tpu.memory_space<vmem>>) target_semaphore(%arg9 : memref<!tpu.dma_semaphore, #tpu.memory_space<semaphore_mem>>)
      %add3A_157 = arith.constant 1 : i32
      %add3A_158 = arith.addi %add3A_108, %add3A_157 : i32
      %mul3A_159 = arith.constant 32 : i32
      %mul3A_160 = arith.muli %add3A_158, %mul3A_159 : i32
      %add3A_161 = arith.addi %add3A, %mul3A_160 : i32
      %min3A = arith.constant 2499 : i32
      %min3A_162 = arith.minsi %add3A_161, %min3A : i32
      %dma_start3A_163 = arith.constant 0 : i32
      %dma_start3A_164 = arith.constant 0 : i32
      %dma_start3A_165 = arith.constant 0 : i32
      %dma_start3A_166 = tpu.memref_slice %arg6[%dma_start3A_163, %dma_start3A_164, %dma_start3A_165] : memref<3x2x128xi32, #tpu.memory_space<vmem>> -> memref<1x2x128xi32, #tpu.memory_space<vmem>>
      %dma_start3A_167 = tpu.memref_squeeze %dma_start3A_166 : memref<1x2x128xi32, #tpu.memory_space<vmem>> -> memref<2x128xi32, #tpu.memory_space<vmem>>
      %dma_start3A_168 = arith.constant 0 : i32
      %dma_start3A_169 = arith.constant 0 : i32
      %dma_start3A_170 = tpu.memref_slice %arg2[%min3A_162, %dma_start3A_168, %dma_start3A_169] : memref<2500x2x128xi32, #tpu.memory_space<hbm>> -> memref<1x2x128xi32, #tpu.memory_space<hbm>>
      %dma_start3A_171 = tpu.memref_squeeze %dma_start3A_170 : memref<1x2x128xi32, #tpu.memory_space<hbm>> -> memref<2x128xi32, #tpu.memory_space<hbm>>
      %dma_start3A_172 = arith.constant 0 : i32
      %dma_start3A_173 = arith.constant 0 : i32
      %dma_start3A_174 = tpu.memref_slice %arg6[%dma_start3A_163, %dma_start3A_172, %dma_start3A_173] : memref<3x2x128xi32, #tpu.memory_space<vmem>> -> memref<1x2x128xi32, #tpu.memory_space<vmem>>
      %dma_start3A_175 = tpu.memref_squeeze %dma_start3A_174 : memref<1x2x128xi32, #tpu.memory_space<vmem>> -> memref<2x128xi32, #tpu.memory_space<vmem>>
      %dma_start3A_176 = arith.constant 0 : i32
      %dma_start3A_177 = arith.constant 0 : i32
      %dma_start3A_178 = tpu.memref_slice %arg2[%min3A_162, %dma_start3A_176, %dma_start3A_177] : memref<2500x2x128xi32, #tpu.memory_space<hbm>> -> memref<1x2x128xi32, #tpu.memory_space<hbm>>
      %dma_start3A_179 = tpu.memref_squeeze %dma_start3A_178 : memref<1x2x128xi32, #tpu.memory_space<hbm>> -> memref<2x128xi32, #tpu.memory_space<hbm>>
      tpu.enqueue_dma source(%dma_start3A_179 : memref<2x128xi32, #tpu.memory_space<hbm>>) target(%dma_start3A_175 : memref<2x128xi32, #tpu.memory_space<vmem>>) target_semaphore(%arg11 : memref<!tpu.dma_semaphore, #tpu.memory_space<semaphore_mem>>)
      %mul3A_180 = arith.constant 128 : i32
      %mul3A_181 = arith.muli %add3A_111, %mul3A_180 : i32
      %dma_wait3A_182 = arith.constant 0 : i32
      %dma_wait3A_183 = arith.constant 0 : i32
      %dma_wait3A_184 = arith.constant 0 : i32
      %dma_wait3A_185 = tpu.memref_slice %arg7[%dma_wait3A_182, %dma_wait3A_183, %dma_wait3A_184] : memref<2x128x128xf32, #tpu.memory_space<vmem>> -> memref<1x128x128xf32, #tpu.memory_space<vmem>>
      %dma_wait3A_186 = tpu.memref_squeeze %dma_wait3A_185 : memref<1x128x128xf32, #tpu.memory_space<vmem>> -> memref<128x128xf32, #tpu.memory_space<vmem>>
      %dma_wait3A_187 = arith.constant 0 : i32
      %dma_wait3A_188 = tpu.memref_slice %arg3[%mul3A_181, %dma_wait3A_187] : memref<320000x128xf32, #tpu.memory_space<hbm>> -> memref<128x128xf32, #tpu.memory_space<hbm>>
      %dma_wait3A_189 = arith.constant 0 : i32
      %dma_wait3A_190 = arith.constant 0 : i32
      %dma_wait3A_191 = tpu.memref_slice %arg7[%dma_wait3A_182, %dma_wait3A_189, %dma_wait3A_190] : memref<2x128x128xf32, #tpu.memory_space<vmem>> -> memref<1x128x128xf32, #tpu.memory_space<vmem>>
      %dma_wait3A_192 = tpu.memref_squeeze %dma_wait3A_191 : memref<1x128x128xf32, #tpu.memory_space<vmem>> -> memref<128x128xf32, #tpu.memory_space<vmem>>
      %dma_wait3A_193 = arith.constant 0 : i32
      %dma_wait3A_194 = tpu.memref_slice %arg3[%mul3A_181, %dma_wait3A_193] : memref<320000x128xf32, #tpu.memory_space<hbm>> -> memref<128x128xf32, #tpu.memory_space<hbm>>
      tpu.wait_dma2 semaphore(%arg9 : memref<!tpu.dma_semaphore, #tpu.memory_space<semaphore_mem>>) src(%dma_wait3A_194 : memref<128x128xf32, #tpu.memory_space<hbm>>) dst(%dma_wait3A_192 : memref<128x128xf32, #tpu.memory_space<vmem>>)
      %dma_start3A_195 = arith.constant 0 : i32
      %dma_start3A_196 = arith.constant 2 : i32
      %dma_start3A_197 = arith.constant 1 : i32
      %dma_start3A_198 = arith.constant 0 : i32
      %dma_start3A_199 = arith.constant 0 : i32
      %dma_start3A_200 = tpu.memref_slice %arg7[%dma_start3A_195, %dma_start3A_198, %dma_start3A_199] : memref<2x128x128xf32, #tpu.memory_space<vmem>> -> memref<1x128x128xf32, #tpu.memory_space<vmem>>
      %dma_start3A_201 = tpu.memref_squeeze %dma_start3A_200 : memref<1x128x128xf32, #tpu.memory_space<vmem>> -> memref<128x128xf32, #tpu.memory_space<vmem>>
      %dma_start3A_202 = arith.constant 0 : i32
      %dma_start3A_203 = tpu.memref_slice %arg6[%dma_start3A_196, %dma_start3A_197, %dma_start3A_202] : memref<3x2x128xi32, #tpu.memory_space<vmem>> -> memref<1x1x128xi32, #tpu.memory_space<vmem>>
      %dma_start3A_204 = tpu.memref_squeeze %dma_start3A_203 : memref<1x1x128xi32, #tpu.memory_space<vmem>> -> memref<128xi32, #tpu.memory_space<vmem>>
      %dma_start3A_205 = arith.constant 0 : i32
      %dma_start3A_206 = arith.constant 0 : i32
      %dma_start3A_207 = tpu.memref_slice %arg8[%dma_start3A_205, %dma_start3A_206] : memref<10000x128xf32, #tpu.memory_space<vmem_shared>> -> memref<10000x128xf32, #tpu.memory_space<vmem_shared>>
      tpu.enqueue_indirect_dma source(%dma_start3A_201 : memref<128x128xf32, #tpu.memory_space<vmem>>) target(%dma_start3A_207 : memref<10000x128xf32, #tpu.memory_space<vmem_shared>>) offsets(%dma_start3A_204 : memref<128xi32, #tpu.memory_space<vmem>>) semaphore(%arg14 : memref<!tpu.dma_semaphore, #tpu.memory_space<semaphore_mem>>) {add = true}
      %mul3A_208 = arith.constant 6 : i32
      %mul3A_209 = arith.muli %mul3A_208, %scan3A_78 : i32
      %add3A_210 = arith.constant 3 : i32
      %add3A_211 = arith.addi %mul3A_209, %add3A_210 : i32
      %mul3A_212 = arith.constant 32 : i32
      %mul3A_213 = arith.muli %add3A_211, %mul3A_212 : i32
      %add3A_214 = arith.addi %add3A, %mul3A_213 : i32
      %dma_wait3A_215 = arith.constant 1 : i32
      %dma_wait3A_216 = arith.constant 0 : i32
      %dma_wait3A_217 = arith.constant 1 : i32
      %dma_wait3A_218 = arith.constant 0 : i32
      %dma_wait3A_219 = arith.constant 0 : i32
      %dma_wait3A_220 = tpu.memref_slice %arg7[%dma_wait3A_215, %dma_wait3A_218, %dma_wait3A_219] : memref<2x128x128xf32, #tpu.memory_space<vmem>> -> memref<1x128x128xf32, #tpu.memory_space<vmem>>
      %dma_wait3A_221 = tpu.memref_squeeze %dma_wait3A_220 : memref<1x128x128xf32, #tpu.memory_space<vmem>> -> memref<128x128xf32, #tpu.memory_space<vmem>>
      %dma_wait3A_222 = arith.constant 0 : i32
      %dma_wait3A_223 = tpu.memref_slice %arg6[%dma_wait3A_216, %dma_wait3A_217, %dma_wait3A_222] : memref<3x2x128xi32, #tpu.memory_space<vmem>> -> memref<1x1x128xi32, #tpu.memory_space<vmem>>
      %dma_wait3A_224 = tpu.memref_squeeze %dma_wait3A_223 : memref<1x1x128xi32, #tpu.memory_space<vmem>> -> memref<128xi32, #tpu.memory_space<vmem>>
      %dma_wait3A_225 = arith.constant 0 : i32
      %dma_wait3A_226 = arith.constant 0 : i32
      %dma_wait3A_227 = tpu.memref_slice %arg8[%dma_wait3A_225, %dma_wait3A_226] : memref<10000x128xf32, #tpu.memory_space<vmem_shared>> -> memref<10000x128xf32, #tpu.memory_space<vmem_shared>>
      tpu.wait_indirect_dma semaphore(%arg15 : memref<!tpu.dma_semaphore, #tpu.memory_space<semaphore_mem>>) src(%dma_wait3A_221 : memref<128x128xf32, #tpu.memory_space<vmem>>) dst(%dma_wait3A_227 : memref<10000x128xf32, #tpu.memory_space<vmem_shared>>)
      %dma_wait3A_228 = arith.constant 0 : i32
      %dma_wait3A_229 = arith.constant 0 : i32
      %dma_wait3A_230 = arith.constant 0 : i32
      %dma_wait3A_231 = tpu.memref_slice %arg6[%dma_wait3A_228, %dma_wait3A_229, %dma_wait3A_230] : memref<3x2x128xi32, #tpu.memory_space<vmem>> -> memref<1x2x128xi32, #tpu.memory_space<vmem>>
      %dma_wait3A_232 = tpu.memref_squeeze %dma_wait3A_231 : memref<1x2x128xi32, #tpu.memory_space<vmem>> -> memref<2x128xi32, #tpu.memory_space<vmem>>
      %dma_wait3A_233 = arith.constant 0 : i32
      %dma_wait3A_234 = arith.constant 0 : i32
      %dma_wait3A_235 = tpu.memref_slice %arg2[%add3A, %dma_wait3A_233, %dma_wait3A_234] : memref<2500x2x128xi32, #tpu.memory_space<hbm>> -> memref<1x2x128xi32, #tpu.memory_space<hbm>>
      %dma_wait3A_236 = tpu.memref_squeeze %dma_wait3A_235 : memref<1x2x128xi32, #tpu.memory_space<hbm>> -> memref<2x128xi32, #tpu.memory_space<hbm>>
      %dma_wait3A_237 = arith.constant 0 : i32
      %dma_wait3A_238 = arith.constant 0 : i32
      %dma_wait3A_239 = tpu.memref_slice %arg6[%dma_wait3A_228, %dma_wait3A_237, %dma_wait3A_238] : memref<3x2x128xi32, #tpu.memory_space<vmem>> -> memref<1x2x128xi32, #tpu.memory_space<vmem>>
      %dma_wait3A_240 = tpu.memref_squeeze %dma_wait3A_239 : memref<1x2x128xi32, #tpu.memory_space<vmem>> -> memref<2x128xi32, #tpu.memory_space<vmem>>
      %dma_wait3A_241 = arith.constant 0 : i32
      %dma_wait3A_242 = arith.constant 0 : i32
      %dma_wait3A_243 = tpu.memref_slice %arg2[%add3A, %dma_wait3A_241, %dma_wait3A_242] : memref<2500x2x128xi32, #tpu.memory_space<hbm>> -> memref<1x2x128xi32, #tpu.memory_space<hbm>>
      %dma_wait3A_244 = tpu.memref_squeeze %dma_wait3A_243 : memref<1x2x128xi32, #tpu.memory_space<hbm>> -> memref<2x128xi32, #tpu.memory_space<hbm>>
      tpu.wait_dma2 semaphore(%arg11 : memref<!tpu.dma_semaphore, #tpu.memory_space<semaphore_mem>>) src(%dma_wait3A_244 : memref<2x128xi32, #tpu.memory_space<hbm>>) dst(%dma_wait3A_240 : memref<2x128xi32, #tpu.memory_space<vmem>>)
      %mul3A_245 = arith.constant 128 : i32
      %mul3A_246 = arith.muli %add3A_214, %mul3A_245 : i32
      %dma_start3A_247 = arith.constant 1 : i32
      %dma_start3A_248 = arith.constant 0 : i32
      %dma_start3A_249 = arith.constant 0 : i32
      %dma_start3A_250 = tpu.memref_slice %arg7[%dma_start3A_247, %dma_start3A_248, %dma_start3A_249] : memref<2x128x128xf32, #tpu.memory_space<vmem>> -> memref<1x128x128xf32, #tpu.memory_space<vmem>>
      %dma_start3A_251 = tpu.memref_squeeze %dma_start3A_250 : memref<1x128x128xf32, #tpu.memory_space<vmem>> -> memref<128x128xf32, #tpu.memory_space<vmem>>
      %dma_start3A_252 = arith.constant 0 : i32
      %dma_start3A_253 = tpu.memref_slice %arg3[%mul3A_246, %dma_start3A_252] : memref<320000x128xf32, #tpu.memory_space<hbm>> -> memref<128x128xf32, #tpu.memory_space<hbm>>
      %dma_start3A_254 = arith.constant 0 : i32
      %dma_start3A_255 = arith.constant 0 : i32
      %dma_start3A_256 = tpu.memref_slice %arg7[%dma_start3A_247, %dma_start3A_254, %dma_start3A_255] : memref<2x128x128xf32, #tpu.memory_space<vmem>> -> memref<1x128x128xf32, #tpu.memory_space<vmem>>
      %dma_start3A_257 = tpu.memref_squeeze %dma_start3A_256 : memref<1x128x128xf32, #tpu.memory_space<vmem>> -> memref<128x128xf32, #tpu.memory_space<vmem>>
      %dma_start3A_258 = arith.constant 0 : i32
      %dma_start3A_259 = tpu.memref_slice %arg3[%mul3A_246, %dma_start3A_258] : memref<320000x128xf32, #tpu.memory_space<hbm>> -> memref<128x128xf32, #tpu.memory_space<hbm>>
      tpu.enqueue_dma source(%dma_start3A_259 : memref<128x128xf32, #tpu.memory_space<hbm>>) target(%dma_start3A_257 : memref<128x128xf32, #tpu.memory_space<vmem>>) target_semaphore(%arg9 : memref<!tpu.dma_semaphore, #tpu.memory_space<semaphore_mem>>)
      %add3A_260 = arith.constant 1 : i32
      %add3A_261 = arith.addi %add3A_211, %add3A_260 : i32
      %mul3A_262 = arith.constant 32 : i32
      %mul3A_263 = arith.muli %add3A_261, %mul3A_262 : i32
      %add3A_264 = arith.addi %add3A, %mul3A_263 : i32
      %min3A_265 = arith.constant 2499 : i32
      %min3A_266 = arith.minsi %add3A_264, %min3A_265 : i32
      %dma_start3A_267 = arith.constant 1 : i32
      %dma_start3A_268 = arith.constant 0 : i32
      %dma_start3A_269 = arith.constant 0 : i32
      %dma_start3A_270 = tpu.memref_slice %arg6[%dma_start3A_267, %dma_start3A_268, %dma_start3A_269] : memref<3x2x128xi32, #tpu.memory_space<vmem>> -> memref<1x2x128xi32, #tpu.memory_space<vmem>>
      %dma_start3A_271 = tpu.memref_squeeze %dma_start3A_270 : memref<1x2x128xi32, #tpu.memory_space<vmem>> -> memref<2x128xi32, #tpu.memory_space<vmem>>
      %dma_start3A_272 = arith.constant 0 : i32
      %dma_start3A_273 = arith.constant 0 : i32
      %dma_start3A_274 = tpu.memref_slice %arg2[%min3A_266, %dma_start3A_272, %dma_start3A_273] : memref<2500x2x128xi32, #tpu.memory_space<hbm>> -> memref<1x2x128xi32, #tpu.memory_space<hbm>>
      %dma_start3A_275 = tpu.memref_squeeze %dma_start3A_274 : memref<1x2x128xi32, #tpu.memory_space<hbm>> -> memref<2x128xi32, #tpu.memory_space<hbm>>
      %dma_start3A_276 = arith.constant 0 : i32
      %dma_start3A_277 = arith.constant 0 : i32
      %dma_start3A_278 = tpu.memref_slice %arg6[%dma_start3A_267, %dma_start3A_276, %dma_start3A_277] : memref<3x2x128xi32, #tpu.memory_space<vmem>> -> memref<1x2x128xi32, #tpu.memory_space<vmem>>
      %dma_start3A_279 = tpu.memref_squeeze %dma_start3A_278 : memref<1x2x128xi32, #tpu.memory_space<vmem>> -> memref<2x128xi32, #tpu.memory_space<vmem>>
      %dma_start3A_280 = arith.constant 0 : i32
      %dma_start3A_281 = arith.constant 0 : i32
      %dma_start3A_282 = tpu.memref_slice %arg2[%min3A_266, %dma_start3A_280, %dma_start3A_281] : memref<2500x2x128xi32, #tpu.memory_space<hbm>> -> memref<1x2x128xi32, #tpu.memory_space<hbm>>
      %dma_start3A_283 = tpu.memref_squeeze %dma_start3A_282 : memref<1x2x128xi32, #tpu.memory_space<hbm>> -> memref<2x128xi32, #tpu.memory_space<hbm>>
      tpu.enqueue_dma source(%dma_start3A_283 : memref<2x128xi32, #tpu.memory_space<hbm>>) target(%dma_start3A_279 : memref<2x128xi32, #tpu.memory_space<vmem>>) target_semaphore(%arg12 : memref<!tpu.dma_semaphore, #tpu.memory_space<semaphore_mem>>)
      %mul3A_284 = arith.constant 128 : i32
      %mul3A_285 = arith.muli %add3A_214, %mul3A_284 : i32
      %dma_wait3A_286 = arith.constant 1 : i32
      %dma_wait3A_287 = arith.constant 0 : i32
      %dma_wait3A_288 = arith.constant 0 : i32
      %dma_wait3A_289 = tpu.memref_slice %arg7[%dma_wait3A_286, %dma_wait3A_287, %dma_wait3A_288] : memref<2x128x128xf32, #tpu.memory_space<vmem>> -> memref<1x128x128xf32, #tpu.memory_space<vmem>>
      %dma_wait3A_290 = tpu.memref_squeeze %dma_wait3A_289 : memref<1x128x128xf32, #tpu.memory_space<vmem>> -> memref<128x128xf32, #tpu.memory_space<vmem>>
      %dma_wait3A_291 = arith.constant 0 : i32
      %dma_wait3A_292 = tpu.memref_slice %arg3[%mul3A_285, %dma_wait3A_291] : memref<320000x128xf32, #tpu.memory_space<hbm>> -> memref<128x128xf32, #tpu.memory_space<hbm>>
      %dma_wait3A_293 = arith.constant 0 : i32
      %dma_wait3A_294 = arith.constant 0 : i32
      %dma_wait3A_295 = tpu.memref_slice %arg7[%dma_wait3A_286, %dma_wait3A_293, %dma_wait3A_294] : memref<2x128x128xf32, #tpu.memory_space<vmem>> -> memref<1x128x128xf32, #tpu.memory_space<vmem>>
      %dma_wait3A_296 = tpu.memref_squeeze %dma_wait3A_295 : memref<1x128x128xf32, #tpu.memory_space<vmem>> -> memref<128x128xf32, #tpu.memory_space<vmem>>
      %dma_wait3A_297 = arith.constant 0 : i32
      %dma_wait3A_298 = tpu.memref_slice %arg3[%mul3A_285, %dma_wait3A_297] : memref<320000x128xf32, #tpu.memory_space<hbm>> -> memref<128x128xf32, #tpu.memory_space<hbm>>
      tpu.wait_dma2 semaphore(%arg9 : memref<!tpu.dma_semaphore, #tpu.memory_space<semaphore_mem>>) src(%dma_wait3A_298 : memref<128x128xf32, #tpu.memory_space<hbm>>) dst(%dma_wait3A_296 : memref<128x128xf32, #tpu.memory_space<vmem>>)
      %dma_start3A_299 = arith.constant 1 : i32
      %dma_start3A_300 = arith.constant 0 : i32
      %dma_start3A_301 = arith.constant 1 : i32
      %dma_start3A_302 = arith.constant 0 : i32
      %dma_start3A_303 = arith.constant 0 : i32
      %dma_start3A_304 = tpu.memref_slice %arg7[%dma_start3A_299, %dma_start3A_302, %dma_start3A_303] : memref<2x128x128xf32, #tpu.memory_space<vmem>> -> memref<1x128x128xf32, #tpu.memory_space<vmem>>
      %dma_start3A_305 = tpu.memref_squeeze %dma_start3A_304 : memref<1x128x128xf32, #tpu.memory_space<vmem>> -> memref<128x128xf32, #tpu.memory_space<vmem>>
      %dma_start3A_306 = arith.constant 0 : i32
      %dma_start3A_307 = tpu.memref_slice %arg6[%dma_start3A_300, %dma_start3A_301, %dma_start3A_306] : memref<3x2x128xi32, #tpu.memory_space<vmem>> -> memref<1x1x128xi32, #tpu.memory_space<vmem>>
      %dma_start3A_308 = tpu.memref_squeeze %dma_start3A_307 : memref<1x1x128xi32, #tpu.memory_space<vmem>> -> memref<128xi32, #tpu.memory_space<vmem>>
      %dma_start3A_309 = arith.constant 0 : i32
      %dma_start3A_310 = arith.constant 0 : i32
      %dma_start3A_311 = tpu.memref_slice %arg8[%dma_start3A_309, %dma_start3A_310] : memref<10000x128xf32, #tpu.memory_space<vmem_shared>> -> memref<10000x128xf32, #tpu.memory_space<vmem_shared>>
      tpu.enqueue_indirect_dma source(%dma_start3A_305 : memref<128x128xf32, #tpu.memory_space<vmem>>) target(%dma_start3A_311 : memref<10000x128xf32, #tpu.memory_space<vmem_shared>>) offsets(%dma_start3A_308 : memref<128xi32, #tpu.memory_space<vmem>>) semaphore(%arg15 : memref<!tpu.dma_semaphore, #tpu.memory_space<semaphore_mem>>) {add = true}
      %mul3A_312 = arith.constant 6 : i32
      %mul3A_313 = arith.muli %mul3A_312, %scan3A_78 : i32
      %add3A_314 = arith.constant 4 : i32
      %add3A_315 = arith.addi %mul3A_313, %add3A_314 : i32
      %mul3A_316 = arith.constant 32 : i32
      %mul3A_317 = arith.muli %add3A_315, %mul3A_316 : i32
      %add3A_318 = arith.addi %add3A, %mul3A_317 : i32
      %dma_wait3A_319 = arith.constant 0 : i32
      %dma_wait3A_320 = arith.constant 1 : i32
      %dma_wait3A_321 = arith.constant 1 : i32
      %dma_wait3A_322 = arith.constant 0 : i32
      %dma_wait3A_323 = arith.constant 0 : i32
      %dma_wait3A_324 = tpu.memref_slice %arg7[%dma_wait3A_319, %dma_wait3A_322, %dma_wait3A_323] : memref<2x128x128xf32, #tpu.memory_space<vmem>> -> memref<1x128x128xf32, #tpu.memory_space<vmem>>
      %dma_wait3A_325 = tpu.memref_squeeze %dma_wait3A_324 : memref<1x128x128xf32, #tpu.memory_space<vmem>> -> memref<128x128xf32, #tpu.memory_space<vmem>>
      %dma_wait3A_326 = arith.constant 0 : i32
      %dma_wait3A_327 = tpu.memref_slice %arg6[%dma_wait3A_320, %dma_wait3A_321, %dma_wait3A_326] : memref<3x2x128xi32, #tpu.memory_space<vmem>> -> memref<1x1x128xi32, #tpu.memory_space<vmem>>
      %dma_wait3A_328 = tpu.memref_squeeze %dma_wait3A_327 : memref<1x1x128xi32, #tpu.memory_space<vmem>> -> memref<128xi32, #tpu.memory_space<vmem>>
      %dma_wait3A_329 = arith.constant 0 : i32
      %dma_wait3A_330 = arith.constant 0 : i32
      %dma_wait3A_331 = tpu.memref_slice %arg8[%dma_wait3A_329, %dma_wait3A_330] : memref<10000x128xf32, #tpu.memory_space<vmem_shared>> -> memref<10000x128xf32, #tpu.memory_space<vmem_shared>>
      tpu.wait_indirect_dma semaphore(%arg14 : memref<!tpu.dma_semaphore, #tpu.memory_space<semaphore_mem>>) src(%dma_wait3A_325 : memref<128x128xf32, #tpu.memory_space<vmem>>) dst(%dma_wait3A_331 : memref<10000x128xf32, #tpu.memory_space<vmem_shared>>)
      %dma_wait3A_332 = arith.constant 1 : i32
      %dma_wait3A_333 = arith.constant 0 : i32
      %dma_wait3A_334 = arith.constant 0 : i32
      %dma_wait3A_335 = tpu.memref_slice %arg6[%dma_wait3A_332, %dma_wait3A_333, %dma_wait3A_334] : memref<3x2x128xi32, #tpu.memory_space<vmem>> -> memref<1x2x128xi32, #tpu.memory_space<vmem>>
      %dma_wait3A_336 = tpu.memref_squeeze %dma_wait3A_335 : memref<1x2x128xi32, #tpu.memory_space<vmem>> -> memref<2x128xi32, #tpu.memory_space<vmem>>
      %dma_wait3A_337 = arith.constant 0 : i32
      %dma_wait3A_338 = arith.constant 0 : i32
      %dma_wait3A_339 = tpu.memref_slice %arg2[%add3A, %dma_wait3A_337, %dma_wait3A_338] : memref<2500x2x128xi32, #tpu.memory_space<hbm>> -> memref<1x2x128xi32, #tpu.memory_space<hbm>>
      %dma_wait3A_340 = tpu.memref_squeeze %dma_wait3A_339 : memref<1x2x128xi32, #tpu.memory_space<hbm>> -> memref<2x128xi32, #tpu.memory_space<hbm>>
      %dma_wait3A_341 = arith.constant 0 : i32
      %dma_wait3A_342 = arith.constant 0 : i32
      %dma_wait3A_343 = tpu.memref_slice %arg6[%dma_wait3A_332, %dma_wait3A_341, %dma_wait3A_342] : memref<3x2x128xi32, #tpu.memory_space<vmem>> -> memref<1x2x128xi32, #tpu.memory_space<vmem>>
      %dma_wait3A_344 = tpu.memref_squeeze %dma_wait3A_343 : memref<1x2x128xi32, #tpu.memory_space<vmem>> -> memref<2x128xi32, #tpu.memory_space<vmem>>
      %dma_wait3A_345 = arith.constant 0 : i32
      %dma_wait3A_346 = arith.constant 0 : i32
      %dma_wait3A_347 = tpu.memref_slice %arg2[%add3A, %dma_wait3A_345, %dma_wait3A_346] : memref<2500x2x128xi32, #tpu.memory_space<hbm>> -> memref<1x2x128xi32, #tpu.memory_space<hbm>>
      %dma_wait3A_348 = tpu.memref_squeeze %dma_wait3A_347 : memref<1x2x128xi32, #tpu.memory_space<hbm>> -> memref<2x128xi32, #tpu.memory_space<hbm>>
      tpu.wait_dma2 semaphore(%arg12 : memref<!tpu.dma_semaphore, #tpu.memory_space<semaphore_mem>>) src(%dma_wait3A_348 : memref<2x128xi32, #tpu.memory_space<hbm>>) dst(%dma_wait3A_344 : memref<2x128xi32, #tpu.memory_space<vmem>>)
      %mul3A_349 = arith.constant 128 : i32
      %mul3A_350 = arith.muli %add3A_318, %mul3A_349 : i32
      %dma_start3A_351 = arith.constant 0 : i32
      %dma_start3A_352 = arith.constant 0 : i32
      %dma_start3A_353 = arith.constant 0 : i32
      %dma_start3A_354 = tpu.memref_slice %arg7[%dma_start3A_351, %dma_start3A_352, %dma_start3A_353] : memref<2x128x128xf32, #tpu.memory_space<vmem>> -> memref<1x128x128xf32, #tpu.memory_space<vmem>>
      %dma_start3A_355 = tpu.memref_squeeze %dma_start3A_354 : memref<1x128x128xf32, #tpu.memory_space<vmem>> -> memref<128x128xf32, #tpu.memory_space<vmem>>
      %dma_start3A_356 = arith.constant 0 : i32
      %dma_start3A_357 = tpu.memref_slice %arg3[%mul3A_350, %dma_start3A_356] : memref<320000x128xf32, #tpu.memory_space<hbm>> -> memref<128x128xf32, #tpu.memory_space<hbm>>
      %dma_start3A_358 = arith.constant 0 : i32
      %dma_start3A_359 = arith.constant 0 : i32
      %dma_start3A_360 = tpu.memref_slice %arg7[%dma_start3A_351, %dma_start3A_358, %dma_start3A_359] : memref<2x128x128xf32, #tpu.memory_space<vmem>> -> memref<1x128x128xf32, #tpu.memory_space<vmem>>
      %dma_start3A_361 = tpu.memref_squeeze %dma_start3A_360 : memref<1x128x128xf32, #tpu.memory_space<vmem>> -> memref<128x128xf32, #tpu.memory_space<vmem>>
      %dma_start3A_362 = arith.constant 0 : i32
      %dma_start3A_363 = tpu.memref_slice %arg3[%mul3A_350, %dma_start3A_362] : memref<320000x128xf32, #tpu.memory_space<hbm>> -> memref<128x128xf32, #tpu.memory_space<hbm>>
      tpu.enqueue_dma source(%dma_start3A_363 : memref<128x128xf32, #tpu.memory_space<hbm>>) target(%dma_start3A_361 : memref<128x128xf32, #tpu.memory_space<vmem>>) target_semaphore(%arg9 : memref<!tpu.dma_semaphore, #tpu.memory_space<semaphore_mem>>)
      %add3A_364 = arith.constant 1 : i32
      %add3A_365 = arith.addi %add3A_315, %add3A_364 : i32
      %mul3A_366 = arith.constant 32 : i32
      %mul3A_367 = arith.muli %add3A_365, %mul3A_366 : i32
      %add3A_368 = arith.addi %add3A, %mul3A_367 : i32
      %min3A_369 = arith.constant 2499 : i32
      %min3A_370 = arith.minsi %add3A_368, %min3A_369 : i32
      %dma_start3A_371 = arith.constant 2 : i32
      %dma_start3A_372 = arith.constant 0 : i32
      %dma_start3A_373 = arith.constant 0 : i32
      %dma_start3A_374 = tpu.memref_slice %arg6[%dma_start3A_371, %dma_start3A_372, %dma_start3A_373] : memref<3x2x128xi32, #tpu.memory_space<vmem>> -> memref<1x2x128xi32, #tpu.memory_space<vmem>>
      %dma_start3A_375 = tpu.memref_squeeze %dma_start3A_374 : memref<1x2x128xi32, #tpu.memory_space<vmem>> -> memref<2x128xi32, #tpu.memory_space<vmem>>
      %dma_start3A_376 = arith.constant 0 : i32
      %dma_start3A_377 = arith.constant 0 : i32
      %dma_start3A_378 = tpu.memref_slice %arg2[%min3A_370, %dma_start3A_376, %dma_start3A_377] : memref<2500x2x128xi32, #tpu.memory_space<hbm>> -> memref<1x2x128xi32, #tpu.memory_space<hbm>>
      %dma_start3A_379 = tpu.memref_squeeze %dma_start3A_378 : memref<1x2x128xi32, #tpu.memory_space<hbm>> -> memref<2x128xi32, #tpu.memory_space<hbm>>
      %dma_start3A_380 = arith.constant 0 : i32
      %dma_start3A_381 = arith.constant 0 : i32
      %dma_start3A_382 = tpu.memref_slice %arg6[%dma_start3A_371, %dma_start3A_380, %dma_start3A_381] : memref<3x2x128xi32, #tpu.memory_space<vmem>> -> memref<1x2x128xi32, #tpu.memory_space<vmem>>
      %dma_start3A_383 = tpu.memref_squeeze %dma_start3A_382 : memref<1x2x128xi32, #tpu.memory_space<vmem>> -> memref<2x128xi32, #tpu.memory_space<vmem>>
      %dma_start3A_384 = arith.constant 0 : i32
      %dma_start3A_385 = arith.constant 0 : i32
      %dma_start3A_386 = tpu.memref_slice %arg2[%min3A_370, %dma_start3A_384, %dma_start3A_385] : memref<2500x2x128xi32, #tpu.memory_space<hbm>> -> memref<1x2x128xi32, #tpu.memory_space<hbm>>
      %dma_start3A_387 = tpu.memref_squeeze %dma_start3A_386 : memref<1x2x128xi32, #tpu.memory_space<hbm>> -> memref<2x128xi32, #tpu.memory_space<hbm>>
      tpu.enqueue_dma source(%dma_start3A_387 : memref<2x128xi32, #tpu.memory_space<hbm>>) target(%dma_start3A_383 : memref<2x128xi32, #tpu.memory_space<vmem>>) target_semaphore(%arg13 : memref<!tpu.dma_semaphore, #tpu.memory_space<semaphore_mem>>)
      %mul3A_388 = arith.constant 128 : i32
      %mul3A_389 = arith.muli %add3A_318, %mul3A_388 : i32
      %dma_wait3A_390 = arith.constant 0 : i32
      %dma_wait3A_391 = arith.constant 0 : i32
      %dma_wait3A_392 = arith.constant 0 : i32
      %dma_wait3A_393 = tpu.memref_slice %arg7[%dma_wait3A_390, %dma_wait3A_391, %dma_wait3A_392] : memref<2x128x128xf32, #tpu.memory_space<vmem>> -> memref<1x128x128xf32, #tpu.memory_space<vmem>>
      %dma_wait3A_394 = tpu.memref_squeeze %dma_wait3A_393 : memref<1x128x128xf32, #tpu.memory_space<vmem>> -> memref<128x128xf32, #tpu.memory_space<vmem>>
      %dma_wait3A_395 = arith.constant 0 : i32
      %dma_wait3A_396 = tpu.memref_slice %arg3[%mul3A_389, %dma_wait3A_395] : memref<320000x128xf32, #tpu.memory_space<hbm>> -> memref<128x128xf32, #tpu.memory_space<hbm>>
      %dma_wait3A_397 = arith.constant 0 : i32
      %dma_wait3A_398 = arith.constant 0 : i32
      %dma_wait3A_399 = tpu.memref_slice %arg7[%dma_wait3A_390, %dma_wait3A_397, %dma_wait3A_398] : memref<2x128x128xf32, #tpu.memory_space<vmem>> -> memref<1x128x128xf32, #tpu.memory_space<vmem>>
      %dma_wait3A_400 = tpu.memref_squeeze %dma_wait3A_399 : memref<1x128x128xf32, #tpu.memory_space<vmem>> -> memref<128x128xf32, #tpu.memory_space<vmem>>
      %dma_wait3A_401 = arith.constant 0 : i32
      %dma_wait3A_402 = tpu.memref_slice %arg3[%mul3A_389, %dma_wait3A_401] : memref<320000x128xf32, #tpu.memory_space<hbm>> -> memref<128x128xf32, #tpu.memory_space<hbm>>
      tpu.wait_dma2 semaphore(%arg9 : memref<!tpu.dma_semaphore, #tpu.memory_space<semaphore_mem>>) src(%dma_wait3A_402 : memref<128x128xf32, #tpu.memory_space<hbm>>) dst(%dma_wait3A_400 : memref<128x128xf32, #tpu.memory_space<vmem>>)
      %dma_start3A_403 = arith.constant 0 : i32
      %dma_start3A_404 = arith.constant 1 : i32
      %dma_start3A_405 = arith.constant 1 : i32
      %dma_start3A_406 = arith.constant 0 : i32
      %dma_start3A_407 = arith.constant 0 : i32
      %dma_start3A_408 = tpu.memref_slice %arg7[%dma_start3A_403, %dma_start3A_406, %dma_start3A_407] : memref<2x128x128xf32, #tpu.memory_space<vmem>> -> memref<1x128x128xf32, #tpu.memory_space<vmem>>
      %dma_start3A_409 = tpu.memref_squeeze %dma_start3A_408 : memref<1x128x128xf32, #tpu.memory_space<vmem>> -> memref<128x128xf32, #tpu.memory_space<vmem>>
      %dma_start3A_410 = arith.constant 0 : i32
      %dma_start3A_411 = tpu.memref_slice %arg6[%dma_start3A_404, %dma_start3A_405, %dma_start3A_410] : memref<3x2x128xi32, #tpu.memory_space<vmem>> -> memref<1x1x128xi32, #tpu.memory_space<vmem>>
      %dma_start3A_412 = tpu.memref_squeeze %dma_start3A_411 : memref<1x1x128xi32, #tpu.memory_space<vmem>> -> memref<128xi32, #tpu.memory_space<vmem>>
      %dma_start3A_413 = arith.constant 0 : i32
      %dma_start3A_414 = arith.constant 0 : i32
      %dma_start3A_415 = tpu.memref_slice %arg8[%dma_start3A_413, %dma_start3A_414] : memref<10000x128xf32, #tpu.memory_space<vmem_shared>> -> memref<10000x128xf32, #tpu.memory_space<vmem_shared>>
      tpu.enqueue_indirect_dma source(%dma_start3A_409 : memref<128x128xf32, #tpu.memory_space<vmem>>) target(%dma_start3A_415 : memref<10000x128xf32, #tpu.memory_space<vmem_shared>>) offsets(%dma_start3A_412 : memref<128xi32, #tpu.memory_space<vmem>>) semaphore(%arg14 : memref<!tpu.dma_semaphore, #tpu.memory_space<semaphore_mem>>) {add = true}
      %mul3A_416 = arith.constant 6 : i32
      %mul3A_417 = arith.muli %mul3A_416, %scan3A_78 : i32
      %add3A_418 = arith.constant 5 : i32
      %add3A_419 = arith.addi %mul3A_417, %add3A_418 : i32
      %mul3A_420 = arith.constant 32 : i32
      %mul3A_421 = arith.muli %add3A_419, %mul3A_420 : i32
      %add3A_422 = arith.addi %add3A, %mul3A_421 : i32
      %dma_wait3A_423 = arith.constant 1 : i32
      %dma_wait3A_424 = arith.constant 2 : i32
      %dma_wait3A_425 = arith.constant 1 : i32
      %dma_wait3A_426 = arith.constant 0 : i32
      %dma_wait3A_427 = arith.constant 0 : i32
      %dma_wait3A_428 = tpu.memref_slice %arg7[%dma_wait3A_423, %dma_wait3A_426, %dma_wait3A_427] : memref<2x128x128xf32, #tpu.memory_space<vmem>> -> memref<1x128x128xf32, #tpu.memory_space<vmem>>
      %dma_wait3A_429 = tpu.memref_squeeze %dma_wait3A_428 : memref<1x128x128xf32, #tpu.memory_space<vmem>> -> memref<128x128xf32, #tpu.memory_space<vmem>>
      %dma_wait3A_430 = arith.constant 0 : i32
      %dma_wait3A_431 = tpu.memref_slice %arg6[%dma_wait3A_424, %dma_wait3A_425, %dma_wait3A_430] : memref<3x2x128xi32, #tpu.memory_space<vmem>> -> memref<1x1x128xi32, #tpu.memory_space<vmem>>
      %dma_wait3A_432 = tpu.memref_squeeze %dma_wait3A_431 : memref<1x1x128xi32, #tpu.memory_space<vmem>> -> memref<128xi32, #tpu.memory_space<vmem>>
      %dma_wait3A_433 = arith.constant 0 : i32
      %dma_wait3A_434 = arith.constant 0 : i32
      %dma_wait3A_435 = tpu.memref_slice %arg8[%dma_wait3A_433, %dma_wait3A_434] : memref<10000x128xf32, #tpu.memory_space<vmem_shared>> -> memref<10000x128xf32, #tpu.memory_space<vmem_shared>>
      tpu.wait_indirect_dma semaphore(%arg15 : memref<!tpu.dma_semaphore, #tpu.memory_space<semaphore_mem>>) src(%dma_wait3A_429 : memref<128x128xf32, #tpu.memory_space<vmem>>) dst(%dma_wait3A_435 : memref<10000x128xf32, #tpu.memory_space<vmem_shared>>)
      %dma_wait3A_436 = arith.constant 2 : i32
      %dma_wait3A_437 = arith.constant 0 : i32
      %dma_wait3A_438 = arith.constant 0 : i32
      %dma_wait3A_439 = tpu.memref_slice %arg6[%dma_wait3A_436, %dma_wait3A_437, %dma_wait3A_438] : memref<3x2x128xi32, #tpu.memory_space<vmem>> -> memref<1x2x128xi32, #tpu.memory_space<vmem>>
      %dma_wait3A_440 = tpu.memref_squeeze %dma_wait3A_439 : memref<1x2x128xi32, #tpu.memory_space<vmem>> -> memref<2x128xi32, #tpu.memory_space<vmem>>
      %dma_wait3A_441 = arith.constant 0 : i32
      %dma_wait3A_442 = arith.constant 0 : i32
      %dma_wait3A_443 = tpu.memref_slice %arg2[%add3A, %dma_wait3A_441, %dma_wait3A_442] : memref<2500x2x128xi32, #tpu.memory_space<hbm>> -> memref<1x2x128xi32, #tpu.memory_space<hbm>>
      %dma_wait3A_444 = tpu.memref_squeeze %dma_wait3A_443 : memref<1x2x128xi32, #tpu.memory_space<hbm>> -> memref<2x128xi32, #tpu.memory_space<hbm>>
      %dma_wait3A_445 = arith.constant 0 : i32
      %dma_wait3A_446 = arith.constant 0 : i32
      %dma_wait3A_447 = tpu.memref_slice %arg6[%dma_wait3A_436, %dma_wait3A_445, %dma_wait3A_446] : memref<3x2x128xi32, #tpu.memory_space<vmem>> -> memref<1x2x128xi32, #tpu.memory_space<vmem>>
      %dma_wait3A_448 = tpu.memref_squeeze %dma_wait3A_447 : memref<1x2x128xi32, #tpu.memory_space<vmem>> -> memref<2x128xi32, #tpu.memory_space<vmem>>
      %dma_wait3A_449 = arith.constant 0 : i32
      %dma_wait3A_450 = arith.constant 0 : i32
      %dma_wait3A_451 = tpu.memref_slice %arg2[%add3A, %dma_wait3A_449, %dma_wait3A_450] : memref<2500x2x128xi32, #tpu.memory_space<hbm>> -> memref<1x2x128xi32, #tpu.memory_space<hbm>>
      %dma_wait3A_452 = tpu.memref_squeeze %dma_wait3A_451 : memref<1x2x128xi32, #tpu.memory_space<hbm>> -> memref<2x128xi32, #tpu.memory_space<hbm>>
      tpu.wait_dma2 semaphore(%arg13 : memref<!tpu.dma_semaphore, #tpu.memory_space<semaphore_mem>>) src(%dma_wait3A_452 : memref<2x128xi32, #tpu.memory_space<hbm>>) dst(%dma_wait3A_448 : memref<2x128xi32, #tpu.memory_space<vmem>>)
      %mul3A_453 = arith.constant 128 : i32
      %mul3A_454 = arith.muli %add3A_422, %mul3A_453 : i32
      %dma_start3A_455 = arith.constant 1 : i32
      %dma_start3A_456 = arith.constant 0 : i32
      %dma_start3A_457 = arith.constant 0 : i32
      %dma_start3A_458 = tpu.memref_slice %arg7[%dma_start3A_455, %dma_start3A_456, %dma_start3A_457] : memref<2x128x128xf32, #tpu.memory_space<vmem>> -> memref<1x128x128xf32, #tpu.memory_space<vmem>>
      %dma_start3A_459 = tpu.memref_squeeze %dma_start3A_458 : memref<1x128x128xf32, #tpu.memory_space<vmem>> -> memref<128x128xf32, #tpu.memory_space<vmem>>
      %dma_start3A_460 = arith.constant 0 : i32
      %dma_start3A_461 = tpu.memref_slice %arg3[%mul3A_454, %dma_start3A_460] : memref<320000x128xf32, #tpu.memory_space<hbm>> -> memref<128x128xf32, #tpu.memory_space<hbm>>
      %dma_start3A_462 = arith.constant 0 : i32
      %dma_start3A_463 = arith.constant 0 : i32
      %dma_start3A_464 = tpu.memref_slice %arg7[%dma_start3A_455, %dma_start3A_462, %dma_start3A_463] : memref<2x128x128xf32, #tpu.memory_space<vmem>> -> memref<1x128x128xf32, #tpu.memory_space<vmem>>
      %dma_start3A_465 = tpu.memref_squeeze %dma_start3A_464 : memref<1x128x128xf32, #tpu.memory_space<vmem>> -> memref<128x128xf32, #tpu.memory_space<vmem>>
      %dma_start3A_466 = arith.constant 0 : i32
      %dma_start3A_467 = tpu.memref_slice %arg3[%mul3A_454, %dma_start3A_466] : memref<320000x128xf32, #tpu.memory_space<hbm>> -> memref<128x128xf32, #tpu.memory_space<hbm>>
      tpu.enqueue_dma source(%dma_start3A_467 : memref<128x128xf32, #tpu.memory_space<hbm>>) target(%dma_start3A_465 : memref<128x128xf32, #tpu.memory_space<vmem>>) target_semaphore(%arg9 : memref<!tpu.dma_semaphore, #tpu.memory_space<semaphore_mem>>)
      %add3A_468 = arith.constant 1 : i32
      %add3A_469 = arith.addi %add3A_419, %add3A_468 : i32
      %mul3A_470 = arith.constant 32 : i32
      %mul3A_471 = arith.muli %add3A_469, %mul3A_470 : i32
      %add3A_472 = arith.addi %add3A, %mul3A_471 : i32
      %min3A_473 = arith.constant 2499 : i32
      %min3A_474 = arith.minsi %add3A_472, %min3A_473 : i32
      %dma_start3A_475 = arith.constant 0 : i32
      %dma_start3A_476 = arith.constant 0 : i32
      %dma_start3A_477 = arith.constant 0 : i32
      %dma_start3A_478 = tpu.memref_slice %arg6[%dma_start3A_475, %dma_start3A_476, %dma_start3A_477] : memref<3x2x128xi32, #tpu.memory_space<vmem>> -> memref<1x2x128xi32, #tpu.memory_space<vmem>>
      %dma_start3A_479 = tpu.memref_squeeze %dma_start3A_478 : memref<1x2x128xi32, #tpu.memory_space<vmem>> -> memref<2x128xi32, #tpu.memory_space<vmem>>
      %dma_start3A_480 = arith.constant 0 : i32
      %dma_start3A_481 = arith.constant 0 : i32
      %dma_start3A_482 = tpu.memref_slice %arg2[%min3A_474, %dma_start3A_480, %dma_start3A_481] : memref<2500x2x128xi32, #tpu.memory_space<hbm>> -> memref<1x2x128xi32, #tpu.memory_space<hbm>>
      %dma_start3A_483 = tpu.memref_squeeze %dma_start3A_482 : memref<1x2x128xi32, #tpu.memory_space<hbm>> -> memref<2x128xi32, #tpu.memory_space<hbm>>
      %dma_start3A_484 = arith.constant 0 : i32
      %dma_start3A_485 = arith.constant 0 : i32
      %dma_start3A_486 = tpu.memref_slice %arg6[%dma_start3A_475, %dma_start3A_484, %dma_start3A_485] : memref<3x2x128xi32, #tpu.memory_space<vmem>> -> memref<1x2x128xi32, #tpu.memory_space<vmem>>
      %dma_start3A_487 = tpu.memref_squeeze %dma_start3A_486 : memref<1x2x128xi32, #tpu.memory_space<vmem>> -> memref<2x128xi32, #tpu.memory_space<vmem>>
      %dma_start3A_488 = arith.constant 0 : i32
      %dma_start3A_489 = arith.constant 0 : i32
      %dma_start3A_490 = tpu.memref_slice %arg2[%min3A_474, %dma_start3A_488, %dma_start3A_489] : memref<2500x2x128xi32, #tpu.memory_space<hbm>> -> memref<1x2x128xi32, #tpu.memory_space<hbm>>
      %dma_start3A_491 = tpu.memref_squeeze %dma_start3A_490 : memref<1x2x128xi32, #tpu.memory_space<hbm>> -> memref<2x128xi32, #tpu.memory_space<hbm>>
      tpu.enqueue_dma source(%dma_start3A_491 : memref<2x128xi32, #tpu.memory_space<hbm>>) target(%dma_start3A_487 : memref<2x128xi32, #tpu.memory_space<vmem>>) target_semaphore(%arg11 : memref<!tpu.dma_semaphore, #tpu.memory_space<semaphore_mem>>)
      %mul3A_492 = arith.constant 128 : i32
      %mul3A_493 = arith.muli %add3A_422, %mul3A_492 : i32
      %dma_wait3A_494 = arith.constant 1 : i32
      %dma_wait3A_495 = arith.constant 0 : i32
      %dma_wait3A_496 = arith.constant 0 : i32
      %dma_wait3A_497 = tpu.memref_slice %arg7[%dma_wait3A_494, %dma_wait3A_495, %dma_wait3A_496] : memref<2x128x128xf32, #tpu.memory_space<vmem>> -> memref<1x128x128xf32, #tpu.memory_space<vmem>>
      %dma_wait3A_498 = tpu.memref_squeeze %dma_wait3A_497 : memref<1x128x128xf32, #tpu.memory_space<vmem>> -> memref<128x128xf32, #tpu.memory_space<vmem>>
      %dma_wait3A_499 = arith.constant 0 : i32
      %dma_wait3A_500 = tpu.memref_slice %arg3[%mul3A_493, %dma_wait3A_499] : memref<320000x128xf32, #tpu.memory_space<hbm>> -> memref<128x128xf32, #tpu.memory_space<hbm>>
      %dma_wait3A_501 = arith.constant 0 : i32
      %dma_wait3A_502 = arith.constant 0 : i32
      %dma_wait3A_503 = tpu.memref_slice %arg7[%dma_wait3A_494, %dma_wait3A_501, %dma_wait3A_502] : memref<2x128x128xf32, #tpu.memory_space<vmem>> -> memref<1x128x128xf32, #tpu.memory_space<vmem>>
      %dma_wait3A_504 = tpu.memref_squeeze %dma_wait3A_503 : memref<1x128x128xf32, #tpu.memory_space<vmem>> -> memref<128x128xf32, #tpu.memory_space<vmem>>
      %dma_wait3A_505 = arith.constant 0 : i32
      %dma_wait3A_506 = tpu.memref_slice %arg3[%mul3A_493, %dma_wait3A_505] : memref<320000x128xf32, #tpu.memory_space<hbm>> -> memref<128x128xf32, #tpu.memory_space<hbm>>
      tpu.wait_dma2 semaphore(%arg9 : memref<!tpu.dma_semaphore, #tpu.memory_space<semaphore_mem>>) src(%dma_wait3A_506 : memref<128x128xf32, #tpu.memory_space<hbm>>) dst(%dma_wait3A_504 : memref<128x128xf32, #tpu.memory_space<vmem>>)
      %dma_start3A_507 = arith.constant 1 : i32
      %dma_start3A_508 = arith.constant 2 : i32
      %dma_start3A_509 = arith.constant 1 : i32
      %dma_start3A_510 = arith.constant 0 : i32
      %dma_start3A_511 = arith.constant 0 : i32
      %dma_start3A_512 = tpu.memref_slice %arg7[%dma_start3A_507, %dma_start3A_510, %dma_start3A_511] : memref<2x128x128xf32, #tpu.memory_space<vmem>> -> memref<1x128x128xf32, #tpu.memory_space<vmem>>
      %dma_start3A_513 = tpu.memref_squeeze %dma_start3A_512 : memref<1x128x128xf32, #tpu.memory_space<vmem>> -> memref<128x128xf32, #tpu.memory_space<vmem>>
      %dma_start3A_514 = arith.constant 0 : i32
      %dma_start3A_515 = tpu.memref_slice %arg6[%dma_start3A_508, %dma_start3A_509, %dma_start3A_514] : memref<3x2x128xi32, #tpu.memory_space<vmem>> -> memref<1x1x128xi32, #tpu.memory_space<vmem>>
      %dma_start3A_516 = tpu.memref_squeeze %dma_start3A_515 : memref<1x1x128xi32, #tpu.memory_space<vmem>> -> memref<128xi32, #tpu.memory_space<vmem>>
      %dma_start3A_517 = arith.constant 0 : i32
      %dma_start3A_518 = arith.constant 0 : i32
      %dma_start3A_519 = tpu.memref_slice %arg8[%dma_start3A_517, %dma_start3A_518] : memref<10000x128xf32, #tpu.memory_space<vmem_shared>> -> memref<10000x128xf32, #tpu.memory_space<vmem_shared>>
      tpu.enqueue_indirect_dma source(%dma_start3A_513 : memref<128x128xf32, #tpu.memory_space<vmem>>) target(%dma_start3A_519 : memref<10000x128xf32, #tpu.memory_space<vmem_shared>>) offsets(%dma_start3A_516 : memref<128xi32, #tpu.memory_space<vmem>>) semaphore(%arg15 : memref<!tpu.dma_semaphore, #tpu.memory_space<semaphore_mem>>) {add = true}
    }
    %scan3A_33 = arith.constant 13 : i32
    %dma_wait3A = arith.constant 0 : i32
    %dma_wait3A_34 = arith.constant 0 : i32
    %dma_wait3A_35 = arith.constant 1 : i32
    %dma_wait3A_36 = arith.constant 0 : i32
    %dma_wait3A_37 = arith.constant 0 : i32
    %dma_wait3A_38 = tpu.memref_slice %arg7[%dma_wait3A, %dma_wait3A_36, %dma_wait3A_37] : memref<2x128x128xf32, #tpu.memory_space<vmem>> -> memref<1x128x128xf32, #tpu.memory_space<vmem>>
    %dma_wait3A_39 = tpu.memref_squeeze %dma_wait3A_38 : memref<1x128x128xf32, #tpu.memory_space<vmem>> -> memref<128x128xf32, #tpu.memory_space<vmem>>
    %dma_wait3A_40 = arith.constant 0 : i32
    %dma_wait3A_41 = tpu.memref_slice %arg6[%dma_wait3A_34, %dma_wait3A_35, %dma_wait3A_40] : memref<3x2x128xi32, #tpu.memory_space<vmem>> -> memref<1x1x128xi32, #tpu.memory_space<vmem>>
    %dma_wait3A_42 = tpu.memref_squeeze %dma_wait3A_41 : memref<1x1x128xi32, #tpu.memory_space<vmem>> -> memref<128xi32, #tpu.memory_space<vmem>>
    %dma_wait3A_43 = arith.constant 0 : i32
    %dma_wait3A_44 = arith.constant 0 : i32
    %dma_wait3A_45 = tpu.memref_slice %arg8[%dma_wait3A_43, %dma_wait3A_44] : memref<10000x128xf32, #tpu.memory_space<vmem_shared>> -> memref<10000x128xf32, #tpu.memory_space<vmem_shared>>
    tpu.wait_indirect_dma semaphore(%arg14 : memref<!tpu.dma_semaphore, #tpu.memory_space<semaphore_mem>>) src(%dma_wait3A_39 : memref<128x128xf32, #tpu.memory_space<vmem>>) dst(%dma_wait3A_45 : memref<10000x128xf32, #tpu.memory_space<vmem_shared>>)
    %dma_wait3A_46 = arith.constant 1 : i32
    %dma_wait3A_47 = arith.constant 0 : i32
    %dma_wait3A_48 = arith.constant 1 : i32
    %dma_wait3A_49 = arith.constant 0 : i32
    %dma_wait3A_50 = arith.constant 0 : i32
    %dma_wait3A_51 = tpu.memref_slice %arg7[%dma_wait3A_46, %dma_wait3A_49, %dma_wait3A_50] : memref<2x128x128xf32, #tpu.memory_space<vmem>> -> memref<1x128x128xf32, #tpu.memory_space<vmem>>
    %dma_wait3A_52 = tpu.memref_squeeze %dma_wait3A_51 : memref<1x128x128xf32, #tpu.memory_space<vmem>> -> memref<128x128xf32, #tpu.memory_space<vmem>>
    %dma_wait3A_53 = arith.constant 0 : i32
    %dma_wait3A_54 = tpu.memref_slice %arg6[%dma_wait3A_47, %dma_wait3A_48, %dma_wait3A_53] : memref<3x2x128xi32, #tpu.memory_space<vmem>> -> memref<1x1x128xi32, #tpu.memory_space<vmem>>
    %dma_wait3A_55 = tpu.memref_squeeze %dma_wait3A_54 : memref<1x1x128xi32, #tpu.memory_space<vmem>> -> memref<128xi32, #tpu.memory_space<vmem>>
    %dma_wait3A_56 = arith.constant 0 : i32
    %dma_wait3A_57 = arith.constant 0 : i32
    %dma_wait3A_58 = tpu.memref_slice %arg8[%dma_wait3A_56, %dma_wait3A_57] : memref<10000x128xf32, #tpu.memory_space<vmem_shared>> -> memref<10000x128xf32, #tpu.memory_space<vmem_shared>>
    tpu.wait_indirect_dma semaphore(%arg15 : memref<!tpu.dma_semaphore, #tpu.memory_space<semaphore_mem>>) src(%dma_wait3A_52 : memref<128x128xf32, #tpu.memory_space<vmem>>) dst(%dma_wait3A_58 : memref<10000x128xf32, #tpu.memory_space<vmem_shared>>)
    %lt3A = arith.constant 4 : i32
    %lt3A_59 = arith.cmpi slt, %add3A, %lt3A : i32
    %convert_element_type3A = arith.extui %lt3A_59 : i1 to i32
    %cond3A = arith.constant 0 : i32
    %cond3A_60 = arith.cmpi ne, %convert_element_type3A, %cond3A : i32
    scf.if %cond3A_60 {
      %add3A_78 = arith.constant 2496 : i32
      %add3A_79 = arith.addi %add3A, %add3A_78 : i32
      %dma_wait3A_80 = arith.constant 0 : i32
      %dma_wait3A_81 = arith.constant 0 : i32
      %dma_wait3A_82 = arith.constant 0 : i32
      %dma_wait3A_83 = tpu.memref_slice %arg6[%dma_wait3A_80, %dma_wait3A_81, %dma_wait3A_82] : memref<3x2x128xi32, #tpu.memory_space<vmem>> -> memref<1x2x128xi32, #tpu.memory_space<vmem>>
      %dma_wait3A_84 = tpu.memref_squeeze %dma_wait3A_83 : memref<1x2x128xi32, #tpu.memory_space<vmem>> -> memref<2x128xi32, #tpu.memory_space<vmem>>
      %dma_wait3A_85 = arith.constant 0 : i32
      %dma_wait3A_86 = arith.constant 0 : i32
      %dma_wait3A_87 = tpu.memref_slice %arg2[%add3A, %dma_wait3A_85, %dma_wait3A_86] : memref<2500x2x128xi32, #tpu.memory_space<hbm>> -> memref<1x2x128xi32, #tpu.memory_space<hbm>>
      %dma_wait3A_88 = tpu.memref_squeeze %dma_wait3A_87 : memref<1x2x128xi32, #tpu.memory_space<hbm>> -> memref<2x128xi32, #tpu.memory_space<hbm>>
      %dma_wait3A_89 = arith.constant 0 : i32
      %dma_wait3A_90 = arith.constant 0 : i32
      %dma_wait3A_91 = tpu.memref_slice %arg6[%dma_wait3A_80, %dma_wait3A_89, %dma_wait3A_90] : memref<3x2x128xi32, #tpu.memory_space<vmem>> -> memref<1x2x128xi32, #tpu.memory_space<vmem>>
      %dma_wait3A_92 = tpu.memref_squeeze %dma_wait3A_91 : memref<1x2x128xi32, #tpu.memory_space<vmem>> -> memref<2x128xi32, #tpu.memory_space<vmem>>
      %dma_wait3A_93 = arith.constant 0 : i32
      %dma_wait3A_94 = arith.constant 0 : i32
      %dma_wait3A_95 = tpu.memref_slice %arg2[%add3A, %dma_wait3A_93, %dma_wait3A_94] : memref<2500x2x128xi32, #tpu.memory_space<hbm>> -> memref<1x2x128xi32, #tpu.memory_space<hbm>>
      %dma_wait3A_96 = tpu.memref_squeeze %dma_wait3A_95 : memref<1x2x128xi32, #tpu.memory_space<hbm>> -> memref<2x128xi32, #tpu.memory_space<hbm>>
      tpu.wait_dma2 semaphore(%arg11 : memref<!tpu.dma_semaphore, #tpu.memory_space<semaphore_mem>>) src(%dma_wait3A_96 : memref<2x128xi32, #tpu.memory_space<hbm>>) dst(%dma_wait3A_92 : memref<2x128xi32, #tpu.memory_space<vmem>>)
      %mul3A_97 = arith.constant 128 : i32
      %mul3A_98 = arith.muli %add3A_79, %mul3A_97 : i32
      %dma_start3A_99 = arith.constant 0 : i32
      %dma_start3A_100 = arith.constant 0 : i32
      %dma_start3A_101 = arith.constant 0 : i32
      %dma_start3A_102 = tpu.memref_slice %arg7[%dma_start3A_99, %dma_start3A_100, %dma_start3A_101] : memref<2x128x128xf32, #tpu.memory_space<vmem>> -> memref<1x128x128xf32, #tpu.memory_space<vmem>>
      %dma_start3A_103 = tpu.memref_squeeze %dma_start3A_102 : memref<1x128x128xf32, #tpu.memory_space<vmem>> -> memref<128x128xf32, #tpu.memory_space<vmem>>
      %dma_start3A_104 = arith.constant 0 : i32
      %dma_start3A_105 = tpu.memref_slice %arg3[%mul3A_98, %dma_start3A_104] : memref<320000x128xf32, #tpu.memory_space<hbm>> -> memref<128x128xf32, #tpu.memory_space<hbm>>
      %dma_start3A_106 = arith.constant 0 : i32
      %dma_start3A_107 = arith.constant 0 : i32
      %dma_start3A_108 = tpu.memref_slice %arg7[%dma_start3A_99, %dma_start3A_106, %dma_start3A_107] : memref<2x128x128xf32, #tpu.memory_space<vmem>> -> memref<1x128x128xf32, #tpu.memory_space<vmem>>
      %dma_start3A_109 = tpu.memref_squeeze %dma_start3A_108 : memref<1x128x128xf32, #tpu.memory_space<vmem>> -> memref<128x128xf32, #tpu.memory_space<vmem>>
      %dma_start3A_110 = arith.constant 0 : i32
      %dma_start3A_111 = tpu.memref_slice %arg3[%mul3A_98, %dma_start3A_110] : memref<320000x128xf32, #tpu.memory_space<hbm>> -> memref<128x128xf32, #tpu.memory_space<hbm>>
      tpu.enqueue_dma source(%dma_start3A_111 : memref<128x128xf32, #tpu.memory_space<hbm>>) target(%dma_start3A_109 : memref<128x128xf32, #tpu.memory_space<vmem>>) target_semaphore(%arg9 : memref<!tpu.dma_semaphore, #tpu.memory_space<semaphore_mem>>)
      %dma_wait3A_112 = arith.constant 0 : i32
      %dma_wait3A_113 = arith.constant 0 : i32
      %dma_wait3A_114 = arith.constant 0 : i32
      %dma_wait3A_115 = tpu.memref_slice %arg7[%dma_wait3A_112, %dma_wait3A_113, %dma_wait3A_114] : memref<2x128x128xf32, #tpu.memory_space<vmem>> -> memref<1x128x128xf32, #tpu.memory_space<vmem>>
      %dma_wait3A_116 = tpu.memref_squeeze %dma_wait3A_115 : memref<1x128x128xf32, #tpu.memory_space<vmem>> -> memref<128x128xf32, #tpu.memory_space<vmem>>
      %dma_wait3A_117 = arith.constant 0 : i32
      %dma_wait3A_118 = tpu.memref_slice %arg3[%mul3A_98, %dma_wait3A_117] : memref<320000x128xf32, #tpu.memory_space<hbm>> -> memref<128x128xf32, #tpu.memory_space<hbm>>
      %dma_wait3A_119 = arith.constant 0 : i32
      %dma_wait3A_120 = arith.constant 0 : i32
      %dma_wait3A_121 = tpu.memref_slice %arg7[%dma_wait3A_112, %dma_wait3A_119, %dma_wait3A_120] : memref<2x128x128xf32, #tpu.memory_space<vmem>> -> memref<1x128x128xf32, #tpu.memory_space<vmem>>
      %dma_wait3A_122 = tpu.memref_squeeze %dma_wait3A_121 : memref<1x128x128xf32, #tpu.memory_space<vmem>> -> memref<128x128xf32, #tpu.memory_space<vmem>>
      %dma_wait3A_123 = arith.constant 0 : i32
      %dma_wait3A_124 = tpu.memref_slice %arg3[%mul3A_98, %dma_wait3A_123] : memref<320000x128xf32, #tpu.memory_space<hbm>> -> memref<128x128xf32, #tpu.memory_space<hbm>>
      tpu.wait_dma2 semaphore(%arg9 : memref<!tpu.dma_semaphore, #tpu.memory_space<semaphore_mem>>) src(%dma_wait3A_124 : memref<128x128xf32, #tpu.memory_space<hbm>>) dst(%dma_wait3A_122 : memref<128x128xf32, #tpu.memory_space<vmem>>)
      %dma_start3A_125 = arith.constant 0 : i32
      %dma_start3A_126 = arith.constant 0 : i32
      %dma_start3A_127 = arith.constant 1 : i32
      %dma_start3A_128 = arith.constant 0 : i32
      %dma_start3A_129 = arith.constant 0 : i32
      %dma_start3A_130 = tpu.memref_slice %arg7[%dma_start3A_125, %dma_start3A_128, %dma_start3A_129] : memref<2x128x128xf32, #tpu.memory_space<vmem>> -> memref<1x128x128xf32, #tpu.memory_space<vmem>>
      %dma_start3A_131 = tpu.memref_squeeze %dma_start3A_130 : memref<1x128x128xf32, #tpu.memory_space<vmem>> -> memref<128x128xf32, #tpu.memory_space<vmem>>
      %dma_start3A_132 = arith.constant 0 : i32
      %dma_start3A_133 = tpu.memref_slice %arg6[%dma_start3A_126, %dma_start3A_127, %dma_start3A_132] : memref<3x2x128xi32, #tpu.memory_space<vmem>> -> memref<1x1x128xi32, #tpu.memory_space<vmem>>
      %dma_start3A_134 = tpu.memref_squeeze %dma_start3A_133 : memref<1x1x128xi32, #tpu.memory_space<vmem>> -> memref<128xi32, #tpu.memory_space<vmem>>
      %dma_start3A_135 = arith.constant 0 : i32
      %dma_start3A_136 = arith.constant 0 : i32
      %dma_start3A_137 = tpu.memref_slice %arg8[%dma_start3A_135, %dma_start3A_136] : memref<10000x128xf32, #tpu.memory_space<vmem_shared>> -> memref<10000x128xf32, #tpu.memory_space<vmem_shared>>
      tpu.enqueue_indirect_dma source(%dma_start3A_131 : memref<128x128xf32, #tpu.memory_space<vmem>>) target(%dma_start3A_137 : memref<10000x128xf32, #tpu.memory_space<vmem_shared>>) offsets(%dma_start3A_134 : memref<128xi32, #tpu.memory_space<vmem>>) semaphore(%arg14 : memref<!tpu.dma_semaphore, #tpu.memory_space<semaphore_mem>>) {add = true}
      %dma_wait3A_138 = arith.constant 0 : i32
      %dma_wait3A_139 = arith.constant 0 : i32
      %dma_wait3A_140 = arith.constant 1 : i32
      %dma_wait3A_141 = arith.constant 0 : i32
      %dma_wait3A_142 = arith.constant 0 : i32
      %dma_wait3A_143 = tpu.memref_slice %arg7[%dma_wait3A_138, %dma_wait3A_141, %dma_wait3A_142] : memref<2x128x128xf32, #tpu.memory_space<vmem>> -> memref<1x128x128xf32, #tpu.memory_space<vmem>>
      %dma_wait3A_144 = tpu.memref_squeeze %dma_wait3A_143 : memref<1x128x128xf32, #tpu.memory_space<vmem>> -> memref<128x128xf32, #tpu.memory_space<vmem>>
      %dma_wait3A_145 = arith.constant 0 : i32
      %dma_wait3A_146 = tpu.memref_slice %arg6[%dma_wait3A_139, %dma_wait3A_140, %dma_wait3A_145] : memref<3x2x128xi32, #tpu.memory_space<vmem>> -> memref<1x1x128xi32, #tpu.memory_space<vmem>>
      %dma_wait3A_147 = tpu.memref_squeeze %dma_wait3A_146 : memref<1x1x128xi32, #tpu.memory_space<vmem>> -> memref<128xi32, #tpu.memory_space<vmem>>
      %dma_wait3A_148 = arith.constant 0 : i32
      %dma_wait3A_149 = arith.constant 0 : i32
      %dma_wait3A_150 = tpu.memref_slice %arg8[%dma_wait3A_148, %dma_wait3A_149] : memref<10000x128xf32, #tpu.memory_space<vmem_shared>> -> memref<10000x128xf32, #tpu.memory_space<vmem_shared>>
      tpu.wait_indirect_dma semaphore(%arg14 : memref<!tpu.dma_semaphore, #tpu.memory_space<semaphore_mem>>) src(%dma_wait3A_144 : memref<128x128xf32, #tpu.memory_space<vmem>>) dst(%dma_wait3A_150 : memref<10000x128xf32, #tpu.memory_space<vmem_shared>>)
    } else {
    }
    %ge3A = arith.constant 4 : i32
    %ge3A_61 = arith.cmpi sge, %add3A, %ge3A : i32
    %convert_element_type3A_62 = arith.extui %ge3A_61 : i1 to i32
    %cond3A_63 = arith.constant 0 : i32
    %cond3A_64 = arith.cmpi ne, %convert_element_type3A_62, %cond3A_63 : i32
    scf.if %cond3A_64 {
      %dma_wait3A_78 = arith.constant 0 : i32
      %dma_wait3A_79 = arith.constant 0 : i32
      %dma_wait3A_80 = arith.constant 0 : i32
      %dma_wait3A_81 = tpu.memref_slice %arg6[%dma_wait3A_78, %dma_wait3A_79, %dma_wait3A_80] : memref<3x2x128xi32, #tpu.memory_space<vmem>> -> memref<1x2x128xi32, #tpu.memory_space<vmem>>
      %dma_wait3A_82 = tpu.memref_squeeze %dma_wait3A_81 : memref<1x2x128xi32, #tpu.memory_space<vmem>> -> memref<2x128xi32, #tpu.memory_space<vmem>>
      %dma_wait3A_83 = arith.constant 0 : i32
      %dma_wait3A_84 = arith.constant 0 : i32
      %dma_wait3A_85 = tpu.memref_slice %arg2[%add3A, %dma_wait3A_83, %dma_wait3A_84] : memref<2500x2x128xi32, #tpu.memory_space<hbm>> -> memref<1x2x128xi32, #tpu.memory_space<hbm>>
      %dma_wait3A_86 = tpu.memref_squeeze %dma_wait3A_85 : memref<1x2x128xi32, #tpu.memory_space<hbm>> -> memref<2x128xi32, #tpu.memory_space<hbm>>
      %dma_wait3A_87 = arith.constant 0 : i32
      %dma_wait3A_88 = arith.constant 0 : i32
      %dma_wait3A_89 = tpu.memref_slice %arg6[%dma_wait3A_78, %dma_wait3A_87, %dma_wait3A_88] : memref<3x2x128xi32, #tpu.memory_space<vmem>> -> memref<1x2x128xi32, #tpu.memory_space<vmem>>
      %dma_wait3A_90 = tpu.memref_squeeze %dma_wait3A_89 : memref<1x2x128xi32, #tpu.memory_space<vmem>> -> memref<2x128xi32, #tpu.memory_space<vmem>>
      %dma_wait3A_91 = arith.constant 0 : i32
      %dma_wait3A_92 = arith.constant 0 : i32
      %dma_wait3A_93 = tpu.memref_slice %arg2[%add3A, %dma_wait3A_91, %dma_wait3A_92] : memref<2500x2x128xi32, #tpu.memory_space<hbm>> -> memref<1x2x128xi32, #tpu.memory_space<hbm>>
      %dma_wait3A_94 = tpu.memref_squeeze %dma_wait3A_93 : memref<1x2x128xi32, #tpu.memory_space<hbm>> -> memref<2x128xi32, #tpu.memory_space<hbm>>
      tpu.wait_dma2 semaphore(%arg11 : memref<!tpu.dma_semaphore, #tpu.memory_space<semaphore_mem>>) src(%dma_wait3A_94 : memref<2x128xi32, #tpu.memory_space<hbm>>) dst(%dma_wait3A_90 : memref<2x128xi32, #tpu.memory_space<vmem>>)
    } else {
    }
    %barrier3A_65 = arith.constant 0 : index
    tpu.barrier barrier_id(%barrier3A_65)
    %scan3A_66 = arith.constant 0 : i32
    %scan3A_67 = arith.constant 0 : i32
    %scan3A_68 = arith.constant 8 : i32
    %scan3A_69 = arith.addi %scan3A_67, %scan3A_68 : i32
    %scan3A_70 = arith.constant 1 : i32
    scf.for %scan3A_78 = %scan3A_67 to %scan3A_69 step %scan3A_70  : i32 {
      %mul3A_79 = arith.constant 16 : i32
      %mul3A_80 = arith.muli %scan3A_78, %mul3A_79 : i32
      %add3A_81 = arith.addi %arg1, %mul3A_80 : i32
      %lt3A_82 = arith.constant 125 : i32
      %lt3A_83 = arith.cmpi slt, %add3A_81, %lt3A_82 : i32
      %convert_element_type3A_84 = arith.extui %lt3A_83 : i1 to i32
      %cond3A_85 = arith.constant 0 : i32
      %cond3A_86 = arith.cmpi ne, %convert_element_type3A_84, %cond3A_85 : i32
      scf.if %cond3A_86 {
        %mul3A_87 = arith.constant 80 : i32
        %mul3A_88 = arith.muli %add3A_81, %mul3A_87 : i32
        %mul3A_89 = arith.constant 10000 : i32
        %mul3A_90 = arith.muli %arg0, %mul3A_89 : i32
        %mul3A_91 = arith.constant 80 : i32
        %mul3A_92 = arith.muli %add3A_81, %mul3A_91 : i32
        %add3A_93 = arith.addi %mul3A_90, %mul3A_92 : i32
        %dma_start3A_94 = arith.constant 0 : i32
        %dma_start3A_95 = tpu.memref_slice %arg5[%add3A_93, %dma_start3A_94] : memref<20000x128xf32, #tpu.memory_space<hbm>> -> memref<80x128xf32, #tpu.memory_space<hbm>>
        %dma_start3A_96 = arith.constant 0 : i32
        %dma_start3A_97 = tpu.memref_slice %arg8[%mul3A_88, %dma_start3A_96] : memref<10000x128xf32, #tpu.memory_space<vmem_shared>> -> memref<80x128xf32, #tpu.memory_space<vmem_shared>>
        tpu.enqueue_dma source(%dma_start3A_97 : memref<80x128xf32, #tpu.memory_space<vmem_shared>>) target(%dma_start3A_95 : memref<80x128xf32, #tpu.memory_space<hbm>>) target_semaphore(%arg10 : memref<!tpu.dma_semaphore, #tpu.memory_space<semaphore_mem>>)
      } else {
      }
    }
    %scan3A_71 = arith.constant 8 : i32
    %scan3A_72 = arith.constant 0 : i32
    %scan3A_73 = arith.constant 0 : i32
    %scan3A_74 = arith.constant 8 : i32
    %scan3A_75 = arith.addi %scan3A_73, %scan3A_74 : i32
    %scan3A_76 = arith.constant 1 : i32
    scf.for %scan3A_78 = %scan3A_73 to %scan3A_75 step %scan3A_76  : i32 {
      %mul3A_79 = arith.constant 16 : i32
      %mul3A_80 = arith.muli %scan3A_78, %mul3A_79 : i32
      %add3A_81 = arith.addi %arg1, %mul3A_80 : i32
      %lt3A_82 = arith.constant 125 : i32
      %lt3A_83 = arith.cmpi slt, %add3A_81, %lt3A_82 : i32
      %convert_element_type3A_84 = arith.extui %lt3A_83 : i1 to i32
      %cond3A_85 = arith.constant 0 : i32
      %cond3A_86 = arith.cmpi ne, %convert_element_type3A_84, %cond3A_85 : i32
      scf.if %cond3A_86 {
        %mul3A_87 = arith.constant 80 : i32
        %mul3A_88 = arith.muli %add3A_81, %mul3A_87 : i32
        %mul3A_89 = arith.constant 10000 : i32
        %mul3A_90 = arith.muli %arg0, %mul3A_89 : i32
        %mul3A_91 = arith.constant 80 : i32
        %mul3A_92 = arith.muli %add3A_81, %mul3A_91 : i32
        %add3A_93 = arith.addi %mul3A_90, %mul3A_92 : i32
        %dma_wait3A_94 = arith.constant 0 : i32
        %dma_wait3A_95 = tpu.memref_slice %arg5[%add3A_93, %dma_wait3A_94] : memref<20000x128xf32, #tpu.memory_space<hbm>> -> memref<80x128xf32, #tpu.memory_space<hbm>>
        %dma_wait3A_96 = arith.constant 0 : i32
        %dma_wait3A_97 = tpu.memref_slice %arg8[%mul3A_88, %dma_wait3A_96] : memref<10000x128xf32, #tpu.memory_space<vmem_shared>> -> memref<80x128xf32, #tpu.memory_space<vmem_shared>>
        tpu.wait_dma2 semaphore(%arg10 : memref<!tpu.dma_semaphore, #tpu.memory_space<semaphore_mem>>) src(%dma_wait3A_97 : memref<80x128xf32, #tpu.memory_space<vmem_shared>>) dst(%dma_wait3A_95 : memref<80x128xf32, #tpu.memory_space<hbm>>)
      } else {
      }
    }
    %scan3A_77 = arith.constant 8 : i32
    return
  }
}

module attributes {stable_mosaic.version = 14 : i64} {
  func.func @body(%arg0: memref<10000x128xf32, #tpu.memory_space<vmem>>, %arg1: memref<20000x128xf32, #tpu.memory_space<vmem>>, %arg2: memref<20000x128xf32, #tpu.memory_space<vmem>>, %arg3: memref<128x160xf32, #tpu.memory_space<vmem>>, %arg4: memref<1x128xf32, #tpu.memory_space<vmem>>, %arg5: memref<128x256xf32, #tpu.memory_space<vmem>>, %arg6: memref<1x128xf32, #tpu.memory_space<vmem>>, %arg7: memref<10000x128xf32, #tpu.memory_space<vmem>>) attributes {dimension_semantics = [], scalar_prefetch = 0 : i64, scratch_operands = 0 : i64, tpu.core_type = #tpu.core_type<tc>} {
    %get3A = arith.constant 0 : index
    %get3A_0 = arith.constant 0 : index
    %get3A_1 = vector.load %arg1[%get3A, %get3A_0] : memref<20000x128xf32, #tpu.memory_space<vmem>>, vector<10000x128xf32>
    %get3A_2 = arith.constant 10000 : index
    %get3A_3 = arith.constant 0 : index
    %get3A_4 = vector.load %arg1[%get3A_2, %get3A_3] : memref<20000x128xf32, #tpu.memory_space<vmem>>, vector<10000x128xf32>
    %add3A = arith.addf %get3A_1, %get3A_4 : vector<10000x128xf32>
    %get3A_5 = arith.constant 0 : index
    %get3A_6 = arith.constant 0 : index
    %get3A_7 = vector.load %arg2[%get3A_5, %get3A_6] : memref<20000x128xf32, #tpu.memory_space<vmem>>, vector<10000x128xf32>
    %get3A_8 = arith.constant 10000 : index
    %get3A_9 = arith.constant 0 : index
    %get3A_10 = vector.load %arg2[%get3A_8, %get3A_9] : memref<20000x128xf32, #tpu.memory_space<vmem>>, vector<10000x128xf32>
    %add3A_11 = arith.addf %get3A_7, %get3A_10 : vector<10000x128xf32>
    %slice3A = vector.extract_strided_slice %add3A_11 {offsets = [0, 0], sizes = [10000, 32], strides = [1, 1]} : vector<10000x128xf32> to vector<10000x32xf32>
    %slice3A_12 = vector.extract_strided_slice %add3A_11 {offsets = [0, 32], sizes = [10000, 1], strides = [1, 1]} : vector<10000x128xf32> to vector<10000x1xf32>
    %get3A_13 = arith.constant 0 : index
    %get3A_14 = arith.constant 0 : index
    %get3A_15 = vector.load %arg3[%get3A_13, %get3A_14] : memref<128x160xf32, #tpu.memory_space<vmem>>, vector<128x128xf32>
    %get3A_16 = arith.constant 0 : index
    %get3A_17 = arith.constant 128 : index
    %get3A_18 = vector.load %arg3[%get3A_16, %get3A_17] : memref<128x160xf32, #tpu.memory_space<vmem>>, vector<128x32xf32>
    %get3A_19 = arith.constant 0 : index
    %get3A_20 = arith.constant 0 : index
    %get3A_21 = vector.load %arg5[%get3A_19, %get3A_20] : memref<128x256xf32, #tpu.memory_space<vmem>>, vector<128x128xf32>
    %get3A_22 = arith.constant 0 : index
    %get3A_23 = arith.constant 128 : index
    %get3A_24 = vector.load %arg5[%get3A_22, %get3A_23] : memref<128x256xf32, #tpu.memory_space<vmem>>, vector<128x128xf32>
    %dot_general3A = arith.constant dense<0.000000e+00> : vector<10000x128xf32>
    %dot_general3A_25 = tpu.matmul %add3A, %get3A_15, %dot_general3A {dimension_numbers = #tpu.dot_dimension_numbers<[1], [1], [0], [0], [0, 0, 1, 0], [], []>, transpose_lhs_hint = false} : vector<10000x128xf32>, vector<128x128xf32>, vector<10000x128xf32> -> vector<10000x128xf32>
    %dot_general3A_26 = arith.constant dense<0.000000e+00> : vector<10000x128xf32>
    %dot_general3A_27 = tpu.matmul %slice3A, %get3A_18, %dot_general3A_26 {dimension_numbers = #tpu.dot_dimension_numbers<[1], [1], [0], [0], [0, 0, 1, 0], [], []>, transpose_lhs_hint = false} : vector<10000x32xf32>, vector<128x32xf32>, vector<10000x128xf32> -> vector<10000x128xf32>
    %add3A_28 = arith.addf %dot_general3A_25, %dot_general3A_27 : vector<10000x128xf32>
    %get3A_29 = arith.constant 0 : index
    %get3A_30 = arith.constant 0 : index
    %get3A_31 = vector.load %arg4[%get3A_29, %get3A_30] : memref<1x128xf32, #tpu.memory_space<vmem>>, vector<1x128xf32>
    %get3A_32 = vector.shape_cast %get3A_31 : vector<1x128xf32> to vector<128xf32>
    %broadcast_in_dim3A = vector.shape_cast %get3A_32 : vector<128xf32> to vector<1x128xf32>
    %mul3A = vector.broadcast %slice3A_12 : vector<10000x1xf32> to vector<10000x128xf32>
    %mul3A_33 = vector.broadcast %broadcast_in_dim3A : vector<1x128xf32> to vector<10000x128xf32>
    %mul3A_34 = arith.mulf %mul3A, %mul3A_33 : vector<10000x128xf32>
    %add3A_35 = arith.addf %add3A_28, %mul3A_34 : vector<10000x128xf32>
    %get3A_36 = arith.constant 0 : index
    %get3A_37 = arith.constant 0 : index
    %get3A_38 = vector.load %arg0[%get3A_36, %get3A_37] : memref<10000x128xf32, #tpu.memory_space<vmem>>, vector<10000x128xf32>
    %dot_general3A_39 = arith.constant dense<0.000000e+00> : vector<10000x128xf32>
    %dot_general3A_40 = tpu.matmul %get3A_38, %get3A_21, %dot_general3A_39 {dimension_numbers = #tpu.dot_dimension_numbers<[1], [1], [0], [0], [0, 0, 1, 0], [], []>, transpose_lhs_hint = false} : vector<10000x128xf32>, vector<128x128xf32>, vector<10000x128xf32> -> vector<10000x128xf32>
    %dot_general3A_41 = arith.constant dense<0.000000e+00> : vector<10000x128xf32>
    %dot_general3A_42 = tpu.matmul %add3A_35, %get3A_24, %dot_general3A_41 {dimension_numbers = #tpu.dot_dimension_numbers<[1], [1], [0], [0], [0, 0, 1, 0], [], []>, transpose_lhs_hint = false} : vector<10000x128xf32>, vector<128x128xf32>, vector<10000x128xf32> -> vector<10000x128xf32>
    %add3A_43 = arith.addf %dot_general3A_40, %dot_general3A_42 : vector<10000x128xf32>
    %get3A_44 = arith.constant 0 : index
    %get3A_45 = arith.constant 0 : index
    %get3A_46 = vector.load %arg6[%get3A_44, %get3A_45] : memref<1x128xf32, #tpu.memory_space<vmem>>, vector<1x128xf32>
    %get3A_47 = vector.shape_cast %get3A_46 : vector<1x128xf32> to vector<128xf32>
    %broadcast_in_dim3A_48 = vector.shape_cast %get3A_47 : vector<128xf32> to vector<1x128xf32>
    %add3A_49 = vector.broadcast %broadcast_in_dim3A_48 : vector<1x128xf32> to vector<10000x128xf32>
    %add3A_50 = arith.addf %add3A_43, %add3A_49 : vector<10000x128xf32>
    %swap3A = arith.constant 0 : index
    %swap3A_51 = arith.constant 0 : index
    %swap3A_52 = vector.load %arg7[%swap3A, %swap3A_51] : memref<10000x128xf32, #tpu.memory_space<vmem>>, vector<10000x128xf32>
    tpu.vector_store %arg7[%swap3A, %swap3A_51], %add3A_50 {strides = array<i32>} : memref<10000x128xf32, #tpu.memory_space<vmem>>, vector<10000x128xf32>,
    return
  }
}

</mosaic_0001>

<sc_bundles>
// kernel: kernel.5.cloned.1.call-start
scs
__scs_entry_jumppad:
0x0: {  	(pc) =	sbr.rel $0x88, $3  }
0x1: {  	(tag) =	ssettag $0x0;
	lr =	simm.s32 $0x1  }
0x2: {  	[smem:$0x3F9A] =	sst lr;
	_ =	strace $0xD0000000  }
0x3: {  	_ = 	snop  }
0x4: {  	_ = 	snop  }
0x5: {  	_ = 	snop  }
0x6: {  	_ = 	snop  }
0x7: {  	_ = 	snop  }
__scs_overlays_trampoline_lowered:
0x8: {  	[smem:$0x3FA9] =	sst s0  }
0x9: {  	[smem:$0x3FAA] =	sst s1  }
0xa: {  	[smem:$0x3FAB] =	sst s2  }
0xb: {  	[smem:$0x3FAC] =	sst s3  }
0xc: {  	[smem:$0x3FAD] =	sst s4  }
0xd: {  	[smem:$0x3FAE] =	sst s5  }
0xe: {  	[smem:$0x3FAF] =	sst s6  }
0xf: {  	[smem:$0x3FB0] =	sst s7  }
0x10: {  	[smem:$0x3FB1] =	sst s8  }
0x11: {  	[smem:$0x3FB2] =	sst s9;
	s0 =	simm.s32 @!p0 $0x0  }
0x12: {  	s1 =	sld [smem:$0x3F98];
	s0 =	simm.s32 @p0 $0x1  }
0x13: {  	[smem:$0x3FB3] =	sst s0;
	s0 =	simm.s32 @!p1 $0x0  }
0x14: {  	s2 =	sld [smem:$0x3F97];
	s0 =	simm.s32 @p1 $0x1  }
0x15: {  	[smem:$0x3FB4] =	sst s0;
	s0 =	simm.s32 @!p2 $0x0  }
0x16: {  	s3 =	sld [smem:$0x3FDB];
	s0 =	simm.s32 @p2 $0x1  }
0x17: {  	s4 =	simm.s32 $0x1BF5;
	[smem:$0x3FB6] =	sst s0  }
0x18: {  	s0 =	sld [smem:$0x3F99];
	_ =	swait.ge [sflag:s4], $0x0  }
0x19: {  	s7 =	sld [smem:$0x3F9A]  }
0x1a: {  	s8 =	sadd.s32 $0xFFFFE003, lr  }
0x1b: {  	s9 =	sadd.s32 $0xFFFFFEF7, lr;
	s5 =	simm.s32 $0xFFFFFFFF;
	p2 =	slt.u32 s8, $0xFFFFF086  }
0x1c: {  	p1 =	slt.u32 s9, $0xF7A;
	s5 =	simm.s32 @!p2 $0x0  }
0x1d: {  	s5 =	simm.s32 @p1 $0x1;
	p0 =	seq.s32 s7, s2  }
0x1e: {  	s7 =	smul.u32 @!p0 $0xF7A, s2;
	p2 =	seq.s32 @!p0 s5, $0x0  }
0x1f: {  	s9 =	smul.u32 $0xF7A, s1;
	s8 =	simm.s32 @!p0 $0x1BF5;
	p2 =	por !p2, p0  }
0x20: {  	[sflag:s8] =	ssyncset.s32 @!p0 $0xFFFFF086;
	s6 =	sadd.s32 @!p0 s3, s7;
	s7 =	simm.s32 @!p0 $0x108  }
0x21: {  	s3 =	sadd.s32 s3, s9;
	s6 =	sadd.s32 @!p0 $0x88, s6;
	s7 =	simm.s32 @p2 $0x1082  }
0x22: {  	[simem:s7], [sflag:s8] =	dma.local @!p0 [hbm:s6], $0xF7A  }
0x23: {  	s9 =	sor.u32 $0xD0000000, s2;
	s6 =	simm.s32 $0x108;
	_ =	swait.ge @!p0 [sflag:s8], $0x0  }
0x24: {  	s3 =	sadd.s32 $0x88, s3;
	s6 =	simm.s32 @!p1 $0x1082;
	[sflag:s4] =	ssyncset.s32 $0xFFFFF086  }
0x25: {  	[simem:s6], [sflag:s4] =	dma.local [hbm:s3], $0xF7A  }
0x26: {  	[smem:$0x3F9A] =	sst s1;
	(tag) =	ssettag s2;
	_ =	strace s9  }
0x27: {  	s1 =	sld [smem:$0x3FAA]  }
0x28: {  	s2 =	sld [smem:$0x3FAB]  }
0x29: {  	s4 =	sld [smem:$0x3FAD]  }
0x2a: {  	p0 =	seq.s32 s5, $0x0;
	s5 =	sld [smem:$0x3FAE]  }
0x2b: {  	s6 =	sld [smem:$0x3FAF]  }
0x2c: {  	s7 =	sld [smem:$0x3FB0]  }
0x2d: {  	s3 =	simm.s32 $0x108;
	s8 =	sld [smem:$0x3FB1]  }
0x2e: {  	s3 =	simm.s32 @!p0 $0x1082;
	s9 =	sld [smem:$0x3FB2]  }
0x2f: {  	lr =	sadd.s32 s0, s3;
	s0 =	sld [smem:$0x3FA9]  }
0x30: {  	s3 =	sld [smem:$0x3FAC]  }
0x31: {  	[smem:$0x3FB5] =	sst s10  }
0x32: {  	s10 =	sld [smem:$0x3FB3];
	_ =	sdelay $0x3  }
0x33: {  	p0 =	seq.s32 s10, $0x1;
	s10 =	sld [smem:$0x3FB5];
	_ =	sdelay $0x3  }
0x34: {  	[smem:$0x3FB5] =	sst s10  }
0x35: {  	s10 =	sld [smem:$0x3FB4];
	_ =	sdelay $0x3  }
0x36: {  	p1 =	seq.s32 s10, $0x1;
	s10 =	sld [smem:$0x3FB5];
	_ =	sdelay $0x3  }
0x37: {  	[smem:$0x3FB5] =	sst s10  }
0x38: {  	s10 =	sld [smem:$0x3FB6]  }
0x39: {  	_ = 	snop;
	(pc) =	sbr.ind lr, $3  }
0x3a: {  	_ = 	snop  }
0x3b: {  	_ = 	snop  }
0x3c: {  	p2 =	seq.s32 s10, $0x1;
	s10 =	sld [smem:$0x3FB5]  }
0x3d: {  	_ =	shalt  }
0x3e: {  	_ =	shalt  }
0x3f: {  	_ =	shalt  }
0x40: {  	_ =	shalt  }
0x41: {  	_ =	shalt  }
0x42: {  	_ =	shalt  }
0x43: {  	_ =	shalt  }
0x44: {  	_ =	shalt  }
0x45: {  	_ =	shalt  }
0x46: {  	_ =	shalt  }
0x47: {  	_ =	shalt  }
0x48: {  	_ =	shalt  }
0x49: {  	_ =	shalt  }
0x4a: {  	_ =	shalt  }
0x4b: {  	_ =	shalt  }
0x4c: {  	_ =	shalt  }
0x4d: {  	_ =	shalt  }
0x4e: {  	_ =	shalt  }
0x4f: {  	_ =	shalt  }
0x50: {  	_ =	shalt  }
0x51: {  	_ =	shalt  }
0x52: {  	_ =	shalt  }
0x53: {  	_ =	shalt  }
0x54: {  	_ =	shalt  }
0x55: {  	_ =	shalt  }
0x56: {  	_ =	shalt  }
0x57: {  	_ =	shalt  }
0x58: {  	_ =	shalt  }
0x59: {  	_ =	shalt  }
0x5a: {  	_ =	shalt  }
0x5b: {  	_ =	shalt  }
0x5c: {  	_ =	shalt  }
0x5d: {  	_ =	shalt  }
0x5e: {  	_ =	shalt  }
0x5f: {  	_ =	shalt  }
0x60: {  	_ =	shalt  }
0x61: {  	_ =	shalt  }
0x62: {  	_ =	shalt  }
0x63: {  	_ =	shalt  }
0x64: {  	_ =	shalt  }
0x65: {  	_ =	shalt  }
0x66: {  	_ =	shalt  }
0x67: {  	_ =	shalt  }
0x68: {  	_ =	shalt  }
0x69: {  	_ =	shalt  }
0x6a: {  	_ =	shalt  }
0x6b: {  	_ =	shalt  }
0x6c: {  	_ =	shalt  }
0x6d: {  	_ =	shalt  }
0x6e: {  	_ =	shalt  }
0x6f: {  	_ =	shalt  }
0x70: {  	_ =	shalt  }
0x71: {  	_ =	shalt  }
0x72: {  	_ =	shalt  }
0x73: {  	_ =	shalt  }
0x74: {  	_ =	shalt  }
0x75: {  	_ =	shalt  }
0x76: {  	_ =	shalt  }
0x77: {  	_ =	shalt  }
0x78: {  	_ =	shalt  }
0x79: {  	_ =	shalt  }
0x7a: {  	_ =	shalt  }
0x7b: {  	_ =	shalt  }
0x7c: {  	_ =	shalt  }
0x7d: {  	_ =	shalt  }
0x7e: {  	_ =	shalt  }
0x7f: {  	_ =	shalt  }
0x80: {  	_ =	shalt  }
0x81: {  	_ =	shalt  }
0x82: {  	_ =	shalt  }
0x83: {  	_ =	shalt  }
0x84: {  	_ =	shalt  }
0x85: {  	_ =	shalt  }
0x86: {  	_ =	shalt  }
0x87: {  	_ =	shalt  }
.Lfunc_end0:
.L_simem_size_0:
called_computation_lowered:
.L_overlay_start_0:
0x88: {  	s2 =	sld [smem:$0x3FD9]  }
0x89: {  	s3 =	sld [smem:$0x3FFE];
	_ =	sdelay $0x1  }
0x8a: {  	s1 =	srdreg.scid  }
0x8b: {  	s0 =	sand.u32 $0x1, s1  }
0x8c: {  	s17 =	sshll.u32 s0, $0xA;
	s2 =	sadd.s32 s3, s2  }
0x8d: {  	s2 =	sadd.s32 s2, s17  }
0x8e: {  	[smem:$0x3FC1] =	sst s2  }
0x8f: {  	_ = 	snop  }
0x90: {  	s18 =	sld [smem:$0x3FC9]  }
0x91: {  	s4 =	sld [smem:$0x3FD0];
	(tm) =	ssettm $0x1  }
0x92: {  	s19 =	sld [smem:$0x3FFB];
	_ =	sdelay $0x3  }
0x93: {  	_ =	strace s19  }
0x94: {  	s2 =	sld [smem:$0x3FFC];
	_ =	sdelay $0x3  }
0x95: {  	_ =	strace s2  }
0x96: {  	s2 =	sld [smem:$0x3FFD];
	_ =	sdelay $0x3  }
0x97: {  	_ =	strace s2  }
0x98: {  	_ =	strace $0x8FFFFFFF  }
0x99: {  	s20 =	sld [smem:$0x3FDB];
	_ =	sdelay $0x1  }
0x9a: {  	s5 =	simm.s32 $_scs_section_size  }
0x9b: {  	s6 =	simm.s32 $_size__tile_overlayer_lowered;
	s7 =	simm.s32 $_tile_overlayer_lowered  }
0x9c: {  	s8 =	simm.s32 $0x1BFF;
	s21 =	sshll.u32 s7, $0x1;
	s5 =	sadd.s32 s5, s20  }
0x9d: {  	s22 =	simm.s32 $0x0;
	s6 =	sshll.u32 s6, $0x1;
	s7 =	sadd.s32 s21, s5  }
0x9e: {  	[timem:s22], [sflag:s8] =	dma.local [hbm:s7], s6  }
0x9f: {  	_ =	swait.ge [sflag:s8], s6  }
0xa0: {  	s6 =	ssub.s32 $0x0, s6;
	[sflag:s8] =	ssyncset.done $0x0  }
0xa1: {  	[sflag:s8] =	ssyncadd.s32 s6;
	_ =	sdelay $0x1  }
0xa2: {  	s23 =	simm.s32 $0x1B8B  }
0xa3: {  	_ =	swait.ge [sflag:s23], $0x1  }
0xa4: {  	[sflag:s23] =	ssyncset.done $0x0  }
0xa5: {  	[sflag:s23] =	ssyncadd.s32 $0xFFFFFFFF  }
0xa6: {  	s6 =	sld [smem:$0x0]  }
0xa7: {  	s7 =	sand.u32 $0xFFFFFFFE, s1  }
0xa8: {  	p0 =	sne.s32 s1, s7  }
0xa9: {  	s7 =	sshll.u32 @p0 s7, $0xE  }
0xaa: {  	s7 =	sadd.s32 @p0 $0x11B8D, s7;
	s8 =	sshll.u32 @p0 s6, $0x11  }
0xab: {  	s7 =	sor.u32 @p0 s8, s7  }
0xac: {  	[sflag:s7] =	ssyncadd.remote.s32 @p0 $0x1;
	_ =	sdelay $0x1  }
0xad: {  	s7 =	simm.s32 @p0 $0x1B8D  }
0xae: {  	_ =	swait.eq @p0 [sflag:s7], $0x1  }
0xaf: {  	[sflag:s7] =	ssyncadd.s32 @p0 $0xFFFFFFFF  }
0xb0: {  	s8 =	sshll.u32 @!p0 s1, $0xE  }
0xb1: {  	s8 =	sor.u32 @!p0 $0x4000, s8;
	s7 =	simm.s32 @!p0 $0x1B8D  }
0xb2: {  	s6 =	sshll.u32 @!p0 s6, $0x11;
	s8 =	sadd.s32 @!p0 $0x11B8D, s8;
	_ =	swait.eq @!p0 [sflag:s7], $0x1  }
0xb3: {  	s6 =	sor.u32 @!p0 s6, s8;
	[sflag:s7] =	ssyncadd.s32 @!p0 $0xFFFFFFFF  }
0xb4: {  	s25 =	simm.s32 $0x1B8E;
	s24 =	sld [smem:$0x3FFE];
	[sflag:s6] =	ssyncadd.remote.s32 @!p0 $0x1  }
0xb5: {  	s26 =	simm.s32 $execute0_lowered;
	[smem:$0x3FD2] =	sst s25  }
0xb6: {  	s7 =	sshll.u32 s26, $0x1;
	_ =	strace $0x80000049;
	[dreg:$0x1] =	wrdreg $0xFFFFFFFF  }
0xb7: {  	s28 =	simm.s32 $_size_execute0_lowered;
	s5 =	sadd.s32 s5, s7;
	[dreg:$0x0] =	wrdreg $0x0  }
0xb8: {  	s7 =	sshll.u32 s28, $0x1;
	[dreg:$0x2] =	wrdreg s5  }
0xb9: {  	[dreg:$0x3] =	wrdreg s7  }
0xba: {  	[dreg:$0x4] =	wrdreg $0xC0  }
0xbb: {  	_ =	task [dreg:s22], $0x5FFFF  }
0xbc: {  	[dreg:$0x1] =	wrdreg $0xFFFFFFFF  }
0xbd: {  	[dreg:$0x0] =	wrdreg $0x60  }
0xbe: {  	[dreg:$0x2] =	wrdreg s18  }
0xbf: {  	[dreg:$0x3] =	wrdreg s4  }
0xc0: {  	[dreg:$0x4] =	wrdreg s24  }
0xc1: {  	[dreg:$0x5] =	wrdreg $0x83000  }
0xc2: {  	[dreg:$0x6] =	wrdreg $0x9  }
0xc3: {  	_ =	task.clear_ibuf [dreg:s22], $0x7FFFF;
	_ =	strace $0x90000049  }
0xc4: {  	s29 =	simm.s32 $0x9;
	_ =	strace $0x8000004B  }
0xc5: {  	_ =	swait.ge [sflag:s29], $0x1  }
0xc6: {  	[sflag:s29] =	ssyncadd.s32 $0xFFFFFFFF  }
0xc7: {  	_ =	strace $0x9000004B  }
0xc8: {  	_ =	sfence  }
0xc9: {  	s30 =	sld [smem:$0x0];
	_ =	sdelay $0x2  }
0xca: {  	s31 =	sshll.u32 s1, $0xD;
	s1 =	sshrl.u32 s1, $0x2  }
0xcb: {  	s4 =	sand.u32 $0x4000, s31;
	s1 =	sadd.s32 s1, s30  }
0xcc: {  	s0 =	sor.u32 s4, s0;
	s1 =	sshll.u32 s1, $0x11  }
0xcd: {  	s0 =	sor.u32 s1, s0  }
0xce: {  	s0 =	sadd.s32 $0x8F2B, s0  }
0xcf: {  	[sflag:s0] =	ssyncadd.remote.s32 $0x1  }
0xd0: {  	_ =	sfence.sel $0xFFFF  }
0xd1: {  	[dreg:$0x0] =	wrdreg $0xFFFFFFFF;
	(pc) =	sbr.abs _section_cstart, $3  }
0xd2: {  	[dreg:$0x1] =	wrdreg $0xFFFFFFFF  }
0xd3: {  	_ =	task.clear_ibuf [dreg:s22], $0x2FFFF;
	_ =	strace $0x9FFFFFFF  }
0xd4: {  	(tm) =	ssettm $0x7FFFFFFF  }
0xd5: {  	_ =	shalt  }
tec
execute0_lowered:
.L_overlay_start_1:
0x0: {  	(tag) =	ssettag $0x1  }
0x1: {  	s1 =	rddreg [dreg:$0x0]  }
0x2: {  	s2 =	rddreg [dreg:$0x1]  }
0x3: {  	s0 =	rddreg [dreg:$0x2]  }
0x4: {  	s3 =	rddreg [dreg:$0x3]  }
0x5: {  	s4 =	srdreg.scid;
	s5 =	simm.s32 $0x0;
	s22 =	stileid.u32  }
0x6: {  	s28 =	simm.s32 $0x200;
	s29 =	simm.s32 $0x1;
	s30 =	simm.s32 $0x80  }
0x7: {  	s31 =	simm.s32 $0x180;
	s4 =	sand.u32 $0x1, s4;
	[smem:$0x7FF] =	sst s5  }
0x8: {  	s25 =	smul.u32 $0x500, s22;
	s12 =	sor.u32 $0x30, s22;
	s14 =	sor.u32 $0x40, s22  }
0x9: {  	s16 =	sor.u32 $0x50, s22;
	s17 =	sor.u32 $0x60, s22;
	p2 =	sgt.u32 s22, $0xC  }
0xa: {  	s6 =	sshll.u32 s4, $0x4;
	_ =	strace $0x8000004A;
	s8 =	smul.u32 $0x27100, s4  }
0xb: {  	s21 =	ssub.s32 $0x2, s4;
	s26 =	smul.u32 $0x500, s14;
	s6 =	sor.u32 s22, s6  }
0xc: {  	s4 =	sshll.u32 s4, $0x9;
	s10 =	sshrl.u32 s21, $0x1;
	s7 =	sor.u32 $0x60, s6  }
0xd: {  	s4 =	sadd.s32 s4, s2;
	s18 =	sor.u32 $0x80, s6;
	[dreg:$0x5] =	wrdreg s7  }
0xe: {  	s9 =	sshll.u32 s6, $0x5;
	s19 =	sor.u32 $0xA0, s6;
	[dreg:$0x6] =	wrdreg s18  }
0xf: {  	s20 =	sor.u32 $0xC0, s6;
	s8 =	sadd.s32 s8, s0;
	[dreg:$0x7] =	wrdreg s19  }
0x10: {  	p0 =	sgt.u32 s6, $0x3;
	s11 =	sadd.s32 s2, s9;
	[dreg:$0x8] =	wrdreg s20  }
0x11: {  	s9 =	ssub.s32 s21, s10;
	s7 =	sadd.s32 $0x4FE00, s8;
	s18 =	smul.u32 $0x500, s12  }
0x12: {  	s8 =	sor.u32 $0x10, s22;
	s19 =	sor.u32 $0x70, s22;
	s20 =	smul.u32 $0x500, s16  }
0x13: {  	s21 =	sshll.u32 s22, $0x5;
	s12 =	smul.u32 $0xA000, s12;
	s23 =	sadd.s32 $0x400, s11  }
0x14: {  	[dreg:$0xc] =	wrdreg s11;
	s24 =	sadd.s32 $0x800, s11;
	s13 =	smul.u32 $0x500, s8  }
0x15: {  	s11 =	sor.u32 $0x20, s22;
	s4 =	sadd.s32 s21, s4;
	s21 =	smul.u32 $0x500, s17  }
0x16: {  	s10 =	sadd.s32 s7, s25;
	s8 =	smul.u32 $0xA000, s8;
	[dreg:$0x9] =	wrdreg s23  }
0x17: {  	s9 =	smax.u32 s9, $0x1;
	s17 =	smul.u32 $0xA000, s17;
	[dreg:$0xa] =	wrdreg s24  }
0x18: {  	p1 =	sgt.u32 s19, $0x7C;
	s15 =	smul.u32 $0x500, s11;
	[dreg:$0xd] =	wrdreg s10  }
0x19: {  	s23 =	sadd.s32 s7, s18;
	s24 =	smul.u32 $0x500, s19;
	[dreg:$0xb] =	wrdreg s4  }
0x1a: {  	s10 =	sadd.s32 s7, s26;
	s26 =	smul.u32 $0xA000, s22;
	[dreg:$0x15] =	wrdreg s9  }
0x1b: {  	s25 =	sadd.s32 s7, s20;
	s20 =	smul.u32 $0xA000, s19;
	[dreg:$0x10] =	wrdreg s23  }
0x1c: {  	s9 =	simm.s32 $0x280;
	s13 =	sadd.s32 s7, s13;
	[dreg:$0x11] =	wrdreg s10  }
0x1d: {  	[dreg:$0x12] =	wrdreg s25;
	s10 =	smul.u32 $0xA000, s11;
	s11 =	sshll.u32 s22, $0x6  }
0x1e: {  	[dreg:$0xe] =	wrdreg s13;
	s15 =	sadd.s32 s7, s15;
	s13 =	sadd.s32 s7, s21  }
0x1f: {  	s7 =	sadd.s32 s7, s24;
	s4 =	sshrl.u32 s26, $0x2;
	[dreg:$0xf] =	wrdreg s15  }
0x20: {  	s18 =	sor.u32 $0x1C02, s11;
	s24 =	sshrl.u32 s17, $0x2;
	[dreg:$0x13] =	wrdreg s13  }
0x21: {  	s25 =	sshrl.u32 s20, $0x2;
	s11 =	simm.s32 $0x3;
	[dreg:$0x14] =	wrdreg s7  }
0x22: {  	s15 =	sadd.s32 $0x1600, s0;
	s0 =	sadd.s32 s4, s3;
	s13 =	smul.u32 $0xA000, s14  }
0x23: {  	s4 =	sshrl.u32 s8, $0x2;
	s14 =	smul.u32 $0xA000, s16;
	s16 =	sshrl.u32 s12, $0x2  }
0x24: {  	s26 =	sadd.s32 s25, s3;
	s7 =	simm.s32 $0x5;
	s8 =	simm.s32 $0x300  }
0x25: {  	s12 =	simm.s32 $0x100;
	[dreg:$0x16] =	wrdreg s0;
	s4 =	sadd.s32 s4, s3  }
0x26: {  	s0 =	sshrl.u32 s10, $0x2;
	[dreg:$0x1d] =	wrdreg s26;
	s26 =	simm.s32 $0x2  }
0x27: {  	s10 =	simm.s32 $0x7;
	[dreg:$0x17] =	wrdreg s4;
	s0 =	sadd.s32 s0, s3  }
0x28: {  	s6 =	sshrl.u32 s13, $0x2;
	[dreg:$0x18] =	wrdreg s0;
	s0 =	sadd.s32 s16, s3  }
0x29: {  	s23 =	sshrl.u32 s14, $0x2;
	s21 =	sadd.s32 s6, s3;
	[dreg:$0x19] =	wrdreg s0  }
0x2a: {  	s4 =	simm.s32 $0x6;
	[dreg:$0x1a] =	wrdreg s21;
	s0 =	sadd.s32 s23, s3  }
0x2b: {  	s13 =	simm.s32 $0x4;
	[dreg:$0x1b] =	wrdreg s0;
	s0 =	sadd.s32 s24, s3  }
0x2c: {  	s14 =	simm.s32 $0x0;
	[dreg:$0x1c] =	wrdreg s0;
	s0 =	simm.s32 $0x4300  }
.LBB2_1:
0x2d: {  	s6 =	rddreg [dreg:$0xc]  }
0x2e: {  	s21 =	rddreg [dreg:$0x16]  }
0x2f: {  	[tilespmem:s5], [sflag:$0x3] =	stream.linear.gather [hbm4b:s6+s5], $0x100, $0x38;
	[tilespmem:$0x1BB80] =	vst v63  }
0x30: {  	s6 =	sshrl.u32 s21, $0x3  }
0x31: {  	[dreg:$0x1e] =	wrdreg s6  }
0x32: {  	[spmem:s6], [sflag:s18] =	dma.local [hbm:s15], $0x500  }
0x33: {  	s6 =	rddreg [dreg:$0x17]  }
0x34: {  	s6 =	sshrl.u32 s6, $0x3  }
0x35: {  	[dreg:$0x1f] =	wrdreg s6  }
0x36: {  	[spmem:s6], [sflag:s18] =	dma.local [hbm:s15], $0x500  }
0x37: {  	s6 =	rddreg [dreg:$0x18]  }
0x38: {  	s6 =	sshrl.u32 s6, $0x3  }
0x39: {  	[smem:$0x7F8] =	sst s6  }
0x3a: {  	[spmem:s6], [sflag:s18] =	dma.local [hbm:s15], $0x500  }
0x3b: {  	s6 =	rddreg [dreg:$0x19]  }
0x3c: {  	s6 =	sshrl.u32 s6, $0x3  }
0x3d: {  	[smem:$0x7F9] =	sst s6  }
0x3e: {  	[spmem:s6], [sflag:s18] =	dma.local [hbm:s15], $0x500  }
0x3f: {  	s6 =	rddreg [dreg:$0x1a]  }
0x40: {  	s6 =	sshrl.u32 s6, $0x3  }
0x41: {  	[smem:$0x7FA] =	sst s6  }
0x42: {  	[spmem:s6], [sflag:s18] =	dma.local [hbm:s15], $0x500  }
0x43: {  	s6 =	rddreg [dreg:$0x1b]  }
0x44: {  	s6 =	sshrl.u32 s6, $0x3  }
0x45: {  	[smem:$0x7FB] =	sst s6  }
0x46: {  	[spmem:s6], [sflag:s18] =	dma.local [hbm:s15], $0x500  }
0x47: {  	s6 =	rddreg [dreg:$0x1c]  }
0x48: {  	s6 =	sshrl.u32 s6, $0x3  }
0x49: {  	[smem:$0x7FC] =	sst s6  }
0x4a: {  	[spmem:s6], [sflag:s18] =	dma.local [hbm:s15], $0x500  }
0x4b: {  	s6 =	rddreg [dreg:$0x1d]  }
0x4c: {  	s6 =	sshrl.u32 @!p1 s6, $0x3  }
0x4d: {  	[smem:$0x7FD] =	sst s6  }
0x4e: {  	[spmem:s6], [sflag:s18] =	dma.local @!p1 [hbm:s15], $0x500  }
0x4f: {  	_ =	swait.ge [sflag:s26], $0x500  }
0x50: {  	[sflag:s26] =	ssyncset.done $0x0  }
0x51: {  	[sflag:s26] =	ssyncadd.s32 $0xFFFFFB00  }
0x52: {  	_ =	swait.ge [sflag:s26], $0x500  }
0x53: {  	[sflag:s26] =	ssyncset.done $0x0  }
0x54: {  	[sflag:s26] =	ssyncadd.s32 $0xFFFFFB00  }
0x55: {  	_ =	swait.ge [sflag:s26], $0x500  }
0x56: {  	[sflag:s26] =	ssyncset.done $0x0  }
0x57: {  	[sflag:s26] =	ssyncadd.s32 $0xFFFFFB00  }
0x58: {  	_ =	swait.ge [sflag:s26], $0x500  }
0x59: {  	[sflag:s26] =	ssyncset.done $0x0  }
0x5a: {  	[sflag:s26] =	ssyncadd.s32 $0xFFFFFB00  }
0x5b: {  	_ =	swait.ge [sflag:s26], $0x500  }
0x5c: {  	[sflag:s26] =	ssyncset.done $0x0  }
0x5d: {  	[sflag:s26] =	ssyncadd.s32 $0xFFFFFB00  }
0x5e: {  	_ =	swait.ge [sflag:s26], $0x500  }
0x5f: {  	[sflag:s26] =	ssyncset.done $0x0  }
0x60: {  	[sflag:s26] =	ssyncadd.s32 $0xFFFFFB00  }
0x61: {  	_ =	swait.ge [sflag:s26], $0x500  }
0x62: {  	[sflag:s26] =	ssyncset.done $0x0  }
0x63: {  	s6 =	simm.s32 @!p2 $0x2;
	[sflag:s26] =	ssyncadd.s32 $0xFFFFFB00  }
0x64: {  	_ =	swait.ge @!p2 [sflag:s6], $0x500  }
0x65: {  	p3 =	por $0x1, $0x1;
	[sflag:s6] =	ssyncset.done @!p2 $0x0  }
0x66: {  	p3 =	por p3, p3;
	[sflag:s6] =	ssyncadd.s32 @!p2 $0xFFFFFB00  }
0x67: {  	s6 =	simm.s32 @p3 $0x3;
	[bflag:$0x0] =	sbarrier.arrive $0xFFFF  }
0x68: {  	_ =	swait.ge @p3 [sflag:s6], $0x100  }
0x69: {  	s16 =	simm.s32 @p3 $0x300;
	[sflag:s6] =	ssyncset.done @p3 $0x0  }
0x6a: {  	s25 =	simm.s32 @p3 $0x0;
	[sflag:s6] =	ssyncadd.s32 @p3 $0xFFFFFF00;
	s6 =	simm.s32 @p3 $0x80  }
0x6b: {  	[tilespmem:s16], [sflag:$0x1] =	stream.indirect.gather @p3 [hbm4b:s1+s6], $0x80, s25, s6, $0xb8;
	[tilespmem:$0x1BB80] =	vst v63  }
0x6c: {  	s17 =	simm.s32 @p3 $0x100;
	s19 =	simm.s32 @p3 $0x1;
	s24 =	rddreg [dreg:$0x9]  }
0x6d: {  	[tilespmem:s17], [sflag:$0x4] =	stream.linear.gather @p3 [hbm4b:s24+s25], $0x100, $0x38;
	[tilespmem:$0x1BB80] =	vst v63  }
0x6e: {  	_ =	swait.ge @p3 [sflag:s19], $0x4000  }
0x6f: {  	[sflag:s19] =	ssyncset.done @p3 $0x0  }
0x70: {  	[sflag:s19] =	ssyncadd.s32 @p3 $0xFFFFC000;
	s19 =	simm.s32 @p3 $0x4  }
0x71: {  	[spmem:s3] =	stream.indirect.scatter.add.f32 @p3 [tilespmem:s16], [sflag:$0x6], $0x80, s6, s6, $0xb8;
	[tilespmem:$0x1BB80] =	vst v63  }
0x72: {  	_ =	swait.ge @p3 [sflag:s19], $0x100  }
0x73: {  	[sflag:s19] =	ssyncset.done @p3 $0x0  }
0x74: {  	s16 =	simm.s32 @p3 $0x4300;
	[sflag:s19] =	ssyncadd.s32 @p3 $0xFFFFFF00;
	s19 =	simm.s32 @!p3 $0x6  }
0x75: {  	[tilespmem:s16], [sflag:$0x1] =	stream.indirect.gather @p3 [hbm4b:s1+s6], $0x80, s17, s6, $0xb8;
	[tilespmem:$0x1BB80] =	vst v63  }
0x76: {  	_ =	swait.ge @!p3 [sflag:s19], $0x4000  }
0x77: {  	[sflag:s19] =	ssyncset.done @!p3 $0x0  }
0x78: {  	s6 =	simm.s32 @!p3 $0x3;
	[sflag:s19] =	ssyncadd.s32 @!p3 $0xFFFFC000  }
0x79: {  	s16 =	simm.s32 @!p3 $0x300;
	_ =	swait.ge @!p3 [sflag:s6], $0x100  }
0x7a: {  	s19 =	simm.s32 @!p3 $0x0;
	[sflag:s6] =	ssyncset.done @!p3 $0x0;
	s17 =	rddreg [dreg:$0xb]  }
0x7b: {  	[sflag:s6] =	ssyncadd.s32 @!p3 $0xFFFFFF00;
	s6 =	simm.s32 @!p3 $0x80;
	s17 =	sadd.s32 @!p3 $0x0, s17  }
0x7c: {  	[tilespmem:s16], [sflag:$0x1] =	stream.indirect.gather @!p3 [hbm4b:s1+s6], $0x80, s19, s6, $0xb8;
	[tilespmem:$0x1BB80] =	vst v63  }
0x7d: {  	s24 =	simm.s32 @!p3 $0x100;
	s25 =	sadd.s32 @!p3 $0x400, s17  }
0x7e: {  	[tilespmem:s24], [sflag:$0x4] =	stream.linear.gather @!p3 [hbm4b:s25+s19], $0x100, $0x38;
	[tilespmem:$0x1BB80] =	vst v63  }
0x7f: {  	s19 =	simm.s32 @!p3 $0x1  }
0x80: {  	_ =	swait.ge @!p3 [sflag:s19], $0x4000  }
0x81: {  	[sflag:s19] =	ssyncset.done @!p3 $0x0  }
0x82: {  	[sflag:s19] =	ssyncadd.s32 @!p3 $0xFFFFC000;
	s19 =	simm.s32 @!p3 $0x7  }
0x83: {  	[spmem:s3] =	stream.indirect.scatter.add.f32 @!p3 [tilespmem:s16], [sflag:$0x6], $0x80, s6, s6, $0xb8;
	[tilespmem:$0x1BB80] =	vst v63  }
0x84: {  	_ =	swait.ge @!p3 [sflag:s19], $0x4000  }
0x85: {  	[sflag:s19] =	ssyncset.done @!p3 $0x0  }
0x86: {  	s16 =	simm.s32 @!p3 $0x4;
	[sflag:s19] =	ssyncadd.s32 @!p3 $0xFFFFC000  }
0x87: {  	_ =	swait.ge @!p3 [sflag:s16], $0x100  }
0x88: {  	[sflag:s16] =	ssyncset.done @!p3 $0x0  }
0x89: {  	s19 =	simm.s32 @!p3 $0x4300;
	[sflag:s16] =	ssyncadd.s32 @!p3 $0xFFFFFF00  }
0x8a: {  	[tilespmem:s19], [sflag:$0x1] =	stream.indirect.gather @!p3 [hbm4b:s1+s6], $0x80, s24, s6, $0xb8;
	[tilespmem:$0x1BB80] =	vst v63  }
0x8b: {  	s16 =	rddreg [dreg:$0xa];
	s6 =	sadd.s32 @!p3 $0x800, s17  }
0x8c: {  	s6 =	smov.u32 @p3 s16  }
0x8d: {  	[tilespmem:s28], [sflag:$0x5] =	stream.linear.gather [hbm4b:s6+s5], $0x100, $0x38;
	[tilespmem:$0x1BB80] =	vst v63  }
0x8e: {  	_ =	swait.ge [sflag:s29], $0x4000  }
0x8f: {  	[sflag:s29] =	ssyncset.done $0x0  }
0x90: {  	[sflag:s29] =	ssyncadd.s32 $0xFFFFC000  }
0x91: {  	[spmem:s3] =	stream.indirect.scatter.add.f32 [tilespmem:s0], [sflag:$0x7], $0x80, s31, s30, $0xb8;
	[tilespmem:$0x1BB80] =	vst v63  }
0x92: {  	_ =	swait.ge [sflag:s4], $0x4000  }
0x93: {  	[sflag:s4] =	ssyncset.done $0x0  }
0x94: {  	[sflag:s4] =	ssyncadd.s32 $0xFFFFC000  }
0x95: {  	s16 =	simm.s32 $0x0;
	_ =	swait.ge [sflag:s7], $0x100  }
0x96: {  	s16 =	simm.s32 @p3 $0x0;
	[sflag:s7] =	ssyncset.done $0x0;
	s22 =	rddreg [dreg:$0x5]  }
0x97: {  	[sflag:s7] =	ssyncadd.s32 $0xFFFFFF00;
	s6 =	sadd.s32 s22, s16  }
0x98: {  	[tilespmem:s8], [sflag:$0x1] =	stream.indirect.gather [hbm4b:s1+s30], $0x80, s28, s30, $0xb8;
	[tilespmem:$0x1BB80] =	vst v63  }
0x99: {  	s6 =	sshll.u32 s6, $0x5  }
0x9a: {  	s6 =	sadd.s32 s2, s6  }
0x9b: {  	[tilespmem:s5], [sflag:$0x3] =	stream.linear.gather [hbm4b:s6+s5], $0x100, $0x38;
	[tilespmem:$0x1BB80] =	vst v63  }
0x9c: {  	_ =	swait.ge [sflag:s29], $0x4000  }
0x9d: {  	[sflag:s29] =	ssyncset.done $0x0  }
0x9e: {  	[sflag:s29] =	ssyncadd.s32 $0xFFFFC000  }
0x9f: {  	[spmem:s3] =	stream.indirect.scatter.add.f32 [tilespmem:s8], [sflag:$0x6], $0x80, s9, s30, $0xb8;
	[tilespmem:$0x1BB80] =	vst v63  }
0xa0: {  	_ =	swait.ge [sflag:s10], $0x4000  }
0xa1: {  	[sflag:s10] =	ssyncset.done $0x0  }
0xa2: {  	[sflag:s10] =	ssyncadd.s32 $0xFFFFC000  }
0xa3: {  	_ =	swait.ge [sflag:s11], $0x100  }
0xa4: {  	[sflag:s11] =	ssyncset.done $0x0;
	s23 =	rddreg [dreg:$0x6]  }
0xa5: {  	[sflag:s11] =	ssyncadd.s32 $0xFFFFFF00;
	s6 =	sadd.s32 s23, s16  }
0xa6: {  	[tilespmem:s0], [sflag:$0x1] =	stream.indirect.gather [hbm4b:s1+s30], $0x80, s5, s30, $0xb8;
	[tilespmem:$0x1BB80] =	vst v63  }
0xa7: {  	s6 =	sshll.u32 s6, $0x5  }
0xa8: {  	s6 =	sadd.s32 s2, s6  }
0xa9: {  	[tilespmem:s12], [sflag:$0x4] =	stream.linear.gather [hbm4b:s6+s5], $0x100, $0x38;
	[tilespmem:$0x1BB80] =	vst v63  }
0xaa: {  	_ =	swait.ge [sflag:s29], $0x4000  }
0xab: {  	[sflag:s29] =	ssyncset.done $0x0  }
0xac: {  	[sflag:s29] =	ssyncadd.s32 $0xFFFFC000  }
0xad: {  	[spmem:s3] =	stream.indirect.scatter.add.f32 [tilespmem:s0], [sflag:$0x7], $0x80, s30, s30, $0xb8;
	[tilespmem:$0x1BB80] =	vst v63  }
0xae: {  	_ =	swait.ge [sflag:s4], $0x4000  }
0xaf: {  	[sflag:s4] =	ssyncset.done $0x0  }
0xb0: {  	[sflag:s4] =	ssyncadd.s32 $0xFFFFC000  }
0xb1: {  	_ =	swait.ge [sflag:s13], $0x100  }
0xb2: {  	[sflag:s13] =	ssyncset.done $0x0;
	s24 =	rddreg [dreg:$0x7]  }
0xb3: {  	[sflag:s13] =	ssyncadd.s32 $0xFFFFFF00;
	s6 =	sadd.s32 s24, s16  }
0xb4: {  	[tilespmem:s8], [sflag:$0x1] =	stream.indirect.gather [hbm4b:s1+s30], $0x80, s12, s30, $0xb8;
	[tilespmem:$0x1BB80] =	vst v63  }
0xb5: {  	s6 =	sshll.u32 s6, $0x5  }
0xb6: {  	s6 =	sadd.s32 s2, s6  }
0xb7: {  	[tilespmem:s28], [sflag:$0x5] =	stream.linear.gather [hbm4b:s6+s5], $0x100, $0x38;
	[tilespmem:$0x1BB80] =	vst v63  }
0xb8: {  	_ =	swait.ge [sflag:s29], $0x4000  }
0xb9: {  	[sflag:s29] =	ssyncset.done $0x0  }
0xba: {  	[sflag:s29] =	ssyncadd.s32 $0xFFFFC000  }
0xbb: {  	[spmem:s3] =	stream.indirect.scatter.add.f32 [tilespmem:s8], [sflag:$0x6], $0x80, s31, s30, $0xb8;
	[tilespmem:$0x1BB80] =	vst v63  }
0xbc: {  	_ =	swait.ge [sflag:s10], $0x4000  }
0xbd: {  	[sflag:s10] =	ssyncset.done $0x0  }
0xbe: {  	[sflag:s10] =	ssyncadd.s32 $0xFFFFC000  }
0xbf: {  	_ =	swait.ge [sflag:s7], $0x100  }
0xc0: {  	s25 =	rddreg [dreg:$0x8]  }
0xc1: {  	[sflag:s7] =	ssyncset.done $0x0;
	s6 =	sadd.s32 s25, s16  }
0xc2: {  	[sflag:s7] =	ssyncadd.s32 $0xFFFFFF00;
	p3 =	slt.s32 s6, $0x9C3  }
0xc3: {  	[tilespmem:s0], [sflag:$0x1] =	stream.indirect.gather [hbm4b:s1+s30], $0x80, s28, s30, $0xb8;
	[tilespmem:$0x1BB80] =	vst v63  }
0xc4: {  	s6 =	simm.s32 @!p3 $0x9C3  }
0xc5: {  	p6 =	por $0x0, $0x0;
	s6 =	sshll.u32 s6, $0x5  }
0xc6: {  	s25 =	simm.s32 $0x1800;
	s16 =	simm.s32 $0xC0;
	s6 =	sadd.s32 s2, s6  }
0xc7: {  	[tilespmem:s5], [sflag:$0x3] =	stream.linear.gather [hbm4b:s6+s5], $0x100, $0x38;
	[tilespmem:$0x1BB80] =	vst v63  }
0xc8: {  	p3 =	por p6, p6;
	s6 =	simm.s32 $0x3000;
	_ =	swait.ge [sflag:s29], $0x4000  }
.LBB2_2:
0xc9: {  	[sflag:s29] =	ssyncset.done $0x0  }
0xca: {  	s17 =	simm.s32 @p3 $0x3;
	[sflag:s29] =	ssyncadd.s32 $0xFFFFC000  }
0xcb: {  	[spmem:s3] =	stream.indirect.scatter.add.f32 [tilespmem:s0], [sflag:$0x7], $0x80, s9, s30, $0xb8;
	[tilespmem:$0x1BB80] =	vst v63  }
0xcc: {  	_ =	swait.ge @p3 [sflag:s17], $0x100  }
0xcd: {  	s19 =	simm.s32 @p3 $0x300;
	[sflag:s17] =	ssyncset.done @p3 $0x0  }
0xce: {  	s21 =	simm.s32 @p3 $0x0;
	[sflag:s17] =	ssyncadd.s32 @p3 $0xFFFFFF00;
	s17 =	simm.s32 @p3 $0x80  }
0xcf: {  	[tilespmem:s19], [sflag:$0x1] =	stream.indirect.gather @p3 [hbm4b:s1+s17], $0x80, s21, s17, $0xb8;
	[tilespmem:$0x1BB80] =	vst v63  }
0xd0: {  	s22 =	simm.s32 @p3 $0x100;
	s23 =	simm.s32 @p3 $0x1;
	s20 =	rddreg [dreg:$0x9]  }
0xd1: {  	[tilespmem:s22], [sflag:$0x4] =	stream.linear.gather @p3 [hbm4b:s20+s21], $0x100, $0x38;
	[tilespmem:$0x1BB80] =	vst v63  }
0xd2: {  	_ =	swait.ge @p3 [sflag:s23], $0x4000  }
0xd3: {  	[sflag:s23] =	ssyncset.done @p3 $0x0  }
0xd4: {  	s20 =	simm.s32 @p3 $0x4;
	[sflag:s23] =	ssyncadd.s32 @p3 $0xFFFFC000  }
0xd5: {  	[spmem:s3] =	stream.indirect.scatter.add.f32 @p3 [tilespmem:s19], [sflag:$0x6], $0x80, s17, s17, $0xb8;
	[tilespmem:$0x1BB80] =	vst v63  }
0xd6: {  	_ =	swait.ge @p3 [sflag:s20], $0x100  }
0xd7: {  	[sflag:s20] =	ssyncset.done @p3 $0x0  }
0xd8: {  	s19 =	simm.s32 @p3 $0x4300;
	[sflag:s20] =	ssyncadd.s32 @p3 $0xFFFFFF00;
	s20 =	simm.s32 @!p3 $0x6  }
0xd9: {  	[tilespmem:s19], [sflag:$0x1] =	stream.indirect.gather @p3 [hbm4b:s1+s17], $0x80, s22, s17, $0xb8;
	[tilespmem:$0x1BB80] =	vst v63  }
0xda: {  	_ =	swait.ge @!p3 [sflag:s20], $0x4000  }
0xdb: {  	[sflag:s20] =	ssyncset.done @!p3 $0x0  }
0xdc: {  	s24 =	smov.u32 s6;
	s17 =	simm.s32 @!p3 $0x3;
	[sflag:s20] =	ssyncadd.s32 @!p3 $0xFFFFC000  }
0xdd: {  	s21 =	simm.s32 @!p3 $0x0;
	s19 =	simm.s32 @!p3 $0x300;
	_ =	swait.ge @!p3 [sflag:s17], $0x100  }
0xde: {  	s22 =	simm.s32 @!p3 $0x100;
	[sflag:s17] =	ssyncset.done @!p3 $0x0;
	s20 =	rddreg [dreg:$0xb]  }
0xdf: {  	[sflag:s17] =	ssyncadd.s32 @!p3 $0xFFFFFF00;
	s17 =	simm.s32 @!p3 $0x80;
	s20 =	sadd.s32 @!p3 s25, s20  }
0xe0: {  	[tilespmem:s19], [sflag:$0x1] =	stream.indirect.gather @!p3 [hbm4b:s1+s17], $0x80, s21, s17, $0xb8;
	[tilespmem:$0x1BB80] =	vst v63  }
0xe1: {  	s25 =	smov.u32 s24;
	s24 =	simm.s32 @!p3 $0x1;
	s23 =	sadd.s32 @!p3 $0x400, s20  }
0xe2: {  	[tilespmem:s22], [sflag:$0x4] =	stream.linear.gather @!p3 [hbm4b:s23+s21], $0x100, $0x38;
	[tilespmem:$0x1BB80] =	vst v63  }
0xe3: {  	_ =	swait.ge @!p3 [sflag:s24], $0x4000  }
0xe4: {  	[sflag:s24] =	ssyncset.done @!p3 $0x0  }
0xe5: {  	s21 =	simm.s32 @!p3 $0x7;
	[sflag:s24] =	ssyncadd.s32 @!p3 $0xFFFFC000  }
0xe6: {  	[spmem:s3] =	stream.indirect.scatter.add.f32 @!p3 [tilespmem:s19], [sflag:$0x6], $0x80, s17, s17, $0xb8;
	[tilespmem:$0x1BB80] =	vst v63  }
0xe7: {  	_ =	swait.ge @!p3 [sflag:s21], $0x4000  }
0xe8: {  	[sflag:s21] =	ssyncset.done @!p3 $0x0  }
0xe9: {  	s19 =	simm.s32 @!p3 $0x4;
	[sflag:s21] =	ssyncadd.s32 @!p3 $0xFFFFC000  }
0xea: {  	_ =	swait.ge @!p3 [sflag:s19], $0x100  }
0xeb: {  	s21 =	simm.s32 @!p3 $0x4300;
	[sflag:s19] =	ssyncset.done @!p3 $0x0  }
0xec: {  	s23 =	rddreg [dreg:$0xa];
	[sflag:s19] =	ssyncadd.s32 @!p3 $0xFFFFFF00;
	s19 =	sadd.s32 @!p3 $0x800, s20  }
0xed: {  	[tilespmem:s21], [sflag:$0x1] =	stream.indirect.gather @!p3 [hbm4b:s1+s17], $0x80, s22, s17, $0xb8;
	[tilespmem:$0x1BB80] =	vst v63  }
0xee: {  	s19 =	smov.u32 @p3 s23  }
0xef: {  	[tilespmem:s28], [sflag:$0x5] =	stream.linear.gather [hbm4b:s19+s5], $0x100, $0x38;
	[tilespmem:$0x1BB80] =	vst v63  }
0xf0: {  	_ =	swait.ge [sflag:s29], $0x4000  }
0xf1: {  	[sflag:s29] =	ssyncset.done $0x0  }
0xf2: {  	[sflag:s29] =	ssyncadd.s32 $0xFFFFC000  }
0xf3: {  	[spmem:s3] =	stream.indirect.scatter.add.f32 [tilespmem:s0], [sflag:$0x7], $0x80, s31, s30, $0xb8;
	[tilespmem:$0x1BB80] =	vst v63  }
0xf4: {  	_ =	swait.ge [sflag:s4], $0x4000  }
0xf5: {  	[sflag:s4] =	ssyncset.done $0x0  }
0xf6: {  	[sflag:s4] =	ssyncadd.s32 $0xFFFFC000  }
0xf7: {  	s24 =	smov.u32 s16;
	_ =	swait.ge [sflag:s7], $0x100  }
0xf8: {  	s24 =	simm.s32 @p3 $0x0;
	[sflag:s7] =	ssyncset.done $0x0;
	s20 =	rddreg [dreg:$0x5]  }
0xf9: {  	[sflag:s7] =	ssyncadd.s32 $0xFFFFFF00;
	s17 =	sadd.s32 s20, s24  }
0xfa: {  	[tilespmem:s8], [sflag:$0x1] =	stream.indirect.gather [hbm4b:s1+s30], $0x80, s28, s30, $0xb8;
	[tilespmem:$0x1BB80] =	vst v63  }
0xfb: {  	s17 =	sshll.u32 s17, $0x5  }
0xfc: {  	s17 =	sadd.s32 s2, s17  }
0xfd: {  	[tilespmem:s5], [sflag:$0x3] =	stream.linear.gather [hbm4b:s17+s5], $0x100, $0x38;
	[tilespmem:$0x1BB80] =	vst v63  }
0xfe: {  	_ =	swait.ge [sflag:s29], $0x4000  }
0xff: {  	[sflag:s29] =	ssyncset.done $0x0  }
0x100: {  	[sflag:s29] =	ssyncadd.s32 $0xFFFFC000  }
0x101: {  	[spmem:s3] =	stream.indirect.scatter.add.f32 [tilespmem:s8], [sflag:$0x6], $0x80, s9, s30, $0xb8;
	[tilespmem:$0x1BB80] =	vst v63  }
0x102: {  	_ =	swait.ge [sflag:s10], $0x4000  }
0x103: {  	[sflag:s10] =	ssyncset.done $0x0  }
0x104: {  	[sflag:s10] =	ssyncadd.s32 $0xFFFFC000  }
0x105: {  	_ =	swait.ge [sflag:s11], $0x100  }
0x106: {  	[sflag:s11] =	ssyncset.done $0x0;
	s21 =	rddreg [dreg:$0x6]  }
0x107: {  	[sflag:s11] =	ssyncadd.s32 $0xFFFFFF00;
	s17 =	sadd.s32 s21, s24  }
0x108: {  	[tilespmem:s0], [sflag:$0x1] =	stream.indirect.gather [hbm4b:s1+s30], $0x80, s5, s30, $0xb8;
	[tilespmem:$0x1BB80] =	vst v63  }
0x109: {  	s17 =	sshll.u32 s17, $0x5  }
0x10a: {  	s17 =	sadd.s32 s2, s17  }
0x10b: {  	[tilespmem:s12], [sflag:$0x4] =	stream.linear.gather [hbm4b:s17+s5], $0x100, $0x38;
	[tilespmem:$0x1BB80] =	vst v63  }
0x10c: {  	_ =	swait.ge [sflag:s29], $0x4000  }
0x10d: {  	[sflag:s29] =	ssyncset.done $0x0  }
0x10e: {  	[sflag:s29] =	ssyncadd.s32 $0xFFFFC000  }
0x10f: {  	[spmem:s3] =	stream.indirect.scatter.add.f32 [tilespmem:s0], [sflag:$0x7], $0x80, s30, s30, $0xb8;
	[tilespmem:$0x1BB80] =	vst v63  }
0x110: {  	_ =	swait.ge [sflag:s4], $0x4000  }
0x111: {  	[sflag:s4] =	ssyncset.done $0x0  }
0x112: {  	[sflag:s4] =	ssyncadd.s32 $0xFFFFC000  }
0x113: {  	_ =	swait.ge [sflag:s13], $0x100  }
0x114: {  	[sflag:s13] =	ssyncset.done $0x0;
	s22 =	rddreg [dreg:$0x7]  }
0x115: {  	[sflag:s13] =	ssyncadd.s32 $0xFFFFFF00;
	s17 =	sadd.s32 s22, s24  }
0x116: {  	[tilespmem:s8], [sflag:$0x1] =	stream.indirect.gather [hbm4b:s1+s30], $0x80, s12, s30, $0xb8;
	[tilespmem:$0x1BB80] =	vst v63  }
0x117: {  	s17 =	sshll.u32 s17, $0x5  }
0x118: {  	s17 =	sadd.s32 s2, s17  }
0x119: {  	[tilespmem:s28], [sflag:$0x5] =	stream.linear.gather [hbm4b:s17+s5], $0x100, $0x38;
	[tilespmem:$0x1BB80] =	vst v63  }
0x11a: {  	_ =	swait.ge [sflag:s29], $0x4000  }
0x11b: {  	[sflag:s29] =	ssyncset.done $0x0  }
0x11c: {  	[sflag:s29] =	ssyncadd.s32 $0xFFFFC000  }
0x11d: {  	[spmem:s3] =	stream.indirect.scatter.add.f32 [tilespmem:s8], [sflag:$0x6], $0x80, s31, s30, $0xb8;
	[tilespmem:$0x1BB80] =	vst v63  }
0x11e: {  	_ =	swait.ge [sflag:s10], $0x4000  }
0x11f: {  	[sflag:s10] =	ssyncset.done $0x0  }
0x120: {  	[sflag:s10] =	ssyncadd.s32 $0xFFFFC000  }
0x121: {  	_ =	swait.ge [sflag:s7], $0x100  }
0x122: {  	p5 =	seq.s32 s6, $0x0;
	s6 =	sadd.s32 $0x1800, s6;
	s23 =	rddreg [dreg:$0x8]  }
0x123: {  	p4 =	sne.s32 s6, $0x13800;
	[sflag:s7] =	ssyncset.done $0x0;
	s17 =	sadd.s32 s23, s24  }
0x124: {  	p3 =	por p5, p5;
	[sflag:s7] =	ssyncadd.s32 $0xFFFFFF00;
	p5 =	slt.s32 s17, $0x9C3  }
0x125: {  	[tilespmem:s0], [sflag:$0x1] =	stream.indirect.gather [hbm4b:s1+s30], $0x80, s28, s30, $0xb8;
	[tilespmem:$0x1BB80] =	vst v63  }
.Ltmp0:
0x126: {  	s17 =	simm.s32 @!p5 $0x9C3;
	(pc) =	sbr.rel @p4 .LBB2_2-.Ltmp0, $4  }
0x127: {  	s17 =	sshll.u32 s17, $0x5  }
0x128: {  	s17 =	sadd.s32 s2, s17  }
0x129: {  	[tilespmem:s5], [sflag:$0x3] =	stream.linear.gather [hbm4b:s17+s5], $0x100, $0x38;
	[tilespmem:$0x1BB80] =	vst v63  }
0x12a: {  	s16 =	sadd.s32 $0xC0, s16;
	_ =	swait.ge [sflag:s29], $0x4000  }
0x12b: {  	[sflag:s29] =	ssyncset.done $0x0  }
0x12c: {  	s6 =	simm.s32 @p3 $0x3;
	[sflag:s29] =	ssyncadd.s32 $0xFFFFC000  }
0x12d: {  	[spmem:s3] =	stream.indirect.scatter.add.f32 [tilespmem:s0], [sflag:$0x7], $0x80, s9, s30, $0xb8;
	[tilespmem:$0x1BB80] =	vst v63  }
0x12e: {  	_ =	swait.ge @p3 [sflag:s6], $0x100  }
0x12f: {  	s17 =	simm.s32 @p3 $0x300;
	[sflag:s6] =	ssyncset.done @p3 $0x0  }
0x130: {  	s20 =	simm.s32 @p3 $0x0;
	[sflag:s6] =	ssyncadd.s32 @p3 $0xFFFFFF00;
	s6 =	simm.s32 @p3 $0x80  }
0x131: {  	[tilespmem:s17], [sflag:$0x1] =	stream.indirect.gather @p3 [hbm4b:s1+s6], $0x80, s20, s6, $0xb8;
	[tilespmem:$0x1BB80] =	vst v63  }
0x132: {  	s21 =	simm.s32 @p3 $0x100;
	s19 =	rddreg [dreg:$0x9]  }
0x133: {  	[tilespmem:s21], [sflag:$0x4] =	stream.linear.gather @p3 [hbm4b:s19+s20], $0x100, $0x38;
	[tilespmem:$0x1BB80] =	vst v63  }
0x134: {  	s19 =	simm.s32 @p3 $0x1  }
0x135: {  	_ =	swait.ge @p3 [sflag:s19], $0x4000  }
0x136: {  	[sflag:s19] =	ssyncset.done @p3 $0x0  }
0x137: {  	[sflag:s19] =	ssyncadd.s32 @p3 $0xFFFFC000;
	s19 =	simm.s32 @p3 $0x4  }
0x138: {  	[spmem:s3] =	stream.indirect.scatter.add.f32 @p3 [tilespmem:s17], [sflag:$0x6], $0x80, s6, s6, $0xb8;
	[tilespmem:$0x1BB80] =	vst v63  }
0x139: {  	_ =	swait.ge @p3 [sflag:s19], $0x100  }
0x13a: {  	[sflag:s19] =	ssyncset.done @p3 $0x0  }
0x13b: {  	s17 =	simm.s32 @p3 $0x4300;
	[sflag:s19] =	ssyncadd.s32 @p3 $0xFFFFFF00;
	s19 =	simm.s32 @!p3 $0x6  }
0x13c: {  	[tilespmem:s17], [sflag:$0x1] =	stream.indirect.gather @p3 [hbm4b:s1+s6], $0x80, s21, s6, $0xb8;
	[tilespmem:$0x1BB80] =	vst v63  }
0x13d: {  	_ =	swait.ge @!p3 [sflag:s19], $0x4000  }
0x13e: {  	[sflag:s19] =	ssyncset.done @!p3 $0x0  }
0x13f: {  	s6 =	simm.s32 @!p3 $0x3;
	[sflag:s19] =	ssyncadd.s32 @!p3 $0xFFFFC000  }
0x140: {  	s20 =	simm.s32 @!p3 $0x0;
	_ =	swait.ge @!p3 [sflag:s6], $0x100  }
0x141: {  	s17 =	simm.s32 @!p3 $0x300;
	[sflag:s6] =	ssyncset.done @!p3 $0x0;
	s19 =	rddreg [dreg:$0xb]  }
0x142: {  	[sflag:s6] =	ssyncadd.s32 @!p3 $0xFFFFFF00;
	s6 =	simm.s32 @!p3 $0x80;
	s19 =	sadd.s32 @!p3 s25, s19  }
0x143: {  	[tilespmem:s17], [sflag:$0x1] =	stream.indirect.gather @!p3 [hbm4b:s1+s6], $0x80, s20, s6, $0xb8;
	[tilespmem:$0x1BB80] =	vst v63  }
0x144: {  	s21 =	simm.s32 @!p3 $0x100;
	s22 =	sadd.s32 @!p3 $0x400, s19  }
0x145: {  	[tilespmem:s21], [sflag:$0x4] =	stream.linear.gather @!p3 [hbm4b:s22+s20], $0x100, $0x38;
	[tilespmem:$0x1BB80] =	vst v63  }
0x146: {  	s20 =	simm.s32 @!p3 $0x1  }
0x147: {  	_ =	swait.ge @!p3 [sflag:s20], $0x4000  }
0x148: {  	[sflag:s20] =	ssyncset.done @!p3 $0x0  }
0x149: {  	[sflag:s20] =	ssyncadd.s32 @!p3 $0xFFFFC000;
	s20 =	simm.s32 @!p3 $0x7  }
0x14a: {  	[spmem:s3] =	stream.indirect.scatter.add.f32 @!p3 [tilespmem:s17], [sflag:$0x6], $0x80, s6, s6, $0xb8;
	[tilespmem:$0x1BB80] =	vst v63  }
0x14b: {  	_ =	swait.ge @!p3 [sflag:s20], $0x4000  }
0x14c: {  	[sflag:s20] =	ssyncset.done @!p3 $0x0  }
0x14d: {  	s17 =	simm.s32 @!p3 $0x4;
	[sflag:s20] =	ssyncadd.s32 @!p3 $0xFFFFC000  }
0x14e: {  	_ =	swait.ge @!p3 [sflag:s17], $0x100  }
0x14f: {  	[sflag:s17] =	ssyncset.done @!p3 $0x0  }
0x150: {  	s20 =	simm.s32 @!p3 $0x4300;
	[sflag:s17] =	ssyncadd.s32 @!p3 $0xFFFFFF00  }
0x151: {  	[tilespmem:s20], [sflag:$0x1] =	stream.indirect.gather @!p3 [hbm4b:s1+s6], $0x80, s21, s6, $0xb8;
	[tilespmem:$0x1BB80] =	vst v63  }
0x152: {  	s17 =	rddreg [dreg:$0xa];
	s6 =	sadd.s32 @!p3 $0x800, s19  }
0x153: {  	s6 =	smov.u32 @p3 s17  }
0x154: {  	[tilespmem:s28], [sflag:$0x5] =	stream.linear.gather [hbm4b:s6+s5], $0x100, $0x38;
	[tilespmem:$0x1BB80] =	vst v63  }
0x155: {  	_ =	swait.ge [sflag:s29], $0x4000  }
0x156: {  	[sflag:s29] =	ssyncset.done $0x0  }
0x157: {  	[sflag:s29] =	ssyncadd.s32 $0xFFFFC000  }
0x158: {  	[spmem:s3] =	stream.indirect.scatter.add.f32 [tilespmem:s0], [sflag:$0x7], $0x80, s31, s30, $0xb8;
	[tilespmem:$0x1BB80] =	vst v63  }
0x159: {  	_ =	swait.ge [sflag:s4], $0x4000  }
0x15a: {  	[sflag:s4] =	ssyncset.done $0x0  }
0x15b: {  	[sflag:s4] =	ssyncadd.s32 $0xFFFFC000  }
0x15c: {  	_ =	swait.ge [sflag:s7], $0x100  }
0x15d: {  	s16 =	simm.s32 @p3 $0x0;
	[sflag:s7] =	ssyncset.done $0x0;
	s19 =	rddreg [dreg:$0x5]  }
0x15e: {  	[sflag:s7] =	ssyncadd.s32 $0xFFFFFF00;
	s6 =	sadd.s32 s19, s16  }
0x15f: {  	[tilespmem:s8], [sflag:$0x1] =	stream.indirect.gather [hbm4b:s1+s30], $0x80, s28, s30, $0xb8;
	[tilespmem:$0x1BB80] =	vst v63  }
0x160: {  	s6 =	sshll.u32 s6, $0x5  }
0x161: {  	s6 =	sadd.s32 s2, s6  }
0x162: {  	[tilespmem:s5], [sflag:$0x3] =	stream.linear.gather [hbm4b:s6+s5], $0x100, $0x38;
	[tilespmem:$0x1BB80] =	vst v63  }
0x163: {  	_ =	swait.ge [sflag:s29], $0x4000  }
0x164: {  	[sflag:s29] =	ssyncset.done $0x0  }
0x165: {  	[sflag:s29] =	ssyncadd.s32 $0xFFFFC000  }
0x166: {  	[spmem:s3] =	stream.indirect.scatter.add.f32 [tilespmem:s8], [sflag:$0x6], $0x80, s9, s30, $0xb8;
	[tilespmem:$0x1BB80] =	vst v63  }
0x167: {  	_ =	swait.ge [sflag:s10], $0x4000  }
0x168: {  	[sflag:s10] =	ssyncset.done $0x0  }
0x169: {  	[sflag:s10] =	ssyncadd.s32 $0xFFFFC000  }
0x16a: {  	_ =	swait.ge [sflag:s11], $0x100  }
0x16b: {  	[sflag:s11] =	ssyncset.done $0x0;
	s20 =	rddreg [dreg:$0x6]  }
0x16c: {  	[sflag:s11] =	ssyncadd.s32 $0xFFFFFF00;
	s6 =	sadd.s32 s20, s16  }
0x16d: {  	[tilespmem:s0], [sflag:$0x1] =	stream.indirect.gather [hbm4b:s1+s30], $0x80, s5, s30, $0xb8;
	[tilespmem:$0x1BB80] =	vst v63  }
0x16e: {  	s6 =	sshll.u32 s6, $0x5  }
0x16f: {  	s6 =	sadd.s32 s2, s6  }
0x170: {  	[tilespmem:s12], [sflag:$0x4] =	stream.linear.gather [hbm4b:s6+s5], $0x100, $0x38;
	[tilespmem:$0x1BB80] =	vst v63  }
0x171: {  	_ =	swait.ge [sflag:s29], $0x4000  }
0x172: {  	[sflag:s29] =	ssyncset.done $0x0  }
0x173: {  	[sflag:s29] =	ssyncadd.s32 $0xFFFFC000  }
0x174: {  	[spmem:s3] =	stream.indirect.scatter.add.f32 [tilespmem:s0], [sflag:$0x7], $0x80, s30, s30, $0xb8;
	[tilespmem:$0x1BB80] =	vst v63  }
0x175: {  	_ =	swait.ge [sflag:s4], $0x4000  }
0x176: {  	[sflag:s4] =	ssyncset.done $0x0  }
0x177: {  	[sflag:s4] =	ssyncadd.s32 $0xFFFFC000  }
0x178: {  	_ =	swait.ge [sflag:s13], $0x100  }
0x179: {  	[sflag:s13] =	ssyncset.done $0x0;
	s21 =	rddreg [dreg:$0x7]  }
0x17a: {  	[sflag:s13] =	ssyncadd.s32 $0xFFFFFF00;
	s6 =	sadd.s32 s21, s16  }
0x17b: {  	[tilespmem:s8], [sflag:$0x1] =	stream.indirect.gather [hbm4b:s1+s30], $0x80, s12, s30, $0xb8;
	[tilespmem:$0x1BB80] =	vst v63  }
0x17c: {  	s6 =	sshll.u32 s6, $0x5  }
0x17d: {  	s6 =	sadd.s32 s2, s6  }
0x17e: {  	[tilespmem:s28], [sflag:$0x5] =	stream.linear.gather [hbm4b:s6+s5], $0x100, $0x38;
	[tilespmem:$0x1BB80] =	vst v63  }
0x17f: {  	_ =	swait.ge [sflag:s29], $0x4000  }
0x180: {  	[sflag:s29] =	ssyncset.done $0x0  }
0x181: {  	[sflag:s29] =	ssyncadd.s32 $0xFFFFC000  }
0x182: {  	[spmem:s3] =	stream.indirect.scatter.add.f32 [tilespmem:s8], [sflag:$0x6], $0x80, s31, s30, $0xb8;
	[tilespmem:$0x1BB80] =	vst v63  }
0x183: {  	_ =	swait.ge [sflag:s10], $0x4000  }
0x184: {  	[sflag:s10] =	ssyncset.done $0x0  }
0x185: {  	[sflag:s10] =	ssyncadd.s32 $0xFFFFC000  }
0x186: {  	_ =	swait.ge [sflag:s7], $0x100  }
0x187: {  	s22 =	rddreg [dreg:$0x8]  }
0x188: {  	[sflag:s7] =	ssyncset.done $0x0;
	s6 =	sadd.s32 s22, s16  }
0x189: {  	[sflag:s7] =	ssyncadd.s32 $0xFFFFFF00;
	p3 =	slt.s32 s6, $0x9C3  }
0x18a: {  	[tilespmem:s0], [sflag:$0x1] =	stream.indirect.gather [hbm4b:s1+s30], $0x80, s28, s30, $0xb8;
	[tilespmem:$0x1BB80] =	vst v63  }
0x18b: {  	s6 =	simm.s32 @!p3 $0x9C3  }
0x18c: {  	s6 =	sshll.u32 s6, $0x5  }
0x18d: {  	s6 =	sadd.s32 s2, s6  }
0x18e: {  	[tilespmem:s5], [sflag:$0x3] =	stream.linear.gather [hbm4b:s6+s5], $0x100, $0x38;
	[tilespmem:$0x1BB80] =	vst v63  }
0x18f: {  	_ =	swait.ge [sflag:s29], $0x4000  }
0x190: {  	[sflag:s29] =	ssyncset.done $0x0  }
0x191: {  	[sflag:s29] =	ssyncadd.s32 $0xFFFFC000  }
0x192: {  	[spmem:s3] =	stream.indirect.scatter.add.f32 [tilespmem:s0], [sflag:$0x7], $0x80, s9, s30, $0xb8;
	[tilespmem:$0x1BB80] =	vst v63  }
0x193: {  	_ =	swait.ge [sflag:s4], $0x4000  }
0x194: {  	[sflag:s4] =	ssyncset.done $0x0  }
0x195: {  	[sflag:s4] =	ssyncadd.s32 $0xFFFFC000  }
0x196: {  	_ =	swait.ge [sflag:s10], $0x4000  }
0x197: {  	[sflag:s10] =	ssyncset.done $0x0  }
0x198: {  	[sflag:s10] =	ssyncadd.s32 $0xFFFFC000  }
0x199: {  	_ =	swait.ge [sflag:s11], $0x100  }
0x19a: {  	s17 =	simm.s32 @!p0 $0x300;
	[sflag:s11] =	ssyncset.done $0x0  }
0x19b: {  	s16 =	simm.s32 @!p0 $0x0;
	s6 =	simm.s32 @!p0 $0x80;
	[sflag:s11] =	ssyncadd.s32 $0xFFFFFF00  }
0x19c: {  	[tilespmem:s17], [sflag:$0x1] =	stream.indirect.gather @!p0 [hbm4b:s1+s6], $0x80, s16, s6, $0xb8;
	[tilespmem:$0x1BB80] =	vst v63  }
0x19d: {  	s16 =	simm.s32 @!p0 $0x1  }
0x19e: {  	_ =	swait.ge @!p0 [sflag:s16], $0x4000  }
0x19f: {  	[sflag:s16] =	ssyncset.done @!p0 $0x0  }
0x1a0: {  	[sflag:s16] =	ssyncadd.s32 @!p0 $0xFFFFC000  }
0x1a1: {  	[spmem:s3] =	stream.indirect.scatter.add.f32 @!p0 [tilespmem:s17], [sflag:$0x6], $0x80, s6, s6, $0xb8;
	[tilespmem:$0x1BB80] =	vst v63  }
0x1a2: {  	s6 =	simm.s32 @!p0 $0x6  }
0x1a3: {  	_ =	swait.ge @!p0 [sflag:s6], $0x4000  }
0x1a4: {  	[sflag:s6] =	ssyncset.done @!p0 $0x0  }
0x1a5: {  	[sflag:s6] =	ssyncadd.s32 @!p0 $0xFFFFC000  }
0x1a6: {  	[bflag:$0x0] =	sbarrier.arrive $0xFFFF  }
0x1a7: {  	s23 =	rddreg [dreg:$0xd]  }
0x1a8: {  	s24 =	rddreg [dreg:$0x1e]  }
0x1a9: {  	[hbm:s23], [sflag:s18] =	dma.local [spmem:s24], $0x500  }
0x1aa: {  	s6 =	rddreg [dreg:$0xe]  }
0x1ab: {  	s16 =	rddreg [dreg:$0x1f]  }
0x1ac: {  	[hbm:s6], [sflag:s18] =	dma.local [spmem:s16], $0x500  }
0x1ad: {  	s16 =	sld [smem:$0x7F8];
	_ =	sdelay $0x1  }
0x1ae: {  	s6 =	rddreg [dreg:$0xf]  }
0x1af: {  	[hbm:s6], [sflag:s18] =	dma.local [spmem:s16], $0x500  }
0x1b0: {  	s16 =	sld [smem:$0x7F9];
	_ =	sdelay $0x1  }
0x1b1: {  	s6 =	rddreg [dreg:$0x10]  }
0x1b2: {  	[hbm:s6], [sflag:s18] =	dma.local [spmem:s16], $0x500  }
0x1b3: {  	s16 =	sld [smem:$0x7FA];
	_ =	sdelay $0x1  }
0x1b4: {  	s6 =	rddreg [dreg:$0x11]  }
0x1b5: {  	[hbm:s6], [sflag:s18] =	dma.local [spmem:s16], $0x500  }
0x1b6: {  	s16 =	sld [smem:$0x7FB];
	_ =	sdelay $0x1  }
0x1b7: {  	s6 =	rddreg [dreg:$0x12]  }
0x1b8: {  	[hbm:s6], [sflag:s18] =	dma.local [spmem:s16], $0x500  }
0x1b9: {  	s16 =	sld [smem:$0x7FC];
	_ =	sdelay $0x1  }
0x1ba: {  	s6 =	rddreg [dreg:$0x13]  }
0x1bb: {  	[hbm:s6], [sflag:s18] =	dma.local [spmem:s16], $0x500  }
0x1bc: {  	s16 =	sld [smem:$0x7FD];
	_ =	sdelay $0x1  }
0x1bd: {  	s6 =	rddreg [dreg:$0x14]  }
0x1be: {  	[hbm:s6], [sflag:s18] =	dma.local @!p1 [spmem:s16], $0x500  }
0x1bf: {  	_ =	swait.ge [sflag:s26], $0x500  }
0x1c0: {  	[sflag:s26] =	ssyncset.done $0x0  }
0x1c1: {  	[sflag:s26] =	ssyncadd.s32 $0xFFFFFB00  }
0x1c2: {  	_ =	swait.ge [sflag:s26], $0x500  }
0x1c3: {  	[sflag:s26] =	ssyncset.done $0x0  }
0x1c4: {  	[sflag:s26] =	ssyncadd.s32 $0xFFFFFB00  }
0x1c5: {  	_ =	swait.ge [sflag:s26], $0x500  }
0x1c6: {  	[sflag:s26] =	ssyncset.done $0x0  }
0x1c7: {  	[sflag:s26] =	ssyncadd.s32 $0xFFFFFB00  }
0x1c8: {  	_ =	swait.ge [sflag:s26], $0x500  }
0x1c9: {  	[sflag:s26] =	ssyncset.done $0x0  }
0x1ca: {  	[sflag:s26] =	ssyncadd.s32 $0xFFFFFB00  }
0x1cb: {  	_ =	swait.ge [sflag:s26], $0x500  }
0x1cc: {  	[sflag:s26] =	ssyncset.done $0x0  }
0x1cd: {  	[sflag:s26] =	ssyncadd.s32 $0xFFFFFB00  }
0x1ce: {  	_ =	swait.ge [sflag:s26], $0x500  }
0x1cf: {  	[sflag:s26] =	ssyncset.done $0x0  }
0x1d0: {  	[sflag:s26] =	ssyncadd.s32 $0xFFFFFB00  }
0x1d1: {  	_ =	swait.ge [sflag:s26], $0x500  }
0x1d2: {  	[sflag:s26] =	ssyncset.done $0x0  }
0x1d3: {  	s6 =	simm.s32 @!p2 $0x2;
	[sflag:s26] =	ssyncadd.s32 $0xFFFFFB00  }
0x1d4: {  	_ =	swait.ge @!p2 [sflag:s6], $0x500  }
0x1d5: {  	s14 =	sadd.s32 $0x1, s14;
	s25 =	rddreg [dreg:$0x15]  }
0x1d6: {  	p3 =	sne.s32 s14, s25  }
.Ltmp1:
0x1d7: {  	_ = 	snop;
	(pc) =	sbr.rel @p3 .LBB2_1-.Ltmp1, $3  }
0x1d8: {  	_ =	sdelay $0x1  }
0x1d9: {  	[sflag:s6] =	ssyncset.done @!p2 $0x0  }
0x1da: {  	[sflag:s6] =	ssyncadd.s32 @!p2 $0xFFFFFB00  }
0x1db: {  	_ =	sfence.sel $0x180000  }
0x1dc: {  	[bflag:$0x0] =	sbarrier.arrive $0xFFFF  }
0x1dd: {  	_ =	strace $0x9000004A  }
0x1de: {  	s0 =	stileid.u32;
	[bflag:$0x2] =	sbarrier.arrive $0xFFFF  }
0x1df: {  	p0 =	sne.s32 s0, $0x0;
	s0 =	rddreg [dreg:$0x4]  }
0x1e0: {  	s0 =	sadd.s32 @!p0 $0x100000, s0  }
0x1e1: {  	[sflag:s0] =	ssyncadd.tile.s32 @!p0 $0x1;
	_ =	shalt  }
.Lfunc_end2:
_tile_overlayer_lowered:
.L_overlay_start_2:
0x1e2: {  	(tag) =	ssettag $0x2  }
0x1e3: {  	s0 =	rddreg [dreg:$0x0];
	s2 =	stileid.u32  }
0x1e4: {  	s1 =	rddreg [dreg:$0x1];
	p0 =	sne.s32 s2, $0x0  }
0x1e5: {  	s3 =	rddreg [dreg:$0x2];
	[bflag:$0x3] =	sbarrier.arrive $0xFFFF;
	s2 =	simm.s32 @!p0 $0x1C08  }
0x1e6: {  	[timem:s3], [sflag:s2] =	dma.local @!p0 [hbm:s0], s1  }
0x1e7: {  	s0 =	simm.s32 @!p0 $0x8  }
0x1e8: {  	_ =	swait.ge @!p0 [sflag:s0], s1  }
0x1e9: {  	s1 =	ssub.s32 @!p0 $0x0, s1;
	[sflag:s0] =	ssyncset.done @!p0 $0x0  }
0x1ea: {  	[sflag:s0] =	ssyncadd.s32 @!p0 s1  }
0x1eb: {  	[bflag:$0x3] =	sbarrier.arrive $0xFFFF  }
0x1ec: {  	_ =	shalt  }

// kernel: kernel.8.cloned.1.call-start
scs
__scs_entry_jumppad:
0x0: {  	(pc) =	sbr.rel $0x88, $3  }
0x1: {  	(tag) =	ssettag $0x0;
	lr =	simm.s32 $0x1  }
0x2: {  	[smem:$0x3F9A] =	sst lr;
	_ =	strace $0xD0000000  }
0x3: {  	_ = 	snop  }
0x4: {  	_ = 	snop  }
0x5: {  	_ = 	snop  }
0x6: {  	_ = 	snop  }
0x7: {  	_ = 	snop  }
__scs_overlays_trampoline_lowered:
0x8: {  	[smem:$0x3FA9] =	sst s0  }
0x9: {  	[smem:$0x3FAA] =	sst s1  }
0xa: {  	[smem:$0x3FAB] =	sst s2  }
0xb: {  	[smem:$0x3FAC] =	sst s3  }
0xc: {  	[smem:$0x3FAD] =	sst s4  }
0xd: {  	[smem:$0x3FAE] =	sst s5  }
0xe: {  	[smem:$0x3FAF] =	sst s6  }
0xf: {  	[smem:$0x3FB0] =	sst s7  }
0x10: {  	[smem:$0x3FB1] =	sst s8  }
0x11: {  	[smem:$0x3FB2] =	sst s9;
	s0 =	simm.s32 @!p0 $0x0  }
0x12: {  	s1 =	sld [smem:$0x3F98];
	s0 =	simm.s32 @p0 $0x1  }
0x13: {  	[smem:$0x3FB3] =	sst s0;
	s0 =	simm.s32 @!p1 $0x0  }
0x14: {  	s2 =	sld [smem:$0x3F97];
	s0 =	simm.s32 @p1 $0x1  }
0x15: {  	[smem:$0x3FB4] =	sst s0;
	s0 =	simm.s32 @!p2 $0x0  }
0x16: {  	s3 =	sld [smem:$0x3FDB];
	s0 =	simm.s32 @p2 $0x1  }
0x17: {  	s4 =	simm.s32 $0x1BF5;
	[smem:$0x3FB6] =	sst s0  }
0x18: {  	s0 =	sld [smem:$0x3F99];
	_ =	swait.ge [sflag:s4], $0x0  }
0x19: {  	s7 =	sld [smem:$0x3F9A]  }
0x1a: {  	s8 =	sadd.s32 $0xFFFFE003, lr  }
0x1b: {  	s9 =	sadd.s32 $0xFFFFFEF7, lr;
	s5 =	simm.s32 $0xFFFFFFFF;
	p2 =	slt.u32 s8, $0xFFFFF086  }
0x1c: {  	p1 =	slt.u32 s9, $0xF7A;
	s5 =	simm.s32 @!p2 $0x0  }
0x1d: {  	s5 =	simm.s32 @p1 $0x1;
	p0 =	seq.s32 s7, s2  }
0x1e: {  	s7 =	smul.u32 @!p0 $0xF7A, s2;
	p2 =	seq.s32 @!p0 s5, $0x0  }
0x1f: {  	s9 =	smul.u32 $0xF7A, s1;
	s8 =	simm.s32 @!p0 $0x1BF5;
	p2 =	por !p2, p0  }
0x20: {  	[sflag:s8] =	ssyncset.s32 @!p0 $0xFFFFF086;
	s6 =	sadd.s32 @!p0 s3, s7;
	s7 =	simm.s32 @!p0 $0x108  }
0x21: {  	s3 =	sadd.s32 s3, s9;
	s6 =	sadd.s32 @!p0 $0x88, s6;
	s7 =	simm.s32 @p2 $0x1082  }
0x22: {  	[simem:s7], [sflag:s8] =	dma.local @!p0 [hbm:s6], $0xF7A  }
0x23: {  	s9 =	sor.u32 $0xD0000000, s2;
	s6 =	simm.s32 $0x108;
	_ =	swait.ge @!p0 [sflag:s8], $0x0  }
0x24: {  	s3 =	sadd.s32 $0x88, s3;
	s6 =	simm.s32 @!p1 $0x1082;
	[sflag:s4] =	ssyncset.s32 $0xFFFFF086  }
0x25: {  	[simem:s6], [sflag:s4] =	dma.local [hbm:s3], $0xF7A  }
0x26: {  	[smem:$0x3F9A] =	sst s1;
	(tag) =	ssettag s2;
	_ =	strace s9  }
0x27: {  	s1 =	sld [smem:$0x3FAA]  }
0x28: {  	s2 =	sld [smem:$0x3FAB]  }
0x29: {  	s4 =	sld [smem:$0x3FAD]  }
0x2a: {  	p0 =	seq.s32 s5, $0x0;
	s5 =	sld [smem:$0x3FAE]  }
0x2b: {  	s6 =	sld [smem:$0x3FAF]  }
0x2c: {  	s7 =	sld [smem:$0x3FB0]  }
0x2d: {  	s3 =	simm.s32 $0x108;
	s8 =	sld [smem:$0x3FB1]  }
0x2e: {  	s3 =	simm.s32 @!p0 $0x1082;
	s9 =	sld [smem:$0x3FB2]  }
0x2f: {  	lr =	sadd.s32 s0, s3;
	s0 =	sld [smem:$0x3FA9]  }
0x30: {  	s3 =	sld [smem:$0x3FAC]  }
0x31: {  	[smem:$0x3FB5] =	sst s10  }
0x32: {  	s10 =	sld [smem:$0x3FB3];
	_ =	sdelay $0x3  }
0x33: {  	p0 =	seq.s32 s10, $0x1;
	s10 =	sld [smem:$0x3FB5];
	_ =	sdelay $0x3  }
0x34: {  	[smem:$0x3FB5] =	sst s10  }
0x35: {  	s10 =	sld [smem:$0x3FB4];
	_ =	sdelay $0x3  }
0x36: {  	p1 =	seq.s32 s10, $0x1;
	s10 =	sld [smem:$0x3FB5];
	_ =	sdelay $0x3  }
0x37: {  	[smem:$0x3FB5] =	sst s10  }
0x38: {  	s10 =	sld [smem:$0x3FB6]  }
0x39: {  	_ = 	snop;
	(pc) =	sbr.ind lr, $3  }
0x3a: {  	_ = 	snop  }
0x3b: {  	_ = 	snop  }
0x3c: {  	p2 =	seq.s32 s10, $0x1;
	s10 =	sld [smem:$0x3FB5]  }
0x3d: {  	_ =	shalt  }
0x3e: {  	_ =	shalt  }
0x3f: {  	_ =	shalt  }
0x40: {  	_ =	shalt  }
0x41: {  	_ =	shalt  }
0x42: {  	_ =	shalt  }
0x43: {  	_ =	shalt  }
0x44: {  	_ =	shalt  }
0x45: {  	_ =	shalt  }
0x46: {  	_ =	shalt  }
0x47: {  	_ =	shalt  }
0x48: {  	_ =	shalt  }
0x49: {  	_ =	shalt  }
0x4a: {  	_ =	shalt  }
0x4b: {  	_ =	shalt  }
0x4c: {  	_ =	shalt  }
0x4d: {  	_ =	shalt  }
0x4e: {  	_ =	shalt  }
0x4f: {  	_ =	shalt  }
0x50: {  	_ =	shalt  }
0x51: {  	_ =	shalt  }
0x52: {  	_ =	shalt  }
0x53: {  	_ =	shalt  }
0x54: {  	_ =	shalt  }
0x55: {  	_ =	shalt  }
0x56: {  	_ =	shalt  }
0x57: {  	_ =	shalt  }
0x58: {  	_ =	shalt  }
0x59: {  	_ =	shalt  }
0x5a: {  	_ =	shalt  }
0x5b: {  	_ =	shalt  }
0x5c: {  	_ =	shalt  }
0x5d: {  	_ =	shalt  }
0x5e: {  	_ =	shalt  }
0x5f: {  	_ =	shalt  }
0x60: {  	_ =	shalt  }
0x61: {  	_ =	shalt  }
0x62: {  	_ =	shalt  }
0x63: {  	_ =	shalt  }
0x64: {  	_ =	shalt  }
0x65: {  	_ =	shalt  }
0x66: {  	_ =	shalt  }
0x67: {  	_ =	shalt  }
0x68: {  	_ =	shalt  }
0x69: {  	_ =	shalt  }
0x6a: {  	_ =	shalt  }
0x6b: {  	_ =	shalt  }
0x6c: {  	_ =	shalt  }
0x6d: {  	_ =	shalt  }
0x6e: {  	_ =	shalt  }
0x6f: {  	_ =	shalt  }
0x70: {  	_ =	shalt  }
0x71: {  	_ =	shalt  }
0x72: {  	_ =	shalt  }
0x73: {  	_ =	shalt  }
0x74: {  	_ =	shalt  }
0x75: {  	_ =	shalt  }
0x76: {  	_ =	shalt  }
0x77: {  	_ =	shalt  }
0x78: {  	_ =	shalt  }
0x79: {  	_ =	shalt  }
0x7a: {  	_ =	shalt  }
0x7b: {  	_ =	shalt  }
0x7c: {  	_ =	shalt  }
0x7d: {  	_ =	shalt  }
0x7e: {  	_ =	shalt  }
0x7f: {  	_ =	shalt  }
0x80: {  	_ =	shalt  }
0x81: {  	_ =	shalt  }
0x82: {  	_ =	shalt  }
0x83: {  	_ =	shalt  }
0x84: {  	_ =	shalt  }
0x85: {  	_ =	shalt  }
0x86: {  	_ =	shalt  }
0x87: {  	_ =	shalt  }
.Lfunc_end0:
.L_simem_size_0:
called_computation.1_lowered:
.L_overlay_start_0:
0x88: {  	s2 =	sld [smem:$0x3FD9]  }
0x89: {  	s3 =	sld [smem:$0x3FFE];
	_ =	sdelay $0x1  }
0x8a: {  	s1 =	srdreg.scid  }
0x8b: {  	s0 =	sand.u32 $0x1, s1  }
0x8c: {  	s17 =	sshll.u32 s0, $0xA;
	s2 =	sadd.s32 s3, s2  }
0x8d: {  	s2 =	sadd.s32 s2, s17  }
0x8e: {  	[smem:$0x3FC1] =	sst s2  }
0x8f: {  	_ = 	snop  }
0x90: {  	s2 =	sld [smem:$0x3FD0];
	(tm) =	ssettm $0x1  }
0x91: {  	s18 =	sld [smem:$0x3FFB];
	_ =	sdelay $0x3  }
0x92: {  	_ =	strace s18  }
0x93: {  	s3 =	sld [smem:$0x3FFC];
	_ =	sdelay $0x3  }
0x94: {  	_ =	strace s3  }
0x95: {  	s3 =	sld [smem:$0x3FFD];
	_ =	sdelay $0x3  }
0x96: {  	_ =	strace s3  }
0x97: {  	_ =	strace $0x8FFFFFFF  }
0x98: {  	s19 =	sld [smem:$0x3FDB];
	_ =	sdelay $0x1  }
0x99: {  	s4 =	simm.s32 $_scs_section_size  }
0x9a: {  	s5 =	simm.s32 $_size__tile_overlayer_lowered;
	s6 =	simm.s32 $_tile_overlayer_lowered  }
0x9b: {  	s22 =	simm.s32 $0x1BFF;
	s21 =	sshll.u32 s6, $0x1;
	s3 =	sadd.s32 s4, s19  }
0x9c: {  	s7 =	simm.s32 $0x0;
	s20 =	sshll.u32 s5, $0x1;
	s5 =	sadd.s32 s21, s3  }
0x9d: {  	[timem:s7], [sflag:s22] =	dma.local [hbm:s5], s20  }
0x9e: {  	_ =	swait.ge [sflag:s22], s20  }
0x9f: {  	s4 =	ssub.s32 $0x0, s20;
	[sflag:s22] =	ssyncset.done $0x0  }
0xa0: {  	[sflag:s22] =	ssyncadd.s32 s4;
	_ =	sdelay $0x1  }
0xa1: {  	s23 =	simm.s32 $0x1B8B  }
0xa2: {  	_ =	swait.ge [sflag:s23], $0x1  }
0xa3: {  	[sflag:s23] =	ssyncset.done $0x0  }
0xa4: {  	s25 =	simm.s32 $0x1B8E;
	s24 =	sld [smem:$0x3FFE];
	[sflag:s23] =	ssyncadd.s32 $0xFFFFFFFF  }
0xa5: {  	s26 =	simm.s32 $execute0_lowered;
	[smem:$0x3FD2] =	sst s25  }
0xa6: {  	s5 =	sshll.u32 s26, $0x1;
	_ =	strace $0x80000046;
	[dreg:$0x1] =	wrdreg $0xFFFFFFFF  }
0xa7: {  	s28 =	simm.s32 $_size_execute0_lowered;
	s3 =	sadd.s32 s3, s5;
	[dreg:$0x0] =	wrdreg $0x0  }
0xa8: {  	s5 =	sshll.u32 s28, $0x1;
	[dreg:$0x2] =	wrdreg s3  }
0xa9: {  	[dreg:$0x3] =	wrdreg s5  }
0xaa: {  	[dreg:$0x4] =	wrdreg $0xC0  }
0xab: {  	_ =	task [dreg:s7], $0x5FFFF  }
0xac: {  	[dreg:$0x1] =	wrdreg $0xFFFFFFFF  }
0xad: {  	[dreg:$0x0] =	wrdreg $0x60  }
0xae: {  	[dreg:$0x2] =	wrdreg s2  }
0xaf: {  	[dreg:$0x3] =	wrdreg s24  }
0xb0: {  	[dreg:$0x4] =	wrdreg $0x83000  }
0xb1: {  	[dreg:$0x5] =	wrdreg $0xA  }
0xb2: {  	_ =	task.clear_ibuf [dreg:s7], $0x6FFFF;
	_ =	strace $0x90000046  }
0xb3: {  	s29 =	simm.s32 $0xA;
	_ =	strace $0x80000048  }
0xb4: {  	_ =	swait.ge [sflag:s29], $0x1  }
0xb5: {  	[sflag:s29] =	ssyncadd.s32 $0xFFFFFFFF  }
0xb6: {  	_ =	strace $0x90000048  }
0xb7: {  	_ =	sfence  }
0xb8: {  	s30 =	sld [smem:$0x0];
	_ =	sdelay $0x2  }
0xb9: {  	s31 =	sshll.u32 s1, $0xD;
	s1 =	sshrl.u32 s1, $0x2  }
0xba: {  	s3 =	sand.u32 $0x4000, s31;
	s1 =	sadd.s32 s1, s30  }
0xbb: {  	s0 =	sor.u32 s3, s0;
	s1 =	sshll.u32 s1, $0x11  }
0xbc: {  	s0 =	sor.u32 s1, s0  }
0xbd: {  	s0 =	sadd.s32 $0x8F2B, s0  }
0xbe: {  	[sflag:s0] =	ssyncadd.remote.s32 $0x1  }
0xbf: {  	_ =	sfence.sel $0xFFFF  }
0xc0: {  	[dreg:$0x0] =	wrdreg $0xFFFFFFFF;
	(pc) =	sbr.abs _section_cstart, $3  }
0xc1: {  	[dreg:$0x1] =	wrdreg $0xFFFFFFFF  }
0xc2: {  	_ =	task.clear_ibuf [dreg:s7], $0x2FFFF;
	_ =	strace $0x9FFFFFFF  }
0xc3: {  	(tm) =	ssettm $0x7FFFFFFF  }
tec
execute0_lowered:
.L_overlay_start_1:
0x0: {  	(tag) =	ssettag $0x1  }
0x1: {  	s1 =	rddreg [dreg:$0x0]  }
0x2: {  	s0 =	rddreg [dreg:$0x1]  }
0x3: {  	s2 =	rddreg [dreg:$0x2];
	s3 =	simm.s32 $0x0;
	s4 =	srdreg.scid  }
0x4: {  	s24 =	stileid.u32;
	[smem:$0x7FF] =	sst s3;
	s4 =	sand.u32 $0x1, s4  }
0x5: {  	s5 =	sadd.s32 $0x4E3600, s0;
	s12 =	sor.u32 $0x10, s24;
	s13 =	smul.u32 $0x500, s24  }
0x6: {  	s15 =	sor.u32 $0x30, s24;
	p2 =	sgt.u32 s24, $0xC;
	s6 =	smul.u32 $0x27100, s4  }
0x7: {  	s7 =	sshll.u32 s4, $0x4;
	_ =	strace $0x80000047;
	s14 =	smul.u32 $0x500, s12  }
0x8: {  	s19 =	ssub.s32 $0x2, s4;
	s17 =	smul.u32 $0x500, s15;
	s7 =	sor.u32 s24, s7  }
0x9: {  	s10 =	sshrl.u32 s19, $0x1;
	s8 =	sadd.s32 s6, s0;
	s9 =	sor.u32 $0x60, s7  }
0xa: {  	s20 =	sor.u32 $0x80, s7;
	s6 =	ssub.s32 s19, s10;
	[dreg:$0x4] =	wrdreg s9  }
0xb: {  	s21 =	sor.u32 $0xA0, s7;
	s22 =	sor.u32 $0xC0, s7;
	[dreg:$0x5] =	wrdreg s20  }
0xc: {  	s23 =	sshll.u32 s7, $0xB;
	s11 =	sshll.u32 s7, $0x5;
	[dreg:$0x6] =	wrdreg s21  }
0xd: {  	s19 =	sor.u32 $0x50, s24;
	p0 =	sgt.u32 s7, $0x3;
	[dreg:$0x7] =	wrdreg s22  }
0xe: {  	s25 =	sadd.s32 s5, s23;
	s18 =	sadd.s32 s1, s11;
	s11 =	sadd.s32 $0x4F3600, s0  }
0xf: {  	s9 =	sor.u32 $0x20, s24;
	s21 =	smul.u32 $0x500, s19;
	s8 =	sadd.s32 $0x1C00, s8  }
0x10: {  	s6 =	smax.u32 s6, $0x1;
	s19 =	smul.u32 $0xA000, s19;
	[dreg:$0x8] =	wrdreg s25  }
0x11: {  	s26 =	sadd.s32 $0x400, s18;
	s10 =	sadd.s32 s23, s11;
	[dreg:$0xd] =	wrdreg s18  }
0x12: {  	s16 =	smul.u32 $0x500, s9;
	s18 =	sadd.s32 $0x800, s18;
	[dreg:$0x19] =	wrdreg s6  }
0x13: {  	s23 =	sor.u32 $0x70, s24;
	s13 =	sadd.s32 s8, s13;
	[dreg:$0x9] =	wrdreg s26  }
0x14: {  	s28 =	sadd.s32 s8, s14;
	s31 =	sadd.s32 s8, s17;
	[dreg:$0xa] =	wrdreg s10  }
0x15: {  	s25 =	sshll.u32 s24, $0xE;
	s6 =	simm.s32 $0x7;
	[dreg:$0xb] =	wrdreg s18  }
0x16: {  	s10 =	sor.u32 $0x40, s24;
	[dreg:$0xe] =	wrdreg s13;
	s29 =	smul.u32 $0x500, s23  }
0x17: {  	s18 =	sor.u32 $0x60, s24;
	[dreg:$0x11] =	wrdreg s31;
	s31 =	smul.u32 $0xA000, s12  }
0x18: {  	[dreg:$0xf] =	wrdreg s28;
	s17 =	sadd.s32 s8, s21;
	s12 =	smul.u32 $0xA000, s15  }
0x19: {  	s21 =	sshll.u32 s4, $0x9;
	p1 =	sgt.u32 s23, $0x7C;
	s23 =	smul.u32 $0xA000, s23  }
0x1a: {  	s26 =	sshll.u32 s24, $0x5;
	s28 =	simm.s32 $0x100;
	s20 =	smul.u32 $0x500, s10  }
0x1b: {  	s22 =	smul.u32 $0x500, s18;
	s30 =	sadd.s32 s8, s16;
	[dreg:$0x13] =	wrdreg s17  }
0x1c: {  	[dreg:$0xc] =	wrdreg s28;
	s17 =	sor.u32 $0x40, s7;
	s14 =	smul.u32 $0xA000, s10  }
0x1d: {  	s10 =	simm.s32 $0x4300;
	[dreg:$0x10] =	wrdreg s30;
	s16 =	sadd.s32 s8, s20  }
0x1e: {  	s30 =	smul.u32 $0xA000, s24;
	s20 =	sadd.s32 s8, s22;
	[dreg:$0x12] =	wrdreg s16  }
0x1f: {  	s8 =	sadd.s32 s8, s29;
	s22 =	sshll.u32 s4, $0x12;
	[dreg:$0x14] =	wrdreg s20  }
0x20: {  	s29 =	sshll.u32 s24, $0xB;
	s4 =	sshll.u32 s4, $0xF;
	[dreg:$0x15] =	wrdreg s8  }
0x21: {  	s13 =	sor.u32 s25, s22;
	s8 =	sadd.s32 s21, s1;
	s16 =	sadd.s32 $0x1600, s0  }
0x22: {  	s0 =	sadd.s32 s29, s5;
	s7 =	sshrl.u32 s30, $0x2;
	s20 =	sshrl.u32 s12, $0x2  }
0x23: {  	s21 =	smul.u32 $0xA000, s18;
	s29 =	sshrl.u32 s23, $0x2;
	s12 =	simm.s32 $0x5  }
0x24: {  	s8 =	sadd.s32 s26, s8;
	s13 =	sshrl.u32 s13, $0x3;
	s4 =	sadd.s32 s4, s0  }
0x25: {  	s0 =	sadd.s32 $0x4E0000, s0;
	s26 =	sshrl.u32 s19, $0x2;
	s30 =	sadd.s32 s29, s2  }
0x26: {  	s19 =	simm.s32 $0x3;
	s11 =	sadd.s32 s13, s11;
	[dreg:$0x17] =	wrdreg s4  }
0x27: {  	[dreg:$0x18] =	wrdreg s0;
	s4 =	sadd.s32 s7, s2;
	s13 =	sshll.u32 s24, $0x6  }
0x28: {  	s0 =	sshrl.u32 s31, $0x2;
	s7 =	sshrl.u32 s14, $0x2;
	s28 =	sshrl.u32 s21, $0x2  }
0x29: {  	[smem:$0x7FC] =	sst s30;
	s31 =	sadd.s32 $0x800, s8;
	s8 =	simm.s32 $0x80  }
0x2a: {  	s14 =	simm.s32 $0x280;
	s21 =	simm.s32 $0x0;
	[dreg:$0x16] =	wrdreg s11  }
0x2b: {  	s11 =	smul.u32 $0xA000, s9;
	[dreg:$0x1a] =	wrdreg s4;
	s22 =	sor.u32 $0x1C02, s13  }
0x2c: {  	s0 =	sadd.s32 s0, s2;
	s25 =	sadd.s32 s7, s2;
	[smem:$0x7FD] =	sst s31  }
0x2d: {  	s4 =	simm.s32 $0x200;
	[dreg:$0x1b] =	wrdreg s0;
	s15 =	sshrl.u32 s11, $0x2  }
0x2e: {  	s7 =	simm.s32 $0x1;
	[dreg:$0x1e] =	wrdreg s25;
	s0 =	sadd.s32 s15, s2  }
0x2f: {  	s9 =	simm.s32 $0x180;
	[dreg:$0x1c] =	wrdreg s0;
	s0 =	sadd.s32 s20, s2  }
0x30: {  	s13 =	simm.s32 $0x300;
	[dreg:$0x1d] =	wrdreg s0;
	s0 =	sadd.s32 s26, s2  }
0x31: {  	s11 =	simm.s32 $0x6;
	[dreg:$0x1f] =	wrdreg s0;
	s0 =	sadd.s32 s28, s2  }
0x32: {  	s20 =	simm.s32 $0x4;
	[smem:$0x7FB] =	sst s0;
	s0 =	simm.s32 $0x2  }
.LBB2_1:
0x33: {  	s15 =	rddreg [dreg:$0xd]  }
0x34: {  	s29 =	rddreg [dreg:$0x1a]  }
0x35: {  	[tilespmem:s3], [sflag:$0x3] =	stream.linear.gather [hbm4b:s15+s3], $0x100, $0x38;
	[tilespmem:$0x1BB80] =	vst v63  }
0x36: {  	[smem:$0x7F2] =	sst s21;
	s15 =	sshrl.u32 s29, $0x3  }
0x37: {  	[smem:$0x7F3] =	sst s15  }
0x38: {  	[spmem:s15], [sflag:s22] =	dma.local [hbm:s16], $0x500  }
0x39: {  	s15 =	rddreg [dreg:$0x1b]  }
0x3a: {  	s15 =	sshrl.u32 s15, $0x3  }
0x3b: {  	[smem:$0x7F4] =	sst s15  }
0x3c: {  	[spmem:s15], [sflag:s22] =	dma.local [hbm:s16], $0x500  }
0x3d: {  	s15 =	rddreg [dreg:$0x1c]  }
0x3e: {  	s15 =	sshrl.u32 s15, $0x3  }
0x3f: {  	[smem:$0x7F5] =	sst s15  }
0x40: {  	[spmem:s15], [sflag:s22] =	dma.local [hbm:s16], $0x500  }
0x41: {  	s15 =	rddreg [dreg:$0x1d]  }
0x42: {  	s15 =	sshrl.u32 s15, $0x3  }
0x43: {  	[smem:$0x7F6] =	sst s15  }
0x44: {  	[spmem:s15], [sflag:s22] =	dma.local [hbm:s16], $0x500  }
0x45: {  	s15 =	rddreg [dreg:$0x1e]  }
0x46: {  	s15 =	sshrl.u32 s15, $0x3  }
0x47: {  	[smem:$0x7F7] =	sst s15  }
0x48: {  	[spmem:s15], [sflag:s22] =	dma.local [hbm:s16], $0x500  }
0x49: {  	s15 =	rddreg [dreg:$0x1f]  }
0x4a: {  	s15 =	sshrl.u32 s15, $0x3  }
0x4b: {  	[smem:$0x7F8] =	sst s15  }
0x4c: {  	[spmem:s15], [sflag:s22] =	dma.local [hbm:s16], $0x500  }
0x4d: {  	s15 =	sld [smem:$0x7FB];
	_ =	sdelay $0x2  }
0x4e: {  	s15 =	sshrl.u32 s15, $0x3  }
0x4f: {  	[smem:$0x7F9] =	sst s15  }
0x50: {  	[spmem:s15], [sflag:s22] =	dma.local [hbm:s16], $0x500  }
0x51: {  	s15 =	sld [smem:$0x7FC];
	_ =	sdelay $0x2  }
0x52: {  	s15 =	sshrl.u32 @!p1 s15, $0x3  }
0x53: {  	[smem:$0x7FA] =	sst s15  }
0x54: {  	[spmem:s15], [sflag:s22] =	dma.local @!p1 [hbm:s16], $0x500  }
0x55: {  	_ =	swait.ge [sflag:s0], $0x500  }
0x56: {  	[sflag:s0] =	ssyncset.done $0x0  }
0x57: {  	[sflag:s0] =	ssyncadd.s32 $0xFFFFFB00  }
0x58: {  	_ =	swait.ge [sflag:s0], $0x500  }
0x59: {  	[sflag:s0] =	ssyncset.done $0x0  }
0x5a: {  	[sflag:s0] =	ssyncadd.s32 $0xFFFFFB00  }
0x5b: {  	_ =	swait.ge [sflag:s0], $0x500  }
0x5c: {  	[sflag:s0] =	ssyncset.done $0x0  }
0x5d: {  	[sflag:s0] =	ssyncadd.s32 $0xFFFFFB00  }
0x5e: {  	_ =	swait.ge [sflag:s0], $0x500  }
0x5f: {  	[sflag:s0] =	ssyncset.done $0x0  }
0x60: {  	[sflag:s0] =	ssyncadd.s32 $0xFFFFFB00  }
0x61: {  	_ =	swait.ge [sflag:s0], $0x500  }
0x62: {  	[sflag:s0] =	ssyncset.done $0x0  }
0x63: {  	[sflag:s0] =	ssyncadd.s32 $0xFFFFFB00  }
0x64: {  	_ =	swait.ge [sflag:s0], $0x500  }
0x65: {  	[sflag:s0] =	ssyncset.done $0x0  }
0x66: {  	[sflag:s0] =	ssyncadd.s32 $0xFFFFFB00  }
0x67: {  	_ =	swait.ge [sflag:s0], $0x500  }
0x68: {  	[sflag:s0] =	ssyncset.done $0x0  }
0x69: {  	s18 =	simm.s32 @!p2 $0x2;
	[sflag:s0] =	ssyncadd.s32 $0xFFFFFB00  }
0x6a: {  	_ =	swait.ge @!p2 [sflag:s18], $0x500  }
0x6b: {  	[sflag:s18] =	ssyncset.done @!p2 $0x0  }
0x6c: {  	p3 =	por $0x1, $0x1;
	[sflag:s18] =	ssyncadd.s32 @!p2 $0xFFFFFB00  }
0x6d: {  	s18 =	simm.s32 @p3 $0x3;
	[bflag:$0x0] =	sbarrier.arrive $0xFFFF  }
0x6e: {  	_ =	swait.ge @p3 [sflag:s18], $0x100  }
0x6f: {  	s24 =	simm.s32 @p3 $0x0;
	[sflag:s18] =	ssyncset.done @p3 $0x0  }
0x70: {  	s25 =	simm.s32 @p3 $0x300;
	s23 =	rddreg [dreg:$0x8];
	[sflag:s18] =	ssyncadd.s32 @p3 $0xFFFFFF00  }
0x71: {  	[tilespmem:s25], [sflag:$0x1] =	stream.linear.gather @p3 [hbm4b:s23+s24], $0x4000, $0x38;
	[tilespmem:$0x1BB80] =	vst v63  }
0x72: {  	s18 =	rddreg [dreg:$0x9];
	s23 =	simm.s32 @p3 $0x100  }
0x73: {  	[tilespmem:s23], [sflag:$0x4] =	stream.linear.gather @p3 [hbm4b:s18+s24], $0x100, $0x38;
	[tilespmem:$0x1BB80] =	vst v63  }
0x74: {  	s18 =	simm.s32 @p3 $0x1  }
0x75: {  	_ =	swait.ge @p3 [sflag:s18], $0x4000  }
0x76: {  	[sflag:s18] =	ssyncset.done @p3 $0x0  }
0x77: {  	s23 =	simm.s32 @p3 $0x4;
	[sflag:s18] =	ssyncadd.s32 @p3 $0xFFFFC000;
	s18 =	simm.s32 @p3 $0x80  }
0x78: {  	[spmem:s2] =	stream.indirect.scatter.add.f32 @p3 [tilespmem:s25], [sflag:$0x6], $0x80, s18, s18, $0xb8;
	[tilespmem:$0x1BB80] =	vst v63  }
0x79: {  	_ =	swait.ge @p3 [sflag:s23], $0x100  }
0x7a: {  	s25 =	simm.s32 @!p3 $0x6;
	[sflag:s23] =	ssyncset.done @p3 $0x0  }
0x7b: {  	s18 =	rddreg [dreg:$0xa];
	[sflag:s23] =	ssyncadd.s32 @p3 $0xFFFFFF00;
	s23 =	simm.s32 @p3 $0x4300  }
0x7c: {  	[tilespmem:s23], [sflag:$0x1] =	stream.linear.gather @p3 [hbm4b:s18+s24], $0x4000, $0x38;
	[tilespmem:$0x1BB80] =	vst v63  }
0x7d: {  	_ =	swait.ge @!p3 [sflag:s25], $0x4000  }
0x7e: {  	[sflag:s25] =	ssyncset.done @!p3 $0x0  }
0x7f: {  	s18 =	simm.s32 @!p3 $0x3;
	[sflag:s25] =	ssyncadd.s32 @!p3 $0xFFFFC000  }
0x80: {  	_ =	swait.ge @!p3 [sflag:s18], $0x100  }
0x81: {  	s23 =	simm.s32 @!p3 $0x300;
	[sflag:s18] =	ssyncset.done @!p3 $0x0;
	s26 =	sld [smem:$0x7FD]  }
0x82: {  	s21 =	rddreg [dreg:$0x17];
	[sflag:s18] =	ssyncadd.s32 @!p3 $0xFFFFFF00;
	s18 =	simm.s32 @!p3 $0x0  }
0x83: {  	[tilespmem:s23], [sflag:$0x1] =	stream.linear.gather @!p3 [hbm4b:s21+s18], $0x4000, $0x38;
	[tilespmem:$0x1BB80] =	vst v63  }
0x84: {  	s25 =	simm.s32 @!p3 $0x100;
	s24 =	sadd.s32 @!p3 $0xFFFFFC00, s26  }
0x85: {  	[tilespmem:s25], [sflag:$0x4] =	stream.linear.gather @!p3 [hbm4b:s24+s18], $0x100, $0x38;
	[tilespmem:$0x1BB80] =	vst v63  }
0x86: {  	s24 =	simm.s32 @!p3 $0x1  }
0x87: {  	_ =	swait.ge @!p3 [sflag:s24], $0x4000  }
0x88: {  	[sflag:s24] =	ssyncset.done @!p3 $0x0  }
0x89: {  	s25 =	simm.s32 @!p3 $0x7;
	[sflag:s24] =	ssyncadd.s32 @!p3 $0xFFFFC000;
	s24 =	simm.s32 @!p3 $0x80  }
0x8a: {  	[spmem:s2] =	stream.indirect.scatter.add.f32 @!p3 [tilespmem:s23], [sflag:$0x6], $0x80, s24, s24, $0xb8;
	[tilespmem:$0x1BB80] =	vst v63  }
0x8b: {  	_ =	swait.ge @!p3 [sflag:s25], $0x4000  }
0x8c: {  	[sflag:s25] =	ssyncset.done @!p3 $0x0  }
0x8d: {  	s23 =	simm.s32 @!p3 $0x4;
	[sflag:s25] =	ssyncadd.s32 @!p3 $0xFFFFC000  }
0x8e: {  	_ =	swait.ge @!p3 [sflag:s23], $0x100  }
0x8f: {  	[sflag:s23] =	ssyncset.done @!p3 $0x0  }
0x90: {  	s15 =	rddreg [dreg:$0x16];
	[sflag:s23] =	ssyncadd.s32 @!p3 $0xFFFFFF00;
	s23 =	simm.s32 @!p3 $0x4300  }
0x91: {  	[tilespmem:s23], [sflag:$0x1] =	stream.linear.gather @!p3 [hbm4b:s15+s18], $0x4000, $0x38;
	[tilespmem:$0x1BB80] =	vst v63  }
0x92: {  	s24 =	rddreg [dreg:$0xb];
	s18 =	smov.u32 s26  }
0x93: {  	s18 =	smov.u32 @p3 s24  }
0x94: {  	[tilespmem:s4], [sflag:$0x5] =	stream.linear.gather [hbm4b:s18+s3], $0x100, $0x38;
	[tilespmem:$0x1BB80] =	vst v63  }
0x95: {  	_ =	swait.ge [sflag:s7], $0x4000  }
0x96: {  	[sflag:s7] =	ssyncset.done $0x0  }
0x97: {  	[sflag:s7] =	ssyncadd.s32 $0xFFFFC000  }
0x98: {  	[spmem:s2] =	stream.indirect.scatter.add.f32 [tilespmem:s10], [sflag:$0x7], $0x80, s9, s8, $0xb8;
	[tilespmem:$0x1BB80] =	vst v63  }
0x99: {  	_ =	swait.ge [sflag:s11], $0x4000  }
0x9a: {  	[sflag:s11] =	ssyncset.done $0x0  }
0x9b: {  	s24 =	simm.s32 $0x0;
	s18 =	sadd.s32 @!p3 $0x0, s17;
	[sflag:s11] =	ssyncadd.s32 $0xFFFFC000  }
0x9c: {  	s24 =	simm.s32 @p3 $0x0;
	s18 =	smov.u32 @p3 s17;
	_ =	swait.ge [sflag:s12], $0x100  }
0x9d: {  	s18 =	sshll.u32 s18, $0xB;
	[sflag:s12] =	ssyncset.done $0x0;
	s30 =	rddreg [dreg:$0x4]  }
0x9e: {  	s18 =	sadd.s32 s5, s18;
	[sflag:s12] =	ssyncadd.s32 $0xFFFFFF00;
	s25 =	sadd.s32 s30, s24  }
0x9f: {  	[tilespmem:s13], [sflag:$0x1] =	stream.linear.gather [hbm4b:s18+s3], $0x4000, $0x38;
	[tilespmem:$0x1BB80] =	vst v63  }
0xa0: {  	s23 =	sshll.u32 s25, $0x5  }
0xa1: {  	s23 =	sadd.s32 s1, s23  }
0xa2: {  	[tilespmem:s3], [sflag:$0x3] =	stream.linear.gather [hbm4b:s23+s3], $0x100, $0x38;
	[tilespmem:$0x1BB80] =	vst v63  }
0xa3: {  	_ =	swait.ge [sflag:s7], $0x4000  }
0xa4: {  	[sflag:s7] =	ssyncset.done $0x0  }
0xa5: {  	[sflag:s7] =	ssyncadd.s32 $0xFFFFC000  }
0xa6: {  	[spmem:s2] =	stream.indirect.scatter.add.f32 [tilespmem:s13], [sflag:$0x6], $0x80, s14, s8, $0xb8;
	[tilespmem:$0x1BB80] =	vst v63  }
0xa7: {  	_ =	swait.ge [sflag:s6], $0x4000  }
0xa8: {  	[sflag:s6] =	ssyncset.done $0x0  }
0xa9: {  	[sflag:s6] =	ssyncadd.s32 $0xFFFFC000  }
0xaa: {  	_ =	swait.ge [sflag:s19], $0x100  }
0xab: {  	s18 =	sshll.u32 s25, $0xB;
	[sflag:s19] =	ssyncset.done $0x0;
	s28 =	rddreg [dreg:$0x5]  }
0xac: {  	s18 =	sadd.s32 s5, s18;
	[sflag:s19] =	ssyncadd.s32 $0xFFFFFF00;
	s23 =	sadd.s32 s28, s24  }
0xad: {  	[tilespmem:s10], [sflag:$0x1] =	stream.linear.gather [hbm4b:s18+s3], $0x4000, $0x38;
	[tilespmem:$0x1BB80] =	vst v63  }
0xae: {  	s30 =	sshll.u32 s23, $0x5  }
0xaf: {  	s29 =	rddreg [dreg:$0xc];
	s25 =	sadd.s32 s1, s30  }
0xb0: {  	[tilespmem:s29], [sflag:$0x4] =	stream.linear.gather [hbm4b:s25+s3], $0x100, $0x38;
	[tilespmem:$0x1BB80] =	vst v63  }
0xb1: {  	_ =	swait.ge [sflag:s7], $0x4000  }
0xb2: {  	[sflag:s7] =	ssyncset.done $0x0  }
0xb3: {  	[sflag:s7] =	ssyncadd.s32 $0xFFFFC000  }
0xb4: {  	[spmem:s2] =	stream.indirect.scatter.add.f32 [tilespmem:s10], [sflag:$0x7], $0x80, s8, s8, $0xb8;
	[tilespmem:$0x1BB80] =	vst v63  }
0xb5: {  	_ =	swait.ge [sflag:s11], $0x4000  }
0xb6: {  	[sflag:s11] =	ssyncset.done $0x0  }
0xb7: {  	[sflag:s11] =	ssyncadd.s32 $0xFFFFC000  }
0xb8: {  	_ =	swait.ge [sflag:s20], $0x100  }
0xb9: {  	s23 =	sshll.u32 s23, $0xB;
	[sflag:s20] =	ssyncset.done $0x0;
	s25 =	rddreg [dreg:$0x6]  }
0xba: {  	s18 =	sadd.s32 s5, s23;
	[sflag:s20] =	ssyncadd.s32 $0xFFFFFF00;
	s28 =	sadd.s32 s25, s24  }
0xbb: {  	[tilespmem:s13], [sflag:$0x1] =	stream.linear.gather [hbm4b:s18+s3], $0x4000, $0x38;
	[tilespmem:$0x1BB80] =	vst v63  }
0xbc: {  	s23 =	sshll.u32 s28, $0x5  }
0xbd: {  	s23 =	sadd.s32 s1, s23  }
0xbe: {  	[tilespmem:s4], [sflag:$0x5] =	stream.linear.gather [hbm4b:s23+s3], $0x100, $0x38;
	[tilespmem:$0x1BB80] =	vst v63  }
0xbf: {  	_ =	swait.ge [sflag:s7], $0x4000  }
0xc0: {  	[sflag:s7] =	ssyncset.done $0x0  }
0xc1: {  	[sflag:s7] =	ssyncadd.s32 $0xFFFFC000  }
0xc2: {  	[spmem:s2] =	stream.indirect.scatter.add.f32 [tilespmem:s13], [sflag:$0x6], $0x80, s9, s8, $0xb8;
	[tilespmem:$0x1BB80] =	vst v63  }
0xc3: {  	_ =	swait.ge [sflag:s6], $0x4000  }
0xc4: {  	[sflag:s6] =	ssyncset.done $0x0  }
0xc5: {  	[sflag:s6] =	ssyncadd.s32 $0xFFFFC000  }
0xc6: {  	_ =	swait.ge [sflag:s12], $0x100  }
0xc7: {  	s29 =	rddreg [dreg:$0x7]  }
0xc8: {  	s18 =	sshll.u32 s28, $0xB;
	[sflag:s12] =	ssyncset.done $0x0;
	s23 =	sadd.s32 s29, s24  }
0xc9: {  	s18 =	sadd.s32 s5, s18;
	[sflag:s12] =	ssyncadd.s32 $0xFFFFFF00;
	p3 =	slt.s32 s23, $0x9C3  }
0xca: {  	[tilespmem:s10], [sflag:$0x1] =	stream.linear.gather [hbm4b:s18+s3], $0x4000, $0x38;
	[tilespmem:$0x1BB80] =	vst v63  }
0xcb: {  	s23 =	simm.s32 @!p3 $0x9C3  }
0xcc: {  	s31 =	sadd.s32 $0x60000, s21;
	s24 =	smov.u32 s26;
	s23 =	sshll.u32 s23, $0x5  }
0xcd: {  	s18 =	simm.s32 $0xC0;
	s30 =	sadd.s32 s1, s23;
	s23 =	sadd.s32 $0x60000, s15  }
0xce: {  	[tilespmem:s3], [sflag:$0x3] =	stream.linear.gather [hbm4b:s30+s3], $0x100, $0x38;
	[tilespmem:$0x1BB80] =	vst v63  }
.LBB2_2:
0xcf: {  	_ =	swait.ge [sflag:s7], $0x4000;
	s25 =	smov.u32 s18  }
0xd0: {  	p4 =	seq.s32 s25, $0x0;
	[sflag:s7] =	ssyncset.done $0x0  }
0xd1: {  	s28 =	simm.s32 @p4 $0x3;
	[sflag:s7] =	ssyncadd.s32 $0xFFFFC000  }
0xd2: {  	[spmem:s2] =	stream.indirect.scatter.add.f32 [tilespmem:s10], [sflag:$0x7], $0x80, s14, s8, $0xb8;
	[tilespmem:$0x1BB80] =	vst v63  }
0xd3: {  	_ =	swait.ge @p4 [sflag:s28], $0x100  }
0xd4: {  	s30 =	simm.s32 @p4 $0x0;
	[sflag:s28] =	ssyncset.done @p4 $0x0  }
0xd5: {  	s15 =	simm.s32 @p4 $0x300;
	s29 =	rddreg [dreg:$0x8];
	[sflag:s28] =	ssyncadd.s32 @p4 $0xFFFFFF00  }
0xd6: {  	[tilespmem:s15], [sflag:$0x1] =	stream.linear.gather @p4 [hbm4b:s29+s30], $0x4000, $0x38;
	[tilespmem:$0x1BB80] =	vst v63  }
0xd7: {  	s21 =	simm.s32 @p4 $0x1;
	s28 =	rddreg [dreg:$0x9];
	s29 =	simm.s32 @p4 $0x100  }
0xd8: {  	[tilespmem:s29], [sflag:$0x4] =	stream.linear.gather @p4 [hbm4b:s28+s30], $0x100, $0x38;
	[tilespmem:$0x1BB80] =	vst v63  }
0xd9: {  	_ =	swait.ge @p4 [sflag:s21], $0x4000  }
0xda: {  	[sflag:s21] =	ssyncset.done @p4 $0x0  }
0xdb: {  	s28 =	simm.s32 @p4 $0x4;
	[sflag:s21] =	ssyncadd.s32 @p4 $0xFFFFC000;
	s21 =	simm.s32 @p4 $0x80  }
0xdc: {  	[spmem:s2] =	stream.indirect.scatter.add.f32 @p4 [tilespmem:s15], [sflag:$0x6], $0x80, s21, s21, $0xb8;
	[tilespmem:$0x1BB80] =	vst v63  }
0xdd: {  	_ =	swait.ge @p4 [sflag:s28], $0x100  }
0xde: {  	s21 =	simm.s32 @p4 $0x4300;
	[sflag:s28] =	ssyncset.done @p4 $0x0  }
0xdf: {  	s15 =	rddreg [dreg:$0xa];
	[sflag:s28] =	ssyncadd.s32 @p4 $0xFFFFFF00;
	s28 =	simm.s32 @!p4 $0x6  }
0xe0: {  	[tilespmem:s21], [sflag:$0x1] =	stream.linear.gather @p4 [hbm4b:s15+s30], $0x4000, $0x38;
	[tilespmem:$0x1BB80] =	vst v63  }
0xe1: {  	_ =	swait.ge @!p4 [sflag:s28], $0x4000  }
0xe2: {  	[sflag:s28] =	ssyncset.done @!p4 $0x0  }
0xe3: {  	s15 =	simm.s32 @!p4 $0x3;
	[sflag:s28] =	ssyncadd.s32 @!p4 $0xFFFFC000  }
0xe4: {  	_ =	swait.ge @!p4 [sflag:s15], $0x100  }
0xe5: {  	s24 =	sadd.s32 $0x1800, s24;
	[sflag:s15] =	ssyncset.done @!p4 $0x0  }
0xe6: {  	s21 =	simm.s32 @!p4 $0x300;
	[sflag:s15] =	ssyncadd.s32 @!p4 $0xFFFFFF00;
	s15 =	simm.s32 @!p4 $0x0  }
0xe7: {  	[tilespmem:s21], [sflag:$0x1] =	stream.linear.gather @!p4 [hbm4b:s31+s15], $0x4000, $0x38;
	[tilespmem:$0x1BB80] =	vst v63  }
0xe8: {  	s29 =	simm.s32 @!p4 $0x100;
	s30 =	simm.s32 @!p4 $0x1;
	s28 =	sadd.s32 @!p4 $0xFFFFFC00, s24  }
0xe9: {  	[tilespmem:s29], [sflag:$0x4] =	stream.linear.gather @!p4 [hbm4b:s28+s15], $0x100, $0x38;
	[tilespmem:$0x1BB80] =	vst v63  }
0xea: {  	_ =	swait.ge @!p4 [sflag:s30], $0x4000  }
0xeb: {  	[sflag:s30] =	ssyncset.done @!p4 $0x0  }
0xec: {  	s28 =	simm.s32 @!p4 $0x80;
	s29 =	simm.s32 @!p4 $0x7;
	[sflag:s30] =	ssyncadd.s32 @!p4 $0xFFFFC000  }
0xed: {  	[spmem:s2] =	stream.indirect.scatter.add.f32 @!p4 [tilespmem:s21], [sflag:$0x6], $0x80, s28, s28, $0xb8;
	[tilespmem:$0x1BB80] =	vst v63  }
0xee: {  	_ =	swait.ge @!p4 [sflag:s29], $0x4000  }
0xef: {  	[sflag:s29] =	ssyncset.done @!p4 $0x0  }
0xf0: {  	s21 =	simm.s32 @!p4 $0x4;
	[sflag:s29] =	ssyncadd.s32 @!p4 $0xFFFFC000  }
0xf1: {  	_ =	swait.ge @!p4 [sflag:s21], $0x100  }
0xf2: {  	[sflag:s21] =	ssyncset.done @!p4 $0x0  }
0xf3: {  	[sflag:s21] =	ssyncadd.s32 @!p4 $0xFFFFFF00;
	s21 =	simm.s32 @!p4 $0x4300  }
0xf4: {  	[tilespmem:s21], [sflag:$0x1] =	stream.linear.gather @!p4 [hbm4b:s23+s15], $0x4000, $0x38;
	[tilespmem:$0x1BB80] =	vst v63  }
0xf5: {  	s28 =	rddreg [dreg:$0xb];
	s15 =	smov.u32 s24  }
0xf6: {  	s15 =	smov.u32 @p4 s28  }
0xf7: {  	[tilespmem:s4], [sflag:$0x5] =	stream.linear.gather [hbm4b:s15+s3], $0x100, $0x38;
	[tilespmem:$0x1BB80] =	vst v63  }
0xf8: {  	_ =	swait.ge [sflag:s7], $0x4000  }
0xf9: {  	[sflag:s7] =	ssyncset.done $0x0  }
0xfa: {  	[sflag:s7] =	ssyncadd.s32 $0xFFFFC000  }
0xfb: {  	[spmem:s2] =	stream.indirect.scatter.add.f32 [tilespmem:s10], [sflag:$0x7], $0x80, s9, s8, $0xb8;
	[tilespmem:$0x1BB80] =	vst v63  }
0xfc: {  	_ =	swait.ge [sflag:s11], $0x4000  }
0xfd: {  	[sflag:s11] =	ssyncset.done $0x0  }
0xfe: {  	s26 =	sadd.s32 @!p4 s25, s17;
	[sflag:s11] =	ssyncadd.s32 $0xFFFFC000  }
0xff: {  	s25 =	simm.s32 @p4 $0x0;
	s26 =	smov.u32 @p4 s17;
	_ =	swait.ge [sflag:s12], $0x100  }
0x100: {  	s26 =	sshll.u32 s26, $0xB;
	[sflag:s12] =	ssyncset.done $0x0;
	s29 =	rddreg [dreg:$0x4]  }
0x101: {  	s30 =	sadd.s32 s5, s26;
	[sflag:s12] =	ssyncadd.s32 $0xFFFFFF00;
	s15 =	sadd.s32 s29, s25  }
0x102: {  	[tilespmem:s13], [sflag:$0x1] =	stream.linear.gather [hbm4b:s30+s3], $0x4000, $0x38;
	[tilespmem:$0x1BB80] =	vst v63  }
0x103: {  	s26 =	sshll.u32 s15, $0x5  }
0x104: {  	s21 =	sadd.s32 s1, s26  }
0x105: {  	[tilespmem:s3], [sflag:$0x3] =	stream.linear.gather [hbm4b:s21+s3], $0x100, $0x38;
	[tilespmem:$0x1BB80] =	vst v63  }
0x106: {  	_ =	swait.ge [sflag:s7], $0x4000  }
0x107: {  	[sflag:s7] =	ssyncset.done $0x0  }
0x108: {  	[sflag:s7] =	ssyncadd.s32 $0xFFFFC000  }
0x109: {  	[spmem:s2] =	stream.indirect.scatter.add.f32 [tilespmem:s13], [sflag:$0x6], $0x80, s14, s8, $0xb8;
	[tilespmem:$0x1BB80] =	vst v63  }
0x10a: {  	_ =	swait.ge [sflag:s6], $0x4000  }
0x10b: {  	[sflag:s6] =	ssyncset.done $0x0  }
0x10c: {  	[sflag:s6] =	ssyncadd.s32 $0xFFFFC000  }
0x10d: {  	_ =	swait.ge [sflag:s19], $0x100  }
0x10e: {  	s15 =	sshll.u32 s15, $0xB;
	[sflag:s19] =	ssyncset.done $0x0;
	s28 =	rddreg [dreg:$0x5]  }
0x10f: {  	s15 =	sadd.s32 s5, s15;
	[sflag:s19] =	ssyncadd.s32 $0xFFFFFF00;
	s30 =	sadd.s32 s28, s25  }
0x110: {  	[tilespmem:s10], [sflag:$0x1] =	stream.linear.gather [hbm4b:s15+s3], $0x4000, $0x38;
	[tilespmem:$0x1BB80] =	vst v63  }
0x111: {  	s21 =	sshll.u32 s30, $0x5  }
0x112: {  	s29 =	rddreg [dreg:$0xc];
	s21 =	sadd.s32 s1, s21  }
0x113: {  	[tilespmem:s29], [sflag:$0x4] =	stream.linear.gather [hbm4b:s21+s3], $0x100, $0x38;
	[tilespmem:$0x1BB80] =	vst v63  }
0x114: {  	_ =	swait.ge [sflag:s7], $0x4000  }
0x115: {  	[sflag:s7] =	ssyncset.done $0x0  }
0x116: {  	[sflag:s7] =	ssyncadd.s32 $0xFFFFC000  }
0x117: {  	[spmem:s2] =	stream.indirect.scatter.add.f32 [tilespmem:s10], [sflag:$0x7], $0x80, s8, s8, $0xb8;
	[tilespmem:$0x1BB80] =	vst v63  }
0x118: {  	_ =	swait.ge [sflag:s11], $0x4000  }
0x119: {  	[sflag:s11] =	ssyncset.done $0x0  }
0x11a: {  	[sflag:s11] =	ssyncadd.s32 $0xFFFFC000  }
0x11b: {  	_ =	swait.ge [sflag:s20], $0x100  }
0x11c: {  	s15 =	sshll.u32 s30, $0xB;
	[sflag:s20] =	ssyncset.done $0x0;
	s26 =	rddreg [dreg:$0x6]  }
0x11d: {  	s15 =	sadd.s32 s5, s15;
	[sflag:s20] =	ssyncadd.s32 $0xFFFFFF00;
	s28 =	sadd.s32 s26, s25  }
0x11e: {  	[tilespmem:s13], [sflag:$0x1] =	stream.linear.gather [hbm4b:s15+s3], $0x4000, $0x38;
	[tilespmem:$0x1BB80] =	vst v63  }
0x11f: {  	s21 =	sshll.u32 s28, $0x5  }
0x120: {  	s21 =	sadd.s32 s1, s21  }
0x121: {  	[tilespmem:s4], [sflag:$0x5] =	stream.linear.gather [hbm4b:s21+s3], $0x100, $0x38;
	[tilespmem:$0x1BB80] =	vst v63  }
0x122: {  	_ =	swait.ge [sflag:s7], $0x4000  }
0x123: {  	[sflag:s7] =	ssyncset.done $0x0  }
0x124: {  	[sflag:s7] =	ssyncadd.s32 $0xFFFFC000  }
0x125: {  	[spmem:s2] =	stream.indirect.scatter.add.f32 [tilespmem:s13], [sflag:$0x6], $0x80, s9, s8, $0xb8;
	[tilespmem:$0x1BB80] =	vst v63  }
0x126: {  	_ =	swait.ge [sflag:s6], $0x4000  }
0x127: {  	[sflag:s6] =	ssyncset.done $0x0  }
0x128: {  	s18 =	sadd.s32 $0xC0, s18;
	[sflag:s6] =	ssyncadd.s32 $0xFFFFC000  }
0x129: {  	p3 =	sne.s32 s18, $0x9C0;
	_ =	swait.ge [sflag:s12], $0x100  }
0x12a: {  	s15 =	sshll.u32 s28, $0xB;
	s29 =	rddreg [dreg:$0x7];
	[sflag:s12] =	ssyncset.done $0x0  }
0x12b: {  	s15 =	sadd.s32 s5, s15;
	[sflag:s12] =	ssyncadd.s32 $0xFFFFFF00;
	s21 =	sadd.s32 s29, s25  }
0x12c: {  	[tilespmem:s10], [sflag:$0x1] =	stream.linear.gather [hbm4b:s15+s3], $0x4000, $0x38;
	[tilespmem:$0x1BB80] =	vst v63  }
.Ltmp0:
0x12d: {  	p4 =	slt.s32 s21, $0x9C3;
	(pc) =	sbr.rel @p3 .LBB2_2-.Ltmp0, $4  }
0x12e: {  	s21 =	simm.s32 @!p4 $0x9C3  }
0x12f: {  	s21 =	sshll.u32 s21, $0x5  }
0x130: {  	s31 =	sadd.s32 $0x60000, s31;
	s23 =	sadd.s32 $0x60000, s23;
	s30 =	sadd.s32 s1, s21  }
0x131: {  	[tilespmem:s3], [sflag:$0x3] =	stream.linear.gather [hbm4b:s30+s3], $0x100, $0x38;
	[tilespmem:$0x1BB80] =	vst v63  }
0x132: {  	_ =	swait.ge [sflag:s7], $0x4000  }
0x133: {  	[sflag:s7] =	ssyncset.done $0x0  }
0x134: {  	[sflag:s7] =	ssyncadd.s32 $0xFFFFC000  }
0x135: {  	[spmem:s2] =	stream.indirect.scatter.add.f32 [tilespmem:s10], [sflag:$0x7], $0x80, s14, s8, $0xb8;
	[tilespmem:$0x1BB80] =	vst v63  }
0x136: {  	_ =	swait.ge [sflag:s11], $0x4000  }
0x137: {  	[sflag:s11] =	ssyncset.done $0x0  }
0x138: {  	[sflag:s11] =	ssyncadd.s32 $0xFFFFC000  }
0x139: {  	_ =	swait.ge [sflag:s6], $0x4000  }
0x13a: {  	[sflag:s6] =	ssyncset.done $0x0  }
0x13b: {  	[sflag:s6] =	ssyncadd.s32 $0xFFFFC000  }
0x13c: {  	_ =	swait.ge [sflag:s19], $0x100  }
0x13d: {  	s15 =	simm.s32 @!p0 $0x0;
	[sflag:s19] =	ssyncset.done $0x0  }
0x13e: {  	s18 =	simm.s32 @!p0 $0x300;
	s21 =	rddreg [dreg:$0x18];
	[sflag:s19] =	ssyncadd.s32 $0xFFFFFF00  }
0x13f: {  	[tilespmem:s18], [sflag:$0x1] =	stream.linear.gather @!p0 [hbm4b:s21+s15], $0x4000, $0x38;
	[tilespmem:$0x1BB80] =	vst v63  }
0x140: {  	s15 =	simm.s32 @!p0 $0x1  }
0x141: {  	_ =	swait.ge @!p0 [sflag:s15], $0x4000  }
0x142: {  	[sflag:s15] =	ssyncset.done @!p0 $0x0  }
0x143: {  	[sflag:s15] =	ssyncadd.s32 @!p0 $0xFFFFC000;
	s15 =	simm.s32 @!p0 $0x80  }
0x144: {  	[spmem:s2] =	stream.indirect.scatter.add.f32 @!p0 [tilespmem:s18], [sflag:$0x6], $0x80, s15, s15, $0xb8;
	[tilespmem:$0x1BB80] =	vst v63  }
0x145: {  	s15 =	simm.s32 @!p0 $0x6  }
0x146: {  	_ =	swait.ge @!p0 [sflag:s15], $0x4000  }
0x147: {  	[sflag:s15] =	ssyncset.done @!p0 $0x0  }
0x148: {  	[sflag:s15] =	ssyncadd.s32 @!p0 $0xFFFFC000  }
0x149: {  	[bflag:$0x0] =	sbarrier.arrive $0xFFFF  }
0x14a: {  	s29 =	sld [smem:$0x7F3];
	_ =	sdelay $0x1  }
0x14b: {  	s28 =	rddreg [dreg:$0xe]  }
0x14c: {  	[hbm:s28], [sflag:s22] =	dma.local [spmem:s29], $0x500  }
0x14d: {  	s18 =	sld [smem:$0x7F4];
	_ =	sdelay $0x1  }
0x14e: {  	s15 =	rddreg [dreg:$0xf]  }
0x14f: {  	[hbm:s15], [sflag:s22] =	dma.local [spmem:s18], $0x500  }
0x150: {  	s18 =	sld [smem:$0x7F5];
	_ =	sdelay $0x1  }
0x151: {  	s15 =	rddreg [dreg:$0x10]  }
0x152: {  	[hbm:s15], [sflag:s22] =	dma.local [spmem:s18], $0x500  }
0x153: {  	s18 =	sld [smem:$0x7F6];
	_ =	sdelay $0x1  }
0x154: {  	s15 =	rddreg [dreg:$0x11]  }
0x155: {  	[hbm:s15], [sflag:s22] =	dma.local [spmem:s18], $0x500  }
0x156: {  	s18 =	sld [smem:$0x7F7];
	_ =	sdelay $0x1  }
0x157: {  	s15 =	rddreg [dreg:$0x12]  }
0x158: {  	[hbm:s15], [sflag:s22] =	dma.local [spmem:s18], $0x500  }
0x159: {  	s18 =	sld [smem:$0x7F8];
	_ =	sdelay $0x1  }
0x15a: {  	s15 =	rddreg [dreg:$0x13]  }
0x15b: {  	[hbm:s15], [sflag:s22] =	dma.local [spmem:s18], $0x500  }
0x15c: {  	s18 =	sld [smem:$0x7F9];
	_ =	sdelay $0x1  }
0x15d: {  	s15 =	rddreg [dreg:$0x14]  }
0x15e: {  	[hbm:s15], [sflag:s22] =	dma.local [spmem:s18], $0x500  }
0x15f: {  	s18 =	sld [smem:$0x7FA];
	_ =	sdelay $0x1  }
0x160: {  	s15 =	rddreg [dreg:$0x15]  }
0x161: {  	[hbm:s15], [sflag:s22] =	dma.local @!p1 [spmem:s18], $0x500  }
0x162: {  	_ =	swait.ge [sflag:s0], $0x500  }
0x163: {  	[sflag:s0] =	ssyncset.done $0x0  }
0x164: {  	[sflag:s0] =	ssyncadd.s32 $0xFFFFFB00  }
0x165: {  	_ =	swait.ge [sflag:s0], $0x500  }
0x166: {  	[sflag:s0] =	ssyncset.done $0x0  }
0x167: {  	[sflag:s0] =	ssyncadd.s32 $0xFFFFFB00  }
0x168: {  	_ =	swait.ge [sflag:s0], $0x500  }
0x169: {  	[sflag:s0] =	ssyncset.done $0x0  }
0x16a: {  	[sflag:s0] =	ssyncadd.s32 $0xFFFFFB00  }
0x16b: {  	_ =	swait.ge [sflag:s0], $0x500  }
0x16c: {  	[sflag:s0] =	ssyncset.done $0x0  }
0x16d: {  	[sflag:s0] =	ssyncadd.s32 $0xFFFFFB00  }
0x16e: {  	_ =	swait.ge [sflag:s0], $0x500  }
0x16f: {  	[sflag:s0] =	ssyncset.done $0x0  }
0x170: {  	[sflag:s0] =	ssyncadd.s32 $0xFFFFFB00  }
0x171: {  	_ =	swait.ge [sflag:s0], $0x500  }
0x172: {  	[sflag:s0] =	ssyncset.done $0x0  }
0x173: {  	[sflag:s0] =	ssyncadd.s32 $0xFFFFFB00  }
0x174: {  	_ =	swait.ge [sflag:s0], $0x500  }
0x175: {  	[sflag:s0] =	ssyncset.done $0x0  }
0x176: {  	s15 =	simm.s32 @!p2 $0x2;
	[sflag:s0] =	ssyncadd.s32 $0xFFFFFB00  }
0x177: {  	_ =	swait.ge @!p2 [sflag:s15], $0x500  }
0x178: {  	s30 =	sld [smem:$0x7F2];
	_ =	sdelay $0x2  }
0x179: {  	s31 =	rddreg [dreg:$0x19];
	s21 =	sadd.s32 $0x1, s30  }
0x17a: {  	p3 =	sne.s32 s21, s31  }
.Ltmp1:
0x17b: {  	_ = 	snop;
	(pc) =	sbr.rel @p3 .LBB2_1-.Ltmp1, $3  }
0x17c: {  	_ =	sdelay $0x1  }
0x17d: {  	[sflag:s15] =	ssyncset.done @!p2 $0x0  }
0x17e: {  	[sflag:s15] =	ssyncadd.s32 @!p2 $0xFFFFFB00  }
0x17f: {  	_ =	sfence.sel $0x180000  }
0x180: {  	[bflag:$0x0] =	sbarrier.arrive $0xFFFF  }
0x181: {  	_ =	strace $0x90000047  }
0x182: {  	s0 =	stileid.u32;
	[bflag:$0x2] =	sbarrier.arrive $0xFFFF  }
0x183: {  	p0 =	sne.s32 s0, $0x0;
	s0 =	rddreg [dreg:$0x3]  }
0x184: {  	s0 =	sadd.s32 @!p0 $0x100000, s0  }
0x185: {  	[sflag:s0] =	ssyncadd.tile.s32 @!p0 $0x1;
	_ =	shalt  }
.Lfunc_end2:
_tile_overlayer_lowered:
.L_overlay_start_2:
0x186: {  	(tag) =	ssettag $0x2  }
0x187: {  	s0 =	rddreg [dreg:$0x0];
	s2 =	stileid.u32  }
0x188: {  	s1 =	rddreg [dreg:$0x1];
	p0 =	sne.s32 s2, $0x0  }
0x189: {  	s3 =	rddreg [dreg:$0x2];
	[bflag:$0x3] =	sbarrier.arrive $0xFFFF;
	s2 =	simm.s32 @!p0 $0x1C08  }
0x18a: {  	[timem:s3], [sflag:s2] =	dma.local @!p0 [hbm:s0], s1  }
0x18b: {  	s0 =	simm.s32 @!p0 $0x8  }
0x18c: {  	_ =	swait.ge @!p0 [sflag:s0], s1  }
0x18d: {  	s1 =	ssub.s32 @!p0 $0x0, s1;
	[sflag:s0] =	ssyncset.done @!p0 $0x0  }
0x18e: {  	[sflag:s0] =	ssyncadd.s32 @!p0 s1  }
0x18f: {  	[bflag:$0x3] =	sbarrier.arrive $0xFFFF  }
0x190: {  	_ =	shalt  }

</sc_bundles>
